<compile_context>
chip_gen: v7x
topology: tpu7x:2x2x1
jax: 0.10.2.dev20260603
libtpu: 0.0.44.dev20260713+nightly
codegen_flags: <defaults>
</compile_context>

<pallas_src>
import jax
import jax.numpy as jnp
from jax import lax
from jax.experimental import pallas as pl
from jax.experimental.pallas import tpu as pltpu
from jax.experimental.pallas import tpu_sc as plsc

N = 10000
NNZ = 160000
E = 5000
D_IN = 256
D_HID = 256
HALF = 128

NT = 16
NC = 2
CHUNK = 128
NCH = 80
PAIRS_PER_TILE = CHUNK * NCH
NNZ_PAD = PAIRS_PER_TILE * NT

E_PAD = 5120
N_PAD = 10112
E_PER_TILE = E_PAD // NT
NV_PER_TILE = N_PAD // NT

DEPTH_A = 4
DEPTH_B = 2
CHUNK_B = 32
NCH_B = PAIRS_PER_TILE // CHUNK_B
E_XB = 5056


def _mm_body(x_ref, w_ref, o_ref):
    o_ref[0] = jnp.dot(x_ref[...], w_ref[...],
                       preferred_element_type=jnp.float32)


def _matmul_split(X, W):
    return pl.pallas_call(
        _mm_body,
        grid=(5, NC),
        in_specs=[
            pl.BlockSpec((2000, D_IN), lambda i, c: (i, 0)),
            pl.BlockSpec((D_IN, HALF), lambda i, c: (0, c)),
        ],
        out_specs=pl.BlockSpec((1, 2000, HALF), lambda i, c: (c, i, 0)),
        out_shape=jax.ShapeDtypeStruct((NC, N, HALF), jnp.float32),
    )(X, W)


def _norm_body(xv_ref, dv_ref, o_ref):
    a = xv_ref[0] * dv_ref[...]
    b = xv_ref[1] * dv_ref[...]
    ss = (jnp.sum(a * a, axis=1, keepdims=True)
          + jnp.sum(b * b, axis=1, keepdims=True))
    rn = jnp.sqrt(ss)
    sc = jnp.where(rn > 0, 1.0 / rn, 0.0)
    o_ref[:, :HALF] = a * sc
    o_ref[:, HALF:] = b * sc


def _normalize(xv_split, degV):
    return pl.pallas_call(
        _norm_body,
        grid=(5,),
        in_specs=[
            pl.BlockSpec((NC, 2000, HALF), lambda i: (0, i, 0)),
            pl.BlockSpec((2000, 1), lambda i: (i, 0)),
        ],
        out_specs=pl.BlockSpec((2000, D_HID), lambda i: (i, 0)),
        out_shape=jax.ShapeDtypeStruct((N, D_HID), jnp.float32),
    )(xv_split, degV)


def _pipeline(depth, nch, src_ref, gi_ref, si_ref, gsel, ssel, scatter_fn,
              ring, gbuf, gsems, isems):
    def idx_copy(j, k):
        pltpu.async_copy(gi_ref.at[gsel, j], ring.at[k], isems[k])
        pltpu.async_copy(si_ref.at[ssel, j], ring.at[4 + k], isems[k])

    def idx_wait(j, k):
        pltpu.make_async_copy(
            gi_ref.at[gsel, j], ring.at[k], isems[k]).wait()
        pltpu.make_async_copy(
            si_ref.at[ssel, j], ring.at[4 + k], isems[k]).wait()

    def gather(k):
        pltpu.async_copy(src_ref.at[ring.at[k]], gbuf.at[k], gsems[k])

    def gather_wait(k):
        pltpu.make_async_copy(
            src_ref.at[ring.at[k]], gbuf.at[k], gsems[k]).wait()

    for k in range(depth):
        idx_copy(k, k)
    for k in range(depth):
        idx_wait(k, k)
        gather(k)

    @pl.loop(0, nch // depth)
    def _body(i):
        j = i * depth
        for k in range(depth):
            jj = j + k
            gather_wait(k)
            scatter_fn(gbuf.at[k], ring.at[4 + k])

            @pl.when(jj + depth < nch)
            def _refill():
                idx_copy(jj + depth, k)
                idx_wait(jj + depth, k)
                gather(k)


def _sca_body(xp_ref, vga_ref, ea_ref, dege_ref, zw_ref, z1_ref, ones_ref,
              xe_out,
              xe_sh, cnt_sh,
              ring, gbuf, dc_v, scal_v, ones_v,
              gs0, gs1, gs2, gs3, is0, is1, is2, is3):
    c = lax.axis_index("c")
    sid = lax.axis_index("s")
    wid = c * NT + sid

    pltpu.sync_copy(ones_ref, ones_v)
    pltpu.sync_copy(zw_ref.at[pl.ds(0, E_PER_TILE)],
                    xe_sh.at[pl.ds(sid * E_PER_TILE, E_PER_TILE)])
    pltpu.sync_copy(z1_ref, dc_v)
    pltpu.sync_copy(dc_v,
                    cnt_sh.at[pl.ds(sid * E_PER_TILE, E_PER_TILE)])
    plsc.subcore_barrier()

    def scatter_a(buf, sidx):
        pltpu.sync_copy(buf, xe_sh.at[sidx], add=True)
        pltpu.sync_copy(ones_v, cnt_sh.at[sidx], add=True)

    with jax.named_scope("phase_a"):
        _pipeline(DEPTH_A, NCH, xp_ref, vga_ref, ea_ref, wid, sid,
                  scatter_a,
                  ring, gbuf, (gs0, gs1, gs2, gs3), (is0, is1, is2, is3))
        plsc.subcore_barrier()

    base = sid * E_PER_TILE
    pltpu.sync_copy(dege_ref.at[pl.ds(base, E_PER_TILE)], dc_v)
    sbuf = gbuf.at[0, pl.ds(0, 16)]

    with jax.named_scope("scale"):
        @pl.loop(0, E_PER_TILE // 16)
        def _scale(jj):
            row0 = base + jj * 16
            pltpu.sync_copy(xe_sh.at[pl.ds(row0, 16)], sbuf)
            pltpu.sync_copy(cnt_sh.at[pl.ds(row0, 16)], scal_v)
            cvec = scal_v[...]
            dvec = dc_v[pl.ds(jj * 16, 16)]
            svec = dvec / jnp.maximum(cvec, 1.0)
            for r in range(16):
                s = svec[r]
                for k in range(HALF // 16):
                    sbuf[r, pl.ds(k * 16, 16)] = (
                        sbuf[r, pl.ds(k * 16, 16)] * s)
            pltpu.sync_copy(sbuf, xe_sh.at[pl.ds(row0, 16)])

    pltpu.sync_copy(xe_sh.at[pl.ds(base, E_PER_TILE)],
                    xe_out.at[pl.ds(c * E_PAD + base, E_PER_TILE)])


def _sc_phase_a(xp_flat, vga, ea, degE_pad, zeros_w, zeros_1, ones_c):
    mesh = plsc.VectorSubcoreMesh(core_axis_name="c", subcore_axis_name="s")
    f = pl.kernel(
        _sca_body,
        out_type=jax.ShapeDtypeStruct((NC * E_PAD, HALF), jnp.float32),
        mesh=mesh,
        scratch_types=[
            pltpu.VMEM_SHARED((E_PAD, HALF), jnp.float32),
            pltpu.VMEM_SHARED((E_PAD,), jnp.float32),
            pltpu.VMEM((8, CHUNK), jnp.int32),
            pltpu.VMEM((DEPTH_A, CHUNK, HALF), jnp.float32),
            pltpu.VMEM((E_PER_TILE,), jnp.float32),
            pltpu.VMEM((16,), jnp.float32),
            pltpu.VMEM((CHUNK,), jnp.float32),
        ] + [pltpu.SemaphoreType.DMA] * 8,
    )
    return f(xp_flat, vga, ea, degE_pad, zeros_w, zeros_1, ones_c)


def _scb_body(xe_ref, eb_ref, vs_ref, zw_ref, out_ref,
              xv_sh, xe_sp,
              ring, gbuf,
              gs0, gs1, is0, is1):
    c = lax.axis_index("c")
    sid = lax.axis_index("s")

    pltpu.sync_copy(zw_ref,
                    xv_sh.at[pl.ds(sid * NV_PER_TILE, NV_PER_TILE)])

    @pl.when(sid < NT - 1)
    def _stage():
        pltpu.sync_copy(xe_ref.at[pl.ds(c * E_PAD + sid * 320, 320)],
                        xe_sp.at[pl.ds(sid * 320, 320)])

    @pl.when(sid == NT - 1)
    def _stage_last():
        pltpu.sync_copy(
            xe_ref.at[pl.ds(c * E_PAD + 4800, E_XB - 4800)],
            xe_sp.at[pl.ds(4800, E_XB - 4800)])

    plsc.subcore_barrier()

    def scatter_b(buf, sidx):
        pltpu.sync_copy(buf, xv_sh.at[sidx], add=True)

    with jax.named_scope("phase_b"):
        _pipeline(DEPTH_B, NCH_B, xe_sp, eb_ref, vs_ref, sid, sid,
                  scatter_b,
                  ring, gbuf, (gs0, gs1), (is0, is1))
        plsc.subcore_barrier()

    out0 = sid * NV_PER_TILE
    pltpu.sync_copy(xv_sh.at[pl.ds(out0, NV_PER_TILE)],
                    out_ref.at[pl.ds(c * N_PAD + out0, NV_PER_TILE)])


def _sc_phase_b(xe, eb, vs, zeros_b):
    mesh = plsc.VectorSubcoreMesh(core_axis_name="c", subcore_axis_name="s")
    f = pl.kernel(
        _scb_body,
        out_type=jax.ShapeDtypeStruct((NC * N_PAD, HALF), jnp.float32),
        mesh=mesh,
        scratch_types=[
            pltpu.VMEM_SHARED((N_PAD, HALF), jnp.float32),
            pltpu.VMEM_SHARED((E_XB, HALF), jnp.float32),
            pltpu.VMEM((8, CHUNK_B), jnp.int32),
            pltpu.VMEM((DEPTH_B, CHUNK_B, HALF), jnp.float32),
        ] + [pltpu.SemaphoreType.DMA] * 4,
    )
    return f(xe, eb, vs, zeros_b)


@jax.jit
def kernel(X, vertex, edges, W, degE, degV):
    xp = _matmul_split(X, W)
    xp_flat = xp.reshape(NC * N, HALF)

    pad = NNZ_PAD - NNZ
    vg = jnp.concatenate([vertex, jnp.zeros((pad,), jnp.int32)])
    e_p = jnp.concatenate([edges, jnp.full((pad,), E, jnp.int32)])
    vs = jnp.concatenate([vertex, jnp.full((pad,), N, jnp.int32)])
    vg_t = vg.reshape(NT, NCH, CHUNK)
    e_t = e_p.reshape(NT, NCH, CHUNK)
    vga = jnp.concatenate([vg_t, vg_t + N], axis=0)
    eb = e_p.reshape(NT, NCH_B, CHUNK_B)
    vs_t = vs.reshape(NT, NCH_B, CHUNK_B)

    degE_pad = jnp.concatenate(
        [degE[:, 0], jnp.ones((E_PAD - E,), jnp.float32)])
    zeros_b = jnp.zeros((NV_PER_TILE, HALF), jnp.float32)
    zeros_1 = jnp.zeros((E_PER_TILE,), jnp.float32)
    ones_c = jnp.ones((CHUNK,), jnp.float32)

    xe = _sc_phase_a(xp_flat, vga, e_t, degE_pad, zeros_b, zeros_1, ones_c)
    xv_flat = _sc_phase_b(xe, eb, vs_t, zeros_b)
    xv_split = xv_flat.reshape(NC, N_PAD, HALF)[:, :N]
    return _normalize(xv_split, degV)

# --- scband reference (transcript-rebuilt; emitter-appended) ---
"""Pipeline reference for scband-uni-gcnconv-2594160246974 (READ-ONLY COPY).

The authoritative reference and input builder live on the scoring server;
editing this copy changes nothing except your own understanding.
"""

import jax, jax.numpy as jnp
import numpy as np

N = 10000          # nodes
NNZ = 160000       # incidence pairs
E = 5000           # hyperedges
D_IN = 256
HEADS = 8
D_OUT = 32
D_HID = HEADS * D_OUT  # 256


def setup_inputs(seed: int = 0) -> dict:
    key = jax.random.key(seed)
    k1, k2, k3, k4, k5, k6 = jax.random.split(key, 6)
    X = jax.random.normal(k1, (N, D_IN), dtype=jnp.float32)
    vertex = jax.random.randint(k2, (NNZ,), 0, N, dtype=jnp.int32)
    edges = jax.random.randint(k3, (NNZ,), 0, E, dtype=jnp.int32)
    # Linear weight (no bias), torch nn.Linear default init scale ~ 1/sqrt(fan_in)
    W = jax.random.uniform(k4, (D_IN, D_HID), dtype=jnp.float32,
                           minval=-1.0 / np.sqrt(D_IN), maxval=1.0 / np.sqrt(D_IN))
    # args.degE / args.degV: per-hyperedge and per-vertex degree normalizers
    degE = jax.random.uniform(k5, (E, 1), dtype=jnp.float32) + 0.1
    degV = jax.random.uniform(k6, (N, 1), dtype=jnp.float32) + 0.1
    return {"X": X, "vertex": vertex, "edges": edges, "W": W, "degE": degE, "degV": degV}


def reference(X, vertex, edges, W, degE, degV):
    # X = self.W(X)
    Xp = X @ W  # [N, H*D_OUT]
    # Xve = X[vertex]
    Xve = jnp.take(Xp, vertex, axis=0)  # [NNZ, D_HID]
    # Xe = scatter(Xve, edges, reduce='mean')  (args.first_aggregate == 'mean')
    sums = jax.ops.segment_sum(Xve, edges, num_segments=E)
    counts = jax.ops.segment_sum(jnp.ones((NNZ, 1), dtype=Xp.dtype), edges, num_segments=E)
    Xe = sums / jnp.maximum(counts, 1.0)
    # Xe = Xe * degE
    Xe = Xe * degE
    # Xev = Xe[edges]
    Xev = jnp.take(Xe, edges, axis=0)  # [NNZ, D_HID]
    # Xv = scatter(Xev, vertex, reduce='sum', dim_size=N)
    Xv = jax.ops.segment_sum(Xev, vertex, num_segments=N)
    # Xv = Xv * degV
    Xv = Xv * degV
    # args.use_norm: normalize_l2 with detached row norms
    rownorm = jax.lax.stop_gradient(jnp.linalg.norm(Xv, axis=1, keepdims=True))
    scale = jnp.where(rownorm > 0, 1.0 / rownorm, 0.0)
    return Xv * scale

if __name__ == "__main__":
    import jax
    _d = setup_inputs()
    print(jax.jit(kernel)(*tuple(_d.values())))

</pallas_src>

<mosaic_0001>
#map = affine_map<(d0, d1) -> (0, 0)>
#map1 = affine_map<(d0, d1) -> (0, 0, 0)>
module attributes {stable_mosaic.version = 14 : i64} {
  func.func @_scb_body(%arg0: i32, %arg1: i32, %arg2: memref<10240x128xf32, #tpu.memory_space<hbm>>, %arg3: memref<16x320x32xi32, #tpu.memory_space<hbm>>, %arg4: memref<16x320x32xi32, #tpu.memory_space<hbm>>, %arg5: memref<632x128xf32, #tpu.memory_space<hbm>>, %arg6: memref<20224x128xf32, #tpu.memory_space<hbm>>, %arg7: memref<10112x128xf32, #tpu.memory_space<vmem_shared>>, %arg8: memref<5056x128xf32, #tpu.memory_space<vmem_shared>>, %arg9: memref<8x32xi32, #tpu.memory_space<vmem>>, %arg10: memref<2x32x128xf32, #tpu.memory_space<vmem>>, %arg11: memref<!tpu.dma_semaphore, #tpu.memory_space<semaphore_mem>>, %arg12: memref<!tpu.dma_semaphore, #tpu.memory_space<semaphore_mem>>, %arg13: memref<!tpu.dma_semaphore, #tpu.memory_space<semaphore_mem>>, %arg14: memref<!tpu.dma_semaphore, #tpu.memory_space<semaphore_mem>>) attributes {dimension_semantics = [#tpu.dimension_semantics<core_parallel>, #tpu.dimension_semantics<subcore_parallel>], iteration_bounds = array<i64: 2, 16>, scalar_prefetch = 0 : i64, scratch_operands = 8 : i64, tpu.core_type = #tpu.core_type<sc_vector_subcore>, window_params = [{transform_indices = #map}, {transform_indices = #map1}, {transform_indices = #map1}, {transform_indices = #map}, {transform_indices = #map}]} {
    %mul3A = arith.constant 632 : i32
    %mul3A_0 = arith.muli %arg1, %mul3A : i32
    "tpu.region"() ({
      %run_scoped3A = tpu.sem_alloc : memref<!tpu.dma_semaphore, #tpu.memory_space<semaphore_mem>>
      %dma_start3A_150 = arith.constant 0 : i32
      %dma_start3A_151 = tpu.memref_slice %arg7[%mul3A_0, %dma_start3A_150] : memref<10112x128xf32, #tpu.memory_space<vmem_shared>> -> memref<632x128xf32, #tpu.memory_space<vmem_shared>>
      tpu.enqueue_dma source(%arg5 : memref<632x128xf32, #tpu.memory_space<hbm>>) target(%dma_start3A_151 : memref<632x128xf32, #tpu.memory_space<vmem_shared>>) target_semaphore(%run_scoped3A : memref<!tpu.dma_semaphore, #tpu.memory_space<semaphore_mem>>)
      %dma_wait3A_152 = arith.constant 0 : i32
      %dma_wait3A_153 = tpu.memref_slice %arg7[%mul3A_0, %dma_wait3A_152] : memref<10112x128xf32, #tpu.memory_space<vmem_shared>> -> memref<632x128xf32, #tpu.memory_space<vmem_shared>>
      tpu.wait_dma2 semaphore(%run_scoped3A : memref<!tpu.dma_semaphore, #tpu.memory_space<semaphore_mem>>) src(%arg5 : memref<632x128xf32, #tpu.memory_space<hbm>>) dst(%dma_wait3A_153 : memref<632x128xf32, #tpu.memory_space<vmem_shared>>)
      tpu.yield
    }) : () -> ()
    %lt3A = arith.constant 15 : i32
    %lt3A_1 = arith.cmpi slt, %arg1, %lt3A : i32
    %convert_element_type3A = arith.extui %lt3A_1 : i1 to i32
    %cond3A = arith.constant 0 : i32
    %cond3A_2 = arith.cmpi ne, %convert_element_type3A, %cond3A : i32
    scf.if %cond3A_2 {
      %mul3A_150 = arith.constant 5120 : i32
      %mul3A_151 = arith.muli %arg0, %mul3A_150 : i32
      %mul3A_152 = arith.constant 320 : i32
      %mul3A_153 = arith.muli %arg1, %mul3A_152 : i32
      %add3A_154 = arith.addi %mul3A_151, %mul3A_153 : i32
      %mul3A_155 = arith.constant 320 : i32
      %mul3A_156 = arith.muli %arg1, %mul3A_155 : i32
      "tpu.region"() ({
        %run_scoped3A = tpu.sem_alloc : memref<!tpu.dma_semaphore, #tpu.memory_space<semaphore_mem>>
        %dma_start3A_157 = arith.constant 0 : i32
        %dma_start3A_158 = tpu.memref_slice %arg8[%mul3A_156, %dma_start3A_157] : memref<5056x128xf32, #tpu.memory_space<vmem_shared>> -> memref<320x128xf32, #tpu.memory_space<vmem_shared>>
        %dma_start3A_159 = arith.constant 0 : i32
        %dma_start3A_160 = tpu.memref_slice %arg2[%add3A_154, %dma_start3A_159] : memref<10240x128xf32, #tpu.memory_space<hbm>> -> memref<320x128xf32, #tpu.memory_space<hbm>>
        tpu.enqueue_dma source(%dma_start3A_160 : memref<320x128xf32, #tpu.memory_space<hbm>>) target(%dma_start3A_158 : memref<320x128xf32, #tpu.memory_space<vmem_shared>>) target_semaphore(%run_scoped3A : memref<!tpu.dma_semaphore, #tpu.memory_space<semaphore_mem>>)
        %dma_wait3A_161 = arith.constant 0 : i32
        %dma_wait3A_162 = tpu.memref_slice %arg8[%mul3A_156, %dma_wait3A_161] : memref<5056x128xf32, #tpu.memory_space<vmem_shared>> -> memref<320x128xf32, #tpu.memory_space<vmem_shared>>
        %dma_wait3A_163 = arith.constant 0 : i32
        %dma_wait3A_164 = tpu.memref_slice %arg2[%add3A_154, %dma_wait3A_163] : memref<10240x128xf32, #tpu.memory_space<hbm>> -> memref<320x128xf32, #tpu.memory_space<hbm>>
        tpu.wait_dma2 semaphore(%run_scoped3A : memref<!tpu.dma_semaphore, #tpu.memory_space<semaphore_mem>>) src(%dma_wait3A_164 : memref<320x128xf32, #tpu.memory_space<hbm>>) dst(%dma_wait3A_162 : memref<320x128xf32, #tpu.memory_space<vmem_shared>>)
        tpu.yield
      }) : () -> ()
    } else {
    }
    %eq3A = arith.constant 15 : i32
    %eq3A_3 = arith.cmpi eq, %arg1, %eq3A : i32
    %convert_element_type3A_4 = arith.extui %eq3A_3 : i1 to i32
    %cond3A_5 = arith.constant 0 : i32
    %cond3A_6 = arith.cmpi ne, %convert_element_type3A_4, %cond3A_5 : i32
    scf.if %cond3A_6 {
      %mul3A_150 = arith.constant 5120 : i32
      %mul3A_151 = arith.muli %arg0, %mul3A_150 : i32
      %add3A_152 = arith.constant 4800 : i32
      %add3A_153 = arith.addi %mul3A_151, %add3A_152 : i32
      "tpu.region"() ({
        %run_scoped3A = tpu.sem_alloc : memref<!tpu.dma_semaphore, #tpu.memory_space<semaphore_mem>>
        %dma_start3A_154 = arith.constant 4800 : i32
        %dma_start3A_155 = arith.constant 0 : i32
        %dma_start3A_156 = tpu.memref_slice %arg8[%dma_start3A_154, %dma_start3A_155] : memref<5056x128xf32, #tpu.memory_space<vmem_shared>> -> memref<256x128xf32, #tpu.memory_space<vmem_shared>>
        %dma_start3A_157 = arith.constant 0 : i32
        %dma_start3A_158 = tpu.memref_slice %arg2[%add3A_153, %dma_start3A_157] : memref<10240x128xf32, #tpu.memory_space<hbm>> -> memref<256x128xf32, #tpu.memory_space<hbm>>
        tpu.enqueue_dma source(%dma_start3A_158 : memref<256x128xf32, #tpu.memory_space<hbm>>) target(%dma_start3A_156 : memref<256x128xf32, #tpu.memory_space<vmem_shared>>) target_semaphore(%run_scoped3A : memref<!tpu.dma_semaphore, #tpu.memory_space<semaphore_mem>>)
        %dma_wait3A_159 = arith.constant 4800 : i32
        %dma_wait3A_160 = arith.constant 0 : i32
        %dma_wait3A_161 = tpu.memref_slice %arg8[%dma_wait3A_159, %dma_wait3A_160] : memref<5056x128xf32, #tpu.memory_space<vmem_shared>> -> memref<256x128xf32, #tpu.memory_space<vmem_shared>>
        %dma_wait3A_162 = arith.constant 0 : i32
        %dma_wait3A_163 = tpu.memref_slice %arg2[%add3A_153, %dma_wait3A_162] : memref<10240x128xf32, #tpu.memory_space<hbm>> -> memref<256x128xf32, #tpu.memory_space<hbm>>
        tpu.wait_dma2 semaphore(%run_scoped3A : memref<!tpu.dma_semaphore, #tpu.memory_space<semaphore_mem>>) src(%dma_wait3A_163 : memref<256x128xf32, #tpu.memory_space<hbm>>) dst(%dma_wait3A_161 : memref<256x128xf32, #tpu.memory_space<vmem_shared>>)
        tpu.yield
      }) : () -> ()
    } else {
    }
    %barrier3A = arith.constant 0 : index
    tpu.barrier barrier_id(%barrier3A)
    %dma_start3A = arith.constant 0 : i32
    %dma_start3A_7 = arith.constant 0 : i32
    "tpu.trace_start"() <{level = 10 : i32, message = "phase_b"}> : () -> ()
    %dma_start3A_8 = arith.constant 0 : i32
    %dma_start3A_9 = tpu.memref_slice %arg9[%dma_start3A_7, %dma_start3A_8] : memref<8x32xi32, #tpu.memory_space<vmem>> -> memref<1x32xi32, #tpu.memory_space<vmem>>
    %dma_start3A_10 = tpu.memref_squeeze %dma_start3A_9 : memref<1x32xi32, #tpu.memory_space<vmem>> -> memref<32xi32, #tpu.memory_space<vmem>>
    %dma_start3A_11 = arith.constant 0 : i32
    %dma_start3A_12 = tpu.memref_slice %arg3[%arg1, %dma_start3A, %dma_start3A_11] : memref<16x320x32xi32, #tpu.memory_space<hbm>> -> memref<1x1x32xi32, #tpu.memory_space<hbm>>
    %dma_start3A_13 = tpu.memref_squeeze %dma_start3A_12 : memref<1x1x32xi32, #tpu.memory_space<hbm>> -> memref<32xi32, #tpu.memory_space<hbm>>
    %dma_start3A_14 = arith.constant 0 : i32
    %dma_start3A_15 = tpu.memref_slice %arg9[%dma_start3A_7, %dma_start3A_14] : memref<8x32xi32, #tpu.memory_space<vmem>> -> memref<1x32xi32, #tpu.memory_space<vmem>>
    %dma_start3A_16 = tpu.memref_squeeze %dma_start3A_15 : memref<1x32xi32, #tpu.memory_space<vmem>> -> memref<32xi32, #tpu.memory_space<vmem>>
    %dma_start3A_17 = arith.constant 0 : i32
    %dma_start3A_18 = tpu.memref_slice %arg3[%arg1, %dma_start3A, %dma_start3A_17] : memref<16x320x32xi32, #tpu.memory_space<hbm>> -> memref<1x1x32xi32, #tpu.memory_space<hbm>>
    %dma_start3A_19 = tpu.memref_squeeze %dma_start3A_18 : memref<1x1x32xi32, #tpu.memory_space<hbm>> -> memref<32xi32, #tpu.memory_space<hbm>>
    tpu.enqueue_dma source(%dma_start3A_19 : memref<32xi32, #tpu.memory_space<hbm>>) target(%dma_start3A_16 : memref<32xi32, #tpu.memory_space<vmem>>) target_semaphore(%arg13 : memref<!tpu.dma_semaphore, #tpu.memory_space<semaphore_mem>>)
    %dma_start3A_20 = arith.constant 0 : i32
    %dma_start3A_21 = arith.constant 4 : i32
    %dma_start3A_22 = arith.constant 0 : i32
    %dma_start3A_23 = tpu.memref_slice %arg9[%dma_start3A_21, %dma_start3A_22] : memref<8x32xi32, #tpu.memory_space<vmem>> -> memref<1x32xi32, #tpu.memory_space<vmem>>
    %dma_start3A_24 = tpu.memref_squeeze %dma_start3A_23 : memref<1x32xi32, #tpu.memory_space<vmem>> -> memref<32xi32, #tpu.memory_space<vmem>>
    %dma_start3A_25 = arith.constant 0 : i32
    %dma_start3A_26 = tpu.memref_slice %arg4[%arg1, %dma_start3A_20, %dma_start3A_25] : memref<16x320x32xi32, #tpu.memory_space<hbm>> -> memref<1x1x32xi32, #tpu.memory_space<hbm>>
    %dma_start3A_27 = tpu.memref_squeeze %dma_start3A_26 : memref<1x1x32xi32, #tpu.memory_space<hbm>> -> memref<32xi32, #tpu.memory_space<hbm>>
    %dma_start3A_28 = arith.constant 0 : i32
    %dma_start3A_29 = tpu.memref_slice %arg9[%dma_start3A_21, %dma_start3A_28] : memref<8x32xi32, #tpu.memory_space<vmem>> -> memref<1x32xi32, #tpu.memory_space<vmem>>
    %dma_start3A_30 = tpu.memref_squeeze %dma_start3A_29 : memref<1x32xi32, #tpu.memory_space<vmem>> -> memref<32xi32, #tpu.memory_space<vmem>>
    %dma_start3A_31 = arith.constant 0 : i32
    %dma_start3A_32 = tpu.memref_slice %arg4[%arg1, %dma_start3A_20, %dma_start3A_31] : memref<16x320x32xi32, #tpu.memory_space<hbm>> -> memref<1x1x32xi32, #tpu.memory_space<hbm>>
    %dma_start3A_33 = tpu.memref_squeeze %dma_start3A_32 : memref<1x1x32xi32, #tpu.memory_space<hbm>> -> memref<32xi32, #tpu.memory_space<hbm>>
    tpu.enqueue_dma source(%dma_start3A_33 : memref<32xi32, #tpu.memory_space<hbm>>) target(%dma_start3A_30 : memref<32xi32, #tpu.memory_space<vmem>>) target_semaphore(%arg13 : memref<!tpu.dma_semaphore, #tpu.memory_space<semaphore_mem>>)
    %dma_start3A_34 = arith.constant 1 : i32
    %dma_start3A_35 = arith.constant 1 : i32
    %dma_start3A_36 = arith.constant 0 : i32
    %dma_start3A_37 = tpu.memref_slice %arg9[%dma_start3A_35, %dma_start3A_36] : memref<8x32xi32, #tpu.memory_space<vmem>> -> memref<1x32xi32, #tpu.memory_space<vmem>>
    %dma_start3A_38 = tpu.memref_squeeze %dma_start3A_37 : memref<1x32xi32, #tpu.memory_space<vmem>> -> memref<32xi32, #tpu.memory_space<vmem>>
    %dma_start3A_39 = arith.constant 0 : i32
    %dma_start3A_40 = tpu.memref_slice %arg3[%arg1, %dma_start3A_34, %dma_start3A_39] : memref<16x320x32xi32, #tpu.memory_space<hbm>> -> memref<1x1x32xi32, #tpu.memory_space<hbm>>
    %dma_start3A_41 = tpu.memref_squeeze %dma_start3A_40 : memref<1x1x32xi32, #tpu.memory_space<hbm>> -> memref<32xi32, #tpu.memory_space<hbm>>
    %dma_start3A_42 = arith.constant 0 : i32
    %dma_start3A_43 = tpu.memref_slice %arg9[%dma_start3A_35, %dma_start3A_42] : memref<8x32xi32, #tpu.memory_space<vmem>> -> memref<1x32xi32, #tpu.memory_space<vmem>>
    %dma_start3A_44 = tpu.memref_squeeze %dma_start3A_43 : memref<1x32xi32, #tpu.memory_space<vmem>> -> memref<32xi32, #tpu.memory_space<vmem>>
    %dma_start3A_45 = arith.constant 0 : i32
    %dma_start3A_46 = tpu.memref_slice %arg3[%arg1, %dma_start3A_34, %dma_start3A_45] : memref<16x320x32xi32, #tpu.memory_space<hbm>> -> memref<1x1x32xi32, #tpu.memory_space<hbm>>
    %dma_start3A_47 = tpu.memref_squeeze %dma_start3A_46 : memref<1x1x32xi32, #tpu.memory_space<hbm>> -> memref<32xi32, #tpu.memory_space<hbm>>
    tpu.enqueue_dma source(%dma_start3A_47 : memref<32xi32, #tpu.memory_space<hbm>>) target(%dma_start3A_44 : memref<32xi32, #tpu.memory_space<vmem>>) target_semaphore(%arg14 : memref<!tpu.dma_semaphore, #tpu.memory_space<semaphore_mem>>)
    %dma_start3A_48 = arith.constant 1 : i32
    %dma_start3A_49 = arith.constant 5 : i32
    %dma_start3A_50 = arith.constant 0 : i32
    %dma_start3A_51 = tpu.memref_slice %arg9[%dma_start3A_49, %dma_start3A_50] : memref<8x32xi32, #tpu.memory_space<vmem>> -> memref<1x32xi32, #tpu.memory_space<vmem>>
    %dma_start3A_52 = tpu.memref_squeeze %dma_start3A_51 : memref<1x32xi32, #tpu.memory_space<vmem>> -> memref<32xi32, #tpu.memory_space<vmem>>
    %dma_start3A_53 = arith.constant 0 : i32
    %dma_start3A_54 = tpu.memref_slice %arg4[%arg1, %dma_start3A_48, %dma_start3A_53] : memref<16x320x32xi32, #tpu.memory_space<hbm>> -> memref<1x1x32xi32, #tpu.memory_space<hbm>>
    %dma_start3A_55 = tpu.memref_squeeze %dma_start3A_54 : memref<1x1x32xi32, #tpu.memory_space<hbm>> -> memref<32xi32, #tpu.memory_space<hbm>>
    %dma_start3A_56 = arith.constant 0 : i32
    %dma_start3A_57 = tpu.memref_slice %arg9[%dma_start3A_49, %dma_start3A_56] : memref<8x32xi32, #tpu.memory_space<vmem>> -> memref<1x32xi32, #tpu.memory_space<vmem>>
    %dma_start3A_58 = tpu.memref_squeeze %dma_start3A_57 : memref<1x32xi32, #tpu.memory_space<vmem>> -> memref<32xi32, #tpu.memory_space<vmem>>
    %dma_start3A_59 = arith.constant 0 : i32
    %dma_start3A_60 = tpu.memref_slice %arg4[%arg1, %dma_start3A_48, %dma_start3A_59] : memref<16x320x32xi32, #tpu.memory_space<hbm>> -> memref<1x1x32xi32, #tpu.memory_space<hbm>>
    %dma_start3A_61 = tpu.memref_squeeze %dma_start3A_60 : memref<1x1x32xi32, #tpu.memory_space<hbm>> -> memref<32xi32, #tpu.memory_space<hbm>>
    tpu.enqueue_dma source(%dma_start3A_61 : memref<32xi32, #tpu.memory_space<hbm>>) target(%dma_start3A_58 : memref<32xi32, #tpu.memory_space<vmem>>) target_semaphore(%arg14 : memref<!tpu.dma_semaphore, #tpu.memory_space<semaphore_mem>>)
    %dma_wait3A = arith.constant 0 : i32
    %dma_wait3A_62 = arith.constant 0 : i32
    %dma_wait3A_63 = arith.constant 0 : i32
    %dma_wait3A_64 = tpu.memref_slice %arg9[%dma_wait3A_62, %dma_wait3A_63] : memref<8x32xi32, #tpu.memory_space<vmem>> -> memref<1x32xi32, #tpu.memory_space<vmem>>
    %dma_wait3A_65 = tpu.memref_squeeze %dma_wait3A_64 : memref<1x32xi32, #tpu.memory_space<vmem>> -> memref<32xi32, #tpu.memory_space<vmem>>
    %dma_wait3A_66 = arith.constant 0 : i32
    %dma_wait3A_67 = tpu.memref_slice %arg3[%arg1, %dma_wait3A, %dma_wait3A_66] : memref<16x320x32xi32, #tpu.memory_space<hbm>> -> memref<1x1x32xi32, #tpu.memory_space<hbm>>
    %dma_wait3A_68 = tpu.memref_squeeze %dma_wait3A_67 : memref<1x1x32xi32, #tpu.memory_space<hbm>> -> memref<32xi32, #tpu.memory_space<hbm>>
    %dma_wait3A_69 = arith.constant 0 : i32
    %dma_wait3A_70 = tpu.memref_slice %arg9[%dma_wait3A_62, %dma_wait3A_69] : memref<8x32xi32, #tpu.memory_space<vmem>> -> memref<1x32xi32, #tpu.memory_space<vmem>>
    %dma_wait3A_71 = tpu.memref_squeeze %dma_wait3A_70 : memref<1x32xi32, #tpu.memory_space<vmem>> -> memref<32xi32, #tpu.memory_space<vmem>>
    %dma_wait3A_72 = arith.constant 0 : i32
    %dma_wait3A_73 = tpu.memref_slice %arg3[%arg1, %dma_wait3A, %dma_wait3A_72] : memref<16x320x32xi32, #tpu.memory_space<hbm>> -> memref<1x1x32xi32, #tpu.memory_space<hbm>>
    %dma_wait3A_74 = tpu.memref_squeeze %dma_wait3A_73 : memref<1x1x32xi32, #tpu.memory_space<hbm>> -> memref<32xi32, #tpu.memory_space<hbm>>
    tpu.wait_dma2 semaphore(%arg13 : memref<!tpu.dma_semaphore, #tpu.memory_space<semaphore_mem>>) src(%dma_wait3A_74 : memref<32xi32, #tpu.memory_space<hbm>>) dst(%dma_wait3A_71 : memref<32xi32, #tpu.memory_space<vmem>>)
    %dma_wait3A_75 = arith.constant 0 : i32
    %dma_wait3A_76 = arith.constant 4 : i32
    %dma_wait3A_77 = arith.constant 0 : i32
    %dma_wait3A_78 = tpu.memref_slice %arg9[%dma_wait3A_76, %dma_wait3A_77] : memref<8x32xi32, #tpu.memory_space<vmem>> -> memref<1x32xi32, #tpu.memory_space<vmem>>
    %dma_wait3A_79 = tpu.memref_squeeze %dma_wait3A_78 : memref<1x32xi32, #tpu.memory_space<vmem>> -> memref<32xi32, #tpu.memory_space<vmem>>
    %dma_wait3A_80 = arith.constant 0 : i32
    %dma_wait3A_81 = tpu.memref_slice %arg4[%arg1, %dma_wait3A_75, %dma_wait3A_80] : memref<16x320x32xi32, #tpu.memory_space<hbm>> -> memref<1x1x32xi32, #tpu.memory_space<hbm>>
    %dma_wait3A_82 = tpu.memref_squeeze %dma_wait3A_81 : memref<1x1x32xi32, #tpu.memory_space<hbm>> -> memref<32xi32, #tpu.memory_space<hbm>>
    %dma_wait3A_83 = arith.constant 0 : i32
    %dma_wait3A_84 = tpu.memref_slice %arg9[%dma_wait3A_76, %dma_wait3A_83] : memref<8x32xi32, #tpu.memory_space<vmem>> -> memref<1x32xi32, #tpu.memory_space<vmem>>
    %dma_wait3A_85 = tpu.memref_squeeze %dma_wait3A_84 : memref<1x32xi32, #tpu.memory_space<vmem>> -> memref<32xi32, #tpu.memory_space<vmem>>
    %dma_wait3A_86 = arith.constant 0 : i32
    %dma_wait3A_87 = tpu.memref_slice %arg4[%arg1, %dma_wait3A_75, %dma_wait3A_86] : memref<16x320x32xi32, #tpu.memory_space<hbm>> -> memref<1x1x32xi32, #tpu.memory_space<hbm>>
    %dma_wait3A_88 = tpu.memref_squeeze %dma_wait3A_87 : memref<1x1x32xi32, #tpu.memory_space<hbm>> -> memref<32xi32, #tpu.memory_space<hbm>>
    tpu.wait_dma2 semaphore(%arg13 : memref<!tpu.dma_semaphore, #tpu.memory_space<semaphore_mem>>) src(%dma_wait3A_88 : memref<32xi32, #tpu.memory_space<hbm>>) dst(%dma_wait3A_85 : memref<32xi32, #tpu.memory_space<vmem>>)
    %dma_start3A_89 = arith.constant 0 : i32
    %dma_start3A_90 = arith.constant 0 : i32
    %dma_start3A_91 = arith.constant 0 : i32
    %dma_start3A_92 = arith.constant 0 : i32
    %dma_start3A_93 = tpu.memref_slice %arg10[%dma_start3A_90, %dma_start3A_91, %dma_start3A_92] : memref<2x32x128xf32, #tpu.memory_space<vmem>> -> memref<1x32x128xf32, #tpu.memory_space<vmem>>
    %dma_start3A_94 = tpu.memref_squeeze %dma_start3A_93 : memref<1x32x128xf32, #tpu.memory_space<vmem>> -> memref<32x128xf32, #tpu.memory_space<vmem>>
    %dma_start3A_95 = arith.constant 0 : i32
    %dma_start3A_96 = tpu.memref_slice %arg9[%dma_start3A_89, %dma_start3A_95] : memref<8x32xi32, #tpu.memory_space<vmem>> -> memref<1x32xi32, #tpu.memory_space<vmem>>
    %dma_start3A_97 = tpu.memref_squeeze %dma_start3A_96 : memref<1x32xi32, #tpu.memory_space<vmem>> -> memref<32xi32, #tpu.memory_space<vmem>>
    %dma_start3A_98 = arith.constant 0 : i32
    %dma_start3A_99 = arith.constant 0 : i32
    %dma_start3A_100 = tpu.memref_slice %arg8[%dma_start3A_98, %dma_start3A_99] : memref<5056x128xf32, #tpu.memory_space<vmem_shared>> -> memref<5056x128xf32, #tpu.memory_space<vmem_shared>>
    tpu.enqueue_indirect_dma source(%dma_start3A_100 : memref<5056x128xf32, #tpu.memory_space<vmem_shared>>) target(%dma_start3A_94 : memref<32x128xf32, #tpu.memory_space<vmem>>) offsets(%dma_start3A_97 : memref<32xi32, #tpu.memory_space<vmem>>) semaphore(%arg11 : memref<!tpu.dma_semaphore, #tpu.memory_space<semaphore_mem>>)
    %dma_wait3A_101 = arith.constant 1 : i32
    %dma_wait3A_102 = arith.constant 1 : i32
    %dma_wait3A_103 = arith.constant 0 : i32
    %dma_wait3A_104 = tpu.memref_slice %arg9[%dma_wait3A_102, %dma_wait3A_103] : memref<8x32xi32, #tpu.memory_space<vmem>> -> memref<1x32xi32, #tpu.memory_space<vmem>>
    %dma_wait3A_105 = tpu.memref_squeeze %dma_wait3A_104 : memref<1x32xi32, #tpu.memory_space<vmem>> -> memref<32xi32, #tpu.memory_space<vmem>>
    %dma_wait3A_106 = arith.constant 0 : i32
    %dma_wait3A_107 = tpu.memref_slice %arg3[%arg1, %dma_wait3A_101, %dma_wait3A_106] : memref<16x320x32xi32, #tpu.memory_space<hbm>> -> memref<1x1x32xi32, #tpu.memory_space<hbm>>
    %dma_wait3A_108 = tpu.memref_squeeze %dma_wait3A_107 : memref<1x1x32xi32, #tpu.memory_space<hbm>> -> memref<32xi32, #tpu.memory_space<hbm>>
    %dma_wait3A_109 = arith.constant 0 : i32
    %dma_wait3A_110 = tpu.memref_slice %arg9[%dma_wait3A_102, %dma_wait3A_109] : memref<8x32xi32, #tpu.memory_space<vmem>> -> memref<1x32xi32, #tpu.memory_space<vmem>>
    %dma_wait3A_111 = tpu.memref_squeeze %dma_wait3A_110 : memref<1x32xi32, #tpu.memory_space<vmem>> -> memref<32xi32, #tpu.memory_space<vmem>>
    %dma_wait3A_112 = arith.constant 0 : i32
    %dma_wait3A_113 = tpu.memref_slice %arg3[%arg1, %dma_wait3A_101, %dma_wait3A_112] : memref<16x320x32xi32, #tpu.memory_space<hbm>> -> memref<1x1x32xi32, #tpu.memory_space<hbm>>
    %dma_wait3A_114 = tpu.memref_squeeze %dma_wait3A_113 : memref<1x1x32xi32, #tpu.memory_space<hbm>> -> memref<32xi32, #tpu.memory_space<hbm>>
    tpu.wait_dma2 semaphore(%arg14 : memref<!tpu.dma_semaphore, #tpu.memory_space<semaphore_mem>>) src(%dma_wait3A_114 : memref<32xi32, #tpu.memory_space<hbm>>) dst(%dma_wait3A_111 : memref<32xi32, #tpu.memory_space<vmem>>)
    %dma_wait3A_115 = arith.constant 1 : i32
    %dma_wait3A_116 = arith.constant 5 : i32
    %dma_wait3A_117 = arith.constant 0 : i32
    %dma_wait3A_118 = tpu.memref_slice %arg9[%dma_wait3A_116, %dma_wait3A_117] : memref<8x32xi32, #tpu.memory_space<vmem>> -> memref<1x32xi32, #tpu.memory_space<vmem>>
    %dma_wait3A_119 = tpu.memref_squeeze %dma_wait3A_118 : memref<1x32xi32, #tpu.memory_space<vmem>> -> memref<32xi32, #tpu.memory_space<vmem>>
    %dma_wait3A_120 = arith.constant 0 : i32
    %dma_wait3A_121 = tpu.memref_slice %arg4[%arg1, %dma_wait3A_115, %dma_wait3A_120] : memref<16x320x32xi32, #tpu.memory_space<hbm>> -> memref<1x1x32xi32, #tpu.memory_space<hbm>>
    %dma_wait3A_122 = tpu.memref_squeeze %dma_wait3A_121 : memref<1x1x32xi32, #tpu.memory_space<hbm>> -> memref<32xi32, #tpu.memory_space<hbm>>
    %dma_wait3A_123 = arith.constant 0 : i32
    %dma_wait3A_124 = tpu.memref_slice %arg9[%dma_wait3A_116, %dma_wait3A_123] : memref<8x32xi32, #tpu.memory_space<vmem>> -> memref<1x32xi32, #tpu.memory_space<vmem>>
    %dma_wait3A_125 = tpu.memref_squeeze %dma_wait3A_124 : memref<1x32xi32, #tpu.memory_space<vmem>> -> memref<32xi32, #tpu.memory_space<vmem>>
    %dma_wait3A_126 = arith.constant 0 : i32
    %dma_wait3A_127 = tpu.memref_slice %arg4[%arg1, %dma_wait3A_115, %dma_wait3A_126] : memref<16x320x32xi32, #tpu.memory_space<hbm>> -> memref<1x1x32xi32, #tpu.memory_space<hbm>>
    %dma_wait3A_128 = tpu.memref_squeeze %dma_wait3A_127 : memref<1x1x32xi32, #tpu.memory_space<hbm>> -> memref<32xi32, #tpu.memory_space<hbm>>
    tpu.wait_dma2 semaphore(%arg14 : memref<!tpu.dma_semaphore, #tpu.memory_space<semaphore_mem>>) src(%dma_wait3A_128 : memref<32xi32, #tpu.memory_space<hbm>>) dst(%dma_wait3A_125 : memref<32xi32, #tpu.memory_space<vmem>>)
    %dma_start3A_129 = arith.constant 1 : i32
    %dma_start3A_130 = arith.constant 1 : i32
    %dma_start3A_131 = arith.constant 0 : i32
    %dma_start3A_132 = arith.constant 0 : i32
    %dma_start3A_133 = tpu.memref_slice %arg10[%dma_start3A_130, %dma_start3A_131, %dma_start3A_132] : memref<2x32x128xf32, #tpu.memory_space<vmem>> -> memref<1x32x128xf32, #tpu.memory_space<vmem>>
    %dma_start3A_134 = tpu.memref_squeeze %dma_start3A_133 : memref<1x32x128xf32, #tpu.memory_space<vmem>> -> memref<32x128xf32, #tpu.memory_space<vmem>>
    %dma_start3A_135 = arith.constant 0 : i32
    %dma_start3A_136 = tpu.memref_slice %arg9[%dma_start3A_129, %dma_start3A_135] : memref<8x32xi32, #tpu.memory_space<vmem>> -> memref<1x32xi32, #tpu.memory_space<vmem>>
    %dma_start3A_137 = tpu.memref_squeeze %dma_start3A_136 : memref<1x32xi32, #tpu.memory_space<vmem>> -> memref<32xi32, #tpu.memory_space<vmem>>
    %dma_start3A_138 = arith.constant 0 : i32
    %dma_start3A_139 = arith.constant 0 : i32
    %dma_start3A_140 = tpu.memref_slice %arg8[%dma_start3A_138, %dma_start3A_139] : memref<5056x128xf32, #tpu.memory_space<vmem_shared>> -> memref<5056x128xf32, #tpu.memory_space<vmem_shared>>
    tpu.enqueue_indirect_dma source(%dma_start3A_140 : memref<5056x128xf32, #tpu.memory_space<vmem_shared>>) target(%dma_start3A_134 : memref<32x128xf32, #tpu.memory_space<vmem>>) offsets(%dma_start3A_137 : memref<32xi32, #tpu.memory_space<vmem>>) semaphore(%arg12 : memref<!tpu.dma_semaphore, #tpu.memory_space<semaphore_mem>>)
    %scan3A = arith.constant 0 : i32
    %scan3A_141 = arith.constant 160 : i32
    %scan3A_142 = arith.addi %scan3A, %scan3A_141 : i32
    %scan3A_143 = arith.constant 1 : i32
    scf.for %scan3A_150 = %scan3A to %scan3A_142 step %scan3A_143  : i32 {
      %mul3A_151 = arith.constant 1 : i32
      %mul3A_152 = arith.muli %scan3A_150, %mul3A_151 : i32
      %add3A_153 = arith.constant 0 : i32
      %add3A_154 = arith.addi %add3A_153, %mul3A_152 : i32
      %mul3A_155 = arith.constant 2 : i32
      %mul3A_156 = arith.muli %add3A_154, %mul3A_155 : i32
      %add3A_157 = arith.constant 0 : i32
      %add3A_158 = arith.addi %mul3A_156, %add3A_157 : i32
      %dma_wait3A_159 = arith.constant 0 : i32
      %dma_wait3A_160 = arith.constant 0 : i32
      %dma_wait3A_161 = arith.constant 0 : i32
      %dma_wait3A_162 = arith.constant 0 : i32
      %dma_wait3A_163 = tpu.memref_slice %arg10[%dma_wait3A_160, %dma_wait3A_161, %dma_wait3A_162] : memref<2x32x128xf32, #tpu.memory_space<vmem>> -> memref<1x32x128xf32, #tpu.memory_space<vmem>>
      %dma_wait3A_164 = tpu.memref_squeeze %dma_wait3A_163 : memref<1x32x128xf32, #tpu.memory_space<vmem>> -> memref<32x128xf32, #tpu.memory_space<vmem>>
      %dma_wait3A_165 = arith.constant 0 : i32
      %dma_wait3A_166 = tpu.memref_slice %arg9[%dma_wait3A_159, %dma_wait3A_165] : memref<8x32xi32, #tpu.memory_space<vmem>> -> memref<1x32xi32, #tpu.memory_space<vmem>>
      %dma_wait3A_167 = tpu.memref_squeeze %dma_wait3A_166 : memref<1x32xi32, #tpu.memory_space<vmem>> -> memref<32xi32, #tpu.memory_space<vmem>>
      %dma_wait3A_168 = arith.constant 0 : i32
      %dma_wait3A_169 = arith.constant 0 : i32
      %dma_wait3A_170 = tpu.memref_slice %arg8[%dma_wait3A_168, %dma_wait3A_169] : memref<5056x128xf32, #tpu.memory_space<vmem_shared>> -> memref<5056x128xf32, #tpu.memory_space<vmem_shared>>
      tpu.wait_indirect_dma semaphore(%arg11 : memref<!tpu.dma_semaphore, #tpu.memory_space<semaphore_mem>>) src(%dma_wait3A_170 : memref<5056x128xf32, #tpu.memory_space<vmem_shared>>) dst(%dma_wait3A_164 : memref<32x128xf32, #tpu.memory_space<vmem>>)
      %run_scoped3A = arith.constant 0 : i32
      %run_scoped3A_171 = arith.constant 4 : i32
      "tpu.region"() ({
        %run_scoped3A_202 = tpu.sem_alloc : memref<!tpu.dma_semaphore, #tpu.memory_space<semaphore_mem>>
        %dma_start3A_203 = arith.constant 0 : i32
        %dma_start3A_204 = arith.constant 0 : i32
        %dma_start3A_205 = tpu.memref_slice %arg10[%run_scoped3A, %dma_start3A_203, %dma_start3A_204] : memref<2x32x128xf32, #tpu.memory_space<vmem>> -> memref<1x32x128xf32, #tpu.memory_space<vmem>>
        %dma_start3A_206 = tpu.memref_squeeze %dma_start3A_205 : memref<1x32x128xf32, #tpu.memory_space<vmem>> -> memref<32x128xf32, #tpu.memory_space<vmem>>
        %dma_start3A_207 = arith.constant 0 : i32
        %dma_start3A_208 = tpu.memref_slice %arg9[%run_scoped3A_171, %dma_start3A_207] : memref<8x32xi32, #tpu.memory_space<vmem>> -> memref<1x32xi32, #tpu.memory_space<vmem>>
        %dma_start3A_209 = tpu.memref_squeeze %dma_start3A_208 : memref<1x32xi32, #tpu.memory_space<vmem>> -> memref<32xi32, #tpu.memory_space<vmem>>
        %dma_start3A_210 = arith.constant 0 : i32
        %dma_start3A_211 = arith.constant 0 : i32
        %dma_start3A_212 = tpu.memref_slice %arg7[%dma_start3A_210, %dma_start3A_211] : memref<10112x128xf32, #tpu.memory_space<vmem_shared>> -> memref<10112x128xf32, #tpu.memory_space<vmem_shared>>
        tpu.enqueue_indirect_dma source(%dma_start3A_206 : memref<32x128xf32, #tpu.memory_space<vmem>>) target(%dma_start3A_212 : memref<10112x128xf32, #tpu.memory_space<vmem_shared>>) offsets(%dma_start3A_209 : memref<32xi32, #tpu.memory_space<vmem>>) semaphore(%run_scoped3A_202 : memref<!tpu.dma_semaphore, #tpu.memory_space<semaphore_mem>>) {add = true}
        %dma_wait3A_213 = arith.constant 0 : i32
        %dma_wait3A_214 = arith.constant 0 : i32
        %dma_wait3A_215 = tpu.memref_slice %arg10[%run_scoped3A, %dma_wait3A_213, %dma_wait3A_214] : memref<2x32x128xf32, #tpu.memory_space<vmem>> -> memref<1x32x128xf32, #tpu.memory_space<vmem>>
        %dma_wait3A_216 = tpu.memref_squeeze %dma_wait3A_215 : memref<1x32x128xf32, #tpu.memory_space<vmem>> -> memref<32x128xf32, #tpu.memory_space<vmem>>
        %dma_wait3A_217 = arith.constant 0 : i32
        %dma_wait3A_218 = tpu.memref_slice %arg9[%run_scoped3A_171, %dma_wait3A_217] : memref<8x32xi32, #tpu.memory_space<vmem>> -> memref<1x32xi32, #tpu.memory_space<vmem>>
        %dma_wait3A_219 = tpu.memref_squeeze %dma_wait3A_218 : memref<1x32xi32, #tpu.memory_space<vmem>> -> memref<32xi32, #tpu.memory_space<vmem>>
        %dma_wait3A_220 = arith.constant 0 : i32
        %dma_wait3A_221 = arith.constant 0 : i32
        %dma_wait3A_222 = tpu.memref_slice %arg7[%dma_wait3A_220, %dma_wait3A_221] : memref<10112x128xf32, #tpu.memory_space<vmem_shared>> -> memref<10112x128xf32, #tpu.memory_space<vmem_shared>>
        tpu.wait_indirect_dma semaphore(%run_scoped3A_202 : memref<!tpu.dma_semaphore, #tpu.memory_space<semaphore_mem>>) src(%dma_wait3A_216 : memref<32x128xf32, #tpu.memory_space<vmem>>) dst(%dma_wait3A_222 : memref<10112x128xf32, #tpu.memory_space<vmem_shared>>)
        tpu.yield
      }) : () -> ()
      %add3A_172 = arith.constant 2 : i32
      %add3A_173 = arith.addi %add3A_158, %add3A_172 : i32
      %lt3A_174 = arith.constant 320 : i32
      %lt3A_175 = arith.cmpi slt, %add3A_173, %lt3A_174 : i32
      %convert_element_type3A_176 = arith.extui %lt3A_175 : i1 to i32
      %cond3A_177 = arith.constant 0 : i32
      %cond3A_178 = arith.cmpi ne, %convert_element_type3A_176, %cond3A_177 : i32
      scf.if %cond3A_178 {
        %add3A_202 = arith.constant 2 : i32
        %add3A_203 = arith.addi %add3A_158, %add3A_202 : i32
        %dma_start3A_204 = arith.constant 0 : i32
        %dma_start3A_205 = arith.constant 0 : i32
        %dma_start3A_206 = tpu.memref_slice %arg9[%dma_start3A_204, %dma_start3A_205] : memref<8x32xi32, #tpu.memory_space<vmem>> -> memref<1x32xi32, #tpu.memory_space<vmem>>
        %dma_start3A_207 = tpu.memref_squeeze %dma_start3A_206 : memref<1x32xi32, #tpu.memory_space<vmem>> -> memref<32xi32, #tpu.memory_space<vmem>>
        %dma_start3A_208 = arith.constant 0 : i32
        %dma_start3A_209 = tpu.memref_slice %arg3[%arg1, %add3A_203, %dma_start3A_208] : memref<16x320x32xi32, #tpu.memory_space<hbm>> -> memref<1x1x32xi32, #tpu.memory_space<hbm>>
        %dma_start3A_210 = tpu.memref_squeeze %dma_start3A_209 : memref<1x1x32xi32, #tpu.memory_space<hbm>> -> memref<32xi32, #tpu.memory_space<hbm>>
        %dma_start3A_211 = arith.constant 0 : i32
        %dma_start3A_212 = tpu.memref_slice %arg9[%dma_start3A_204, %dma_start3A_211] : memref<8x32xi32, #tpu.memory_space<vmem>> -> memref<1x32xi32, #tpu.memory_space<vmem>>
        %dma_start3A_213 = tpu.memref_squeeze %dma_start3A_212 : memref<1x32xi32, #tpu.memory_space<vmem>> -> memref<32xi32, #tpu.memory_space<vmem>>
        %dma_start3A_214 = arith.constant 0 : i32
        %dma_start3A_215 = tpu.memref_slice %arg3[%arg1, %add3A_203, %dma_start3A_214] : memref<16x320x32xi32, #tpu.memory_space<hbm>> -> memref<1x1x32xi32, #tpu.memory_space<hbm>>
        %dma_start3A_216 = tpu.memref_squeeze %dma_start3A_215 : memref<1x1x32xi32, #tpu.memory_space<hbm>> -> memref<32xi32, #tpu.memory_space<hbm>>
        tpu.enqueue_dma source(%dma_start3A_216 : memref<32xi32, #tpu.memory_space<hbm>>) target(%dma_start3A_213 : memref<32xi32, #tpu.memory_space<vmem>>) target_semaphore(%arg13 : memref<!tpu.dma_semaphore, #tpu.memory_space<semaphore_mem>>)
        %dma_start3A_217 = arith.constant 4 : i32
        %dma_start3A_218 = arith.constant 0 : i32
        %dma_start3A_219 = tpu.memref_slice %arg9[%dma_start3A_217, %dma_start3A_218] : memref<8x32xi32, #tpu.memory_space<vmem>> -> memref<1x32xi32, #tpu.memory_space<vmem>>
        %dma_start3A_220 = tpu.memref_squeeze %dma_start3A_219 : memref<1x32xi32, #tpu.memory_space<vmem>> -> memref<32xi32, #tpu.memory_space<vmem>>
        %dma_start3A_221 = arith.constant 0 : i32
        %dma_start3A_222 = tpu.memref_slice %arg4[%arg1, %add3A_203, %dma_start3A_221] : memref<16x320x32xi32, #tpu.memory_space<hbm>> -> memref<1x1x32xi32, #tpu.memory_space<hbm>>
        %dma_start3A_223 = tpu.memref_squeeze %dma_start3A_222 : memref<1x1x32xi32, #tpu.memory_space<hbm>> -> memref<32xi32, #tpu.memory_space<hbm>>
        %dma_start3A_224 = arith.constant 0 : i32
        %dma_start3A_225 = tpu.memref_slice %arg9[%dma_start3A_217, %dma_start3A_224] : memref<8x32xi32, #tpu.memory_space<vmem>> -> memref<1x32xi32, #tpu.memory_space<vmem>>
        %dma_start3A_226 = tpu.memref_squeeze %dma_start3A_225 : memref<1x32xi32, #tpu.memory_space<vmem>> -> memref<32xi32, #tpu.memory_space<vmem>>
        %dma_start3A_227 = arith.constant 0 : i32
        %dma_start3A_228 = tpu.memref_slice %arg4[%arg1, %add3A_203, %dma_start3A_227] : memref<16x320x32xi32, #tpu.memory_space<hbm>> -> memref<1x1x32xi32, #tpu.memory_space<hbm>>
        %dma_start3A_229 = tpu.memref_squeeze %dma_start3A_228 : memref<1x1x32xi32, #tpu.memory_space<hbm>> -> memref<32xi32, #tpu.memory_space<hbm>>
        tpu.enqueue_dma source(%dma_start3A_229 : memref<32xi32, #tpu.memory_space<hbm>>) target(%dma_start3A_226 : memref<32xi32, #tpu.memory_space<vmem>>) target_semaphore(%arg13 : memref<!tpu.dma_semaphore, #tpu.memory_space<semaphore_mem>>)
        %add3A_230 = arith.constant 2 : i32
        %add3A_231 = arith.addi %add3A_158, %add3A_230 : i32
        %dma_wait3A_232 = arith.constant 0 : i32
        %dma_wait3A_233 = arith.constant 0 : i32
        %dma_wait3A_234 = tpu.memref_slice %arg9[%dma_wait3A_232, %dma_wait3A_233] : memref<8x32xi32, #tpu.memory_space<vmem>> -> memref<1x32xi32, #tpu.memory_space<vmem>>
        %dma_wait3A_235 = tpu.memref_squeeze %dma_wait3A_234 : memref<1x32xi32, #tpu.memory_space<vmem>> -> memref<32xi32, #tpu.memory_space<vmem>>
        %dma_wait3A_236 = arith.constant 0 : i32
        %dma_wait3A_237 = tpu.memref_slice %arg3[%arg1, %add3A_231, %dma_wait3A_236] : memref<16x320x32xi32, #tpu.memory_space<hbm>> -> memref<1x1x32xi32, #tpu.memory_space<hbm>>
        %dma_wait3A_238 = tpu.memref_squeeze %dma_wait3A_237 : memref<1x1x32xi32, #tpu.memory_space<hbm>> -> memref<32xi32, #tpu.memory_space<hbm>>
        %dma_wait3A_239 = arith.constant 0 : i32
        %dma_wait3A_240 = tpu.memref_slice %arg9[%dma_wait3A_232, %dma_wait3A_239] : memref<8x32xi32, #tpu.memory_space<vmem>> -> memref<1x32xi32, #tpu.memory_space<vmem>>
        %dma_wait3A_241 = tpu.memref_squeeze %dma_wait3A_240 : memref<1x32xi32, #tpu.memory_space<vmem>> -> memref<32xi32, #tpu.memory_space<vmem>>
        %dma_wait3A_242 = arith.constant 0 : i32
        %dma_wait3A_243 = tpu.memref_slice %arg3[%arg1, %add3A_231, %dma_wait3A_242] : memref<16x320x32xi32, #tpu.memory_space<hbm>> -> memref<1x1x32xi32, #tpu.memory_space<hbm>>
        %dma_wait3A_244 = tpu.memref_squeeze %dma_wait3A_243 : memref<1x1x32xi32, #tpu.memory_space<hbm>> -> memref<32xi32, #tpu.memory_space<hbm>>
        tpu.wait_dma2 semaphore(%arg13 : memref<!tpu.dma_semaphore, #tpu.memory_space<semaphore_mem>>) src(%dma_wait3A_244 : memref<32xi32, #tpu.memory_space<hbm>>) dst(%dma_wait3A_241 : memref<32xi32, #tpu.memory_space<vmem>>)
        %dma_wait3A_245 = arith.constant 4 : i32
        %dma_wait3A_246 = arith.constant 0 : i32
        %dma_wait3A_247 = tpu.memref_slice %arg9[%dma_wait3A_245, %dma_wait3A_246] : memref<8x32xi32, #tpu.memory_space<vmem>> -> memref<1x32xi32, #tpu.memory_space<vmem>>
        %dma_wait3A_248 = tpu.memref_squeeze %dma_wait3A_247 : memref<1x32xi32, #tpu.memory_space<vmem>> -> memref<32xi32, #tpu.memory_space<vmem>>
        %dma_wait3A_249 = arith.constant 0 : i32
        %dma_wait3A_250 = tpu.memref_slice %arg4[%arg1, %add3A_231, %dma_wait3A_249] : memref<16x320x32xi32, #tpu.memory_space<hbm>> -> memref<1x1x32xi32, #tpu.memory_space<hbm>>
        %dma_wait3A_251 = tpu.memref_squeeze %dma_wait3A_250 : memref<1x1x32xi32, #tpu.memory_space<hbm>> -> memref<32xi32, #tpu.memory_space<hbm>>
        %dma_wait3A_252 = arith.constant 0 : i32
        %dma_wait3A_253 = tpu.memref_slice %arg9[%dma_wait3A_245, %dma_wait3A_252] : memref<8x32xi32, #tpu.memory_space<vmem>> -> memref<1x32xi32, #tpu.memory_space<vmem>>
        %dma_wait3A_254 = tpu.memref_squeeze %dma_wait3A_253 : memref<1x32xi32, #tpu.memory_space<vmem>> -> memref<32xi32, #tpu.memory_space<vmem>>
        %dma_wait3A_255 = arith.constant 0 : i32
        %dma_wait3A_256 = tpu.memref_slice %arg4[%arg1, %add3A_231, %dma_wait3A_255] : memref<16x320x32xi32, #tpu.memory_space<hbm>> -> memref<1x1x32xi32, #tpu.memory_space<hbm>>
        %dma_wait3A_257 = tpu.memref_squeeze %dma_wait3A_256 : memref<1x1x32xi32, #tpu.memory_space<hbm>> -> memref<32xi32, #tpu.memory_space<hbm>>
        tpu.wait_dma2 semaphore(%arg13 : memref<!tpu.dma_semaphore, #tpu.memory_space<semaphore_mem>>) src(%dma_wait3A_257 : memref<32xi32, #tpu.memory_space<hbm>>) dst(%dma_wait3A_254 : memref<32xi32, #tpu.memory_space<vmem>>)
        %dma_start3A_258 = arith.constant 0 : i32
        %dma_start3A_259 = arith.constant 0 : i32
        %dma_start3A_260 = arith.constant 0 : i32
        %dma_start3A_261 = arith.constant 0 : i32
        %dma_start3A_262 = tpu.memref_slice %arg10[%dma_start3A_259, %dma_start3A_260, %dma_start3A_261] : memref<2x32x128xf32, #tpu.memory_space<vmem>> -> memref<1x32x128xf32, #tpu.memory_space<vmem>>
        %dma_start3A_263 = tpu.memref_squeeze %dma_start3A_262 : memref<1x32x128xf32, #tpu.memory_space<vmem>> -> memref<32x128xf32, #tpu.memory_space<vmem>>
        %dma_start3A_264 = arith.constant 0 : i32
        %dma_start3A_265 = tpu.memref_slice %arg9[%dma_start3A_258, %dma_start3A_264] : memref<8x32xi32, #tpu.memory_space<vmem>> -> memref<1x32xi32, #tpu.memory_space<vmem>>
        %dma_start3A_266 = tpu.memref_squeeze %dma_start3A_265 : memref<1x32xi32, #tpu.memory_space<vmem>> -> memref<32xi32, #tpu.memory_space<vmem>>
        %dma_start3A_267 = arith.constant 0 : i32
        %dma_start3A_268 = arith.constant 0 : i32
        %dma_start3A_269 = tpu.memref_slice %arg8[%dma_start3A_267, %dma_start3A_268] : memref<5056x128xf32, #tpu.memory_space<vmem_shared>> -> memref<5056x128xf32, #tpu.memory_space<vmem_shared>>
        tpu.enqueue_indirect_dma source(%dma_start3A_269 : memref<5056x128xf32, #tpu.memory_space<vmem_shared>>) target(%dma_start3A_263 : memref<32x128xf32, #tpu.memory_space<vmem>>) offsets(%dma_start3A_266 : memref<32xi32, #tpu.memory_space<vmem>>) semaphore(%arg11 : memref<!tpu.dma_semaphore, #tpu.memory_space<semaphore_mem>>)
      } else {
      }
      %add3A_179 = arith.constant 1 : i32
      %add3A_180 = arith.addi %mul3A_156, %add3A_179 : i32
      %dma_wait3A_181 = arith.constant 1 : i32
      %dma_wait3A_182 = arith.constant 1 : i32
      %dma_wait3A_183 = arith.constant 0 : i32
      %dma_wait3A_184 = arith.constant 0 : i32
      %dma_wait3A_185 = tpu.memref_slice %arg10[%dma_wait3A_182, %dma_wait3A_183, %dma_wait3A_184] : memref<2x32x128xf32, #tpu.memory_space<vmem>> -> memref<1x32x128xf32, #tpu.memory_space<vmem>>
      %dma_wait3A_186 = tpu.memref_squeeze %dma_wait3A_185 : memref<1x32x128xf32, #tpu.memory_space<vmem>> -> memref<32x128xf32, #tpu.memory_space<vmem>>
      %dma_wait3A_187 = arith.constant 0 : i32
      %dma_wait3A_188 = tpu.memref_slice %arg9[%dma_wait3A_181, %dma_wait3A_187] : memref<8x32xi32, #tpu.memory_space<vmem>> -> memref<1x32xi32, #tpu.memory_space<vmem>>
      %dma_wait3A_189 = tpu.memref_squeeze %dma_wait3A_188 : memref<1x32xi32, #tpu.memory_space<vmem>> -> memref<32xi32, #tpu.memory_space<vmem>>
      %dma_wait3A_190 = arith.constant 0 : i32
      %dma_wait3A_191 = arith.constant 0 : i32
      %dma_wait3A_192 = tpu.memref_slice %arg8[%dma_wait3A_190, %dma_wait3A_191] : memref<5056x128xf32, #tpu.memory_space<vmem_shared>> -> memref<5056x128xf32, #tpu.memory_space<vmem_shared>>
      tpu.wait_indirect_dma semaphore(%arg12 : memref<!tpu.dma_semaphore, #tpu.memory_space<semaphore_mem>>) src(%dma_wait3A_192 : memref<5056x128xf32, #tpu.memory_space<vmem_shared>>) dst(%dma_wait3A_186 : memref<32x128xf32, #tpu.memory_space<vmem>>)
      %run_scoped3A_193 = arith.constant 1 : i32
      %run_scoped3A_194 = arith.constant 5 : i32
      "tpu.region"() ({
        %run_scoped3A_202 = tpu.sem_alloc : memref<!tpu.dma_semaphore, #tpu.memory_space<semaphore_mem>>
        %dma_start3A_203 = arith.constant 0 : i32
        %dma_start3A_204 = arith.constant 0 : i32
        %dma_start3A_205 = tpu.memref_slice %arg10[%run_scoped3A_193, %dma_start3A_203, %dma_start3A_204] : memref<2x32x128xf32, #tpu.memory_space<vmem>> -> memref<1x32x128xf32, #tpu.memory_space<vmem>>
        %dma_start3A_206 = tpu.memref_squeeze %dma_start3A_205 : memref<1x32x128xf32, #tpu.memory_space<vmem>> -> memref<32x128xf32, #tpu.memory_space<vmem>>
        %dma_start3A_207 = arith.constant 0 : i32
        %dma_start3A_208 = tpu.memref_slice %arg9[%run_scoped3A_194, %dma_start3A_207] : memref<8x32xi32, #tpu.memory_space<vmem>> -> memref<1x32xi32, #tpu.memory_space<vmem>>
        %dma_start3A_209 = tpu.memref_squeeze %dma_start3A_208 : memref<1x32xi32, #tpu.memory_space<vmem>> -> memref<32xi32, #tpu.memory_space<vmem>>
        %dma_start3A_210 = arith.constant 0 : i32
        %dma_start3A_211 = arith.constant 0 : i32
        %dma_start3A_212 = tpu.memref_slice %arg7[%dma_start3A_210, %dma_start3A_211] : memref<10112x128xf32, #tpu.memory_space<vmem_shared>> -> memref<10112x128xf32, #tpu.memory_space<vmem_shared>>
        tpu.enqueue_indirect_dma source(%dma_start3A_206 : memref<32x128xf32, #tpu.memory_space<vmem>>) target(%dma_start3A_212 : memref<10112x128xf32, #tpu.memory_space<vmem_shared>>) offsets(%dma_start3A_209 : memref<32xi32, #tpu.memory_space<vmem>>) semaphore(%run_scoped3A_202 : memref<!tpu.dma_semaphore, #tpu.memory_space<semaphore_mem>>) {add = true}
        %dma_wait3A_213 = arith.constant 0 : i32
        %dma_wait3A_214 = arith.constant 0 : i32
        %dma_wait3A_215 = tpu.memref_slice %arg10[%run_scoped3A_193, %dma_wait3A_213, %dma_wait3A_214] : memref<2x32x128xf32, #tpu.memory_space<vmem>> -> memref<1x32x128xf32, #tpu.memory_space<vmem>>
        %dma_wait3A_216 = tpu.memref_squeeze %dma_wait3A_215 : memref<1x32x128xf32, #tpu.memory_space<vmem>> -> memref<32x128xf32, #tpu.memory_space<vmem>>
        %dma_wait3A_217 = arith.constant 0 : i32
        %dma_wait3A_218 = tpu.memref_slice %arg9[%run_scoped3A_194, %dma_wait3A_217] : memref<8x32xi32, #tpu.memory_space<vmem>> -> memref<1x32xi32, #tpu.memory_space<vmem>>
        %dma_wait3A_219 = tpu.memref_squeeze %dma_wait3A_218 : memref<1x32xi32, #tpu.memory_space<vmem>> -> memref<32xi32, #tpu.memory_space<vmem>>
        %dma_wait3A_220 = arith.constant 0 : i32
        %dma_wait3A_221 = arith.constant 0 : i32
        %dma_wait3A_222 = tpu.memref_slice %arg7[%dma_wait3A_220, %dma_wait3A_221] : memref<10112x128xf32, #tpu.memory_space<vmem_shared>> -> memref<10112x128xf32, #tpu.memory_space<vmem_shared>>
        tpu.wait_indirect_dma semaphore(%run_scoped3A_202 : memref<!tpu.dma_semaphore, #tpu.memory_space<semaphore_mem>>) src(%dma_wait3A_216 : memref<32x128xf32, #tpu.memory_space<vmem>>) dst(%dma_wait3A_222 : memref<10112x128xf32, #tpu.memory_space<vmem_shared>>)
        tpu.yield
      }) : () -> ()
      %add3A_195 = arith.constant 2 : i32
      %add3A_196 = arith.addi %add3A_180, %add3A_195 : i32
      %lt3A_197 = arith.constant 320 : i32
      %lt3A_198 = arith.cmpi slt, %add3A_196, %lt3A_197 : i32
      %convert_element_type3A_199 = arith.extui %lt3A_198 : i1 to i32
      %cond3A_200 = arith.constant 0 : i32
      %cond3A_201 = arith.cmpi ne, %convert_element_type3A_199, %cond3A_200 : i32
      scf.if %cond3A_201 {
        %add3A_202 = arith.constant 2 : i32
        %add3A_203 = arith.addi %add3A_180, %add3A_202 : i32
        %dma_start3A_204 = arith.constant 1 : i32
        %dma_start3A_205 = arith.constant 0 : i32
        %dma_start3A_206 = tpu.memref_slice %arg9[%dma_start3A_204, %dma_start3A_205] : memref<8x32xi32, #tpu.memory_space<vmem>> -> memref<1x32xi32, #tpu.memory_space<vmem>>
        %dma_start3A_207 = tpu.memref_squeeze %dma_start3A_206 : memref<1x32xi32, #tpu.memory_space<vmem>> -> memref<32xi32, #tpu.memory_space<vmem>>
        %dma_start3A_208 = arith.constant 0 : i32
        %dma_start3A_209 = tpu.memref_slice %arg3[%arg1, %add3A_203, %dma_start3A_208] : memref<16x320x32xi32, #tpu.memory_space<hbm>> -> memref<1x1x32xi32, #tpu.memory_space<hbm>>
        %dma_start3A_210 = tpu.memref_squeeze %dma_start3A_209 : memref<1x1x32xi32, #tpu.memory_space<hbm>> -> memref<32xi32, #tpu.memory_space<hbm>>
        %dma_start3A_211 = arith.constant 0 : i32
        %dma_start3A_212 = tpu.memref_slice %arg9[%dma_start3A_204, %dma_start3A_211] : memref<8x32xi32, #tpu.memory_space<vmem>> -> memref<1x32xi32, #tpu.memory_space<vmem>>
        %dma_start3A_213 = tpu.memref_squeeze %dma_start3A_212 : memref<1x32xi32, #tpu.memory_space<vmem>> -> memref<32xi32, #tpu.memory_space<vmem>>
        %dma_start3A_214 = arith.constant 0 : i32
        %dma_start3A_215 = tpu.memref_slice %arg3[%arg1, %add3A_203, %dma_start3A_214] : memref<16x320x32xi32, #tpu.memory_space<hbm>> -> memref<1x1x32xi32, #tpu.memory_space<hbm>>
        %dma_start3A_216 = tpu.memref_squeeze %dma_start3A_215 : memref<1x1x32xi32, #tpu.memory_space<hbm>> -> memref<32xi32, #tpu.memory_space<hbm>>
        tpu.enqueue_dma source(%dma_start3A_216 : memref<32xi32, #tpu.memory_space<hbm>>) target(%dma_start3A_213 : memref<32xi32, #tpu.memory_space<vmem>>) target_semaphore(%arg14 : memref<!tpu.dma_semaphore, #tpu.memory_space<semaphore_mem>>)
        %dma_start3A_217 = arith.constant 5 : i32
        %dma_start3A_218 = arith.constant 0 : i32
        %dma_start3A_219 = tpu.memref_slice %arg9[%dma_start3A_217, %dma_start3A_218] : memref<8x32xi32, #tpu.memory_space<vmem>> -> memref<1x32xi32, #tpu.memory_space<vmem>>
        %dma_start3A_220 = tpu.memref_squeeze %dma_start3A_219 : memref<1x32xi32, #tpu.memory_space<vmem>> -> memref<32xi32, #tpu.memory_space<vmem>>
        %dma_start3A_221 = arith.constant 0 : i32
        %dma_start3A_222 = tpu.memref_slice %arg4[%arg1, %add3A_203, %dma_start3A_221] : memref<16x320x32xi32, #tpu.memory_space<hbm>> -> memref<1x1x32xi32, #tpu.memory_space<hbm>>
        %dma_start3A_223 = tpu.memref_squeeze %dma_start3A_222 : memref<1x1x32xi32, #tpu.memory_space<hbm>> -> memref<32xi32, #tpu.memory_space<hbm>>
        %dma_start3A_224 = arith.constant 0 : i32
        %dma_start3A_225 = tpu.memref_slice %arg9[%dma_start3A_217, %dma_start3A_224] : memref<8x32xi32, #tpu.memory_space<vmem>> -> memref<1x32xi32, #tpu.memory_space<vmem>>
        %dma_start3A_226 = tpu.memref_squeeze %dma_start3A_225 : memref<1x32xi32, #tpu.memory_space<vmem>> -> memref<32xi32, #tpu.memory_space<vmem>>
        %dma_start3A_227 = arith.constant 0 : i32
        %dma_start3A_228 = tpu.memref_slice %arg4[%arg1, %add3A_203, %dma_start3A_227] : memref<16x320x32xi32, #tpu.memory_space<hbm>> -> memref<1x1x32xi32, #tpu.memory_space<hbm>>
        %dma_start3A_229 = tpu.memref_squeeze %dma_start3A_228 : memref<1x1x32xi32, #tpu.memory_space<hbm>> -> memref<32xi32, #tpu.memory_space<hbm>>
        tpu.enqueue_dma source(%dma_start3A_229 : memref<32xi32, #tpu.memory_space<hbm>>) target(%dma_start3A_226 : memref<32xi32, #tpu.memory_space<vmem>>) target_semaphore(%arg14 : memref<!tpu.dma_semaphore, #tpu.memory_space<semaphore_mem>>)
        %add3A_230 = arith.constant 2 : i32
        %add3A_231 = arith.addi %add3A_180, %add3A_230 : i32
        %dma_wait3A_232 = arith.constant 1 : i32
        %dma_wait3A_233 = arith.constant 0 : i32
        %dma_wait3A_234 = tpu.memref_slice %arg9[%dma_wait3A_232, %dma_wait3A_233] : memref<8x32xi32, #tpu.memory_space<vmem>> -> memref<1x32xi32, #tpu.memory_space<vmem>>
        %dma_wait3A_235 = tpu.memref_squeeze %dma_wait3A_234 : memref<1x32xi32, #tpu.memory_space<vmem>> -> memref<32xi32, #tpu.memory_space<vmem>>
        %dma_wait3A_236 = arith.constant 0 : i32
        %dma_wait3A_237 = tpu.memref_slice %arg3[%arg1, %add3A_231, %dma_wait3A_236] : memref<16x320x32xi32, #tpu.memory_space<hbm>> -> memref<1x1x32xi32, #tpu.memory_space<hbm>>
        %dma_wait3A_238 = tpu.memref_squeeze %dma_wait3A_237 : memref<1x1x32xi32, #tpu.memory_space<hbm>> -> memref<32xi32, #tpu.memory_space<hbm>>
        %dma_wait3A_239 = arith.constant 0 : i32
        %dma_wait3A_240 = tpu.memref_slice %arg9[%dma_wait3A_232, %dma_wait3A_239] : memref<8x32xi32, #tpu.memory_space<vmem>> -> memref<1x32xi32, #tpu.memory_space<vmem>>
        %dma_wait3A_241 = tpu.memref_squeeze %dma_wait3A_240 : memref<1x32xi32, #tpu.memory_space<vmem>> -> memref<32xi32, #tpu.memory_space<vmem>>
        %dma_wait3A_242 = arith.constant 0 : i32
        %dma_wait3A_243 = tpu.memref_slice %arg3[%arg1, %add3A_231, %dma_wait3A_242] : memref<16x320x32xi32, #tpu.memory_space<hbm>> -> memref<1x1x32xi32, #tpu.memory_space<hbm>>
        %dma_wait3A_244 = tpu.memref_squeeze %dma_wait3A_243 : memref<1x1x32xi32, #tpu.memory_space<hbm>> -> memref<32xi32, #tpu.memory_space<hbm>>
        tpu.wait_dma2 semaphore(%arg14 : memref<!tpu.dma_semaphore, #tpu.memory_space<semaphore_mem>>) src(%dma_wait3A_244 : memref<32xi32, #tpu.memory_space<hbm>>) dst(%dma_wait3A_241 : memref<32xi32, #tpu.memory_space<vmem>>)
        %dma_wait3A_245 = arith.constant 5 : i32
        %dma_wait3A_246 = arith.constant 0 : i32
        %dma_wait3A_247 = tpu.memref_slice %arg9[%dma_wait3A_245, %dma_wait3A_246] : memref<8x32xi32, #tpu.memory_space<vmem>> -> memref<1x32xi32, #tpu.memory_space<vmem>>
        %dma_wait3A_248 = tpu.memref_squeeze %dma_wait3A_247 : memref<1x32xi32, #tpu.memory_space<vmem>> -> memref<32xi32, #tpu.memory_space<vmem>>
        %dma_wait3A_249 = arith.constant 0 : i32
        %dma_wait3A_250 = tpu.memref_slice %arg4[%arg1, %add3A_231, %dma_wait3A_249] : memref<16x320x32xi32, #tpu.memory_space<hbm>> -> memref<1x1x32xi32, #tpu.memory_space<hbm>>
        %dma_wait3A_251 = tpu.memref_squeeze %dma_wait3A_250 : memref<1x1x32xi32, #tpu.memory_space<hbm>> -> memref<32xi32, #tpu.memory_space<hbm>>
        %dma_wait3A_252 = arith.constant 0 : i32
        %dma_wait3A_253 = tpu.memref_slice %arg9[%dma_wait3A_245, %dma_wait3A_252] : memref<8x32xi32, #tpu.memory_space<vmem>> -> memref<1x32xi32, #tpu.memory_space<vmem>>
        %dma_wait3A_254 = tpu.memref_squeeze %dma_wait3A_253 : memref<1x32xi32, #tpu.memory_space<vmem>> -> memref<32xi32, #tpu.memory_space<vmem>>
        %dma_wait3A_255 = arith.constant 0 : i32
        %dma_wait3A_256 = tpu.memref_slice %arg4[%arg1, %add3A_231, %dma_wait3A_255] : memref<16x320x32xi32, #tpu.memory_space<hbm>> -> memref<1x1x32xi32, #tpu.memory_space<hbm>>
        %dma_wait3A_257 = tpu.memref_squeeze %dma_wait3A_256 : memref<1x1x32xi32, #tpu.memory_space<hbm>> -> memref<32xi32, #tpu.memory_space<hbm>>
        tpu.wait_dma2 semaphore(%arg14 : memref<!tpu.dma_semaphore, #tpu.memory_space<semaphore_mem>>) src(%dma_wait3A_257 : memref<32xi32, #tpu.memory_space<hbm>>) dst(%dma_wait3A_254 : memref<32xi32, #tpu.memory_space<vmem>>)
        %dma_start3A_258 = arith.constant 1 : i32
        %dma_start3A_259 = arith.constant 1 : i32
        %dma_start3A_260 = arith.constant 0 : i32
        %dma_start3A_261 = arith.constant 0 : i32
        %dma_start3A_262 = tpu.memref_slice %arg10[%dma_start3A_259, %dma_start3A_260, %dma_start3A_261] : memref<2x32x128xf32, #tpu.memory_space<vmem>> -> memref<1x32x128xf32, #tpu.memory_space<vmem>>
        %dma_start3A_263 = tpu.memref_squeeze %dma_start3A_262 : memref<1x32x128xf32, #tpu.memory_space<vmem>> -> memref<32x128xf32, #tpu.memory_space<vmem>>
        %dma_start3A_264 = arith.constant 0 : i32
        %dma_start3A_265 = tpu.memref_slice %arg9[%dma_start3A_258, %dma_start3A_264] : memref<8x32xi32, #tpu.memory_space<vmem>> -> memref<1x32xi32, #tpu.memory_space<vmem>>
        %dma_start3A_266 = tpu.memref_squeeze %dma_start3A_265 : memref<1x32xi32, #tpu.memory_space<vmem>> -> memref<32xi32, #tpu.memory_space<vmem>>
        %dma_start3A_267 = arith.constant 0 : i32
        %dma_start3A_268 = arith.constant 0 : i32
        %dma_start3A_269 = tpu.memref_slice %arg8[%dma_start3A_267, %dma_start3A_268] : memref<5056x128xf32, #tpu.memory_space<vmem_shared>> -> memref<5056x128xf32, #tpu.memory_space<vmem_shared>>
        tpu.enqueue_indirect_dma source(%dma_start3A_269 : memref<5056x128xf32, #tpu.memory_space<vmem_shared>>) target(%dma_start3A_263 : memref<32x128xf32, #tpu.memory_space<vmem>>) offsets(%dma_start3A_266 : memref<32xi32, #tpu.memory_space<vmem>>) semaphore(%arg12 : memref<!tpu.dma_semaphore, #tpu.memory_space<semaphore_mem>>)
      } else {
      }
    }
    %scan3A_144 = arith.constant 160 : i32
    %barrier3A_145 = arith.constant 0 : index
    tpu.barrier barrier_id(%barrier3A_145)
    "tpu.trace_stop"() : () -> ()
    %mul3A_146 = arith.constant 632 : i32
    %mul3A_147 = arith.muli %arg1, %mul3A_146 : i32
    %mul3A_148 = arith.constant 10112 : i32
    %mul3A_149 = arith.muli %arg0, %mul3A_148 : i32
    %add3A = arith.addi %mul3A_149, %mul3A_147 : i32
    "tpu.region"() ({
      %run_scoped3A = tpu.sem_alloc : memref<!tpu.dma_semaphore, #tpu.memory_space<semaphore_mem>>
      %dma_start3A_150 = arith.constant 0 : i32
      %dma_start3A_151 = tpu.memref_slice %arg6[%add3A, %dma_start3A_150] : memref<20224x128xf32, #tpu.memory_space<hbm>> -> memref<632x128xf32, #tpu.memory_space<hbm>>
      %dma_start3A_152 = arith.constant 0 : i32
      %dma_start3A_153 = tpu.memref_slice %arg7[%mul3A_147, %dma_start3A_152] : memref<10112x128xf32, #tpu.memory_space<vmem_shared>> -> memref<632x128xf32, #tpu.memory_space<vmem_shared>>
      tpu.enqueue_dma source(%dma_start3A_153 : memref<632x128xf32, #tpu.memory_space<vmem_shared>>) target(%dma_start3A_151 : memref<632x128xf32, #tpu.memory_space<hbm>>) target_semaphore(%run_scoped3A : memref<!tpu.dma_semaphore, #tpu.memory_space<semaphore_mem>>)
      %dma_wait3A_154 = arith.constant 0 : i32
      %dma_wait3A_155 = tpu.memref_slice %arg6[%add3A, %dma_wait3A_154] : memref<20224x128xf32, #tpu.memory_space<hbm>> -> memref<632x128xf32, #tpu.memory_space<hbm>>
      %dma_wait3A_156 = arith.constant 0 : i32
      %dma_wait3A_157 = tpu.memref_slice %arg7[%mul3A_147, %dma_wait3A_156] : memref<10112x128xf32, #tpu.memory_space<vmem_shared>> -> memref<632x128xf32, #tpu.memory_space<vmem_shared>>
      tpu.wait_dma2 semaphore(%run_scoped3A : memref<!tpu.dma_semaphore, #tpu.memory_space<semaphore_mem>>) src(%dma_wait3A_157 : memref<632x128xf32, #tpu.memory_space<vmem_shared>>) dst(%dma_wait3A_155 : memref<632x128xf32, #tpu.memory_space<hbm>>)
      tpu.yield
    }) : () -> ()
    return
  }
}

#map = affine_map<(d0, d1) -> (0, 0)>
#map1 = affine_map<(d0, d1) -> (0, 0, 0)>
#map2 = affine_map<(d0, d1) -> (0)>
module attributes {stable_mosaic.version = 14 : i64} {
  func.func @_sca_body(%arg0: i32, %arg1: i32, %arg2: memref<20000x128xf32, #tpu.memory_space<hbm>>, %arg3: memref<32x80x128xi32, #tpu.memory_space<hbm>>, %arg4: memref<16x80x128xi32, #tpu.memory_space<hbm>>, %arg5: memref<5120xf32, #tpu.memory_space<hbm>>, %arg6: memref<632x128xf32, #tpu.memory_space<hbm>>, %arg7: memref<320xf32, #tpu.memory_space<hbm>>, %arg8: memref<128xf32, #tpu.memory_space<hbm>>, %arg9: memref<10240x128xf32, #tpu.memory_space<hbm>>, %arg10: memref<5120x128xf32, #tpu.memory_space<vmem_shared>>, %arg11: memref<5120xf32, #tpu.memory_space<vmem_shared>>, %arg12: memref<8x128xi32, #tpu.memory_space<vmem>>, %arg13: memref<4x128x128xf32, #tpu.memory_space<vmem>>, %arg14: memref<320xf32, #tpu.memory_space<vmem>>, %arg15: memref<16xf32, #tpu.memory_space<vmem>>, %arg16: memref<128xf32, #tpu.memory_space<vmem>>, %arg17: memref<!tpu.dma_semaphore, #tpu.memory_space<semaphore_mem>>, %arg18: memref<!tpu.dma_semaphore, #tpu.memory_space<semaphore_mem>>, %arg19: memref<!tpu.dma_semaphore, #tpu.memory_space<semaphore_mem>>, %arg20: memref<!tpu.dma_semaphore, #tpu.memory_space<semaphore_mem>>, %arg21: memref<!tpu.dma_semaphore, #tpu.memory_space<semaphore_mem>>, %arg22: memref<!tpu.dma_semaphore, #tpu.memory_space<semaphore_mem>>, %arg23: memref<!tpu.dma_semaphore, #tpu.memory_space<semaphore_mem>>, %arg24: memref<!tpu.dma_semaphore, #tpu.memory_space<semaphore_mem>>) attributes {dimension_semantics = [#tpu.dimension_semantics<core_parallel>, #tpu.dimension_semantics<subcore_parallel>], iteration_bounds = array<i64: 2, 16>, scalar_prefetch = 0 : i64, scratch_operands = 15 : i64, tpu.core_type = #tpu.core_type<sc_vector_subcore>, window_params = [{transform_indices = #map}, {transform_indices = #map1}, {transform_indices = #map1}, {transform_indices = #map2}, {transform_indices = #map}, {transform_indices = #map2}, {transform_indices = #map2}, {transform_indices = #map}]} {
    %mul3A = arith.constant 16 : i32
    %mul3A_0 = arith.muli %arg0, %mul3A : i32
    %add3A = arith.addi %mul3A_0, %arg1 : i32
    "tpu.region"() ({
      %run_scoped3A = tpu.sem_alloc : memref<!tpu.dma_semaphore, #tpu.memory_space<semaphore_mem>>
      tpu.enqueue_dma source(%arg8 : memref<128xf32, #tpu.memory_space<hbm>>) target(%arg16 : memref<128xf32, #tpu.memory_space<vmem>>) target_semaphore(%run_scoped3A : memref<!tpu.dma_semaphore, #tpu.memory_space<semaphore_mem>>)
      tpu.wait_dma2 semaphore(%run_scoped3A : memref<!tpu.dma_semaphore, #tpu.memory_space<semaphore_mem>>) src(%arg8 : memref<128xf32, #tpu.memory_space<hbm>>) dst(%arg16 : memref<128xf32, #tpu.memory_space<vmem>>)
      tpu.yield
    }) : () -> ()
    %mul3A_1 = arith.constant 320 : i32
    %mul3A_2 = arith.muli %arg1, %mul3A_1 : i32
    "tpu.region"() ({
      %run_scoped3A = tpu.sem_alloc : memref<!tpu.dma_semaphore, #tpu.memory_space<semaphore_mem>>
      %dma_start3A_291 = arith.constant 0 : i32
      %dma_start3A_292 = tpu.memref_slice %arg10[%mul3A_2, %dma_start3A_291] : memref<5120x128xf32, #tpu.memory_space<vmem_shared>> -> memref<320x128xf32, #tpu.memory_space<vmem_shared>>
      %dma_start3A_293 = arith.constant 0 : i32
      %dma_start3A_294 = arith.constant 0 : i32
      %dma_start3A_295 = tpu.memref_slice %arg6[%dma_start3A_293, %dma_start3A_294] : memref<632x128xf32, #tpu.memory_space<hbm>> -> memref<320x128xf32, #tpu.memory_space<hbm>>
      tpu.enqueue_dma source(%dma_start3A_295 : memref<320x128xf32, #tpu.memory_space<hbm>>) target(%dma_start3A_292 : memref<320x128xf32, #tpu.memory_space<vmem_shared>>) target_semaphore(%run_scoped3A : memref<!tpu.dma_semaphore, #tpu.memory_space<semaphore_mem>>)
      %dma_wait3A_296 = arith.constant 0 : i32
      %dma_wait3A_297 = tpu.memref_slice %arg10[%mul3A_2, %dma_wait3A_296] : memref<5120x128xf32, #tpu.memory_space<vmem_shared>> -> memref<320x128xf32, #tpu.memory_space<vmem_shared>>
      %dma_wait3A_298 = arith.constant 0 : i32
      %dma_wait3A_299 = arith.constant 0 : i32
      %dma_wait3A_300 = tpu.memref_slice %arg6[%dma_wait3A_298, %dma_wait3A_299] : memref<632x128xf32, #tpu.memory_space<hbm>> -> memref<320x128xf32, #tpu.memory_space<hbm>>
      tpu.wait_dma2 semaphore(%run_scoped3A : memref<!tpu.dma_semaphore, #tpu.memory_space<semaphore_mem>>) src(%dma_wait3A_300 : memref<320x128xf32, #tpu.memory_space<hbm>>) dst(%dma_wait3A_297 : memref<320x128xf32, #tpu.memory_space<vmem_shared>>)
      tpu.yield
    }) : () -> ()
    "tpu.region"() ({
      %run_scoped3A = tpu.sem_alloc : memref<!tpu.dma_semaphore, #tpu.memory_space<semaphore_mem>>
      tpu.enqueue_dma source(%arg7 : memref<320xf32, #tpu.memory_space<hbm>>) target(%arg14 : memref<320xf32, #tpu.memory_space<vmem>>) target_semaphore(%run_scoped3A : memref<!tpu.dma_semaphore, #tpu.memory_space<semaphore_mem>>)
      tpu.wait_dma2 semaphore(%run_scoped3A : memref<!tpu.dma_semaphore, #tpu.memory_space<semaphore_mem>>) src(%arg7 : memref<320xf32, #tpu.memory_space<hbm>>) dst(%arg14 : memref<320xf32, #tpu.memory_space<vmem>>)
      tpu.yield
    }) : () -> ()
    %mul3A_3 = arith.constant 320 : i32
    %mul3A_4 = arith.muli %arg1, %mul3A_3 : i32
    "tpu.region"() ({
      %run_scoped3A = tpu.sem_alloc : memref<!tpu.dma_semaphore, #tpu.memory_space<semaphore_mem>>
      %dma_start3A_291 = tpu.memref_slice %arg11[%mul3A_4] : memref<5120xf32, #tpu.memory_space<vmem_shared>> -> memref<320xf32, #tpu.memory_space<vmem_shared>>
      %dma_start3A_292 = tpu.memref_slice %arg11[%mul3A_4] : memref<5120xf32, #tpu.memory_space<vmem_shared>> -> memref<320xf32, #tpu.memory_space<vmem_shared>>
      tpu.enqueue_dma source(%arg14 : memref<320xf32, #tpu.memory_space<vmem>>) target(%dma_start3A_292 : memref<320xf32, #tpu.memory_space<vmem_shared>>) target_semaphore(%run_scoped3A : memref<!tpu.dma_semaphore, #tpu.memory_space<semaphore_mem>>)
      %dma_wait3A_293 = tpu.memref_slice %arg11[%mul3A_4] : memref<5120xf32, #tpu.memory_space<vmem_shared>> -> memref<320xf32, #tpu.memory_space<vmem_shared>>
      %dma_wait3A_294 = tpu.memref_slice %arg11[%mul3A_4] : memref<5120xf32, #tpu.memory_space<vmem_shared>> -> memref<320xf32, #tpu.memory_space<vmem_shared>>
      tpu.wait_dma2 semaphore(%run_scoped3A : memref<!tpu.dma_semaphore, #tpu.memory_space<semaphore_mem>>) src(%arg14 : memref<320xf32, #tpu.memory_space<vmem>>) dst(%dma_wait3A_294 : memref<320xf32, #tpu.memory_space<vmem_shared>>)
      tpu.yield
    }) : () -> ()
    %barrier3A = arith.constant 0 : index
    tpu.barrier barrier_id(%barrier3A)
    %dma_start3A = arith.constant 0 : i32
    %dma_start3A_5 = arith.constant 0 : i32
    "tpu.trace_start"() <{level = 10 : i32, message = "phase_a"}> : () -> ()
    %dma_start3A_6 = arith.constant 0 : i32
    %dma_start3A_7 = tpu.memref_slice %arg12[%dma_start3A_5, %dma_start3A_6] : memref<8x128xi32, #tpu.memory_space<vmem>> -> memref<1x128xi32, #tpu.memory_space<vmem>>
    %dma_start3A_8 = tpu.memref_squeeze %dma_start3A_7 : memref<1x128xi32, #tpu.memory_space<vmem>> -> memref<128xi32, #tpu.memory_space<vmem>>
    %dma_start3A_9 = arith.constant 0 : i32
    %dma_start3A_10 = tpu.memref_slice %arg3[%add3A, %dma_start3A, %dma_start3A_9] : memref<32x80x128xi32, #tpu.memory_space<hbm>> -> memref<1x1x128xi32, #tpu.memory_space<hbm>>
    %dma_start3A_11 = tpu.memref_squeeze %dma_start3A_10 : memref<1x1x128xi32, #tpu.memory_space<hbm>> -> memref<128xi32, #tpu.memory_space<hbm>>
    %dma_start3A_12 = arith.constant 0 : i32
    %dma_start3A_13 = tpu.memref_slice %arg12[%dma_start3A_5, %dma_start3A_12] : memref<8x128xi32, #tpu.memory_space<vmem>> -> memref<1x128xi32, #tpu.memory_space<vmem>>
    %dma_start3A_14 = tpu.memref_squeeze %dma_start3A_13 : memref<1x128xi32, #tpu.memory_space<vmem>> -> memref<128xi32, #tpu.memory_space<vmem>>
    %dma_start3A_15 = arith.constant 0 : i32
    %dma_start3A_16 = tpu.memref_slice %arg3[%add3A, %dma_start3A, %dma_start3A_15] : memref<32x80x128xi32, #tpu.memory_space<hbm>> -> memref<1x1x128xi32, #tpu.memory_space<hbm>>
    %dma_start3A_17 = tpu.memref_squeeze %dma_start3A_16 : memref<1x1x128xi32, #tpu.memory_space<hbm>> -> memref<128xi32, #tpu.memory_space<hbm>>
    tpu.enqueue_dma source(%dma_start3A_17 : memref<128xi32, #tpu.memory_space<hbm>>) target(%dma_start3A_14 : memref<128xi32, #tpu.memory_space<vmem>>) target_semaphore(%arg21 : memref<!tpu.dma_semaphore, #tpu.memory_space<semaphore_mem>>)
    %dma_start3A_18 = arith.constant 0 : i32
    %dma_start3A_19 = arith.constant 4 : i32
    %dma_start3A_20 = arith.constant 0 : i32
    %dma_start3A_21 = tpu.memref_slice %arg12[%dma_start3A_19, %dma_start3A_20] : memref<8x128xi32, #tpu.memory_space<vmem>> -> memref<1x128xi32, #tpu.memory_space<vmem>>
    %dma_start3A_22 = tpu.memref_squeeze %dma_start3A_21 : memref<1x128xi32, #tpu.memory_space<vmem>> -> memref<128xi32, #tpu.memory_space<vmem>>
    %dma_start3A_23 = arith.constant 0 : i32
    %dma_start3A_24 = tpu.memref_slice %arg4[%arg1, %dma_start3A_18, %dma_start3A_23] : memref<16x80x128xi32, #tpu.memory_space<hbm>> -> memref<1x1x128xi32, #tpu.memory_space<hbm>>
    %dma_start3A_25 = tpu.memref_squeeze %dma_start3A_24 : memref<1x1x128xi32, #tpu.memory_space<hbm>> -> memref<128xi32, #tpu.memory_space<hbm>>
    %dma_start3A_26 = arith.constant 0 : i32
    %dma_start3A_27 = tpu.memref_slice %arg12[%dma_start3A_19, %dma_start3A_26] : memref<8x128xi32, #tpu.memory_space<vmem>> -> memref<1x128xi32, #tpu.memory_space<vmem>>
    %dma_start3A_28 = tpu.memref_squeeze %dma_start3A_27 : memref<1x128xi32, #tpu.memory_space<vmem>> -> memref<128xi32, #tpu.memory_space<vmem>>
    %dma_start3A_29 = arith.constant 0 : i32
    %dma_start3A_30 = tpu.memref_slice %arg4[%arg1, %dma_start3A_18, %dma_start3A_29] : memref<16x80x128xi32, #tpu.memory_space<hbm>> -> memref<1x1x128xi32, #tpu.memory_space<hbm>>
    %dma_start3A_31 = tpu.memref_squeeze %dma_start3A_30 : memref<1x1x128xi32, #tpu.memory_space<hbm>> -> memref<128xi32, #tpu.memory_space<hbm>>
    tpu.enqueue_dma source(%dma_start3A_31 : memref<128xi32, #tpu.memory_space<hbm>>) target(%dma_start3A_28 : memref<128xi32, #tpu.memory_space<vmem>>) target_semaphore(%arg21 : memref<!tpu.dma_semaphore, #tpu.memory_space<semaphore_mem>>)
    %dma_start3A_32 = arith.constant 1 : i32
    %dma_start3A_33 = arith.constant 1 : i32
    %dma_start3A_34 = arith.constant 0 : i32
    %dma_start3A_35 = tpu.memref_slice %arg12[%dma_start3A_33, %dma_start3A_34] : memref<8x128xi32, #tpu.memory_space<vmem>> -> memref<1x128xi32, #tpu.memory_space<vmem>>
    %dma_start3A_36 = tpu.memref_squeeze %dma_start3A_35 : memref<1x128xi32, #tpu.memory_space<vmem>> -> memref<128xi32, #tpu.memory_space<vmem>>
    %dma_start3A_37 = arith.constant 0 : i32
    %dma_start3A_38 = tpu.memref_slice %arg3[%add3A, %dma_start3A_32, %dma_start3A_37] : memref<32x80x128xi32, #tpu.memory_space<hbm>> -> memref<1x1x128xi32, #tpu.memory_space<hbm>>
    %dma_start3A_39 = tpu.memref_squeeze %dma_start3A_38 : memref<1x1x128xi32, #tpu.memory_space<hbm>> -> memref<128xi32, #tpu.memory_space<hbm>>
    %dma_start3A_40 = arith.constant 0 : i32
    %dma_start3A_41 = tpu.memref_slice %arg12[%dma_start3A_33, %dma_start3A_40] : memref<8x128xi32, #tpu.memory_space<vmem>> -> memref<1x128xi32, #tpu.memory_space<vmem>>
    %dma_start3A_42 = tpu.memref_squeeze %dma_start3A_41 : memref<1x128xi32, #tpu.memory_space<vmem>> -> memref<128xi32, #tpu.memory_space<vmem>>
    %dma_start3A_43 = arith.constant 0 : i32
    %dma_start3A_44 = tpu.memref_slice %arg3[%add3A, %dma_start3A_32, %dma_start3A_43] : memref<32x80x128xi32, #tpu.memory_space<hbm>> -> memref<1x1x128xi32, #tpu.memory_space<hbm>>
    %dma_start3A_45 = tpu.memref_squeeze %dma_start3A_44 : memref<1x1x128xi32, #tpu.memory_space<hbm>> -> memref<128xi32, #tpu.memory_space<hbm>>
    tpu.enqueue_dma source(%dma_start3A_45 : memref<128xi32, #tpu.memory_space<hbm>>) target(%dma_start3A_42 : memref<128xi32, #tpu.memory_space<vmem>>) target_semaphore(%arg22 : memref<!tpu.dma_semaphore, #tpu.memory_space<semaphore_mem>>)
    %dma_start3A_46 = arith.constant 1 : i32
    %dma_start3A_47 = arith.constant 5 : i32
    %dma_start3A_48 = arith.constant 0 : i32
    %dma_start3A_49 = tpu.memref_slice %arg12[%dma_start3A_47, %dma_start3A_48] : memref<8x128xi32, #tpu.memory_space<vmem>> -> memref<1x128xi32, #tpu.memory_space<vmem>>
    %dma_start3A_50 = tpu.memref_squeeze %dma_start3A_49 : memref<1x128xi32, #tpu.memory_space<vmem>> -> memref<128xi32, #tpu.memory_space<vmem>>
    %dma_start3A_51 = arith.constant 0 : i32
    %dma_start3A_52 = tpu.memref_slice %arg4[%arg1, %dma_start3A_46, %dma_start3A_51] : memref<16x80x128xi32, #tpu.memory_space<hbm>> -> memref<1x1x128xi32, #tpu.memory_space<hbm>>
    %dma_start3A_53 = tpu.memref_squeeze %dma_start3A_52 : memref<1x1x128xi32, #tpu.memory_space<hbm>> -> memref<128xi32, #tpu.memory_space<hbm>>
    %dma_start3A_54 = arith.constant 0 : i32
    %dma_start3A_55 = tpu.memref_slice %arg12[%dma_start3A_47, %dma_start3A_54] : memref<8x128xi32, #tpu.memory_space<vmem>> -> memref<1x128xi32, #tpu.memory_space<vmem>>
    %dma_start3A_56 = tpu.memref_squeeze %dma_start3A_55 : memref<1x128xi32, #tpu.memory_space<vmem>> -> memref<128xi32, #tpu.memory_space<vmem>>
    %dma_start3A_57 = arith.constant 0 : i32
    %dma_start3A_58 = tpu.memref_slice %arg4[%arg1, %dma_start3A_46, %dma_start3A_57] : memref<16x80x128xi32, #tpu.memory_space<hbm>> -> memref<1x1x128xi32, #tpu.memory_space<hbm>>
    %dma_start3A_59 = tpu.memref_squeeze %dma_start3A_58 : memref<1x1x128xi32, #tpu.memory_space<hbm>> -> memref<128xi32, #tpu.memory_space<hbm>>
    tpu.enqueue_dma source(%dma_start3A_59 : memref<128xi32, #tpu.memory_space<hbm>>) target(%dma_start3A_56 : memref<128xi32, #tpu.memory_space<vmem>>) target_semaphore(%arg22 : memref<!tpu.dma_semaphore, #tpu.memory_space<semaphore_mem>>)
    %dma_start3A_60 = arith.constant 2 : i32
    %dma_start3A_61 = arith.constant 2 : i32
    %dma_start3A_62 = arith.constant 0 : i32
    %dma_start3A_63 = tpu.memref_slice %arg12[%dma_start3A_61, %dma_start3A_62] : memref<8x128xi32, #tpu.memory_space<vmem>> -> memref<1x128xi32, #tpu.memory_space<vmem>>
    %dma_start3A_64 = tpu.memref_squeeze %dma_start3A_63 : memref<1x128xi32, #tpu.memory_space<vmem>> -> memref<128xi32, #tpu.memory_space<vmem>>
    %dma_start3A_65 = arith.constant 0 : i32
    %dma_start3A_66 = tpu.memref_slice %arg3[%add3A, %dma_start3A_60, %dma_start3A_65] : memref<32x80x128xi32, #tpu.memory_space<hbm>> -> memref<1x1x128xi32, #tpu.memory_space<hbm>>
    %dma_start3A_67 = tpu.memref_squeeze %dma_start3A_66 : memref<1x1x128xi32, #tpu.memory_space<hbm>> -> memref<128xi32, #tpu.memory_space<hbm>>
    %dma_start3A_68 = arith.constant 0 : i32
    %dma_start3A_69 = tpu.memref_slice %arg12[%dma_start3A_61, %dma_start3A_68] : memref<8x128xi32, #tpu.memory_space<vmem>> -> memref<1x128xi32, #tpu.memory_space<vmem>>
    %dma_start3A_70 = tpu.memref_squeeze %dma_start3A_69 : memref<1x128xi32, #tpu.memory_space<vmem>> -> memref<128xi32, #tpu.memory_space<vmem>>
    %dma_start3A_71 = arith.constant 0 : i32
    %dma_start3A_72 = tpu.memref_slice %arg3[%add3A, %dma_start3A_60, %dma_start3A_71] : memref<32x80x128xi32, #tpu.memory_space<hbm>> -> memref<1x1x128xi32, #tpu.memory_space<hbm>>
    %dma_start3A_73 = tpu.memref_squeeze %dma_start3A_72 : memref<1x1x128xi32, #tpu.memory_space<hbm>> -> memref<128xi32, #tpu.memory_space<hbm>>
    tpu.enqueue_dma source(%dma_start3A_73 : memref<128xi32, #tpu.memory_space<hbm>>) target(%dma_start3A_70 : memref<128xi32, #tpu.memory_space<vmem>>) target_semaphore(%arg23 : memref<!tpu.dma_semaphore, #tpu.memory_space<semaphore_mem>>)
    %dma_start3A_74 = arith.constant 2 : i32
    %dma_start3A_75 = arith.constant 6 : i32
    %dma_start3A_76 = arith.constant 0 : i32
    %dma_start3A_77 = tpu.memref_slice %arg12[%dma_start3A_75, %dma_start3A_76] : memref<8x128xi32, #tpu.memory_space<vmem>> -> memref<1x128xi32, #tpu.memory_space<vmem>>
    %dma_start3A_78 = tpu.memref_squeeze %dma_start3A_77 : memref<1x128xi32, #tpu.memory_space<vmem>> -> memref<128xi32, #tpu.memory_space<vmem>>
    %dma_start3A_79 = arith.constant 0 : i32
    %dma_start3A_80 = tpu.memref_slice %arg4[%arg1, %dma_start3A_74, %dma_start3A_79] : memref<16x80x128xi32, #tpu.memory_space<hbm>> -> memref<1x1x128xi32, #tpu.memory_space<hbm>>
    %dma_start3A_81 = tpu.memref_squeeze %dma_start3A_80 : memref<1x1x128xi32, #tpu.memory_space<hbm>> -> memref<128xi32, #tpu.memory_space<hbm>>
    %dma_start3A_82 = arith.constant 0 : i32
    %dma_start3A_83 = tpu.memref_slice %arg12[%dma_start3A_75, %dma_start3A_82] : memref<8x128xi32, #tpu.memory_space<vmem>> -> memref<1x128xi32, #tpu.memory_space<vmem>>
    %dma_start3A_84 = tpu.memref_squeeze %dma_start3A_83 : memref<1x128xi32, #tpu.memory_space<vmem>> -> memref<128xi32, #tpu.memory_space<vmem>>
    %dma_start3A_85 = arith.constant 0 : i32
    %dma_start3A_86 = tpu.memref_slice %arg4[%arg1, %dma_start3A_74, %dma_start3A_85] : memref<16x80x128xi32, #tpu.memory_space<hbm>> -> memref<1x1x128xi32, #tpu.memory_space<hbm>>
    %dma_start3A_87 = tpu.memref_squeeze %dma_start3A_86 : memref<1x1x128xi32, #tpu.memory_space<hbm>> -> memref<128xi32, #tpu.memory_space<hbm>>
    tpu.enqueue_dma source(%dma_start3A_87 : memref<128xi32, #tpu.memory_space<hbm>>) target(%dma_start3A_84 : memref<128xi32, #tpu.memory_space<vmem>>) target_semaphore(%arg23 : memref<!tpu.dma_semaphore, #tpu.memory_space<semaphore_mem>>)
    %dma_start3A_88 = arith.constant 3 : i32
    %dma_start3A_89 = arith.constant 3 : i32
    %dma_start3A_90 = arith.constant 0 : i32
    %dma_start3A_91 = tpu.memref_slice %arg12[%dma_start3A_89, %dma_start3A_90] : memref<8x128xi32, #tpu.memory_space<vmem>> -> memref<1x128xi32, #tpu.memory_space<vmem>>
    %dma_start3A_92 = tpu.memref_squeeze %dma_start3A_91 : memref<1x128xi32, #tpu.memory_space<vmem>> -> memref<128xi32, #tpu.memory_space<vmem>>
    %dma_start3A_93 = arith.constant 0 : i32
    %dma_start3A_94 = tpu.memref_slice %arg3[%add3A, %dma_start3A_88, %dma_start3A_93] : memref<32x80x128xi32, #tpu.memory_space<hbm>> -> memref<1x1x128xi32, #tpu.memory_space<hbm>>
    %dma_start3A_95 = tpu.memref_squeeze %dma_start3A_94 : memref<1x1x128xi32, #tpu.memory_space<hbm>> -> memref<128xi32, #tpu.memory_space<hbm>>
    %dma_start3A_96 = arith.constant 0 : i32
    %dma_start3A_97 = tpu.memref_slice %arg12[%dma_start3A_89, %dma_start3A_96] : memref<8x128xi32, #tpu.memory_space<vmem>> -> memref<1x128xi32, #tpu.memory_space<vmem>>
    %dma_start3A_98 = tpu.memref_squeeze %dma_start3A_97 : memref<1x128xi32, #tpu.memory_space<vmem>> -> memref<128xi32, #tpu.memory_space<vmem>>
    %dma_start3A_99 = arith.constant 0 : i32
    %dma_start3A_100 = tpu.memref_slice %arg3[%add3A, %dma_start3A_88, %dma_start3A_99] : memref<32x80x128xi32, #tpu.memory_space<hbm>> -> memref<1x1x128xi32, #tpu.memory_space<hbm>>
    %dma_start3A_101 = tpu.memref_squeeze %dma_start3A_100 : memref<1x1x128xi32, #tpu.memory_space<hbm>> -> memref<128xi32, #tpu.memory_space<hbm>>
    tpu.enqueue_dma source(%dma_start3A_101 : memref<128xi32, #tpu.memory_space<hbm>>) target(%dma_start3A_98 : memref<128xi32, #tpu.memory_space<vmem>>) target_semaphore(%arg24 : memref<!tpu.dma_semaphore, #tpu.memory_space<semaphore_mem>>)
    %dma_start3A_102 = arith.constant 3 : i32
    %dma_start3A_103 = arith.constant 7 : i32
    %dma_start3A_104 = arith.constant 0 : i32
    %dma_start3A_105 = tpu.memref_slice %arg12[%dma_start3A_103, %dma_start3A_104] : memref<8x128xi32, #tpu.memory_space<vmem>> -> memref<1x128xi32, #tpu.memory_space<vmem>>
    %dma_start3A_106 = tpu.memref_squeeze %dma_start3A_105 : memref<1x128xi32, #tpu.memory_space<vmem>> -> memref<128xi32, #tpu.memory_space<vmem>>
    %dma_start3A_107 = arith.constant 0 : i32
    %dma_start3A_108 = tpu.memref_slice %arg4[%arg1, %dma_start3A_102, %dma_start3A_107] : memref<16x80x128xi32, #tpu.memory_space<hbm>> -> memref<1x1x128xi32, #tpu.memory_space<hbm>>
    %dma_start3A_109 = tpu.memref_squeeze %dma_start3A_108 : memref<1x1x128xi32, #tpu.memory_space<hbm>> -> memref<128xi32, #tpu.memory_space<hbm>>
    %dma_start3A_110 = arith.constant 0 : i32
    %dma_start3A_111 = tpu.memref_slice %arg12[%dma_start3A_103, %dma_start3A_110] : memref<8x128xi32, #tpu.memory_space<vmem>> -> memref<1x128xi32, #tpu.memory_space<vmem>>
    %dma_start3A_112 = tpu.memref_squeeze %dma_start3A_111 : memref<1x128xi32, #tpu.memory_space<vmem>> -> memref<128xi32, #tpu.memory_space<vmem>>
    %dma_start3A_113 = arith.constant 0 : i32
    %dma_start3A_114 = tpu.memref_slice %arg4[%arg1, %dma_start3A_102, %dma_start3A_113] : memref<16x80x128xi32, #tpu.memory_space<hbm>> -> memref<1x1x128xi32, #tpu.memory_space<hbm>>
    %dma_start3A_115 = tpu.memref_squeeze %dma_start3A_114 : memref<1x1x128xi32, #tpu.memory_space<hbm>> -> memref<128xi32, #tpu.memory_space<hbm>>
    tpu.enqueue_dma source(%dma_start3A_115 : memref<128xi32, #tpu.memory_space<hbm>>) target(%dma_start3A_112 : memref<128xi32, #tpu.memory_space<vmem>>) target_semaphore(%arg24 : memref<!tpu.dma_semaphore, #tpu.memory_space<semaphore_mem>>)
    %dma_wait3A = arith.constant 0 : i32
    %dma_wait3A_116 = arith.constant 0 : i32
    %dma_wait3A_117 = arith.constant 0 : i32
    %dma_wait3A_118 = tpu.memref_slice %arg12[%dma_wait3A_116, %dma_wait3A_117] : memref<8x128xi32, #tpu.memory_space<vmem>> -> memref<1x128xi32, #tpu.memory_space<vmem>>
    %dma_wait3A_119 = tpu.memref_squeeze %dma_wait3A_118 : memref<1x128xi32, #tpu.memory_space<vmem>> -> memref<128xi32, #tpu.memory_space<vmem>>
    %dma_wait3A_120 = arith.constant 0 : i32
    %dma_wait3A_121 = tpu.memref_slice %arg3[%add3A, %dma_wait3A, %dma_wait3A_120] : memref<32x80x128xi32, #tpu.memory_space<hbm>> -> memref<1x1x128xi32, #tpu.memory_space<hbm>>
    %dma_wait3A_122 = tpu.memref_squeeze %dma_wait3A_121 : memref<1x1x128xi32, #tpu.memory_space<hbm>> -> memref<128xi32, #tpu.memory_space<hbm>>
    %dma_wait3A_123 = arith.constant 0 : i32
    %dma_wait3A_124 = tpu.memref_slice %arg12[%dma_wait3A_116, %dma_wait3A_123] : memref<8x128xi32, #tpu.memory_space<vmem>> -> memref<1x128xi32, #tpu.memory_space<vmem>>
    %dma_wait3A_125 = tpu.memref_squeeze %dma_wait3A_124 : memref<1x128xi32, #tpu.memory_space<vmem>> -> memref<128xi32, #tpu.memory_space<vmem>>
    %dma_wait3A_126 = arith.constant 0 : i32
    %dma_wait3A_127 = tpu.memref_slice %arg3[%add3A, %dma_wait3A, %dma_wait3A_126] : memref<32x80x128xi32, #tpu.memory_space<hbm>> -> memref<1x1x128xi32, #tpu.memory_space<hbm>>
    %dma_wait3A_128 = tpu.memref_squeeze %dma_wait3A_127 : memref<1x1x128xi32, #tpu.memory_space<hbm>> -> memref<128xi32, #tpu.memory_space<hbm>>
    tpu.wait_dma2 semaphore(%arg21 : memref<!tpu.dma_semaphore, #tpu.memory_space<semaphore_mem>>) src(%dma_wait3A_128 : memref<128xi32, #tpu.memory_space<hbm>>) dst(%dma_wait3A_125 : memref<128xi32, #tpu.memory_space<vmem>>)
    %dma_wait3A_129 = arith.constant 0 : i32
    %dma_wait3A_130 = arith.constant 4 : i32
    %dma_wait3A_131 = arith.constant 0 : i32
    %dma_wait3A_132 = tpu.memref_slice %arg12[%dma_wait3A_130, %dma_wait3A_131] : memref<8x128xi32, #tpu.memory_space<vmem>> -> memref<1x128xi32, #tpu.memory_space<vmem>>
    %dma_wait3A_133 = tpu.memref_squeeze %dma_wait3A_132 : memref<1x128xi32, #tpu.memory_space<vmem>> -> memref<128xi32, #tpu.memory_space<vmem>>
    %dma_wait3A_134 = arith.constant 0 : i32
    %dma_wait3A_135 = tpu.memref_slice %arg4[%arg1, %dma_wait3A_129, %dma_wait3A_134] : memref<16x80x128xi32, #tpu.memory_space<hbm>> -> memref<1x1x128xi32, #tpu.memory_space<hbm>>
    %dma_wait3A_136 = tpu.memref_squeeze %dma_wait3A_135 : memref<1x1x128xi32, #tpu.memory_space<hbm>> -> memref<128xi32, #tpu.memory_space<hbm>>
    %dma_wait3A_137 = arith.constant 0 : i32
    %dma_wait3A_138 = tpu.memref_slice %arg12[%dma_wait3A_130, %dma_wait3A_137] : memref<8x128xi32, #tpu.memory_space<vmem>> -> memref<1x128xi32, #tpu.memory_space<vmem>>
    %dma_wait3A_139 = tpu.memref_squeeze %dma_wait3A_138 : memref<1x128xi32, #tpu.memory_space<vmem>> -> memref<128xi32, #tpu.memory_space<vmem>>
    %dma_wait3A_140 = arith.constant 0 : i32
    %dma_wait3A_141 = tpu.memref_slice %arg4[%arg1, %dma_wait3A_129, %dma_wait3A_140] : memref<16x80x128xi32, #tpu.memory_space<hbm>> -> memref<1x1x128xi32, #tpu.memory_space<hbm>>
    %dma_wait3A_142 = tpu.memref_squeeze %dma_wait3A_141 : memref<1x1x128xi32, #tpu.memory_space<hbm>> -> memref<128xi32, #tpu.memory_space<hbm>>
    tpu.wait_dma2 semaphore(%arg21 : memref<!tpu.dma_semaphore, #tpu.memory_space<semaphore_mem>>) src(%dma_wait3A_142 : memref<128xi32, #tpu.memory_space<hbm>>) dst(%dma_wait3A_139 : memref<128xi32, #tpu.memory_space<vmem>>)
    %dma_start3A_143 = arith.constant 0 : i32
    %dma_start3A_144 = arith.constant 0 : i32
    %dma_start3A_145 = arith.constant 0 : i32
    %dma_start3A_146 = arith.constant 0 : i32
    %dma_start3A_147 = tpu.memref_slice %arg13[%dma_start3A_144, %dma_start3A_145, %dma_start3A_146] : memref<4x128x128xf32, #tpu.memory_space<vmem>> -> memref<1x128x128xf32, #tpu.memory_space<vmem>>
    %dma_start3A_148 = tpu.memref_squeeze %dma_start3A_147 : memref<1x128x128xf32, #tpu.memory_space<vmem>> -> memref<128x128xf32, #tpu.memory_space<vmem>>
    %dma_start3A_149 = arith.constant 0 : i32
    %dma_start3A_150 = tpu.memref_slice %arg12[%dma_start3A_143, %dma_start3A_149] : memref<8x128xi32, #tpu.memory_space<vmem>> -> memref<1x128xi32, #tpu.memory_space<vmem>>
    %dma_start3A_151 = tpu.memref_squeeze %dma_start3A_150 : memref<1x128xi32, #tpu.memory_space<vmem>> -> memref<128xi32, #tpu.memory_space<vmem>>
    %dma_start3A_152 = arith.constant 0 : i32
    %dma_start3A_153 = arith.constant 0 : i32
    %dma_start3A_154 = tpu.memref_slice %arg2[%dma_start3A_152, %dma_start3A_153] : memref<20000x128xf32, #tpu.memory_space<hbm>> -> memref<20000x128xf32, #tpu.memory_space<hbm>>
    tpu.enqueue_indirect_dma source(%dma_start3A_154 : memref<20000x128xf32, #tpu.memory_space<hbm>>) target(%dma_start3A_148 : memref<128x128xf32, #tpu.memory_space<vmem>>) offsets(%dma_start3A_151 : memref<128xi32, #tpu.memory_space<vmem>>) semaphore(%arg17 : memref<!tpu.dma_semaphore, #tpu.memory_space<semaphore_mem>>)
    %dma_wait3A_155 = arith.constant 1 : i32
    %dma_wait3A_156 = arith.constant 1 : i32
    %dma_wait3A_157 = arith.constant 0 : i32
    %dma_wait3A_158 = tpu.memref_slice %arg12[%dma_wait3A_156, %dma_wait3A_157] : memref<8x128xi32, #tpu.memory_space<vmem>> -> memref<1x128xi32, #tpu.memory_space<vmem>>
    %dma_wait3A_159 = tpu.memref_squeeze %dma_wait3A_158 : memref<1x128xi32, #tpu.memory_space<vmem>> -> memref<128xi32, #tpu.memory_space<vmem>>
    %dma_wait3A_160 = arith.constant 0 : i32
    %dma_wait3A_161 = tpu.memref_slice %arg3[%add3A, %dma_wait3A_155, %dma_wait3A_160] : memref<32x80x128xi32, #tpu.memory_space<hbm>> -> memref<1x1x128xi32, #tpu.memory_space<hbm>>
    %dma_wait3A_162 = tpu.memref_squeeze %dma_wait3A_161 : memref<1x1x128xi32, #tpu.memory_space<hbm>> -> memref<128xi32, #tpu.memory_space<hbm>>
    %dma_wait3A_163 = arith.constant 0 : i32
    %dma_wait3A_164 = tpu.memref_slice %arg12[%dma_wait3A_156, %dma_wait3A_163] : memref<8x128xi32, #tpu.memory_space<vmem>> -> memref<1x128xi32, #tpu.memory_space<vmem>>
    %dma_wait3A_165 = tpu.memref_squeeze %dma_wait3A_164 : memref<1x128xi32, #tpu.memory_space<vmem>> -> memref<128xi32, #tpu.memory_space<vmem>>
    %dma_wait3A_166 = arith.constant 0 : i32
    %dma_wait3A_167 = tpu.memref_slice %arg3[%add3A, %dma_wait3A_155, %dma_wait3A_166] : memref<32x80x128xi32, #tpu.memory_space<hbm>> -> memref<1x1x128xi32, #tpu.memory_space<hbm>>
    %dma_wait3A_168 = tpu.memref_squeeze %dma_wait3A_167 : memref<1x1x128xi32, #tpu.memory_space<hbm>> -> memref<128xi32, #tpu.memory_space<hbm>>
    tpu.wait_dma2 semaphore(%arg22 : memref<!tpu.dma_semaphore, #tpu.memory_space<semaphore_mem>>) src(%dma_wait3A_168 : memref<128xi32, #tpu.memory_space<hbm>>) dst(%dma_wait3A_165 : memref<128xi32, #tpu.memory_space<vmem>>)
    %dma_wait3A_169 = arith.constant 1 : i32
    %dma_wait3A_170 = arith.constant 5 : i32
    %dma_wait3A_171 = arith.constant 0 : i32
    %dma_wait3A_172 = tpu.memref_slice %arg12[%dma_wait3A_170, %dma_wait3A_171] : memref<8x128xi32, #tpu.memory_space<vmem>> -> memref<1x128xi32, #tpu.memory_space<vmem>>
    %dma_wait3A_173 = tpu.memref_squeeze %dma_wait3A_172 : memref<1x128xi32, #tpu.memory_space<vmem>> -> memref<128xi32, #tpu.memory_space<vmem>>
    %dma_wait3A_174 = arith.constant 0 : i32
    %dma_wait3A_175 = tpu.memref_slice %arg4[%arg1, %dma_wait3A_169, %dma_wait3A_174] : memref<16x80x128xi32, #tpu.memory_space<hbm>> -> memref<1x1x128xi32, #tpu.memory_space<hbm>>
    %dma_wait3A_176 = tpu.memref_squeeze %dma_wait3A_175 : memref<1x1x128xi32, #tpu.memory_space<hbm>> -> memref<128xi32, #tpu.memory_space<hbm>>
    %dma_wait3A_177 = arith.constant 0 : i32
    %dma_wait3A_178 = tpu.memref_slice %arg12[%dma_wait3A_170, %dma_wait3A_177] : memref<8x128xi32, #tpu.memory_space<vmem>> -> memref<1x128xi32, #tpu.memory_space<vmem>>
    %dma_wait3A_179 = tpu.memref_squeeze %dma_wait3A_178 : memref<1x128xi32, #tpu.memory_space<vmem>> -> memref<128xi32, #tpu.memory_space<vmem>>
    %dma_wait3A_180 = arith.constant 0 : i32
    %dma_wait3A_181 = tpu.memref_slice %arg4[%arg1, %dma_wait3A_169, %dma_wait3A_180] : memref<16x80x128xi32, #tpu.memory_space<hbm>> -> memref<1x1x128xi32, #tpu.memory_space<hbm>>
    %dma_wait3A_182 = tpu.memref_squeeze %dma_wait3A_181 : memref<1x1x128xi32, #tpu.memory_space<hbm>> -> memref<128xi32, #tpu.memory_space<hbm>>
    tpu.wait_dma2 semaphore(%arg22 : memref<!tpu.dma_semaphore, #tpu.memory_space<semaphore_mem>>) src(%dma_wait3A_182 : memref<128xi32, #tpu.memory_space<hbm>>) dst(%dma_wait3A_179 : memref<128xi32, #tpu.memory_space<vmem>>)
    %dma_start3A_183 = arith.constant 1 : i32
    %dma_start3A_184 = arith.constant 1 : i32
    %dma_start3A_185 = arith.constant 0 : i32
    %dma_start3A_186 = arith.constant 0 : i32
    %dma_start3A_187 = tpu.memref_slice %arg13[%dma_start3A_184, %dma_start3A_185, %dma_start3A_186] : memref<4x128x128xf32, #tpu.memory_space<vmem>> -> memref<1x128x128xf32, #tpu.memory_space<vmem>>
    %dma_start3A_188 = tpu.memref_squeeze %dma_start3A_187 : memref<1x128x128xf32, #tpu.memory_space<vmem>> -> memref<128x128xf32, #tpu.memory_space<vmem>>
    %dma_start3A_189 = arith.constant 0 : i32
    %dma_start3A_190 = tpu.memref_slice %arg12[%dma_start3A_183, %dma_start3A_189] : memref<8x128xi32, #tpu.memory_space<vmem>> -> memref<1x128xi32, #tpu.memory_space<vmem>>
    %dma_start3A_191 = tpu.memref_squeeze %dma_start3A_190 : memref<1x128xi32, #tpu.memory_space<vmem>> -> memref<128xi32, #tpu.memory_space<vmem>>
    %dma_start3A_192 = arith.constant 0 : i32
    %dma_start3A_193 = arith.constant 0 : i32
    %dma_start3A_194 = tpu.memref_slice %arg2[%dma_start3A_192, %dma_start3A_193] : memref<20000x128xf32, #tpu.memory_space<hbm>> -> memref<20000x128xf32, #tpu.memory_space<hbm>>
    tpu.enqueue_indirect_dma source(%dma_start3A_194 : memref<20000x128xf32, #tpu.memory_space<hbm>>) target(%dma_start3A_188 : memref<128x128xf32, #tpu.memory_space<vmem>>) offsets(%dma_start3A_191 : memref<128xi32, #tpu.memory_space<vmem>>) semaphore(%arg18 : memref<!tpu.dma_semaphore, #tpu.memory_space<semaphore_mem>>)
    %dma_wait3A_195 = arith.constant 2 : i32
    %dma_wait3A_196 = arith.constant 2 : i32
    %dma_wait3A_197 = arith.constant 0 : i32
    %dma_wait3A_198 = tpu.memref_slice %arg12[%dma_wait3A_196, %dma_wait3A_197] : memref<8x128xi32, #tpu.memory_space<vmem>> -> memref<1x128xi32, #tpu.memory_space<vmem>>
    %dma_wait3A_199 = tpu.memref_squeeze %dma_wait3A_198 : memref<1x128xi32, #tpu.memory_space<vmem>> -> memref<128xi32, #tpu.memory_space<vmem>>
    %dma_wait3A_200 = arith.constant 0 : i32
    %dma_wait3A_201 = tpu.memref_slice %arg3[%add3A, %dma_wait3A_195, %dma_wait3A_200] : memref<32x80x128xi32, #tpu.memory_space<hbm>> -> memref<1x1x128xi32, #tpu.memory_space<hbm>>
    %dma_wait3A_202 = tpu.memref_squeeze %dma_wait3A_201 : memref<1x1x128xi32, #tpu.memory_space<hbm>> -> memref<128xi32, #tpu.memory_space<hbm>>
    %dma_wait3A_203 = arith.constant 0 : i32
    %dma_wait3A_204 = tpu.memref_slice %arg12[%dma_wait3A_196, %dma_wait3A_203] : memref<8x128xi32, #tpu.memory_space<vmem>> -> memref<1x128xi32, #tpu.memory_space<vmem>>
    %dma_wait3A_205 = tpu.memref_squeeze %dma_wait3A_204 : memref<1x128xi32, #tpu.memory_space<vmem>> -> memref<128xi32, #tpu.memory_space<vmem>>
    %dma_wait3A_206 = arith.constant 0 : i32
    %dma_wait3A_207 = tpu.memref_slice %arg3[%add3A, %dma_wait3A_195, %dma_wait3A_206] : memref<32x80x128xi32, #tpu.memory_space<hbm>> -> memref<1x1x128xi32, #tpu.memory_space<hbm>>
    %dma_wait3A_208 = tpu.memref_squeeze %dma_wait3A_207 : memref<1x1x128xi32, #tpu.memory_space<hbm>> -> memref<128xi32, #tpu.memory_space<hbm>>
    tpu.wait_dma2 semaphore(%arg23 : memref<!tpu.dma_semaphore, #tpu.memory_space<semaphore_mem>>) src(%dma_wait3A_208 : memref<128xi32, #tpu.memory_space<hbm>>) dst(%dma_wait3A_205 : memref<128xi32, #tpu.memory_space<vmem>>)
    %dma_wait3A_209 = arith.constant 2 : i32
    %dma_wait3A_210 = arith.constant 6 : i32
    %dma_wait3A_211 = arith.constant 0 : i32
    %dma_wait3A_212 = tpu.memref_slice %arg12[%dma_wait3A_210, %dma_wait3A_211] : memref<8x128xi32, #tpu.memory_space<vmem>> -> memref<1x128xi32, #tpu.memory_space<vmem>>
    %dma_wait3A_213 = tpu.memref_squeeze %dma_wait3A_212 : memref<1x128xi32, #tpu.memory_space<vmem>> -> memref<128xi32, #tpu.memory_space<vmem>>
    %dma_wait3A_214 = arith.constant 0 : i32
    %dma_wait3A_215 = tpu.memref_slice %arg4[%arg1, %dma_wait3A_209, %dma_wait3A_214] : memref<16x80x128xi32, #tpu.memory_space<hbm>> -> memref<1x1x128xi32, #tpu.memory_space<hbm>>
    %dma_wait3A_216 = tpu.memref_squeeze %dma_wait3A_215 : memref<1x1x128xi32, #tpu.memory_space<hbm>> -> memref<128xi32, #tpu.memory_space<hbm>>
    %dma_wait3A_217 = arith.constant 0 : i32
    %dma_wait3A_218 = tpu.memref_slice %arg12[%dma_wait3A_210, %dma_wait3A_217] : memref<8x128xi32, #tpu.memory_space<vmem>> -> memref<1x128xi32, #tpu.memory_space<vmem>>
    %dma_wait3A_219 = tpu.memref_squeeze %dma_wait3A_218 : memref<1x128xi32, #tpu.memory_space<vmem>> -> memref<128xi32, #tpu.memory_space<vmem>>
    %dma_wait3A_220 = arith.constant 0 : i32
    %dma_wait3A_221 = tpu.memref_slice %arg4[%arg1, %dma_wait3A_209, %dma_wait3A_220] : memref<16x80x128xi32, #tpu.memory_space<hbm>> -> memref<1x1x128xi32, #tpu.memory_space<hbm>>
    %dma_wait3A_222 = tpu.memref_squeeze %dma_wait3A_221 : memref<1x1x128xi32, #tpu.memory_space<hbm>> -> memref<128xi32, #tpu.memory_space<hbm>>
    tpu.wait_dma2 semaphore(%arg23 : memref<!tpu.dma_semaphore, #tpu.memory_space<semaphore_mem>>) src(%dma_wait3A_222 : memref<128xi32, #tpu.memory_space<hbm>>) dst(%dma_wait3A_219 : memref<128xi32, #tpu.memory_space<vmem>>)
    %dma_start3A_223 = arith.constant 2 : i32
    %dma_start3A_224 = arith.constant 2 : i32
    %dma_start3A_225 = arith.constant 0 : i32
    %dma_start3A_226 = arith.constant 0 : i32
    %dma_start3A_227 = tpu.memref_slice %arg13[%dma_start3A_224, %dma_start3A_225, %dma_start3A_226] : memref<4x128x128xf32, #tpu.memory_space<vmem>> -> memref<1x128x128xf32, #tpu.memory_space<vmem>>
    %dma_start3A_228 = tpu.memref_squeeze %dma_start3A_227 : memref<1x128x128xf32, #tpu.memory_space<vmem>> -> memref<128x128xf32, #tpu.memory_space<vmem>>
    %dma_start3A_229 = arith.constant 0 : i32
    %dma_start3A_230 = tpu.memref_slice %arg12[%dma_start3A_223, %dma_start3A_229] : memref<8x128xi32, #tpu.memory_space<vmem>> -> memref<1x128xi32, #tpu.memory_space<vmem>>
    %dma_start3A_231 = tpu.memref_squeeze %dma_start3A_230 : memref<1x128xi32, #tpu.memory_space<vmem>> -> memref<128xi32, #tpu.memory_space<vmem>>
    %dma_start3A_232 = arith.constant 0 : i32
    %dma_start3A_233 = arith.constant 0 : i32
    %dma_start3A_234 = tpu.memref_slice %arg2[%dma_start3A_232, %dma_start3A_233] : memref<20000x128xf32, #tpu.memory_space<hbm>> -> memref<20000x128xf32, #tpu.memory_space<hbm>>
    tpu.enqueue_indirect_dma source(%dma_start3A_234 : memref<20000x128xf32, #tpu.memory_space<hbm>>) target(%dma_start3A_228 : memref<128x128xf32, #tpu.memory_space<vmem>>) offsets(%dma_start3A_231 : memref<128xi32, #tpu.memory_space<vmem>>) semaphore(%arg19 : memref<!tpu.dma_semaphore, #tpu.memory_space<semaphore_mem>>)
    %dma_wait3A_235 = arith.constant 3 : i32
    %dma_wait3A_236 = arith.constant 3 : i32
    %dma_wait3A_237 = arith.constant 0 : i32
    %dma_wait3A_238 = tpu.memref_slice %arg12[%dma_wait3A_236, %dma_wait3A_237] : memref<8x128xi32, #tpu.memory_space<vmem>> -> memref<1x128xi32, #tpu.memory_space<vmem>>
    %dma_wait3A_239 = tpu.memref_squeeze %dma_wait3A_238 : memref<1x128xi32, #tpu.memory_space<vmem>> -> memref<128xi32, #tpu.memory_space<vmem>>
    %dma_wait3A_240 = arith.constant 0 : i32
    %dma_wait3A_241 = tpu.memref_slice %arg3[%add3A, %dma_wait3A_235, %dma_wait3A_240] : memref<32x80x128xi32, #tpu.memory_space<hbm>> -> memref<1x1x128xi32, #tpu.memory_space<hbm>>
    %dma_wait3A_242 = tpu.memref_squeeze %dma_wait3A_241 : memref<1x1x128xi32, #tpu.memory_space<hbm>> -> memref<128xi32, #tpu.memory_space<hbm>>
    %dma_wait3A_243 = arith.constant 0 : i32
    %dma_wait3A_244 = tpu.memref_slice %arg12[%dma_wait3A_236, %dma_wait3A_243] : memref<8x128xi32, #tpu.memory_space<vmem>> -> memref<1x128xi32, #tpu.memory_space<vmem>>
    %dma_wait3A_245 = tpu.memref_squeeze %dma_wait3A_244 : memref<1x128xi32, #tpu.memory_space<vmem>> -> memref<128xi32, #tpu.memory_space<vmem>>
    %dma_wait3A_246 = arith.constant 0 : i32
    %dma_wait3A_247 = tpu.memref_slice %arg3[%add3A, %dma_wait3A_235, %dma_wait3A_246] : memref<32x80x128xi32, #tpu.memory_space<hbm>> -> memref<1x1x128xi32, #tpu.memory_space<hbm>>
    %dma_wait3A_248 = tpu.memref_squeeze %dma_wait3A_247 : memref<1x1x128xi32, #tpu.memory_space<hbm>> -> memref<128xi32, #tpu.memory_space<hbm>>
    tpu.wait_dma2 semaphore(%arg24 : memref<!tpu.dma_semaphore, #tpu.memory_space<semaphore_mem>>) src(%dma_wait3A_248 : memref<128xi32, #tpu.memory_space<hbm>>) dst(%dma_wait3A_245 : memref<128xi32, #tpu.memory_space<vmem>>)
    %dma_wait3A_249 = arith.constant 3 : i32
    %dma_wait3A_250 = arith.constant 7 : i32
    %dma_wait3A_251 = arith.constant 0 : i32
    %dma_wait3A_252 = tpu.memref_slice %arg12[%dma_wait3A_250, %dma_wait3A_251] : memref<8x128xi32, #tpu.memory_space<vmem>> -> memref<1x128xi32, #tpu.memory_space<vmem>>
    %dma_wait3A_253 = tpu.memref_squeeze %dma_wait3A_252 : memref<1x128xi32, #tpu.memory_space<vmem>> -> memref<128xi32, #tpu.memory_space<vmem>>
    %dma_wait3A_254 = arith.constant 0 : i32
    %dma_wait3A_255 = tpu.memref_slice %arg4[%arg1, %dma_wait3A_249, %dma_wait3A_254] : memref<16x80x128xi32, #tpu.memory_space<hbm>> -> memref<1x1x128xi32, #tpu.memory_space<hbm>>
    %dma_wait3A_256 = tpu.memref_squeeze %dma_wait3A_255 : memref<1x1x128xi32, #tpu.memory_space<hbm>> -> memref<128xi32, #tpu.memory_space<hbm>>
    %dma_wait3A_257 = arith.constant 0 : i32
    %dma_wait3A_258 = tpu.memref_slice %arg12[%dma_wait3A_250, %dma_wait3A_257] : memref<8x128xi32, #tpu.memory_space<vmem>> -> memref<1x128xi32, #tpu.memory_space<vmem>>
    %dma_wait3A_259 = tpu.memref_squeeze %dma_wait3A_258 : memref<1x128xi32, #tpu.memory_space<vmem>> -> memref<128xi32, #tpu.memory_space<vmem>>
    %dma_wait3A_260 = arith.constant 0 : i32
    %dma_wait3A_261 = tpu.memref_slice %arg4[%arg1, %dma_wait3A_249, %dma_wait3A_260] : memref<16x80x128xi32, #tpu.memory_space<hbm>> -> memref<1x1x128xi32, #tpu.memory_space<hbm>>
    %dma_wait3A_262 = tpu.memref_squeeze %dma_wait3A_261 : memref<1x1x128xi32, #tpu.memory_space<hbm>> -> memref<128xi32, #tpu.memory_space<hbm>>
    tpu.wait_dma2 semaphore(%arg24 : memref<!tpu.dma_semaphore, #tpu.memory_space<semaphore_mem>>) src(%dma_wait3A_262 : memref<128xi32, #tpu.memory_space<hbm>>) dst(%dma_wait3A_259 : memref<128xi32, #tpu.memory_space<vmem>>)
    %dma_start3A_263 = arith.constant 3 : i32
    %dma_start3A_264 = arith.constant 3 : i32
    %dma_start3A_265 = arith.constant 0 : i32
    %dma_start3A_266 = arith.constant 0 : i32
    %dma_start3A_267 = tpu.memref_slice %arg13[%dma_start3A_264, %dma_start3A_265, %dma_start3A_266] : memref<4x128x128xf32, #tpu.memory_space<vmem>> -> memref<1x128x128xf32, #tpu.memory_space<vmem>>
    %dma_start3A_268 = tpu.memref_squeeze %dma_start3A_267 : memref<1x128x128xf32, #tpu.memory_space<vmem>> -> memref<128x128xf32, #tpu.memory_space<vmem>>
    %dma_start3A_269 = arith.constant 0 : i32
    %dma_start3A_270 = tpu.memref_slice %arg12[%dma_start3A_263, %dma_start3A_269] : memref<8x128xi32, #tpu.memory_space<vmem>> -> memref<1x128xi32, #tpu.memory_space<vmem>>
    %dma_start3A_271 = tpu.memref_squeeze %dma_start3A_270 : memref<1x128xi32, #tpu.memory_space<vmem>> -> memref<128xi32, #tpu.memory_space<vmem>>
    %dma_start3A_272 = arith.constant 0 : i32
    %dma_start3A_273 = arith.constant 0 : i32
    %dma_start3A_274 = tpu.memref_slice %arg2[%dma_start3A_272, %dma_start3A_273] : memref<20000x128xf32, #tpu.memory_space<hbm>> -> memref<20000x128xf32, #tpu.memory_space<hbm>>
    tpu.enqueue_indirect_dma source(%dma_start3A_274 : memref<20000x128xf32, #tpu.memory_space<hbm>>) target(%dma_start3A_268 : memref<128x128xf32, #tpu.memory_space<vmem>>) offsets(%dma_start3A_271 : memref<128xi32, #tpu.memory_space<vmem>>) semaphore(%arg20 : memref<!tpu.dma_semaphore, #tpu.memory_space<semaphore_mem>>)
    %scan3A = arith.constant 0 : i32
    %scan3A_275 = arith.constant 20 : i32
    %scan3A_276 = arith.addi %scan3A, %scan3A_275 : i32
    %scan3A_277 = arith.constant 1 : i32
    scf.for %scan3A_291 = %scan3A to %scan3A_276 step %scan3A_277  : i32 {
      %mul3A_292 = arith.constant 1 : i32
      %mul3A_293 = arith.muli %scan3A_291, %mul3A_292 : i32
      %add3A_294 = arith.constant 0 : i32
      %add3A_295 = arith.addi %add3A_294, %mul3A_293 : i32
      %mul3A_296 = arith.constant 4 : i32
      %mul3A_297 = arith.muli %add3A_295, %mul3A_296 : i32
      %add3A_298 = arith.constant 0 : i32
      %add3A_299 = arith.addi %mul3A_297, %add3A_298 : i32
      %dma_wait3A_300 = arith.constant 0 : i32
      %dma_wait3A_301 = arith.constant 0 : i32
      %dma_wait3A_302 = arith.constant 0 : i32
      %dma_wait3A_303 = arith.constant 0 : i32
      %dma_wait3A_304 = tpu.memref_slice %arg13[%dma_wait3A_301, %dma_wait3A_302, %dma_wait3A_303] : memref<4x128x128xf32, #tpu.memory_space<vmem>> -> memref<1x128x128xf32, #tpu.memory_space<vmem>>
      %dma_wait3A_305 = tpu.memref_squeeze %dma_wait3A_304 : memref<1x128x128xf32, #tpu.memory_space<vmem>> -> memref<128x128xf32, #tpu.memory_space<vmem>>
      %dma_wait3A_306 = arith.constant 0 : i32
      %dma_wait3A_307 = tpu.memref_slice %arg12[%dma_wait3A_300, %dma_wait3A_306] : memref<8x128xi32, #tpu.memory_space<vmem>> -> memref<1x128xi32, #tpu.memory_space<vmem>>
      %dma_wait3A_308 = tpu.memref_squeeze %dma_wait3A_307 : memref<1x128xi32, #tpu.memory_space<vmem>> -> memref<128xi32, #tpu.memory_space<vmem>>
      %dma_wait3A_309 = arith.constant 0 : i32
      %dma_wait3A_310 = arith.constant 0 : i32
      %dma_wait3A_311 = tpu.memref_slice %arg2[%dma_wait3A_309, %dma_wait3A_310] : memref<20000x128xf32, #tpu.memory_space<hbm>> -> memref<20000x128xf32, #tpu.memory_space<hbm>>
      tpu.wait_indirect_dma semaphore(%arg17 : memref<!tpu.dma_semaphore, #tpu.memory_space<semaphore_mem>>) src(%dma_wait3A_311 : memref<20000x128xf32, #tpu.memory_space<hbm>>) dst(%dma_wait3A_305 : memref<128x128xf32, #tpu.memory_space<vmem>>)
      %run_scoped3A = arith.constant 0 : i32
      %run_scoped3A_312 = arith.constant 4 : i32
      "tpu.region"() ({
        %run_scoped3A_390 = tpu.sem_alloc : memref<!tpu.dma_semaphore, #tpu.memory_space<semaphore_mem>>
        %dma_start3A_391 = arith.constant 0 : i32
        %dma_start3A_392 = arith.constant 0 : i32
        %dma_start3A_393 = tpu.memref_slice %arg13[%run_scoped3A, %dma_start3A_391, %dma_start3A_392] : memref<4x128x128xf32, #tpu.memory_space<vmem>> -> memref<1x128x128xf32, #tpu.memory_space<vmem>>
        %dma_start3A_394 = tpu.memref_squeeze %dma_start3A_393 : memref<1x128x128xf32, #tpu.memory_space<vmem>> -> memref<128x128xf32, #tpu.memory_space<vmem>>
        %dma_start3A_395 = arith.constant 0 : i32
        %dma_start3A_396 = tpu.memref_slice %arg12[%run_scoped3A_312, %dma_start3A_395] : memref<8x128xi32, #tpu.memory_space<vmem>> -> memref<1x128xi32, #tpu.memory_space<vmem>>
        %dma_start3A_397 = tpu.memref_squeeze %dma_start3A_396 : memref<1x128xi32, #tpu.memory_space<vmem>> -> memref<128xi32, #tpu.memory_space<vmem>>
        %dma_start3A_398 = arith.constant 0 : i32
        %dma_start3A_399 = arith.constant 0 : i32
        %dma_start3A_400 = tpu.memref_slice %arg10[%dma_start3A_398, %dma_start3A_399] : memref<5120x128xf32, #tpu.memory_space<vmem_shared>> -> memref<5120x128xf32, #tpu.memory_space<vmem_shared>>
        tpu.enqueue_indirect_dma source(%dma_start3A_394 : memref<128x128xf32, #tpu.memory_space<vmem>>) target(%dma_start3A_400 : memref<5120x128xf32, #tpu.memory_space<vmem_shared>>) offsets(%dma_start3A_397 : memref<128xi32, #tpu.memory_space<vmem>>) semaphore(%run_scoped3A_390 : memref<!tpu.dma_semaphore, #tpu.memory_space<semaphore_mem>>) {add = true}
        %dma_wait3A_401 = arith.constant 0 : i32
        %dma_wait3A_402 = arith.constant 0 : i32
        %dma_wait3A_403 = tpu.memref_slice %arg13[%run_scoped3A, %dma_wait3A_401, %dma_wait3A_402] : memref<4x128x128xf32, #tpu.memory_space<vmem>> -> memref<1x128x128xf32, #tpu.memory_space<vmem>>
        %dma_wait3A_404 = tpu.memref_squeeze %dma_wait3A_403 : memref<1x128x128xf32, #tpu.memory_space<vmem>> -> memref<128x128xf32, #tpu.memory_space<vmem>>
        %dma_wait3A_405 = arith.constant 0 : i32
        %dma_wait3A_406 = tpu.memref_slice %arg12[%run_scoped3A_312, %dma_wait3A_405] : memref<8x128xi32, #tpu.memory_space<vmem>> -> memref<1x128xi32, #tpu.memory_space<vmem>>
        %dma_wait3A_407 = tpu.memref_squeeze %dma_wait3A_406 : memref<1x128xi32, #tpu.memory_space<vmem>> -> memref<128xi32, #tpu.memory_space<vmem>>
        %dma_wait3A_408 = arith.constant 0 : i32
        %dma_wait3A_409 = arith.constant 0 : i32
        %dma_wait3A_410 = tpu.memref_slice %arg10[%dma_wait3A_408, %dma_wait3A_409] : memref<5120x128xf32, #tpu.memory_space<vmem_shared>> -> memref<5120x128xf32, #tpu.memory_space<vmem_shared>>
        tpu.wait_indirect_dma semaphore(%run_scoped3A_390 : memref<!tpu.dma_semaphore, #tpu.memory_space<semaphore_mem>>) src(%dma_wait3A_404 : memref<128x128xf32, #tpu.memory_space<vmem>>) dst(%dma_wait3A_410 : memref<5120x128xf32, #tpu.memory_space<vmem_shared>>)
        tpu.yield
      }) : () -> ()
      %run_scoped3A_313 = arith.constant 4 : i32
      "tpu.region"() ({
        %run_scoped3A_390 = tpu.sem_alloc : memref<!tpu.dma_semaphore, #tpu.memory_space<semaphore_mem>>
        %dma_start3A_391 = arith.constant 0 : i32
        %dma_start3A_392 = tpu.memref_slice %arg12[%run_scoped3A_313, %dma_start3A_391] : memref<8x128xi32, #tpu.memory_space<vmem>> -> memref<1x128xi32, #tpu.memory_space<vmem>>
        %dma_start3A_393 = tpu.memref_squeeze %dma_start3A_392 : memref<1x128xi32, #tpu.memory_space<vmem>> -> memref<128xi32, #tpu.memory_space<vmem>>
        %dma_start3A_394 = arith.constant 0 : i32
        %dma_start3A_395 = tpu.memref_slice %arg11[%dma_start3A_394] : memref<5120xf32, #tpu.memory_space<vmem_shared>> -> memref<5120xf32, #tpu.memory_space<vmem_shared>>
        tpu.enqueue_indirect_dma source(%arg16 : memref<128xf32, #tpu.memory_space<vmem>>) target(%dma_start3A_395 : memref<5120xf32, #tpu.memory_space<vmem_shared>>) offsets(%dma_start3A_393 : memref<128xi32, #tpu.memory_space<vmem>>) semaphore(%run_scoped3A_390 : memref<!tpu.dma_semaphore, #tpu.memory_space<semaphore_mem>>) {add = true}
        %dma_wait3A_396 = arith.constant 0 : i32
        %dma_wait3A_397 = tpu.memref_slice %arg12[%run_scoped3A_313, %dma_wait3A_396] : memref<8x128xi32, #tpu.memory_space<vmem>> -> memref<1x128xi32, #tpu.memory_space<vmem>>
        %dma_wait3A_398 = tpu.memref_squeeze %dma_wait3A_397 : memref<1x128xi32, #tpu.memory_space<vmem>> -> memref<128xi32, #tpu.memory_space<vmem>>
        %dma_wait3A_399 = arith.constant 0 : i32
        %dma_wait3A_400 = tpu.memref_slice %arg11[%dma_wait3A_399] : memref<5120xf32, #tpu.memory_space<vmem_shared>> -> memref<5120xf32, #tpu.memory_space<vmem_shared>>
        tpu.wait_indirect_dma semaphore(%run_scoped3A_390 : memref<!tpu.dma_semaphore, #tpu.memory_space<semaphore_mem>>) src(%arg16 : memref<128xf32, #tpu.memory_space<vmem>>) dst(%dma_wait3A_400 : memref<5120xf32, #tpu.memory_space<vmem_shared>>)
        tpu.yield
      }) : () -> ()
      %add3A_314 = arith.constant 4 : i32
      %add3A_315 = arith.addi %add3A_299, %add3A_314 : i32
      %lt3A = arith.constant 80 : i32
      %lt3A_316 = arith.cmpi slt, %add3A_315, %lt3A : i32
      %convert_element_type3A = arith.extui %lt3A_316 : i1 to i32
      %cond3A = arith.constant 0 : i32
      %cond3A_317 = arith.cmpi ne, %convert_element_type3A, %cond3A : i32
      scf.if %cond3A_317 {
        %add3A_390 = arith.constant 4 : i32
        %add3A_391 = arith.addi %add3A_299, %add3A_390 : i32
        %dma_start3A_392 = arith.constant 0 : i32
        %dma_start3A_393 = arith.constant 0 : i32
        %dma_start3A_394 = tpu.memref_slice %arg12[%dma_start3A_392, %dma_start3A_393] : memref<8x128xi32, #tpu.memory_space<vmem>> -> memref<1x128xi32, #tpu.memory_space<vmem>>
        %dma_start3A_395 = tpu.memref_squeeze %dma_start3A_394 : memref<1x128xi32, #tpu.memory_space<vmem>> -> memref<128xi32, #tpu.memory_space<vmem>>
        %dma_start3A_396 = arith.constant 0 : i32
        %dma_start3A_397 = tpu.memref_slice %arg3[%add3A, %add3A_391, %dma_start3A_396] : memref<32x80x128xi32, #tpu.memory_space<hbm>> -> memref<1x1x128xi32, #tpu.memory_space<hbm>>
        %dma_start3A_398 = tpu.memref_squeeze %dma_start3A_397 : memref<1x1x128xi32, #tpu.memory_space<hbm>> -> memref<128xi32, #tpu.memory_space<hbm>>
        %dma_start3A_399 = arith.constant 0 : i32
        %dma_start3A_400 = tpu.memref_slice %arg12[%dma_start3A_392, %dma_start3A_399] : memref<8x128xi32, #tpu.memory_space<vmem>> -> memref<1x128xi32, #tpu.memory_space<vmem>>
        %dma_start3A_401 = tpu.memref_squeeze %dma_start3A_400 : memref<1x128xi32, #tpu.memory_space<vmem>> -> memref<128xi32, #tpu.memory_space<vmem>>
        %dma_start3A_402 = arith.constant 0 : i32
        %dma_start3A_403 = tpu.memref_slice %arg3[%add3A, %add3A_391, %dma_start3A_402] : memref<32x80x128xi32, #tpu.memory_space<hbm>> -> memref<1x1x128xi32, #tpu.memory_space<hbm>>
        %dma_start3A_404 = tpu.memref_squeeze %dma_start3A_403 : memref<1x1x128xi32, #tpu.memory_space<hbm>> -> memref<128xi32, #tpu.memory_space<hbm>>
        tpu.enqueue_dma source(%dma_start3A_404 : memref<128xi32, #tpu.memory_space<hbm>>) target(%dma_start3A_401 : memref<128xi32, #tpu.memory_space<vmem>>) target_semaphore(%arg21 : memref<!tpu.dma_semaphore, #tpu.memory_space<semaphore_mem>>)
        %dma_start3A_405 = arith.constant 4 : i32
        %dma_start3A_406 = arith.constant 0 : i32
        %dma_start3A_407 = tpu.memref_slice %arg12[%dma_start3A_405, %dma_start3A_406] : memref<8x128xi32, #tpu.memory_space<vmem>> -> memref<1x128xi32, #tpu.memory_space<vmem>>
        %dma_start3A_408 = tpu.memref_squeeze %dma_start3A_407 : memref<1x128xi32, #tpu.memory_space<vmem>> -> memref<128xi32, #tpu.memory_space<vmem>>
        %dma_start3A_409 = arith.constant 0 : i32
        %dma_start3A_410 = tpu.memref_slice %arg4[%arg1, %add3A_391, %dma_start3A_409] : memref<16x80x128xi32, #tpu.memory_space<hbm>> -> memref<1x1x128xi32, #tpu.memory_space<hbm>>
        %dma_start3A_411 = tpu.memref_squeeze %dma_start3A_410 : memref<1x1x128xi32, #tpu.memory_space<hbm>> -> memref<128xi32, #tpu.memory_space<hbm>>
        %dma_start3A_412 = arith.constant 0 : i32
        %dma_start3A_413 = tpu.memref_slice %arg12[%dma_start3A_405, %dma_start3A_412] : memref<8x128xi32, #tpu.memory_space<vmem>> -> memref<1x128xi32, #tpu.memory_space<vmem>>
        %dma_start3A_414 = tpu.memref_squeeze %dma_start3A_413 : memref<1x128xi32, #tpu.memory_space<vmem>> -> memref<128xi32, #tpu.memory_space<vmem>>
        %dma_start3A_415 = arith.constant 0 : i32
        %dma_start3A_416 = tpu.memref_slice %arg4[%arg1, %add3A_391, %dma_start3A_415] : memref<16x80x128xi32, #tpu.memory_space<hbm>> -> memref<1x1x128xi32, #tpu.memory_space<hbm>>
        %dma_start3A_417 = tpu.memref_squeeze %dma_start3A_416 : memref<1x1x128xi32, #tpu.memory_space<hbm>> -> memref<128xi32, #tpu.memory_space<hbm>>
        tpu.enqueue_dma source(%dma_start3A_417 : memref<128xi32, #tpu.memory_space<hbm>>) target(%dma_start3A_414 : memref<128xi32, #tpu.memory_space<vmem>>) target_semaphore(%arg21 : memref<!tpu.dma_semaphore, #tpu.memory_space<semaphore_mem>>)
        %add3A_418 = arith.constant 4 : i32
        %add3A_419 = arith.addi %add3A_299, %add3A_418 : i32
        %dma_wait3A_420 = arith.constant 0 : i32
        %dma_wait3A_421 = arith.constant 0 : i32
        %dma_wait3A_422 = tpu.memref_slice %arg12[%dma_wait3A_420, %dma_wait3A_421] : memref<8x128xi32, #tpu.memory_space<vmem>> -> memref<1x128xi32, #tpu.memory_space<vmem>>
        %dma_wait3A_423 = tpu.memref_squeeze %dma_wait3A_422 : memref<1x128xi32, #tpu.memory_space<vmem>> -> memref<128xi32, #tpu.memory_space<vmem>>
        %dma_wait3A_424 = arith.constant 0 : i32
        %dma_wait3A_425 = tpu.memref_slice %arg3[%add3A, %add3A_419, %dma_wait3A_424] : memref<32x80x128xi32, #tpu.memory_space<hbm>> -> memref<1x1x128xi32, #tpu.memory_space<hbm>>
        %dma_wait3A_426 = tpu.memref_squeeze %dma_wait3A_425 : memref<1x1x128xi32, #tpu.memory_space<hbm>> -> memref<128xi32, #tpu.memory_space<hbm>>
        %dma_wait3A_427 = arith.constant 0 : i32
        %dma_wait3A_428 = tpu.memref_slice %arg12[%dma_wait3A_420, %dma_wait3A_427] : memref<8x128xi32, #tpu.memory_space<vmem>> -> memref<1x128xi32, #tpu.memory_space<vmem>>
        %dma_wait3A_429 = tpu.memref_squeeze %dma_wait3A_428 : memref<1x128xi32, #tpu.memory_space<vmem>> -> memref<128xi32, #tpu.memory_space<vmem>>
        %dma_wait3A_430 = arith.constant 0 : i32
        %dma_wait3A_431 = tpu.memref_slice %arg3[%add3A, %add3A_419, %dma_wait3A_430] : memref<32x80x128xi32, #tpu.memory_space<hbm>> -> memref<1x1x128xi32, #tpu.memory_space<hbm>>
        %dma_wait3A_432 = tpu.memref_squeeze %dma_wait3A_431 : memref<1x1x128xi32, #tpu.memory_space<hbm>> -> memref<128xi32, #tpu.memory_space<hbm>>
        tpu.wait_dma2 semaphore(%arg21 : memref<!tpu.dma_semaphore, #tpu.memory_space<semaphore_mem>>) src(%dma_wait3A_432 : memref<128xi32, #tpu.memory_space<hbm>>) dst(%dma_wait3A_429 : memref<128xi32, #tpu.memory_space<vmem>>)
        %dma_wait3A_433 = arith.constant 4 : i32
        %dma_wait3A_434 = arith.constant 0 : i32
        %dma_wait3A_435 = tpu.memref_slice %arg12[%dma_wait3A_433, %dma_wait3A_434] : memref<8x128xi32, #tpu.memory_space<vmem>> -> memref<1x128xi32, #tpu.memory_space<vmem>>
        %dma_wait3A_436 = tpu.memref_squeeze %dma_wait3A_435 : memref<1x128xi32, #tpu.memory_space<vmem>> -> memref<128xi32, #tpu.memory_space<vmem>>
        %dma_wait3A_437 = arith.constant 0 : i32
        %dma_wait3A_438 = tpu.memref_slice %arg4[%arg1, %add3A_419, %dma_wait3A_437] : memref<16x80x128xi32, #tpu.memory_space<hbm>> -> memref<1x1x128xi32, #tpu.memory_space<hbm>>
        %dma_wait3A_439 = tpu.memref_squeeze %dma_wait3A_438 : memref<1x1x128xi32, #tpu.memory_space<hbm>> -> memref<128xi32, #tpu.memory_space<hbm>>
        %dma_wait3A_440 = arith.constant 0 : i32
        %dma_wait3A_441 = tpu.memref_slice %arg12[%dma_wait3A_433, %dma_wait3A_440] : memref<8x128xi32, #tpu.memory_space<vmem>> -> memref<1x128xi32, #tpu.memory_space<vmem>>
        %dma_wait3A_442 = tpu.memref_squeeze %dma_wait3A_441 : memref<1x128xi32, #tpu.memory_space<vmem>> -> memref<128xi32, #tpu.memory_space<vmem>>
        %dma_wait3A_443 = arith.constant 0 : i32
        %dma_wait3A_444 = tpu.memref_slice %arg4[%arg1, %add3A_419, %dma_wait3A_443] : memref<16x80x128xi32, #tpu.memory_space<hbm>> -> memref<1x1x128xi32, #tpu.memory_space<hbm>>
        %dma_wait3A_445 = tpu.memref_squeeze %dma_wait3A_444 : memref<1x1x128xi32, #tpu.memory_space<hbm>> -> memref<128xi32, #tpu.memory_space<hbm>>
        tpu.wait_dma2 semaphore(%arg21 : memref<!tpu.dma_semaphore, #tpu.memory_space<semaphore_mem>>) src(%dma_wait3A_445 : memref<128xi32, #tpu.memory_space<hbm>>) dst(%dma_wait3A_442 : memref<128xi32, #tpu.memory_space<vmem>>)
        %dma_start3A_446 = arith.constant 0 : i32
        %dma_start3A_447 = arith.constant 0 : i32
        %dma_start3A_448 = arith.constant 0 : i32
        %dma_start3A_449 = arith.constant 0 : i32
        %dma_start3A_450 = tpu.memref_slice %arg13[%dma_start3A_447, %dma_start3A_448, %dma_start3A_449] : memref<4x128x128xf32, #tpu.memory_space<vmem>> -> memref<1x128x128xf32, #tpu.memory_space<vmem>>
        %dma_start3A_451 = tpu.memref_squeeze %dma_start3A_450 : memref<1x128x128xf32, #tpu.memory_space<vmem>> -> memref<128x128xf32, #tpu.memory_space<vmem>>
        %dma_start3A_452 = arith.constant 0 : i32
        %dma_start3A_453 = tpu.memref_slice %arg12[%dma_start3A_446, %dma_start3A_452] : memref<8x128xi32, #tpu.memory_space<vmem>> -> memref<1x128xi32, #tpu.memory_space<vmem>>
        %dma_start3A_454 = tpu.memref_squeeze %dma_start3A_453 : memref<1x128xi32, #tpu.memory_space<vmem>> -> memref<128xi32, #tpu.memory_space<vmem>>
        %dma_start3A_455 = arith.constant 0 : i32
        %dma_start3A_456 = arith.constant 0 : i32
        %dma_start3A_457 = tpu.memref_slice %arg2[%dma_start3A_455, %dma_start3A_456] : memref<20000x128xf32, #tpu.memory_space<hbm>> -> memref<20000x128xf32, #tpu.memory_space<hbm>>
        tpu.enqueue_indirect_dma source(%dma_start3A_457 : memref<20000x128xf32, #tpu.memory_space<hbm>>) target(%dma_start3A_451 : memref<128x128xf32, #tpu.memory_space<vmem>>) offsets(%dma_start3A_454 : memref<128xi32, #tpu.memory_space<vmem>>) semaphore(%arg17 : memref<!tpu.dma_semaphore, #tpu.memory_space<semaphore_mem>>)
      } else {
      }
      %add3A_318 = arith.constant 1 : i32
      %add3A_319 = arith.addi %mul3A_297, %add3A_318 : i32
      %dma_wait3A_320 = arith.constant 1 : i32
      %dma_wait3A_321 = arith.constant 1 : i32
      %dma_wait3A_322 = arith.constant 0 : i32
      %dma_wait3A_323 = arith.constant 0 : i32
      %dma_wait3A_324 = tpu.memref_slice %arg13[%dma_wait3A_321, %dma_wait3A_322, %dma_wait3A_323] : memref<4x128x128xf32, #tpu.memory_space<vmem>> -> memref<1x128x128xf32, #tpu.memory_space<vmem>>
      %dma_wait3A_325 = tpu.memref_squeeze %dma_wait3A_324 : memref<1x128x128xf32, #tpu.memory_space<vmem>> -> memref<128x128xf32, #tpu.memory_space<vmem>>
      %dma_wait3A_326 = arith.constant 0 : i32
      %dma_wait3A_327 = tpu.memref_slice %arg12[%dma_wait3A_320, %dma_wait3A_326] : memref<8x128xi32, #tpu.memory_space<vmem>> -> memref<1x128xi32, #tpu.memory_space<vmem>>
      %dma_wait3A_328 = tpu.memref_squeeze %dma_wait3A_327 : memref<1x128xi32, #tpu.memory_space<vmem>> -> memref<128xi32, #tpu.memory_space<vmem>>
      %dma_wait3A_329 = arith.constant 0 : i32
      %dma_wait3A_330 = arith.constant 0 : i32
      %dma_wait3A_331 = tpu.memref_slice %arg2[%dma_wait3A_329, %dma_wait3A_330] : memref<20000x128xf32, #tpu.memory_space<hbm>> -> memref<20000x128xf32, #tpu.memory_space<hbm>>
      tpu.wait_indirect_dma semaphore(%arg18 : memref<!tpu.dma_semaphore, #tpu.memory_space<semaphore_mem>>) src(%dma_wait3A_331 : memref<20000x128xf32, #tpu.memory_space<hbm>>) dst(%dma_wait3A_325 : memref<128x128xf32, #tpu.memory_space<vmem>>)
      %run_scoped3A_332 = arith.constant 1 : i32
      %run_scoped3A_333 = arith.constant 5 : i32
      "tpu.region"() ({
        %run_scoped3A_390 = tpu.sem_alloc : memref<!tpu.dma_semaphore, #tpu.memory_space<semaphore_mem>>
        %dma_start3A_391 = arith.constant 0 : i32
        %dma_start3A_392 = arith.constant 0 : i32
        %dma_start3A_393 = tpu.memref_slice %arg13[%run_scoped3A_332, %dma_start3A_391, %dma_start3A_392] : memref<4x128x128xf32, #tpu.memory_space<vmem>> -> memref<1x128x128xf32, #tpu.memory_space<vmem>>
        %dma_start3A_394 = tpu.memref_squeeze %dma_start3A_393 : memref<1x128x128xf32, #tpu.memory_space<vmem>> -> memref<128x128xf32, #tpu.memory_space<vmem>>
        %dma_start3A_395 = arith.constant 0 : i32
        %dma_start3A_396 = tpu.memref_slice %arg12[%run_scoped3A_333, %dma_start3A_395] : memref<8x128xi32, #tpu.memory_space<vmem>> -> memref<1x128xi32, #tpu.memory_space<vmem>>
        %dma_start3A_397 = tpu.memref_squeeze %dma_start3A_396 : memref<1x128xi32, #tpu.memory_space<vmem>> -> memref<128xi32, #tpu.memory_space<vmem>>
        %dma_start3A_398 = arith.constant 0 : i32
        %dma_start3A_399 = arith.constant 0 : i32
        %dma_start3A_400 = tpu.memref_slice %arg10[%dma_start3A_398, %dma_start3A_399] : memref<5120x128xf32, #tpu.memory_space<vmem_shared>> -> memref<5120x128xf32, #tpu.memory_space<vmem_shared>>
        tpu.enqueue_indirect_dma source(%dma_start3A_394 : memref<128x128xf32, #tpu.memory_space<vmem>>) target(%dma_start3A_400 : memref<5120x128xf32, #tpu.memory_space<vmem_shared>>) offsets(%dma_start3A_397 : memref<128xi32, #tpu.memory_space<vmem>>) semaphore(%run_scoped3A_390 : memref<!tpu.dma_semaphore, #tpu.memory_space<semaphore_mem>>) {add = true}
        %dma_wait3A_401 = arith.constant 0 : i32
        %dma_wait3A_402 = arith.constant 0 : i32
        %dma_wait3A_403 = tpu.memref_slice %arg13[%run_scoped3A_332, %dma_wait3A_401, %dma_wait3A_402] : memref<4x128x128xf32, #tpu.memory_space<vmem>> -> memref<1x128x128xf32, #tpu.memory_space<vmem>>
        %dma_wait3A_404 = tpu.memref_squeeze %dma_wait3A_403 : memref<1x128x128xf32, #tpu.memory_space<vmem>> -> memref<128x128xf32, #tpu.memory_space<vmem>>
        %dma_wait3A_405 = arith.constant 0 : i32
        %dma_wait3A_406 = tpu.memref_slice %arg12[%run_scoped3A_333, %dma_wait3A_405] : memref<8x128xi32, #tpu.memory_space<vmem>> -> memref<1x128xi32, #tpu.memory_space<vmem>>
        %dma_wait3A_407 = tpu.memref_squeeze %dma_wait3A_406 : memref<1x128xi32, #tpu.memory_space<vmem>> -> memref<128xi32, #tpu.memory_space<vmem>>
        %dma_wait3A_408 = arith.constant 0 : i32
        %dma_wait3A_409 = arith.constant 0 : i32
        %dma_wait3A_410 = tpu.memref_slice %arg10[%dma_wait3A_408, %dma_wait3A_409] : memref<5120x128xf32, #tpu.memory_space<vmem_shared>> -> memref<5120x128xf32, #tpu.memory_space<vmem_shared>>
        tpu.wait_indirect_dma semaphore(%run_scoped3A_390 : memref<!tpu.dma_semaphore, #tpu.memory_space<semaphore_mem>>) src(%dma_wait3A_404 : memref<128x128xf32, #tpu.memory_space<vmem>>) dst(%dma_wait3A_410 : memref<5120x128xf32, #tpu.memory_space<vmem_shared>>)
        tpu.yield
      }) : () -> ()
      %run_scoped3A_334 = arith.constant 5 : i32
      "tpu.region"() ({
        %run_scoped3A_390 = tpu.sem_alloc : memref<!tpu.dma_semaphore, #tpu.memory_space<semaphore_mem>>
        %dma_start3A_391 = arith.constant 0 : i32
        %dma_start3A_392 = tpu.memref_slice %arg12[%run_scoped3A_334, %dma_start3A_391] : memref<8x128xi32, #tpu.memory_space<vmem>> -> memref<1x128xi32, #tpu.memory_space<vmem>>
        %dma_start3A_393 = tpu.memref_squeeze %dma_start3A_392 : memref<1x128xi32, #tpu.memory_space<vmem>> -> memref<128xi32, #tpu.memory_space<vmem>>
        %dma_start3A_394 = arith.constant 0 : i32
        %dma_start3A_395 = tpu.memref_slice %arg11[%dma_start3A_394] : memref<5120xf32, #tpu.memory_space<vmem_shared>> -> memref<5120xf32, #tpu.memory_space<vmem_shared>>
        tpu.enqueue_indirect_dma source(%arg16 : memref<128xf32, #tpu.memory_space<vmem>>) target(%dma_start3A_395 : memref<5120xf32, #tpu.memory_space<vmem_shared>>) offsets(%dma_start3A_393 : memref<128xi32, #tpu.memory_space<vmem>>) semaphore(%run_scoped3A_390 : memref<!tpu.dma_semaphore, #tpu.memory_space<semaphore_mem>>) {add = true}
        %dma_wait3A_396 = arith.constant 0 : i32
        %dma_wait3A_397 = tpu.memref_slice %arg12[%run_scoped3A_334, %dma_wait3A_396] : memref<8x128xi32, #tpu.memory_space<vmem>> -> memref<1x128xi32, #tpu.memory_space<vmem>>
        %dma_wait3A_398 = tpu.memref_squeeze %dma_wait3A_397 : memref<1x128xi32, #tpu.memory_space<vmem>> -> memref<128xi32, #tpu.memory_space<vmem>>
        %dma_wait3A_399 = arith.constant 0 : i32
        %dma_wait3A_400 = tpu.memref_slice %arg11[%dma_wait3A_399] : memref<5120xf32, #tpu.memory_space<vmem_shared>> -> memref<5120xf32, #tpu.memory_space<vmem_shared>>
        tpu.wait_indirect_dma semaphore(%run_scoped3A_390 : memref<!tpu.dma_semaphore, #tpu.memory_space<semaphore_mem>>) src(%arg16 : memref<128xf32, #tpu.memory_space<vmem>>) dst(%dma_wait3A_400 : memref<5120xf32, #tpu.memory_space<vmem_shared>>)
        tpu.yield
      }) : () -> ()
      %add3A_335 = arith.constant 4 : i32
      %add3A_336 = arith.addi %add3A_319, %add3A_335 : i32
      %lt3A_337 = arith.constant 80 : i32
      %lt3A_338 = arith.cmpi slt, %add3A_336, %lt3A_337 : i32
      %convert_element_type3A_339 = arith.extui %lt3A_338 : i1 to i32
      %cond3A_340 = arith.constant 0 : i32
      %cond3A_341 = arith.cmpi ne, %convert_element_type3A_339, %cond3A_340 : i32
      scf.if %cond3A_341 {
        %add3A_390 = arith.constant 4 : i32
        %add3A_391 = arith.addi %add3A_319, %add3A_390 : i32
        %dma_start3A_392 = arith.constant 1 : i32
        %dma_start3A_393 = arith.constant 0 : i32
        %dma_start3A_394 = tpu.memref_slice %arg12[%dma_start3A_392, %dma_start3A_393] : memref<8x128xi32, #tpu.memory_space<vmem>> -> memref<1x128xi32, #tpu.memory_space<vmem>>
        %dma_start3A_395 = tpu.memref_squeeze %dma_start3A_394 : memref<1x128xi32, #tpu.memory_space<vmem>> -> memref<128xi32, #tpu.memory_space<vmem>>
        %dma_start3A_396 = arith.constant 0 : i32
        %dma_start3A_397 = tpu.memref_slice %arg3[%add3A, %add3A_391, %dma_start3A_396] : memref<32x80x128xi32, #tpu.memory_space<hbm>> -> memref<1x1x128xi32, #tpu.memory_space<hbm>>
        %dma_start3A_398 = tpu.memref_squeeze %dma_start3A_397 : memref<1x1x128xi32, #tpu.memory_space<hbm>> -> memref<128xi32, #tpu.memory_space<hbm>>
        %dma_start3A_399 = arith.constant 0 : i32
        %dma_start3A_400 = tpu.memref_slice %arg12[%dma_start3A_392, %dma_start3A_399] : memref<8x128xi32, #tpu.memory_space<vmem>> -> memref<1x128xi32, #tpu.memory_space<vmem>>
        %dma_start3A_401 = tpu.memref_squeeze %dma_start3A_400 : memref<1x128xi32, #tpu.memory_space<vmem>> -> memref<128xi32, #tpu.memory_space<vmem>>
        %dma_start3A_402 = arith.constant 0 : i32
        %dma_start3A_403 = tpu.memref_slice %arg3[%add3A, %add3A_391, %dma_start3A_402] : memref<32x80x128xi32, #tpu.memory_space<hbm>> -> memref<1x1x128xi32, #tpu.memory_space<hbm>>
        %dma_start3A_404 = tpu.memref_squeeze %dma_start3A_403 : memref<1x1x128xi32, #tpu.memory_space<hbm>> -> memref<128xi32, #tpu.memory_space<hbm>>
        tpu.enqueue_dma source(%dma_start3A_404 : memref<128xi32, #tpu.memory_space<hbm>>) target(%dma_start3A_401 : memref<128xi32, #tpu.memory_space<vmem>>) target_semaphore(%arg22 : memref<!tpu.dma_semaphore, #tpu.memory_space<semaphore_mem>>)
        %dma_start3A_405 = arith.constant 5 : i32
        %dma_start3A_406 = arith.constant 0 : i32
        %dma_start3A_407 = tpu.memref_slice %arg12[%dma_start3A_405, %dma_start3A_406] : memref<8x128xi32, #tpu.memory_space<vmem>> -> memref<1x128xi32, #tpu.memory_space<vmem>>
        %dma_start3A_408 = tpu.memref_squeeze %dma_start3A_407 : memref<1x128xi32, #tpu.memory_space<vmem>> -> memref<128xi32, #tpu.memory_space<vmem>>
        %dma_start3A_409 = arith.constant 0 : i32
        %dma_start3A_410 = tpu.memref_slice %arg4[%arg1, %add3A_391, %dma_start3A_409] : memref<16x80x128xi32, #tpu.memory_space<hbm>> -> memref<1x1x128xi32, #tpu.memory_space<hbm>>
        %dma_start3A_411 = tpu.memref_squeeze %dma_start3A_410 : memref<1x1x128xi32, #tpu.memory_space<hbm>> -> memref<128xi32, #tpu.memory_space<hbm>>
        %dma_start3A_412 = arith.constant 0 : i32
        %dma_start3A_413 = tpu.memref_slice %arg12[%dma_start3A_405, %dma_start3A_412] : memref<8x128xi32, #tpu.memory_space<vmem>> -> memref<1x128xi32, #tpu.memory_space<vmem>>
        %dma_start3A_414 = tpu.memref_squeeze %dma_start3A_413 : memref<1x128xi32, #tpu.memory_space<vmem>> -> memref<128xi32, #tpu.memory_space<vmem>>
        %dma_start3A_415 = arith.constant 0 : i32
        %dma_start3A_416 = tpu.memref_slice %arg4[%arg1, %add3A_391, %dma_start3A_415] : memref<16x80x128xi32, #tpu.memory_space<hbm>> -> memref<1x1x128xi32, #tpu.memory_space<hbm>>
        %dma_start3A_417 = tpu.memref_squeeze %dma_start3A_416 : memref<1x1x128xi32, #tpu.memory_space<hbm>> -> memref<128xi32, #tpu.memory_space<hbm>>
        tpu.enqueue_dma source(%dma_start3A_417 : memref<128xi32, #tpu.memory_space<hbm>>) target(%dma_start3A_414 : memref<128xi32, #tpu.memory_space<vmem>>) target_semaphore(%arg22 : memref<!tpu.dma_semaphore, #tpu.memory_space<semaphore_mem>>)
        %add3A_418 = arith.constant 4 : i32
        %add3A_419 = arith.addi %add3A_319, %add3A_418 : i32
        %dma_wait3A_420 = arith.constant 1 : i32
        %dma_wait3A_421 = arith.constant 0 : i32
        %dma_wait3A_422 = tpu.memref_slice %arg12[%dma_wait3A_420, %dma_wait3A_421] : memref<8x128xi32, #tpu.memory_space<vmem>> -> memref<1x128xi32, #tpu.memory_space<vmem>>
        %dma_wait3A_423 = tpu.memref_squeeze %dma_wait3A_422 : memref<1x128xi32, #tpu.memory_space<vmem>> -> memref<128xi32, #tpu.memory_space<vmem>>
        %dma_wait3A_424 = arith.constant 0 : i32
        %dma_wait3A_425 = tpu.memref_slice %arg3[%add3A, %add3A_419, %dma_wait3A_424] : memref<32x80x128xi32, #tpu.memory_space<hbm>> -> memref<1x1x128xi32, #tpu.memory_space<hbm>>
        %dma_wait3A_426 = tpu.memref_squeeze %dma_wait3A_425 : memref<1x1x128xi32, #tpu.memory_space<hbm>> -> memref<128xi32, #tpu.memory_space<hbm>>
        %dma_wait3A_427 = arith.constant 0 : i32
        %dma_wait3A_428 = tpu.memref_slice %arg12[%dma_wait3A_420, %dma_wait3A_427] : memref<8x128xi32, #tpu.memory_space<vmem>> -> memref<1x128xi32, #tpu.memory_space<vmem>>
        %dma_wait3A_429 = tpu.memref_squeeze %dma_wait3A_428 : memref<1x128xi32, #tpu.memory_space<vmem>> -> memref<128xi32, #tpu.memory_space<vmem>>
        %dma_wait3A_430 = arith.constant 0 : i32
        %dma_wait3A_431 = tpu.memref_slice %arg3[%add3A, %add3A_419, %dma_wait3A_430] : memref<32x80x128xi32, #tpu.memory_space<hbm>> -> memref<1x1x128xi32, #tpu.memory_space<hbm>>
        %dma_wait3A_432 = tpu.memref_squeeze %dma_wait3A_431 : memref<1x1x128xi32, #tpu.memory_space<hbm>> -> memref<128xi32, #tpu.memory_space<hbm>>
        tpu.wait_dma2 semaphore(%arg22 : memref<!tpu.dma_semaphore, #tpu.memory_space<semaphore_mem>>) src(%dma_wait3A_432 : memref<128xi32, #tpu.memory_space<hbm>>) dst(%dma_wait3A_429 : memref<128xi32, #tpu.memory_space<vmem>>)
        %dma_wait3A_433 = arith.constant 5 : i32
        %dma_wait3A_434 = arith.constant 0 : i32
        %dma_wait3A_435 = tpu.memref_slice %arg12[%dma_wait3A_433, %dma_wait3A_434] : memref<8x128xi32, #tpu.memory_space<vmem>> -> memref<1x128xi32, #tpu.memory_space<vmem>>
        %dma_wait3A_436 = tpu.memref_squeeze %dma_wait3A_435 : memref<1x128xi32, #tpu.memory_space<vmem>> -> memref<128xi32, #tpu.memory_space<vmem>>
        %dma_wait3A_437 = arith.constant 0 : i32
        %dma_wait3A_438 = tpu.memref_slice %arg4[%arg1, %add3A_419, %dma_wait3A_437] : memref<16x80x128xi32, #tpu.memory_space<hbm>> -> memref<1x1x128xi32, #tpu.memory_space<hbm>>
        %dma_wait3A_439 = tpu.memref_squeeze %dma_wait3A_438 : memref<1x1x128xi32, #tpu.memory_space<hbm>> -> memref<128xi32, #tpu.memory_space<hbm>>
        %dma_wait3A_440 = arith.constant 0 : i32
        %dma_wait3A_441 = tpu.memref_slice %arg12[%dma_wait3A_433, %dma_wait3A_440] : memref<8x128xi32, #tpu.memory_space<vmem>> -> memref<1x128xi32, #tpu.memory_space<vmem>>
        %dma_wait3A_442 = tpu.memref_squeeze %dma_wait3A_441 : memref<1x128xi32, #tpu.memory_space<vmem>> -> memref<128xi32, #tpu.memory_space<vmem>>
        %dma_wait3A_443 = arith.constant 0 : i32
        %dma_wait3A_444 = tpu.memref_slice %arg4[%arg1, %add3A_419, %dma_wait3A_443] : memref<16x80x128xi32, #tpu.memory_space<hbm>> -> memref<1x1x128xi32, #tpu.memory_space<hbm>>
        %dma_wait3A_445 = tpu.memref_squeeze %dma_wait3A_444 : memref<1x1x128xi32, #tpu.memory_space<hbm>> -> memref<128xi32, #tpu.memory_space<hbm>>
        tpu.wait_dma2 semaphore(%arg22 : memref<!tpu.dma_semaphore, #tpu.memory_space<semaphore_mem>>) src(%dma_wait3A_445 : memref<128xi32, #tpu.memory_space<hbm>>) dst(%dma_wait3A_442 : memref<128xi32, #tpu.memory_space<vmem>>)
        %dma_start3A_446 = arith.constant 1 : i32
        %dma_start3A_447 = arith.constant 1 : i32
        %dma_start3A_448 = arith.constant 0 : i32
        %dma_start3A_449 = arith.constant 0 : i32
        %dma_start3A_450 = tpu.memref_slice %arg13[%dma_start3A_447, %dma_start3A_448, %dma_start3A_449] : memref<4x128x128xf32, #tpu.memory_space<vmem>> -> memref<1x128x128xf32, #tpu.memory_space<vmem>>
        %dma_start3A_451 = tpu.memref_squeeze %dma_start3A_450 : memref<1x128x128xf32, #tpu.memory_space<vmem>> -> memref<128x128xf32, #tpu.memory_space<vmem>>
        %dma_start3A_452 = arith.constant 0 : i32
        %dma_start3A_453 = tpu.memref_slice %arg12[%dma_start3A_446, %dma_start3A_452] : memref<8x128xi32, #tpu.memory_space<vmem>> -> memref<1x128xi32, #tpu.memory_space<vmem>>
        %dma_start3A_454 = tpu.memref_squeeze %dma_start3A_453 : memref<1x128xi32, #tpu.memory_space<vmem>> -> memref<128xi32, #tpu.memory_space<vmem>>
        %dma_start3A_455 = arith.constant 0 : i32
        %dma_start3A_456 = arith.constant 0 : i32
        %dma_start3A_457 = tpu.memref_slice %arg2[%dma_start3A_455, %dma_start3A_456] : memref<20000x128xf32, #tpu.memory_space<hbm>> -> memref<20000x128xf32, #tpu.memory_space<hbm>>
        tpu.enqueue_indirect_dma source(%dma_start3A_457 : memref<20000x128xf32, #tpu.memory_space<hbm>>) target(%dma_start3A_451 : memref<128x128xf32, #tpu.memory_space<vmem>>) offsets(%dma_start3A_454 : memref<128xi32, #tpu.memory_space<vmem>>) semaphore(%arg18 : memref<!tpu.dma_semaphore, #tpu.memory_space<semaphore_mem>>)
      } else {
      }
      %add3A_342 = arith.constant 2 : i32
      %add3A_343 = arith.addi %mul3A_297, %add3A_342 : i32
      %dma_wait3A_344 = arith.constant 2 : i32
      %dma_wait3A_345 = arith.constant 2 : i32
      %dma_wait3A_346 = arith.constant 0 : i32
      %dma_wait3A_347 = arith.constant 0 : i32
      %dma_wait3A_348 = tpu.memref_slice %arg13[%dma_wait3A_345, %dma_wait3A_346, %dma_wait3A_347] : memref<4x128x128xf32, #tpu.memory_space<vmem>> -> memref<1x128x128xf32, #tpu.memory_space<vmem>>
      %dma_wait3A_349 = tpu.memref_squeeze %dma_wait3A_348 : memref<1x128x128xf32, #tpu.memory_space<vmem>> -> memref<128x128xf32, #tpu.memory_space<vmem>>
      %dma_wait3A_350 = arith.constant 0 : i32
      %dma_wait3A_351 = tpu.memref_slice %arg12[%dma_wait3A_344, %dma_wait3A_350] : memref<8x128xi32, #tpu.memory_space<vmem>> -> memref<1x128xi32, #tpu.memory_space<vmem>>
      %dma_wait3A_352 = tpu.memref_squeeze %dma_wait3A_351 : memref<1x128xi32, #tpu.memory_space<vmem>> -> memref<128xi32, #tpu.memory_space<vmem>>
      %dma_wait3A_353 = arith.constant 0 : i32
      %dma_wait3A_354 = arith.constant 0 : i32
      %dma_wait3A_355 = tpu.memref_slice %arg2[%dma_wait3A_353, %dma_wait3A_354] : memref<20000x128xf32, #tpu.memory_space<hbm>> -> memref<20000x128xf32, #tpu.memory_space<hbm>>
      tpu.wait_indirect_dma semaphore(%arg19 : memref<!tpu.dma_semaphore, #tpu.memory_space<semaphore_mem>>) src(%dma_wait3A_355 : memref<20000x128xf32, #tpu.memory_space<hbm>>) dst(%dma_wait3A_349 : memref<128x128xf32, #tpu.memory_space<vmem>>)
      %run_scoped3A_356 = arith.constant 2 : i32
      %run_scoped3A_357 = arith.constant 6 : i32
      "tpu.region"() ({
        %run_scoped3A_390 = tpu.sem_alloc : memref<!tpu.dma_semaphore, #tpu.memory_space<semaphore_mem>>
        %dma_start3A_391 = arith.constant 0 : i32
        %dma_start3A_392 = arith.constant 0 : i32
        %dma_start3A_393 = tpu.memref_slice %arg13[%run_scoped3A_356, %dma_start3A_391, %dma_start3A_392] : memref<4x128x128xf32, #tpu.memory_space<vmem>> -> memref<1x128x128xf32, #tpu.memory_space<vmem>>
        %dma_start3A_394 = tpu.memref_squeeze %dma_start3A_393 : memref<1x128x128xf32, #tpu.memory_space<vmem>> -> memref<128x128xf32, #tpu.memory_space<vmem>>
        %dma_start3A_395 = arith.constant 0 : i32
        %dma_start3A_396 = tpu.memref_slice %arg12[%run_scoped3A_357, %dma_start3A_395] : memref<8x128xi32, #tpu.memory_space<vmem>> -> memref<1x128xi32, #tpu.memory_space<vmem>>
        %dma_start3A_397 = tpu.memref_squeeze %dma_start3A_396 : memref<1x128xi32, #tpu.memory_space<vmem>> -> memref<128xi32, #tpu.memory_space<vmem>>
        %dma_start3A_398 = arith.constant 0 : i32
        %dma_start3A_399 = arith.constant 0 : i32
        %dma_start3A_400 = tpu.memref_slice %arg10[%dma_start3A_398, %dma_start3A_399] : memref<5120x128xf32, #tpu.memory_space<vmem_shared>> -> memref<5120x128xf32, #tpu.memory_space<vmem_shared>>
        tpu.enqueue_indirect_dma source(%dma_start3A_394 : memref<128x128xf32, #tpu.memory_space<vmem>>) target(%dma_start3A_400 : memref<5120x128xf32, #tpu.memory_space<vmem_shared>>) offsets(%dma_start3A_397 : memref<128xi32, #tpu.memory_space<vmem>>) semaphore(%run_scoped3A_390 : memref<!tpu.dma_semaphore, #tpu.memory_space<semaphore_mem>>) {add = true}
        %dma_wait3A_401 = arith.constant 0 : i32
        %dma_wait3A_402 = arith.constant 0 : i32
        %dma_wait3A_403 = tpu.memref_slice %arg13[%run_scoped3A_356, %dma_wait3A_401, %dma_wait3A_402] : memref<4x128x128xf32, #tpu.memory_space<vmem>> -> memref<1x128x128xf32, #tpu.memory_space<vmem>>
        %dma_wait3A_404 = tpu.memref_squeeze %dma_wait3A_403 : memref<1x128x128xf32, #tpu.memory_space<vmem>> -> memref<128x128xf32, #tpu.memory_space<vmem>>
        %dma_wait3A_405 = arith.constant 0 : i32
        %dma_wait3A_406 = tpu.memref_slice %arg12[%run_scoped3A_357, %dma_wait3A_405] : memref<8x128xi32, #tpu.memory_space<vmem>> -> memref<1x128xi32, #tpu.memory_space<vmem>>
        %dma_wait3A_407 = tpu.memref_squeeze %dma_wait3A_406 : memref<1x128xi32, #tpu.memory_space<vmem>> -> memref<128xi32, #tpu.memory_space<vmem>>
        %dma_wait3A_408 = arith.constant 0 : i32
        %dma_wait3A_409 = arith.constant 0 : i32
        %dma_wait3A_410 = tpu.memref_slice %arg10[%dma_wait3A_408, %dma_wait3A_409] : memref<5120x128xf32, #tpu.memory_space<vmem_shared>> -> memref<5120x128xf32, #tpu.memory_space<vmem_shared>>
        tpu.wait_indirect_dma semaphore(%run_scoped3A_390 : memref<!tpu.dma_semaphore, #tpu.memory_space<semaphore_mem>>) src(%dma_wait3A_404 : memref<128x128xf32, #tpu.memory_space<vmem>>) dst(%dma_wait3A_410 : memref<5120x128xf32, #tpu.memory_space<vmem_shared>>)
        tpu.yield
      }) : () -> ()
      %run_scoped3A_358 = arith.constant 6 : i32
      "tpu.region"() ({
        %run_scoped3A_390 = tpu.sem_alloc : memref<!tpu.dma_semaphore, #tpu.memory_space<semaphore_mem>>
        %dma_start3A_391 = arith.constant 0 : i32
        %dma_start3A_392 = tpu.memref_slice %arg12[%run_scoped3A_358, %dma_start3A_391] : memref<8x128xi32, #tpu.memory_space<vmem>> -> memref<1x128xi32, #tpu.memory_space<vmem>>
        %dma_start3A_393 = tpu.memref_squeeze %dma_start3A_392 : memref<1x128xi32, #tpu.memory_space<vmem>> -> memref<128xi32, #tpu.memory_space<vmem>>
        %dma_start3A_394 = arith.constant 0 : i32
        %dma_start3A_395 = tpu.memref_slice %arg11[%dma_start3A_394] : memref<5120xf32, #tpu.memory_space<vmem_shared>> -> memref<5120xf32, #tpu.memory_space<vmem_shared>>
        tpu.enqueue_indirect_dma source(%arg16 : memref<128xf32, #tpu.memory_space<vmem>>) target(%dma_start3A_395 : memref<5120xf32, #tpu.memory_space<vmem_shared>>) offsets(%dma_start3A_393 : memref<128xi32, #tpu.memory_space<vmem>>) semaphore(%run_scoped3A_390 : memref<!tpu.dma_semaphore, #tpu.memory_space<semaphore_mem>>) {add = true}
        %dma_wait3A_396 = arith.constant 0 : i32
        %dma_wait3A_397 = tpu.memref_slice %arg12[%run_scoped3A_358, %dma_wait3A_396] : memref<8x128xi32, #tpu.memory_space<vmem>> -> memref<1x128xi32, #tpu.memory_space<vmem>>
        %dma_wait3A_398 = tpu.memref_squeeze %dma_wait3A_397 : memref<1x128xi32, #tpu.memory_space<vmem>> -> memref<128xi32, #tpu.memory_space<vmem>>
        %dma_wait3A_399 = arith.constant 0 : i32
        %dma_wait3A_400 = tpu.memref_slice %arg11[%dma_wait3A_399] : memref<5120xf32, #tpu.memory_space<vmem_shared>> -> memref<5120xf32, #tpu.memory_space<vmem_shared>>
        tpu.wait_indirect_dma semaphore(%run_scoped3A_390 : memref<!tpu.dma_semaphore, #tpu.memory_space<semaphore_mem>>) src(%arg16 : memref<128xf32, #tpu.memory_space<vmem>>) dst(%dma_wait3A_400 : memref<5120xf32, #tpu.memory_space<vmem_shared>>)
        tpu.yield
      }) : () -> ()
      %add3A_359 = arith.constant 4 : i32
      %add3A_360 = arith.addi %add3A_343, %add3A_359 : i32
      %lt3A_361 = arith.constant 80 : i32
      %lt3A_362 = arith.cmpi slt, %add3A_360, %lt3A_361 : i32
      %convert_element_type3A_363 = arith.extui %lt3A_362 : i1 to i32
      %cond3A_364 = arith.constant 0 : i32
      %cond3A_365 = arith.cmpi ne, %convert_element_type3A_363, %cond3A_364 : i32
      scf.if %cond3A_365 {
        %add3A_390 = arith.constant 4 : i32
        %add3A_391 = arith.addi %add3A_343, %add3A_390 : i32
        %dma_start3A_392 = arith.constant 2 : i32
        %dma_start3A_393 = arith.constant 0 : i32
        %dma_start3A_394 = tpu.memref_slice %arg12[%dma_start3A_392, %dma_start3A_393] : memref<8x128xi32, #tpu.memory_space<vmem>> -> memref<1x128xi32, #tpu.memory_space<vmem>>
        %dma_start3A_395 = tpu.memref_squeeze %dma_start3A_394 : memref<1x128xi32, #tpu.memory_space<vmem>> -> memref<128xi32, #tpu.memory_space<vmem>>
        %dma_start3A_396 = arith.constant 0 : i32
        %dma_start3A_397 = tpu.memref_slice %arg3[%add3A, %add3A_391, %dma_start3A_396] : memref<32x80x128xi32, #tpu.memory_space<hbm>> -> memref<1x1x128xi32, #tpu.memory_space<hbm>>
        %dma_start3A_398 = tpu.memref_squeeze %dma_start3A_397 : memref<1x1x128xi32, #tpu.memory_space<hbm>> -> memref<128xi32, #tpu.memory_space<hbm>>
        %dma_start3A_399 = arith.constant 0 : i32
        %dma_start3A_400 = tpu.memref_slice %arg12[%dma_start3A_392, %dma_start3A_399] : memref<8x128xi32, #tpu.memory_space<vmem>> -> memref<1x128xi32, #tpu.memory_space<vmem>>
        %dma_start3A_401 = tpu.memref_squeeze %dma_start3A_400 : memref<1x128xi32, #tpu.memory_space<vmem>> -> memref<128xi32, #tpu.memory_space<vmem>>
        %dma_start3A_402 = arith.constant 0 : i32
        %dma_start3A_403 = tpu.memref_slice %arg3[%add3A, %add3A_391, %dma_start3A_402] : memref<32x80x128xi32, #tpu.memory_space<hbm>> -> memref<1x1x128xi32, #tpu.memory_space<hbm>>
        %dma_start3A_404 = tpu.memref_squeeze %dma_start3A_403 : memref<1x1x128xi32, #tpu.memory_space<hbm>> -> memref<128xi32, #tpu.memory_space<hbm>>
        tpu.enqueue_dma source(%dma_start3A_404 : memref<128xi32, #tpu.memory_space<hbm>>) target(%dma_start3A_401 : memref<128xi32, #tpu.memory_space<vmem>>) target_semaphore(%arg23 : memref<!tpu.dma_semaphore, #tpu.memory_space<semaphore_mem>>)
        %dma_start3A_405 = arith.constant 6 : i32
        %dma_start3A_406 = arith.constant 0 : i32
        %dma_start3A_407 = tpu.memref_slice %arg12[%dma_start3A_405, %dma_start3A_406] : memref<8x128xi32, #tpu.memory_space<vmem>> -> memref<1x128xi32, #tpu.memory_space<vmem>>
        %dma_start3A_408 = tpu.memref_squeeze %dma_start3A_407 : memref<1x128xi32, #tpu.memory_space<vmem>> -> memref<128xi32, #tpu.memory_space<vmem>>
        %dma_start3A_409 = arith.constant 0 : i32
        %dma_start3A_410 = tpu.memref_slice %arg4[%arg1, %add3A_391, %dma_start3A_409] : memref<16x80x128xi32, #tpu.memory_space<hbm>> -> memref<1x1x128xi32, #tpu.memory_space<hbm>>
        %dma_start3A_411 = tpu.memref_squeeze %dma_start3A_410 : memref<1x1x128xi32, #tpu.memory_space<hbm>> -> memref<128xi32, #tpu.memory_space<hbm>>
        %dma_start3A_412 = arith.constant 0 : i32
        %dma_start3A_413 = tpu.memref_slice %arg12[%dma_start3A_405, %dma_start3A_412] : memref<8x128xi32, #tpu.memory_space<vmem>> -> memref<1x128xi32, #tpu.memory_space<vmem>>
        %dma_start3A_414 = tpu.memref_squeeze %dma_start3A_413 : memref<1x128xi32, #tpu.memory_space<vmem>> -> memref<128xi32, #tpu.memory_space<vmem>>
        %dma_start3A_415 = arith.constant 0 : i32
        %dma_start3A_416 = tpu.memref_slice %arg4[%arg1, %add3A_391, %dma_start3A_415] : memref<16x80x128xi32, #tpu.memory_space<hbm>> -> memref<1x1x128xi32, #tpu.memory_space<hbm>>
        %dma_start3A_417 = tpu.memref_squeeze %dma_start3A_416 : memref<1x1x128xi32, #tpu.memory_space<hbm>> -> memref<128xi32, #tpu.memory_space<hbm>>
        tpu.enqueue_dma source(%dma_start3A_417 : memref<128xi32, #tpu.memory_space<hbm>>) target(%dma_start3A_414 : memref<128xi32, #tpu.memory_space<vmem>>) target_semaphore(%arg23 : memref<!tpu.dma_semaphore, #tpu.memory_space<semaphore_mem>>)
        %add3A_418 = arith.constant 4 : i32
        %add3A_419 = arith.addi %add3A_343, %add3A_418 : i32
        %dma_wait3A_420 = arith.constant 2 : i32
        %dma_wait3A_421 = arith.constant 0 : i32
        %dma_wait3A_422 = tpu.memref_slice %arg12[%dma_wait3A_420, %dma_wait3A_421] : memref<8x128xi32, #tpu.memory_space<vmem>> -> memref<1x128xi32, #tpu.memory_space<vmem>>
        %dma_wait3A_423 = tpu.memref_squeeze %dma_wait3A_422 : memref<1x128xi32, #tpu.memory_space<vmem>> -> memref<128xi32, #tpu.memory_space<vmem>>
        %dma_wait3A_424 = arith.constant 0 : i32
        %dma_wait3A_425 = tpu.memref_slice %arg3[%add3A, %add3A_419, %dma_wait3A_424] : memref<32x80x128xi32, #tpu.memory_space<hbm>> -> memref<1x1x128xi32, #tpu.memory_space<hbm>>
        %dma_wait3A_426 = tpu.memref_squeeze %dma_wait3A_425 : memref<1x1x128xi32, #tpu.memory_space<hbm>> -> memref<128xi32, #tpu.memory_space<hbm>>
        %dma_wait3A_427 = arith.constant 0 : i32
        %dma_wait3A_428 = tpu.memref_slice %arg12[%dma_wait3A_420, %dma_wait3A_427] : memref<8x128xi32, #tpu.memory_space<vmem>> -> memref<1x128xi32, #tpu.memory_space<vmem>>
        %dma_wait3A_429 = tpu.memref_squeeze %dma_wait3A_428 : memref<1x128xi32, #tpu.memory_space<vmem>> -> memref<128xi32, #tpu.memory_space<vmem>>
        %dma_wait3A_430 = arith.constant 0 : i32
        %dma_wait3A_431 = tpu.memref_slice %arg3[%add3A, %add3A_419, %dma_wait3A_430] : memref<32x80x128xi32, #tpu.memory_space<hbm>> -> memref<1x1x128xi32, #tpu.memory_space<hbm>>
        %dma_wait3A_432 = tpu.memref_squeeze %dma_wait3A_431 : memref<1x1x128xi32, #tpu.memory_space<hbm>> -> memref<128xi32, #tpu.memory_space<hbm>>
        tpu.wait_dma2 semaphore(%arg23 : memref<!tpu.dma_semaphore, #tpu.memory_space<semaphore_mem>>) src(%dma_wait3A_432 : memref<128xi32, #tpu.memory_space<hbm>>) dst(%dma_wait3A_429 : memref<128xi32, #tpu.memory_space<vmem>>)
        %dma_wait3A_433 = arith.constant 6 : i32
        %dma_wait3A_434 = arith.constant 0 : i32
        %dma_wait3A_435 = tpu.memref_slice %arg12[%dma_wait3A_433, %dma_wait3A_434] : memref<8x128xi32, #tpu.memory_space<vmem>> -> memref<1x128xi32, #tpu.memory_space<vmem>>
        %dma_wait3A_436 = tpu.memref_squeeze %dma_wait3A_435 : memref<1x128xi32, #tpu.memory_space<vmem>> -> memref<128xi32, #tpu.memory_space<vmem>>
        %dma_wait3A_437 = arith.constant 0 : i32
        %dma_wait3A_438 = tpu.memref_slice %arg4[%arg1, %add3A_419, %dma_wait3A_437] : memref<16x80x128xi32, #tpu.memory_space<hbm>> -> memref<1x1x128xi32, #tpu.memory_space<hbm>>
        %dma_wait3A_439 = tpu.memref_squeeze %dma_wait3A_438 : memref<1x1x128xi32, #tpu.memory_space<hbm>> -> memref<128xi32, #tpu.memory_space<hbm>>
        %dma_wait3A_440 = arith.constant 0 : i32
        %dma_wait3A_441 = tpu.memref_slice %arg12[%dma_wait3A_433, %dma_wait3A_440] : memref<8x128xi32, #tpu.memory_space<vmem>> -> memref<1x128xi32, #tpu.memory_space<vmem>>
        %dma_wait3A_442 = tpu.memref_squeeze %dma_wait3A_441 : memref<1x128xi32, #tpu.memory_space<vmem>> -> memref<128xi32, #tpu.memory_space<vmem>>
        %dma_wait3A_443 = arith.constant 0 : i32
        %dma_wait3A_444 = tpu.memref_slice %arg4[%arg1, %add3A_419, %dma_wait3A_443] : memref<16x80x128xi32, #tpu.memory_space<hbm>> -> memref<1x1x128xi32, #tpu.memory_space<hbm>>
        %dma_wait3A_445 = tpu.memref_squeeze %dma_wait3A_444 : memref<1x1x128xi32, #tpu.memory_space<hbm>> -> memref<128xi32, #tpu.memory_space<hbm>>
        tpu.wait_dma2 semaphore(%arg23 : memref<!tpu.dma_semaphore, #tpu.memory_space<semaphore_mem>>) src(%dma_wait3A_445 : memref<128xi32, #tpu.memory_space<hbm>>) dst(%dma_wait3A_442 : memref<128xi32, #tpu.memory_space<vmem>>)
        %dma_start3A_446 = arith.constant 2 : i32
        %dma_start3A_447 = arith.constant 2 : i32
        %dma_start3A_448 = arith.constant 0 : i32
        %dma_start3A_449 = arith.constant 0 : i32
        %dma_start3A_450 = tpu.memref_slice %arg13[%dma_start3A_447, %dma_start3A_448, %dma_start3A_449] : memref<4x128x128xf32, #tpu.memory_space<vmem>> -> memref<1x128x128xf32, #tpu.memory_space<vmem>>
        %dma_start3A_451 = tpu.memref_squeeze %dma_start3A_450 : memref<1x128x128xf32, #tpu.memory_space<vmem>> -> memref<128x128xf32, #tpu.memory_space<vmem>>
        %dma_start3A_452 = arith.constant 0 : i32
        %dma_start3A_453 = tpu.memref_slice %arg12[%dma_start3A_446, %dma_start3A_452] : memref<8x128xi32, #tpu.memory_space<vmem>> -> memref<1x128xi32, #tpu.memory_space<vmem>>
        %dma_start3A_454 = tpu.memref_squeeze %dma_start3A_453 : memref<1x128xi32, #tpu.memory_space<vmem>> -> memref<128xi32, #tpu.memory_space<vmem>>
        %dma_start3A_455 = arith.constant 0 : i32
        %dma_start3A_456 = arith.constant 0 : i32
        %dma_start3A_457 = tpu.memref_slice %arg2[%dma_start3A_455, %dma_start3A_456] : memref<20000x128xf32, #tpu.memory_space<hbm>> -> memref<20000x128xf32, #tpu.memory_space<hbm>>
        tpu.enqueue_indirect_dma source(%dma_start3A_457 : memref<20000x128xf32, #tpu.memory_space<hbm>>) target(%dma_start3A_451 : memref<128x128xf32, #tpu.memory_space<vmem>>) offsets(%dma_start3A_454 : memref<128xi32, #tpu.memory_space<vmem>>) semaphore(%arg19 : memref<!tpu.dma_semaphore, #tpu.memory_space<semaphore_mem>>)
      } else {
      }
      %add3A_366 = arith.constant 3 : i32
      %add3A_367 = arith.addi %mul3A_297, %add3A_366 : i32
      %dma_wait3A_368 = arith.constant 3 : i32
      %dma_wait3A_369 = arith.constant 3 : i32
      %dma_wait3A_370 = arith.constant 0 : i32
      %dma_wait3A_371 = arith.constant 0 : i32
      %dma_wait3A_372 = tpu.memref_slice %arg13[%dma_wait3A_369, %dma_wait3A_370, %dma_wait3A_371] : memref<4x128x128xf32, #tpu.memory_space<vmem>> -> memref<1x128x128xf32, #tpu.memory_space<vmem>>
      %dma_wait3A_373 = tpu.memref_squeeze %dma_wait3A_372 : memref<1x128x128xf32, #tpu.memory_space<vmem>> -> memref<128x128xf32, #tpu.memory_space<vmem>>
      %dma_wait3A_374 = arith.constant 0 : i32
      %dma_wait3A_375 = tpu.memref_slice %arg12[%dma_wait3A_368, %dma_wait3A_374] : memref<8x128xi32, #tpu.memory_space<vmem>> -> memref<1x128xi32, #tpu.memory_space<vmem>>
      %dma_wait3A_376 = tpu.memref_squeeze %dma_wait3A_375 : memref<1x128xi32, #tpu.memory_space<vmem>> -> memref<128xi32, #tpu.memory_space<vmem>>
      %dma_wait3A_377 = arith.constant 0 : i32
      %dma_wait3A_378 = arith.constant 0 : i32
      %dma_wait3A_379 = tpu.memref_slice %arg2[%dma_wait3A_377, %dma_wait3A_378] : memref<20000x128xf32, #tpu.memory_space<hbm>> -> memref<20000x128xf32, #tpu.memory_space<hbm>>
      tpu.wait_indirect_dma semaphore(%arg20 : memref<!tpu.dma_semaphore, #tpu.memory_space<semaphore_mem>>) src(%dma_wait3A_379 : memref<20000x128xf32, #tpu.memory_space<hbm>>) dst(%dma_wait3A_373 : memref<128x128xf32, #tpu.memory_space<vmem>>)
      %run_scoped3A_380 = arith.constant 3 : i32
      %run_scoped3A_381 = arith.constant 7 : i32
      "tpu.region"() ({
        %run_scoped3A_390 = tpu.sem_alloc : memref<!tpu.dma_semaphore, #tpu.memory_space<semaphore_mem>>
        %dma_start3A_391 = arith.constant 0 : i32
        %dma_start3A_392 = arith.constant 0 : i32
        %dma_start3A_393 = tpu.memref_slice %arg13[%run_scoped3A_380, %dma_start3A_391, %dma_start3A_392] : memref<4x128x128xf32, #tpu.memory_space<vmem>> -> memref<1x128x128xf32, #tpu.memory_space<vmem>>
        %dma_start3A_394 = tpu.memref_squeeze %dma_start3A_393 : memref<1x128x128xf32, #tpu.memory_space<vmem>> -> memref<128x128xf32, #tpu.memory_space<vmem>>
        %dma_start3A_395 = arith.constant 0 : i32
        %dma_start3A_396 = tpu.memref_slice %arg12[%run_scoped3A_381, %dma_start3A_395] : memref<8x128xi32, #tpu.memory_space<vmem>> -> memref<1x128xi32, #tpu.memory_space<vmem>>
        %dma_start3A_397 = tpu.memref_squeeze %dma_start3A_396 : memref<1x128xi32, #tpu.memory_space<vmem>> -> memref<128xi32, #tpu.memory_space<vmem>>
        %dma_start3A_398 = arith.constant 0 : i32
        %dma_start3A_399 = arith.constant 0 : i32
        %dma_start3A_400 = tpu.memref_slice %arg10[%dma_start3A_398, %dma_start3A_399] : memref<5120x128xf32, #tpu.memory_space<vmem_shared>> -> memref<5120x128xf32, #tpu.memory_space<vmem_shared>>
        tpu.enqueue_indirect_dma source(%dma_start3A_394 : memref<128x128xf32, #tpu.memory_space<vmem>>) target(%dma_start3A_400 : memref<5120x128xf32, #tpu.memory_space<vmem_shared>>) offsets(%dma_start3A_397 : memref<128xi32, #tpu.memory_space<vmem>>) semaphore(%run_scoped3A_390 : memref<!tpu.dma_semaphore, #tpu.memory_space<semaphore_mem>>) {add = true}
        %dma_wait3A_401 = arith.constant 0 : i32
        %dma_wait3A_402 = arith.constant 0 : i32
        %dma_wait3A_403 = tpu.memref_slice %arg13[%run_scoped3A_380, %dma_wait3A_401, %dma_wait3A_402] : memref<4x128x128xf32, #tpu.memory_space<vmem>> -> memref<1x128x128xf32, #tpu.memory_space<vmem>>
        %dma_wait3A_404 = tpu.memref_squeeze %dma_wait3A_403 : memref<1x128x128xf32, #tpu.memory_space<vmem>> -> memref<128x128xf32, #tpu.memory_space<vmem>>
        %dma_wait3A_405 = arith.constant 0 : i32
        %dma_wait3A_406 = tpu.memref_slice %arg12[%run_scoped3A_381, %dma_wait3A_405] : memref<8x128xi32, #tpu.memory_space<vmem>> -> memref<1x128xi32, #tpu.memory_space<vmem>>
        %dma_wait3A_407 = tpu.memref_squeeze %dma_wait3A_406 : memref<1x128xi32, #tpu.memory_space<vmem>> -> memref<128xi32, #tpu.memory_space<vmem>>
        %dma_wait3A_408 = arith.constant 0 : i32
        %dma_wait3A_409 = arith.constant 0 : i32
        %dma_wait3A_410 = tpu.memref_slice %arg10[%dma_wait3A_408, %dma_wait3A_409] : memref<5120x128xf32, #tpu.memory_space<vmem_shared>> -> memref<5120x128xf32, #tpu.memory_space<vmem_shared>>
        tpu.wait_indirect_dma semaphore(%run_scoped3A_390 : memref<!tpu.dma_semaphore, #tpu.memory_space<semaphore_mem>>) src(%dma_wait3A_404 : memref<128x128xf32, #tpu.memory_space<vmem>>) dst(%dma_wait3A_410 : memref<5120x128xf32, #tpu.memory_space<vmem_shared>>)
        tpu.yield
      }) : () -> ()
      %run_scoped3A_382 = arith.constant 7 : i32
      "tpu.region"() ({
        %run_scoped3A_390 = tpu.sem_alloc : memref<!tpu.dma_semaphore, #tpu.memory_space<semaphore_mem>>
        %dma_start3A_391 = arith.constant 0 : i32
        %dma_start3A_392 = tpu.memref_slice %arg12[%run_scoped3A_382, %dma_start3A_391] : memref<8x128xi32, #tpu.memory_space<vmem>> -> memref<1x128xi32, #tpu.memory_space<vmem>>
        %dma_start3A_393 = tpu.memref_squeeze %dma_start3A_392 : memref<1x128xi32, #tpu.memory_space<vmem>> -> memref<128xi32, #tpu.memory_space<vmem>>
        %dma_start3A_394 = arith.constant 0 : i32
        %dma_start3A_395 = tpu.memref_slice %arg11[%dma_start3A_394] : memref<5120xf32, #tpu.memory_space<vmem_shared>> -> memref<5120xf32, #tpu.memory_space<vmem_shared>>
        tpu.enqueue_indirect_dma source(%arg16 : memref<128xf32, #tpu.memory_space<vmem>>) target(%dma_start3A_395 : memref<5120xf32, #tpu.memory_space<vmem_shared>>) offsets(%dma_start3A_393 : memref<128xi32, #tpu.memory_space<vmem>>) semaphore(%run_scoped3A_390 : memref<!tpu.dma_semaphore, #tpu.memory_space<semaphore_mem>>) {add = true}
        %dma_wait3A_396 = arith.constant 0 : i32
        %dma_wait3A_397 = tpu.memref_slice %arg12[%run_scoped3A_382, %dma_wait3A_396] : memref<8x128xi32, #tpu.memory_space<vmem>> -> memref<1x128xi32, #tpu.memory_space<vmem>>
        %dma_wait3A_398 = tpu.memref_squeeze %dma_wait3A_397 : memref<1x128xi32, #tpu.memory_space<vmem>> -> memref<128xi32, #tpu.memory_space<vmem>>
        %dma_wait3A_399 = arith.constant 0 : i32
        %dma_wait3A_400 = tpu.memref_slice %arg11[%dma_wait3A_399] : memref<5120xf32, #tpu.memory_space<vmem_shared>> -> memref<5120xf32, #tpu.memory_space<vmem_shared>>
        tpu.wait_indirect_dma semaphore(%run_scoped3A_390 : memref<!tpu.dma_semaphore, #tpu.memory_space<semaphore_mem>>) src(%arg16 : memref<128xf32, #tpu.memory_space<vmem>>) dst(%dma_wait3A_400 : memref<5120xf32, #tpu.memory_space<vmem_shared>>)
        tpu.yield
      }) : () -> ()
      %add3A_383 = arith.constant 4 : i32
      %add3A_384 = arith.addi %add3A_367, %add3A_383 : i32
      %lt3A_385 = arith.constant 80 : i32
      %lt3A_386 = arith.cmpi slt, %add3A_384, %lt3A_385 : i32
      %convert_element_type3A_387 = arith.extui %lt3A_386 : i1 to i32
      %cond3A_388 = arith.constant 0 : i32
      %cond3A_389 = arith.cmpi ne, %convert_element_type3A_387, %cond3A_388 : i32
      scf.if %cond3A_389 {
        %add3A_390 = arith.constant 4 : i32
        %add3A_391 = arith.addi %add3A_367, %add3A_390 : i32
        %dma_start3A_392 = arith.constant 3 : i32
        %dma_start3A_393 = arith.constant 0 : i32
        %dma_start3A_394 = tpu.memref_slice %arg12[%dma_start3A_392, %dma_start3A_393] : memref<8x128xi32, #tpu.memory_space<vmem>> -> memref<1x128xi32, #tpu.memory_space<vmem>>
        %dma_start3A_395 = tpu.memref_squeeze %dma_start3A_394 : memref<1x128xi32, #tpu.memory_space<vmem>> -> memref<128xi32, #tpu.memory_space<vmem>>
        %dma_start3A_396 = arith.constant 0 : i32
        %dma_start3A_397 = tpu.memref_slice %arg3[%add3A, %add3A_391, %dma_start3A_396] : memref<32x80x128xi32, #tpu.memory_space<hbm>> -> memref<1x1x128xi32, #tpu.memory_space<hbm>>
        %dma_start3A_398 = tpu.memref_squeeze %dma_start3A_397 : memref<1x1x128xi32, #tpu.memory_space<hbm>> -> memref<128xi32, #tpu.memory_space<hbm>>
        %dma_start3A_399 = arith.constant 0 : i32
        %dma_start3A_400 = tpu.memref_slice %arg12[%dma_start3A_392, %dma_start3A_399] : memref<8x128xi32, #tpu.memory_space<vmem>> -> memref<1x128xi32, #tpu.memory_space<vmem>>
        %dma_start3A_401 = tpu.memref_squeeze %dma_start3A_400 : memref<1x128xi32, #tpu.memory_space<vmem>> -> memref<128xi32, #tpu.memory_space<vmem>>
        %dma_start3A_402 = arith.constant 0 : i32
        %dma_start3A_403 = tpu.memref_slice %arg3[%add3A, %add3A_391, %dma_start3A_402] : memref<32x80x128xi32, #tpu.memory_space<hbm>> -> memref<1x1x128xi32, #tpu.memory_space<hbm>>
        %dma_start3A_404 = tpu.memref_squeeze %dma_start3A_403 : memref<1x1x128xi32, #tpu.memory_space<hbm>> -> memref<128xi32, #tpu.memory_space<hbm>>
        tpu.enqueue_dma source(%dma_start3A_404 : memref<128xi32, #tpu.memory_space<hbm>>) target(%dma_start3A_401 : memref<128xi32, #tpu.memory_space<vmem>>) target_semaphore(%arg24 : memref<!tpu.dma_semaphore, #tpu.memory_space<semaphore_mem>>)
        %dma_start3A_405 = arith.constant 7 : i32
        %dma_start3A_406 = arith.constant 0 : i32
        %dma_start3A_407 = tpu.memref_slice %arg12[%dma_start3A_405, %dma_start3A_406] : memref<8x128xi32, #tpu.memory_space<vmem>> -> memref<1x128xi32, #tpu.memory_space<vmem>>
        %dma_start3A_408 = tpu.memref_squeeze %dma_start3A_407 : memref<1x128xi32, #tpu.memory_space<vmem>> -> memref<128xi32, #tpu.memory_space<vmem>>
        %dma_start3A_409 = arith.constant 0 : i32
        %dma_start3A_410 = tpu.memref_slice %arg4[%arg1, %add3A_391, %dma_start3A_409] : memref<16x80x128xi32, #tpu.memory_space<hbm>> -> memref<1x1x128xi32, #tpu.memory_space<hbm>>
        %dma_start3A_411 = tpu.memref_squeeze %dma_start3A_410 : memref<1x1x128xi32, #tpu.memory_space<hbm>> -> memref<128xi32, #tpu.memory_space<hbm>>
        %dma_start3A_412 = arith.constant 0 : i32
        %dma_start3A_413 = tpu.memref_slice %arg12[%dma_start3A_405, %dma_start3A_412] : memref<8x128xi32, #tpu.memory_space<vmem>> -> memref<1x128xi32, #tpu.memory_space<vmem>>
        %dma_start3A_414 = tpu.memref_squeeze %dma_start3A_413 : memref<1x128xi32, #tpu.memory_space<vmem>> -> memref<128xi32, #tpu.memory_space<vmem>>
        %dma_start3A_415 = arith.constant 0 : i32
        %dma_start3A_416 = tpu.memref_slice %arg4[%arg1, %add3A_391, %dma_start3A_415] : memref<16x80x128xi32, #tpu.memory_space<hbm>> -> memref<1x1x128xi32, #tpu.memory_space<hbm>>
        %dma_start3A_417 = tpu.memref_squeeze %dma_start3A_416 : memref<1x1x128xi32, #tpu.memory_space<hbm>> -> memref<128xi32, #tpu.memory_space<hbm>>
        tpu.enqueue_dma source(%dma_start3A_417 : memref<128xi32, #tpu.memory_space<hbm>>) target(%dma_start3A_414 : memref<128xi32, #tpu.memory_space<vmem>>) target_semaphore(%arg24 : memref<!tpu.dma_semaphore, #tpu.memory_space<semaphore_mem>>)
        %add3A_418 = arith.constant 4 : i32
        %add3A_419 = arith.addi %add3A_367, %add3A_418 : i32
        %dma_wait3A_420 = arith.constant 3 : i32
        %dma_wait3A_421 = arith.constant 0 : i32
        %dma_wait3A_422 = tpu.memref_slice %arg12[%dma_wait3A_420, %dma_wait3A_421] : memref<8x128xi32, #tpu.memory_space<vmem>> -> memref<1x128xi32, #tpu.memory_space<vmem>>
        %dma_wait3A_423 = tpu.memref_squeeze %dma_wait3A_422 : memref<1x128xi32, #tpu.memory_space<vmem>> -> memref<128xi32, #tpu.memory_space<vmem>>
        %dma_wait3A_424 = arith.constant 0 : i32
        %dma_wait3A_425 = tpu.memref_slice %arg3[%add3A, %add3A_419, %dma_wait3A_424] : memref<32x80x128xi32, #tpu.memory_space<hbm>> -> memref<1x1x128xi32, #tpu.memory_space<hbm>>
        %dma_wait3A_426 = tpu.memref_squeeze %dma_wait3A_425 : memref<1x1x128xi32, #tpu.memory_space<hbm>> -> memref<128xi32, #tpu.memory_space<hbm>>
        %dma_wait3A_427 = arith.constant 0 : i32
        %dma_wait3A_428 = tpu.memref_slice %arg12[%dma_wait3A_420, %dma_wait3A_427] : memref<8x128xi32, #tpu.memory_space<vmem>> -> memref<1x128xi32, #tpu.memory_space<vmem>>
        %dma_wait3A_429 = tpu.memref_squeeze %dma_wait3A_428 : memref<1x128xi32, #tpu.memory_space<vmem>> -> memref<128xi32, #tpu.memory_space<vmem>>
        %dma_wait3A_430 = arith.constant 0 : i32
        %dma_wait3A_431 = tpu.memref_slice %arg3[%add3A, %add3A_419, %dma_wait3A_430] : memref<32x80x128xi32, #tpu.memory_space<hbm>> -> memref<1x1x128xi32, #tpu.memory_space<hbm>>
        %dma_wait3A_432 = tpu.memref_squeeze %dma_wait3A_431 : memref<1x1x128xi32, #tpu.memory_space<hbm>> -> memref<128xi32, #tpu.memory_space<hbm>>
        tpu.wait_dma2 semaphore(%arg24 : memref<!tpu.dma_semaphore, #tpu.memory_space<semaphore_mem>>) src(%dma_wait3A_432 : memref<128xi32, #tpu.memory_space<hbm>>) dst(%dma_wait3A_429 : memref<128xi32, #tpu.memory_space<vmem>>)
        %dma_wait3A_433 = arith.constant 7 : i32
        %dma_wait3A_434 = arith.constant 0 : i32
        %dma_wait3A_435 = tpu.memref_slice %arg12[%dma_wait3A_433, %dma_wait3A_434] : memref<8x128xi32, #tpu.memory_space<vmem>> -> memref<1x128xi32, #tpu.memory_space<vmem>>
        %dma_wait3A_436 = tpu.memref_squeeze %dma_wait3A_435 : memref<1x128xi32, #tpu.memory_space<vmem>> -> memref<128xi32, #tpu.memory_space<vmem>>
        %dma_wait3A_437 = arith.constant 0 : i32
        %dma_wait3A_438 = tpu.memref_slice %arg4[%arg1, %add3A_419, %dma_wait3A_437] : memref<16x80x128xi32, #tpu.memory_space<hbm>> -> memref<1x1x128xi32, #tpu.memory_space<hbm>>
        %dma_wait3A_439 = tpu.memref_squeeze %dma_wait3A_438 : memref<1x1x128xi32, #tpu.memory_space<hbm>> -> memref<128xi32, #tpu.memory_space<hbm>>
        %dma_wait3A_440 = arith.constant 0 : i32
        %dma_wait3A_441 = tpu.memref_slice %arg12[%dma_wait3A_433, %dma_wait3A_440] : memref<8x128xi32, #tpu.memory_space<vmem>> -> memref<1x128xi32, #tpu.memory_space<vmem>>
        %dma_wait3A_442 = tpu.memref_squeeze %dma_wait3A_441 : memref<1x128xi32, #tpu.memory_space<vmem>> -> memref<128xi32, #tpu.memory_space<vmem>>
        %dma_wait3A_443 = arith.constant 0 : i32
        %dma_wait3A_444 = tpu.memref_slice %arg4[%arg1, %add3A_419, %dma_wait3A_443] : memref<16x80x128xi32, #tpu.memory_space<hbm>> -> memref<1x1x128xi32, #tpu.memory_space<hbm>>
        %dma_wait3A_445 = tpu.memref_squeeze %dma_wait3A_444 : memref<1x1x128xi32, #tpu.memory_space<hbm>> -> memref<128xi32, #tpu.memory_space<hbm>>
        tpu.wait_dma2 semaphore(%arg24 : memref<!tpu.dma_semaphore, #tpu.memory_space<semaphore_mem>>) src(%dma_wait3A_445 : memref<128xi32, #tpu.memory_space<hbm>>) dst(%dma_wait3A_442 : memref<128xi32, #tpu.memory_space<vmem>>)
        %dma_start3A_446 = arith.constant 3 : i32
        %dma_start3A_447 = arith.constant 3 : i32
        %dma_start3A_448 = arith.constant 0 : i32
        %dma_start3A_449 = arith.constant 0 : i32
        %dma_start3A_450 = tpu.memref_slice %arg13[%dma_start3A_447, %dma_start3A_448, %dma_start3A_449] : memref<4x128x128xf32, #tpu.memory_space<vmem>> -> memref<1x128x128xf32, #tpu.memory_space<vmem>>
        %dma_start3A_451 = tpu.memref_squeeze %dma_start3A_450 : memref<1x128x128xf32, #tpu.memory_space<vmem>> -> memref<128x128xf32, #tpu.memory_space<vmem>>
        %dma_start3A_452 = arith.constant 0 : i32
        %dma_start3A_453 = tpu.memref_slice %arg12[%dma_start3A_446, %dma_start3A_452] : memref<8x128xi32, #tpu.memory_space<vmem>> -> memref<1x128xi32, #tpu.memory_space<vmem>>
        %dma_start3A_454 = tpu.memref_squeeze %dma_start3A_453 : memref<1x128xi32, #tpu.memory_space<vmem>> -> memref<128xi32, #tpu.memory_space<vmem>>
        %dma_start3A_455 = arith.constant 0 : i32
        %dma_start3A_456 = arith.constant 0 : i32
        %dma_start3A_457 = tpu.memref_slice %arg2[%dma_start3A_455, %dma_start3A_456] : memref<20000x128xf32, #tpu.memory_space<hbm>> -> memref<20000x128xf32, #tpu.memory_space<hbm>>
        tpu.enqueue_indirect_dma source(%dma_start3A_457 : memref<20000x128xf32, #tpu.memory_space<hbm>>) target(%dma_start3A_451 : memref<128x128xf32, #tpu.memory_space<vmem>>) offsets(%dma_start3A_454 : memref<128xi32, #tpu.memory_space<vmem>>) semaphore(%arg20 : memref<!tpu.dma_semaphore, #tpu.memory_space<semaphore_mem>>)
      } else {
      }
    }
    %scan3A_278 = arith.constant 20 : i32
    %barrier3A_279 = arith.constant 0 : index
    tpu.barrier barrier_id(%barrier3A_279)
    "tpu.trace_stop"() : () -> ()
    %mul3A_280 = arith.constant 320 : i32
    %mul3A_281 = arith.muli %arg1, %mul3A_280 : i32
    "tpu.region"() ({
      %run_scoped3A = tpu.sem_alloc : memref<!tpu.dma_semaphore, #tpu.memory_space<semaphore_mem>>
      %dma_start3A_291 = tpu.memref_slice %arg5[%mul3A_281] : memref<5120xf32, #tpu.memory_space<hbm>> -> memref<320xf32, #tpu.memory_space<hbm>>
      %dma_start3A_292 = tpu.memref_slice %arg5[%mul3A_281] : memref<5120xf32, #tpu.memory_space<hbm>> -> memref<320xf32, #tpu.memory_space<hbm>>
      tpu.enqueue_dma source(%dma_start3A_292 : memref<320xf32, #tpu.memory_space<hbm>>) target(%arg14 : memref<320xf32, #tpu.memory_space<vmem>>) target_semaphore(%run_scoped3A : memref<!tpu.dma_semaphore, #tpu.memory_space<semaphore_mem>>)
      %dma_wait3A_293 = tpu.memref_slice %arg5[%mul3A_281] : memref<5120xf32, #tpu.memory_space<hbm>> -> memref<320xf32, #tpu.memory_space<hbm>>
      %dma_wait3A_294 = tpu.memref_slice %arg5[%mul3A_281] : memref<5120xf32, #tpu.memory_space<hbm>> -> memref<320xf32, #tpu.memory_space<hbm>>
      tpu.wait_dma2 semaphore(%run_scoped3A : memref<!tpu.dma_semaphore, #tpu.memory_space<semaphore_mem>>) src(%dma_wait3A_294 : memref<320xf32, #tpu.memory_space<hbm>>) dst(%arg14 : memref<320xf32, #tpu.memory_space<vmem>>)
      tpu.yield
    }) : () -> ()
    "tpu.trace_start"() <{level = 10 : i32, message = "scale"}> : () -> ()
    %scan3A_282 = arith.constant 0 : i32
    %scan3A_283 = arith.constant 0 : i32
    %scan3A_284 = arith.constant 20 : i32
    %scan3A_285 = arith.addi %scan3A_283, %scan3A_284 : i32
    %scan3A_286 = arith.constant 1 : i32
    scf.for %scan3A_291 = %scan3A_283 to %scan3A_285 step %scan3A_286  : i32 {
      %mul3A_292 = arith.constant 1 : i32
      %mul3A_293 = arith.muli %scan3A_291, %mul3A_292 : i32
      %add3A_294 = arith.constant 0 : i32
      %add3A_295 = arith.addi %add3A_294, %mul3A_293 : i32
      %mul3A_296 = arith.constant 16 : i32
      %mul3A_297 = arith.muli %add3A_295, %mul3A_296 : i32
      %add3A_298 = arith.addi %mul3A_281, %mul3A_297 : i32
      "tpu.region"() ({
        %run_scoped3A = tpu.sem_alloc : memref<!tpu.dma_semaphore, #tpu.memory_space<semaphore_mem>>
        %dma_start3A_3025 = arith.constant 0 : i32
        %dma_start3A_3026 = arith.constant 0 : i32
        %dma_start3A_3027 = tpu.memref_slice %arg13[%scan3A_282, %dma_start3A_3025, %dma_start3A_3026] : memref<4x128x128xf32, #tpu.memory_space<vmem>> -> memref<1x16x128xf32, #tpu.memory_space<vmem>>
        %dma_start3A_3028 = tpu.memref_squeeze %dma_start3A_3027 : memref<1x16x128xf32, #tpu.memory_space<vmem>> -> memref<16x128xf32, #tpu.memory_space<vmem>>
        %dma_start3A_3029 = arith.constant 0 : i32
        %dma_start3A_3030 = tpu.memref_slice %arg10[%add3A_298, %dma_start3A_3029] : memref<5120x128xf32, #tpu.memory_space<vmem_shared>> -> memref<16x128xf32, #tpu.memory_space<vmem_shared>>
        %dma_start3A_3031 = arith.constant 0 : i32
        %dma_start3A_3032 = arith.constant 0 : i32
        %dma_start3A_3033 = tpu.memref_slice %arg13[%scan3A_282, %dma_start3A_3031, %dma_start3A_3032] : memref<4x128x128xf32, #tpu.memory_space<vmem>> -> memref<1x16x128xf32, #tpu.memory_space<vmem>>
        %dma_start3A_3034 = tpu.memref_squeeze %dma_start3A_3033 : memref<1x16x128xf32, #tpu.memory_space<vmem>> -> memref<16x128xf32, #tpu.memory_space<vmem>>
        %dma_start3A_3035 = arith.constant 0 : i32
        %dma_start3A_3036 = tpu.memref_slice %arg10[%add3A_298, %dma_start3A_3035] : memref<5120x128xf32, #tpu.memory_space<vmem_shared>> -> memref<16x128xf32, #tpu.memory_space<vmem_shared>>
        tpu.enqueue_dma source(%dma_start3A_3036 : memref<16x128xf32, #tpu.memory_space<vmem_shared>>) target(%dma_start3A_3034 : memref<16x128xf32, #tpu.memory_space<vmem>>) target_semaphore(%run_scoped3A : memref<!tpu.dma_semaphore, #tpu.memory_space<semaphore_mem>>)
        %dma_wait3A_3037 = arith.constant 0 : i32
        %dma_wait3A_3038 = arith.constant 0 : i32
        %dma_wait3A_3039 = tpu.memref_slice %arg13[%scan3A_282, %dma_wait3A_3037, %dma_wait3A_3038] : memref<4x128x128xf32, #tpu.memory_space<vmem>> -> memref<1x16x128xf32, #tpu.memory_space<vmem>>
        %dma_wait3A_3040 = tpu.memref_squeeze %dma_wait3A_3039 : memref<1x16x128xf32, #tpu.memory_space<vmem>> -> memref<16x128xf32, #tpu.memory_space<vmem>>
        %dma_wait3A_3041 = arith.constant 0 : i32
        %dma_wait3A_3042 = tpu.memref_slice %arg10[%add3A_298, %dma_wait3A_3041] : memref<5120x128xf32, #tpu.memory_space<vmem_shared>> -> memref<16x128xf32, #tpu.memory_space<vmem_shared>>
        %dma_wait3A_3043 = arith.constant 0 : i32
        %dma_wait3A_3044 = arith.constant 0 : i32
        %dma_wait3A_3045 = tpu.memref_slice %arg13[%scan3A_282, %dma_wait3A_3043, %dma_wait3A_3044] : memref<4x128x128xf32, #tpu.memory_space<vmem>> -> memref<1x16x128xf32, #tpu.memory_space<vmem>>
        %dma_wait3A_3046 = tpu.memref_squeeze %dma_wait3A_3045 : memref<1x16x128xf32, #tpu.memory_space<vmem>> -> memref<16x128xf32, #tpu.memory_space<vmem>>
        %dma_wait3A_3047 = arith.constant 0 : i32
        %dma_wait3A_3048 = tpu.memref_slice %arg10[%add3A_298, %dma_wait3A_3047] : memref<5120x128xf32, #tpu.memory_space<vmem_shared>> -> memref<16x128xf32, #tpu.memory_space<vmem_shared>>
        tpu.wait_dma2 semaphore(%run_scoped3A : memref<!tpu.dma_semaphore, #tpu.memory_space<semaphore_mem>>) src(%dma_wait3A_3048 : memref<16x128xf32, #tpu.memory_space<vmem_shared>>) dst(%dma_wait3A_3046 : memref<16x128xf32, #tpu.memory_space<vmem>>)
        tpu.yield
      }) : () -> ()
      "tpu.region"() ({
        %run_scoped3A = tpu.sem_alloc : memref<!tpu.dma_semaphore, #tpu.memory_space<semaphore_mem>>
        %dma_start3A_3025 = tpu.memref_slice %arg11[%add3A_298] : memref<5120xf32, #tpu.memory_space<vmem_shared>> -> memref<16xf32, #tpu.memory_space<vmem_shared>>
        %dma_start3A_3026 = tpu.memref_slice %arg11[%add3A_298] : memref<5120xf32, #tpu.memory_space<vmem_shared>> -> memref<16xf32, #tpu.memory_space<vmem_shared>>
        tpu.enqueue_dma source(%dma_start3A_3026 : memref<16xf32, #tpu.memory_space<vmem_shared>>) target(%arg15 : memref<16xf32, #tpu.memory_space<vmem>>) target_semaphore(%run_scoped3A : memref<!tpu.dma_semaphore, #tpu.memory_space<semaphore_mem>>)
        %dma_wait3A_3027 = tpu.memref_slice %arg11[%add3A_298] : memref<5120xf32, #tpu.memory_space<vmem_shared>> -> memref<16xf32, #tpu.memory_space<vmem_shared>>
        %dma_wait3A_3028 = tpu.memref_slice %arg11[%add3A_298] : memref<5120xf32, #tpu.memory_space<vmem_shared>> -> memref<16xf32, #tpu.memory_space<vmem_shared>>
        tpu.wait_dma2 semaphore(%run_scoped3A : memref<!tpu.dma_semaphore, #tpu.memory_space<semaphore_mem>>) src(%dma_wait3A_3028 : memref<16xf32, #tpu.memory_space<vmem_shared>>) dst(%arg15 : memref<16xf32, #tpu.memory_space<vmem>>)
        tpu.yield
      }) : () -> ()
      %get3A = arith.constant 0 : index
      %get3A_299 = tpu.vector_load %arg15[%get3A] {strides = array<i32>} : memref<16xf32, #tpu.memory_space<vmem>>, vector<16xf32>,
      %get3A_300 = vector.shape_cast %get3A_299 : vector<16xf32> to vector<16xf32>
      %mul3A_301 = arith.constant 16 : i32
      %mul3A_302 = arith.muli %add3A_295, %mul3A_301 : i32
      %get3A_303 = arith.index_cast %mul3A_302 : i32 to index
      %get3A_304 = tpu.vector_load %arg14[%get3A_303] {strides = array<i32>} : memref<320xf32, #tpu.memory_space<vmem>>, vector<16xf32>,
      %get3A_305 = vector.shape_cast %get3A_304 : vector<16xf32> to vector<16xf32>
      %max3A = arith.constant 1.000000e+00 : f32
      %max3A_306 = vector.broadcast %max3A : f32 to vector<16xf32>
      %max3A_307 = arith.maximumf %get3A_300, %max3A_306 : vector<16xf32>
      %div3A = arith.divf %get3A_305, %max3A_307 : vector<16xf32>
      %slice3A = vector.extract_strided_slice %div3A {offsets = [0], sizes = [1], strides = [1]} : vector<16xf32> to vector<1xf32>
      %squeeze3A = vector.extract %slice3A[0] : f32 from vector<1xf32>
      %get3A_308 = arith.constant 0 : i32
      %get3A_309 = arith.constant 0 : i32
      %get3A_310 = arith.constant 0 : i32
      %get3A_311 = tpu.memref_slice %arg13[%scan3A_282, %get3A_309, %get3A_310] : memref<4x128x128xf32, #tpu.memory_space<vmem>> -> memref<1x16x128xf32, #tpu.memory_space<vmem>>
      %get3A_312 = tpu.memref_squeeze %get3A_311 : memref<1x16x128xf32, #tpu.memory_space<vmem>> -> memref<16x128xf32, #tpu.memory_space<vmem>>
      %get3A_313 = arith.index_cast %get3A_308 : i32 to index
      %get3A_314 = arith.constant 0 : index
      %get3A_315 = tpu.vector_load %get3A_312[%get3A_313, %get3A_314] {strides = array<i32>} : memref<16x128xf32, #tpu.memory_space<vmem>>, vector<1x16xf32>,
      %get3A_316 = vector.shape_cast %get3A_315 : vector<1x16xf32> to vector<16xf32>
      %mul3A_317 = vector.broadcast %squeeze3A : f32 to vector<16xf32>
      %mul3A_318 = arith.mulf %get3A_316, %mul3A_317 : vector<16xf32>
      %swap3A = arith.constant 0 : i32
      %swap3A_319 = arith.constant 0 : i32
      %swap3A_320 = arith.constant 0 : i32
      %swap3A_321 = tpu.memref_slice %arg13[%scan3A_282, %swap3A_319, %swap3A_320] : memref<4x128x128xf32, #tpu.memory_space<vmem>> -> memref<1x16x128xf32, #tpu.memory_space<vmem>>
      %swap3A_322 = tpu.memref_squeeze %swap3A_321 : memref<1x16x128xf32, #tpu.memory_space<vmem>> -> memref<16x128xf32, #tpu.memory_space<vmem>>
      %swap3A_323 = arith.index_cast %swap3A : i32 to index
      %swap3A_324 = arith.constant 0 : index
      %swap3A_325 = tpu.vector_load %swap3A_322[%swap3A_323, %swap3A_324] {strides = array<i32>} : memref<16x128xf32, #tpu.memory_space<vmem>>, vector<1x16xf32>,
      %swap3A_326 = vector.shape_cast %swap3A_325 : vector<1x16xf32> to vector<16xf32>
      %swap3A_327 = vector.shape_cast %mul3A_318 : vector<16xf32> to vector<1x16xf32>
      tpu.vector_store %swap3A_322[%swap3A_323, %swap3A_324], %swap3A_327 {strides = array<i32>} : memref<16x128xf32, #tpu.memory_space<vmem>>, vector<1x16xf32>,
      %get3A_328 = arith.constant 0 : i32
      %get3A_329 = arith.constant 0 : i32
      %get3A_330 = arith.constant 0 : i32
      %get3A_331 = tpu.memref_slice %arg13[%scan3A_282, %get3A_329, %get3A_330] : memref<4x128x128xf32, #tpu.memory_space<vmem>> -> memref<1x16x128xf32, #tpu.memory_space<vmem>>
      %get3A_332 = tpu.memref_squeeze %get3A_331 : memref<1x16x128xf32, #tpu.memory_space<vmem>> -> memref<16x128xf32, #tpu.memory_space<vmem>>
      %get3A_333 = arith.index_cast %get3A_328 : i32 to index
      %get3A_334 = arith.constant 16 : index
      %get3A_335 = tpu.vector_load %get3A_332[%get3A_333, %get3A_334] {strides = array<i32>} : memref<16x128xf32, #tpu.memory_space<vmem>>, vector<1x16xf32>,
      %get3A_336 = vector.shape_cast %get3A_335 : vector<1x16xf32> to vector<16xf32>
      %mul3A_337 = vector.broadcast %squeeze3A : f32 to vector<16xf32>
      %mul3A_338 = arith.mulf %get3A_336, %mul3A_337 : vector<16xf32>
      %swap3A_339 = arith.constant 0 : i32
      %swap3A_340 = arith.constant 0 : i32
      %swap3A_341 = arith.constant 0 : i32
      %swap3A_342 = tpu.memref_slice %arg13[%scan3A_282, %swap3A_340, %swap3A_341] : memref<4x128x128xf32, #tpu.memory_space<vmem>> -> memref<1x16x128xf32, #tpu.memory_space<vmem>>
      %swap3A_343 = tpu.memref_squeeze %swap3A_342 : memref<1x16x128xf32, #tpu.memory_space<vmem>> -> memref<16x128xf32, #tpu.memory_space<vmem>>
      %swap3A_344 = arith.index_cast %swap3A_339 : i32 to index
      %swap3A_345 = arith.constant 16 : index
      %swap3A_346 = tpu.vector_load %swap3A_343[%swap3A_344, %swap3A_345] {strides = array<i32>} : memref<16x128xf32, #tpu.memory_space<vmem>>, vector<1x16xf32>,
      %swap3A_347 = vector.shape_cast %swap3A_346 : vector<1x16xf32> to vector<16xf32>
      %swap3A_348 = vector.shape_cast %mul3A_338 : vector<16xf32> to vector<1x16xf32>
      tpu.vector_store %swap3A_343[%swap3A_344, %swap3A_345], %swap3A_348 {strides = array<i32>} : memref<16x128xf32, #tpu.memory_space<vmem>>, vector<1x16xf32>,
      %get3A_349 = arith.constant 0 : i32
      %get3A_350 = arith.constant 0 : i32
      %get3A_351 = arith.constant 0 : i32
      %get3A_352 = tpu.memref_slice %arg13[%scan3A_282, %get3A_350, %get3A_351] : memref<4x128x128xf32, #tpu.memory_space<vmem>> -> memref<1x16x128xf32, #tpu.memory_space<vmem>>
      %get3A_353 = tpu.memref_squeeze %get3A_352 : memref<1x16x128xf32, #tpu.memory_space<vmem>> -> memref<16x128xf32, #tpu.memory_space<vmem>>
      %get3A_354 = arith.index_cast %get3A_349 : i32 to index
      %get3A_355 = arith.constant 32 : index
      %get3A_356 = tpu.vector_load %get3A_353[%get3A_354, %get3A_355] {strides = array<i32>} : memref<16x128xf32, #tpu.memory_space<vmem>>, vector<1x16xf32>,
      %get3A_357 = vector.shape_cast %get3A_356 : vector<1x16xf32> to vector<16xf32>
      %mul3A_358 = vector.broadcast %squeeze3A : f32 to vector<16xf32>
      %mul3A_359 = arith.mulf %get3A_357, %mul3A_358 : vector<16xf32>
      %swap3A_360 = arith.constant 0 : i32
      %swap3A_361 = arith.constant 0 : i32
      %swap3A_362 = arith.constant 0 : i32
      %swap3A_363 = tpu.memref_slice %arg13[%scan3A_282, %swap3A_361, %swap3A_362] : memref<4x128x128xf32, #tpu.memory_space<vmem>> -> memref<1x16x128xf32, #tpu.memory_space<vmem>>
      %swap3A_364 = tpu.memref_squeeze %swap3A_363 : memref<1x16x128xf32, #tpu.memory_space<vmem>> -> memref<16x128xf32, #tpu.memory_space<vmem>>
      %swap3A_365 = arith.index_cast %swap3A_360 : i32 to index
      %swap3A_366 = arith.constant 32 : index
      %swap3A_367 = tpu.vector_load %swap3A_364[%swap3A_365, %swap3A_366] {strides = array<i32>} : memref<16x128xf32, #tpu.memory_space<vmem>>, vector<1x16xf32>,
      %swap3A_368 = vector.shape_cast %swap3A_367 : vector<1x16xf32> to vector<16xf32>
      %swap3A_369 = vector.shape_cast %mul3A_359 : vector<16xf32> to vector<1x16xf32>
      tpu.vector_store %swap3A_364[%swap3A_365, %swap3A_366], %swap3A_369 {strides = array<i32>} : memref<16x128xf32, #tpu.memory_space<vmem>>, vector<1x16xf32>,
      %get3A_370 = arith.constant 0 : i32
      %get3A_371 = arith.constant 0 : i32
      %get3A_372 = arith.constant 0 : i32
      %get3A_373 = tpu.memref_slice %arg13[%scan3A_282, %get3A_371, %get3A_372] : memref<4x128x128xf32, #tpu.memory_space<vmem>> -> memref<1x16x128xf32, #tpu.memory_space<vmem>>
      %get3A_374 = tpu.memref_squeeze %get3A_373 : memref<1x16x128xf32, #tpu.memory_space<vmem>> -> memref<16x128xf32, #tpu.memory_space<vmem>>
      %get3A_375 = arith.index_cast %get3A_370 : i32 to index
      %get3A_376 = arith.constant 48 : index
      %get3A_377 = tpu.vector_load %get3A_374[%get3A_375, %get3A_376] {strides = array<i32>} : memref<16x128xf32, #tpu.memory_space<vmem>>, vector<1x16xf32>,
      %get3A_378 = vector.shape_cast %get3A_377 : vector<1x16xf32> to vector<16xf32>
      %mul3A_379 = vector.broadcast %squeeze3A : f32 to vector<16xf32>
      %mul3A_380 = arith.mulf %get3A_378, %mul3A_379 : vector<16xf32>
      %swap3A_381 = arith.constant 0 : i32
      %swap3A_382 = arith.constant 0 : i32
      %swap3A_383 = arith.constant 0 : i32
      %swap3A_384 = tpu.memref_slice %arg13[%scan3A_282, %swap3A_382, %swap3A_383] : memref<4x128x128xf32, #tpu.memory_space<vmem>> -> memref<1x16x128xf32, #tpu.memory_space<vmem>>
      %swap3A_385 = tpu.memref_squeeze %swap3A_384 : memref<1x16x128xf32, #tpu.memory_space<vmem>> -> memref<16x128xf32, #tpu.memory_space<vmem>>
      %swap3A_386 = arith.index_cast %swap3A_381 : i32 to index
      %swap3A_387 = arith.constant 48 : index
      %swap3A_388 = tpu.vector_load %swap3A_385[%swap3A_386, %swap3A_387] {strides = array<i32>} : memref<16x128xf32, #tpu.memory_space<vmem>>, vector<1x16xf32>,
      %swap3A_389 = vector.shape_cast %swap3A_388 : vector<1x16xf32> to vector<16xf32>
      %swap3A_390 = vector.shape_cast %mul3A_380 : vector<16xf32> to vector<1x16xf32>
      tpu.vector_store %swap3A_385[%swap3A_386, %swap3A_387], %swap3A_390 {strides = array<i32>} : memref<16x128xf32, #tpu.memory_space<vmem>>, vector<1x16xf32>,
      %get3A_391 = arith.constant 0 : i32
      %get3A_392 = arith.constant 0 : i32
      %get3A_393 = arith.constant 0 : i32
      %get3A_394 = tpu.memref_slice %arg13[%scan3A_282, %get3A_392, %get3A_393] : memref<4x128x128xf32, #tpu.memory_space<vmem>> -> memref<1x16x128xf32, #tpu.memory_space<vmem>>
      %get3A_395 = tpu.memref_squeeze %get3A_394 : memref<1x16x128xf32, #tpu.memory_space<vmem>> -> memref<16x128xf32, #tpu.memory_space<vmem>>
      %get3A_396 = arith.index_cast %get3A_391 : i32 to index
      %get3A_397 = arith.constant 64 : index
      %get3A_398 = tpu.vector_load %get3A_395[%get3A_396, %get3A_397] {strides = array<i32>} : memref<16x128xf32, #tpu.memory_space<vmem>>, vector<1x16xf32>,
      %get3A_399 = vector.shape_cast %get3A_398 : vector<1x16xf32> to vector<16xf32>
      %mul3A_400 = vector.broadcast %squeeze3A : f32 to vector<16xf32>
      %mul3A_401 = arith.mulf %get3A_399, %mul3A_400 : vector<16xf32>
      %swap3A_402 = arith.constant 0 : i32
      %swap3A_403 = arith.constant 0 : i32
      %swap3A_404 = arith.constant 0 : i32
      %swap3A_405 = tpu.memref_slice %arg13[%scan3A_282, %swap3A_403, %swap3A_404] : memref<4x128x128xf32, #tpu.memory_space<vmem>> -> memref<1x16x128xf32, #tpu.memory_space<vmem>>
      %swap3A_406 = tpu.memref_squeeze %swap3A_405 : memref<1x16x128xf32, #tpu.memory_space<vmem>> -> memref<16x128xf32, #tpu.memory_space<vmem>>
      %swap3A_407 = arith.index_cast %swap3A_402 : i32 to index
      %swap3A_408 = arith.constant 64 : index
      %swap3A_409 = tpu.vector_load %swap3A_406[%swap3A_407, %swap3A_408] {strides = array<i32>} : memref<16x128xf32, #tpu.memory_space<vmem>>, vector<1x16xf32>,
      %swap3A_410 = vector.shape_cast %swap3A_409 : vector<1x16xf32> to vector<16xf32>
      %swap3A_411 = vector.shape_cast %mul3A_401 : vector<16xf32> to vector<1x16xf32>
      tpu.vector_store %swap3A_406[%swap3A_407, %swap3A_408], %swap3A_411 {strides = array<i32>} : memref<16x128xf32, #tpu.memory_space<vmem>>, vector<1x16xf32>,
      %get3A_412 = arith.constant 0 : i32
      %get3A_413 = arith.constant 0 : i32
      %get3A_414 = arith.constant 0 : i32
      %get3A_415 = tpu.memref_slice %arg13[%scan3A_282, %get3A_413, %get3A_414] : memref<4x128x128xf32, #tpu.memory_space<vmem>> -> memref<1x16x128xf32, #tpu.memory_space<vmem>>
      %get3A_416 = tpu.memref_squeeze %get3A_415 : memref<1x16x128xf32, #tpu.memory_space<vmem>> -> memref<16x128xf32, #tpu.memory_space<vmem>>
      %get3A_417 = arith.index_cast %get3A_412 : i32 to index
      %get3A_418 = arith.constant 80 : index
      %get3A_419 = tpu.vector_load %get3A_416[%get3A_417, %get3A_418] {strides = array<i32>} : memref<16x128xf32, #tpu.memory_space<vmem>>, vector<1x16xf32>,
      %get3A_420 = vector.shape_cast %get3A_419 : vector<1x16xf32> to vector<16xf32>
      %mul3A_421 = vector.broadcast %squeeze3A : f32 to vector<16xf32>
      %mul3A_422 = arith.mulf %get3A_420, %mul3A_421 : vector<16xf32>
      %swap3A_423 = arith.constant 0 : i32
      %swap3A_424 = arith.constant 0 : i32
      %swap3A_425 = arith.constant 0 : i32
      %swap3A_426 = tpu.memref_slice %arg13[%scan3A_282, %swap3A_424, %swap3A_425] : memref<4x128x128xf32, #tpu.memory_space<vmem>> -> memref<1x16x128xf32, #tpu.memory_space<vmem>>
      %swap3A_427 = tpu.memref_squeeze %swap3A_426 : memref<1x16x128xf32, #tpu.memory_space<vmem>> -> memref<16x128xf32, #tpu.memory_space<vmem>>
      %swap3A_428 = arith.index_cast %swap3A_423 : i32 to index
      %swap3A_429 = arith.constant 80 : index
      %swap3A_430 = tpu.vector_load %swap3A_427[%swap3A_428, %swap3A_429] {strides = array<i32>} : memref<16x128xf32, #tpu.memory_space<vmem>>, vector<1x16xf32>,
      %swap3A_431 = vector.shape_cast %swap3A_430 : vector<1x16xf32> to vector<16xf32>
      %swap3A_432 = vector.shape_cast %mul3A_422 : vector<16xf32> to vector<1x16xf32>
      tpu.vector_store %swap3A_427[%swap3A_428, %swap3A_429], %swap3A_432 {strides = array<i32>} : memref<16x128xf32, #tpu.memory_space<vmem>>, vector<1x16xf32>,
      %get3A_433 = arith.constant 0 : i32
      %get3A_434 = arith.constant 0 : i32
      %get3A_435 = arith.constant 0 : i32
      %get3A_436 = tpu.memref_slice %arg13[%scan3A_282, %get3A_434, %get3A_435] : memref<4x128x128xf32, #tpu.memory_space<vmem>> -> memref<1x16x128xf32, #tpu.memory_space<vmem>>
      %get3A_437 = tpu.memref_squeeze %get3A_436 : memref<1x16x128xf32, #tpu.memory_space<vmem>> -> memref<16x128xf32, #tpu.memory_space<vmem>>
      %get3A_438 = arith.index_cast %get3A_433 : i32 to index
      %get3A_439 = arith.constant 96 : index
      %get3A_440 = tpu.vector_load %get3A_437[%get3A_438, %get3A_439] {strides = array<i32>} : memref<16x128xf32, #tpu.memory_space<vmem>>, vector<1x16xf32>,
      %get3A_441 = vector.shape_cast %get3A_440 : vector<1x16xf32> to vector<16xf32>
      %mul3A_442 = vector.broadcast %squeeze3A : f32 to vector<16xf32>
      %mul3A_443 = arith.mulf %get3A_441, %mul3A_442 : vector<16xf32>
      %swap3A_444 = arith.constant 0 : i32
      %swap3A_445 = arith.constant 0 : i32
      %swap3A_446 = arith.constant 0 : i32
      %swap3A_447 = tpu.memref_slice %arg13[%scan3A_282, %swap3A_445, %swap3A_446] : memref<4x128x128xf32, #tpu.memory_space<vmem>> -> memref<1x16x128xf32, #tpu.memory_space<vmem>>
      %swap3A_448 = tpu.memref_squeeze %swap3A_447 : memref<1x16x128xf32, #tpu.memory_space<vmem>> -> memref<16x128xf32, #tpu.memory_space<vmem>>
      %swap3A_449 = arith.index_cast %swap3A_444 : i32 to index
      %swap3A_450 = arith.constant 96 : index
      %swap3A_451 = tpu.vector_load %swap3A_448[%swap3A_449, %swap3A_450] {strides = array<i32>} : memref<16x128xf32, #tpu.memory_space<vmem>>, vector<1x16xf32>,
      %swap3A_452 = vector.shape_cast %swap3A_451 : vector<1x16xf32> to vector<16xf32>
      %swap3A_453 = vector.shape_cast %mul3A_443 : vector<16xf32> to vector<1x16xf32>
      tpu.vector_store %swap3A_448[%swap3A_449, %swap3A_450], %swap3A_453 {strides = array<i32>} : memref<16x128xf32, #tpu.memory_space<vmem>>, vector<1x16xf32>,
      %get3A_454 = arith.constant 0 : i32
      %get3A_455 = arith.constant 0 : i32
      %get3A_456 = arith.constant 0 : i32
      %get3A_457 = tpu.memref_slice %arg13[%scan3A_282, %get3A_455, %get3A_456] : memref<4x128x128xf32, #tpu.memory_space<vmem>> -> memref<1x16x128xf32, #tpu.memory_space<vmem>>
      %get3A_458 = tpu.memref_squeeze %get3A_457 : memref<1x16x128xf32, #tpu.memory_space<vmem>> -> memref<16x128xf32, #tpu.memory_space<vmem>>
      %get3A_459 = arith.index_cast %get3A_454 : i32 to index
      %get3A_460 = arith.constant 112 : index
      %get3A_461 = tpu.vector_load %get3A_458[%get3A_459, %get3A_460] {strides = array<i32>} : memref<16x128xf32, #tpu.memory_space<vmem>>, vector<1x16xf32>,
      %get3A_462 = vector.shape_cast %get3A_461 : vector<1x16xf32> to vector<16xf32>
      %mul3A_463 = vector.broadcast %squeeze3A : f32 to vector<16xf32>
      %mul3A_464 = arith.mulf %get3A_462, %mul3A_463 : vector<16xf32>
      %swap3A_465 = arith.constant 0 : i32
      %swap3A_466 = arith.constant 0 : i32
      %swap3A_467 = arith.constant 0 : i32
      %swap3A_468 = tpu.memref_slice %arg13[%scan3A_282, %swap3A_466, %swap3A_467] : memref<4x128x128xf32, #tpu.memory_space<vmem>> -> memref<1x16x128xf32, #tpu.memory_space<vmem>>
      %swap3A_469 = tpu.memref_squeeze %swap3A_468 : memref<1x16x128xf32, #tpu.memory_space<vmem>> -> memref<16x128xf32, #tpu.memory_space<vmem>>
      %swap3A_470 = arith.index_cast %swap3A_465 : i32 to index
      %swap3A_471 = arith.constant 112 : index
      %swap3A_472 = tpu.vector_load %swap3A_469[%swap3A_470, %swap3A_471] {strides = array<i32>} : memref<16x128xf32, #tpu.memory_space<vmem>>, vector<1x16xf32>,
      %swap3A_473 = vector.shape_cast %swap3A_472 : vector<1x16xf32> to vector<16xf32>
      %swap3A_474 = vector.shape_cast %mul3A_464 : vector<16xf32> to vector<1x16xf32>
      tpu.vector_store %swap3A_469[%swap3A_470, %swap3A_471], %swap3A_474 {strides = array<i32>} : memref<16x128xf32, #tpu.memory_space<vmem>>, vector<1x16xf32>,
      %slice3A_475 = vector.extract_strided_slice %div3A {offsets = [1], sizes = [1], strides = [1]} : vector<16xf32> to vector<1xf32>
      %squeeze3A_476 = vector.extract %slice3A_475[0] : f32 from vector<1xf32>
      %get3A_477 = arith.constant 1 : i32
      %get3A_478 = arith.constant 0 : i32
      %get3A_479 = arith.constant 0 : i32
      %get3A_480 = tpu.memref_slice %arg13[%scan3A_282, %get3A_478, %get3A_479] : memref<4x128x128xf32, #tpu.memory_space<vmem>> -> memref<1x16x128xf32, #tpu.memory_space<vmem>>
      %get3A_481 = tpu.memref_squeeze %get3A_480 : memref<1x16x128xf32, #tpu.memory_space<vmem>> -> memref<16x128xf32, #tpu.memory_space<vmem>>
      %get3A_482 = arith.index_cast %get3A_477 : i32 to index
      %get3A_483 = arith.constant 0 : index
      %get3A_484 = tpu.vector_load %get3A_481[%get3A_482, %get3A_483] {strides = array<i32>} : memref<16x128xf32, #tpu.memory_space<vmem>>, vector<1x16xf32>,
      %get3A_485 = vector.shape_cast %get3A_484 : vector<1x16xf32> to vector<16xf32>
      %mul3A_486 = vector.broadcast %squeeze3A_476 : f32 to vector<16xf32>
      %mul3A_487 = arith.mulf %get3A_485, %mul3A_486 : vector<16xf32>
      %swap3A_488 = arith.constant 1 : i32
      %swap3A_489 = arith.constant 0 : i32
      %swap3A_490 = arith.constant 0 : i32
      %swap3A_491 = tpu.memref_slice %arg13[%scan3A_282, %swap3A_489, %swap3A_490] : memref<4x128x128xf32, #tpu.memory_space<vmem>> -> memref<1x16x128xf32, #tpu.memory_space<vmem>>
      %swap3A_492 = tpu.memref_squeeze %swap3A_491 : memref<1x16x128xf32, #tpu.memory_space<vmem>> -> memref<16x128xf32, #tpu.memory_space<vmem>>
      %swap3A_493 = arith.index_cast %swap3A_488 : i32 to index
      %swap3A_494 = arith.constant 0 : index
      %swap3A_495 = tpu.vector_load %swap3A_492[%swap3A_493, %swap3A_494] {strides = array<i32>} : memref<16x128xf32, #tpu.memory_space<vmem>>, vector<1x16xf32>,
      %swap3A_496 = vector.shape_cast %swap3A_495 : vector<1x16xf32> to vector<16xf32>
      %swap3A_497 = vector.shape_cast %mul3A_487 : vector<16xf32> to vector<1x16xf32>
      tpu.vector_store %swap3A_492[%swap3A_493, %swap3A_494], %swap3A_497 {strides = array<i32>} : memref<16x128xf32, #tpu.memory_space<vmem>>, vector<1x16xf32>,
      %get3A_498 = arith.constant 1 : i32
      %get3A_499 = arith.constant 0 : i32
      %get3A_500 = arith.constant 0 : i32
      %get3A_501 = tpu.memref_slice %arg13[%scan3A_282, %get3A_499, %get3A_500] : memref<4x128x128xf32, #tpu.memory_space<vmem>> -> memref<1x16x128xf32, #tpu.memory_space<vmem>>
      %get3A_502 = tpu.memref_squeeze %get3A_501 : memref<1x16x128xf32, #tpu.memory_space<vmem>> -> memref<16x128xf32, #tpu.memory_space<vmem>>
      %get3A_503 = arith.index_cast %get3A_498 : i32 to index
      %get3A_504 = arith.constant 16 : index
      %get3A_505 = tpu.vector_load %get3A_502[%get3A_503, %get3A_504] {strides = array<i32>} : memref<16x128xf32, #tpu.memory_space<vmem>>, vector<1x16xf32>,
      %get3A_506 = vector.shape_cast %get3A_505 : vector<1x16xf32> to vector<16xf32>
      %mul3A_507 = vector.broadcast %squeeze3A_476 : f32 to vector<16xf32>
      %mul3A_508 = arith.mulf %get3A_506, %mul3A_507 : vector<16xf32>
      %swap3A_509 = arith.constant 1 : i32
      %swap3A_510 = arith.constant 0 : i32
      %swap3A_511 = arith.constant 0 : i32
      %swap3A_512 = tpu.memref_slice %arg13[%scan3A_282, %swap3A_510, %swap3A_511] : memref<4x128x128xf32, #tpu.memory_space<vmem>> -> memref<1x16x128xf32, #tpu.memory_space<vmem>>
      %swap3A_513 = tpu.memref_squeeze %swap3A_512 : memref<1x16x128xf32, #tpu.memory_space<vmem>> -> memref<16x128xf32, #tpu.memory_space<vmem>>
      %swap3A_514 = arith.index_cast %swap3A_509 : i32 to index
      %swap3A_515 = arith.constant 16 : index
      %swap3A_516 = tpu.vector_load %swap3A_513[%swap3A_514, %swap3A_515] {strides = array<i32>} : memref<16x128xf32, #tpu.memory_space<vmem>>, vector<1x16xf32>,
      %swap3A_517 = vector.shape_cast %swap3A_516 : vector<1x16xf32> to vector<16xf32>
      %swap3A_518 = vector.shape_cast %mul3A_508 : vector<16xf32> to vector<1x16xf32>
      tpu.vector_store %swap3A_513[%swap3A_514, %swap3A_515], %swap3A_518 {strides = array<i32>} : memref<16x128xf32, #tpu.memory_space<vmem>>, vector<1x16xf32>,
      %get3A_519 = arith.constant 1 : i32
      %get3A_520 = arith.constant 0 : i32
      %get3A_521 = arith.constant 0 : i32
      %get3A_522 = tpu.memref_slice %arg13[%scan3A_282, %get3A_520, %get3A_521] : memref<4x128x128xf32, #tpu.memory_space<vmem>> -> memref<1x16x128xf32, #tpu.memory_space<vmem>>
      %get3A_523 = tpu.memref_squeeze %get3A_522 : memref<1x16x128xf32, #tpu.memory_space<vmem>> -> memref<16x128xf32, #tpu.memory_space<vmem>>
      %get3A_524 = arith.index_cast %get3A_519 : i32 to index
      %get3A_525 = arith.constant 32 : index
      %get3A_526 = tpu.vector_load %get3A_523[%get3A_524, %get3A_525] {strides = array<i32>} : memref<16x128xf32, #tpu.memory_space<vmem>>, vector<1x16xf32>,
      %get3A_527 = vector.shape_cast %get3A_526 : vector<1x16xf32> to vector<16xf32>
      %mul3A_528 = vector.broadcast %squeeze3A_476 : f32 to vector<16xf32>
      %mul3A_529 = arith.mulf %get3A_527, %mul3A_528 : vector<16xf32>
      %swap3A_530 = arith.constant 1 : i32
      %swap3A_531 = arith.constant 0 : i32
      %swap3A_532 = arith.constant 0 : i32
      %swap3A_533 = tpu.memref_slice %arg13[%scan3A_282, %swap3A_531, %swap3A_532] : memref<4x128x128xf32, #tpu.memory_space<vmem>> -> memref<1x16x128xf32, #tpu.memory_space<vmem>>
      %swap3A_534 = tpu.memref_squeeze %swap3A_533 : memref<1x16x128xf32, #tpu.memory_space<vmem>> -> memref<16x128xf32, #tpu.memory_space<vmem>>
      %swap3A_535 = arith.index_cast %swap3A_530 : i32 to index
      %swap3A_536 = arith.constant 32 : index
      %swap3A_537 = tpu.vector_load %swap3A_534[%swap3A_535, %swap3A_536] {strides = array<i32>} : memref<16x128xf32, #tpu.memory_space<vmem>>, vector<1x16xf32>,
      %swap3A_538 = vector.shape_cast %swap3A_537 : vector<1x16xf32> to vector<16xf32>
      %swap3A_539 = vector.shape_cast %mul3A_529 : vector<16xf32> to vector<1x16xf32>
      tpu.vector_store %swap3A_534[%swap3A_535, %swap3A_536], %swap3A_539 {strides = array<i32>} : memref<16x128xf32, #tpu.memory_space<vmem>>, vector<1x16xf32>,
      %get3A_540 = arith.constant 1 : i32
      %get3A_541 = arith.constant 0 : i32
      %get3A_542 = arith.constant 0 : i32
      %get3A_543 = tpu.memref_slice %arg13[%scan3A_282, %get3A_541, %get3A_542] : memref<4x128x128xf32, #tpu.memory_space<vmem>> -> memref<1x16x128xf32, #tpu.memory_space<vmem>>
      %get3A_544 = tpu.memref_squeeze %get3A_543 : memref<1x16x128xf32, #tpu.memory_space<vmem>> -> memref<16x128xf32, #tpu.memory_space<vmem>>
      %get3A_545 = arith.index_cast %get3A_540 : i32 to index
      %get3A_546 = arith.constant 48 : index
      %get3A_547 = tpu.vector_load %get3A_544[%get3A_545, %get3A_546] {strides = array<i32>} : memref<16x128xf32, #tpu.memory_space<vmem>>, vector<1x16xf32>,
      %get3A_548 = vector.shape_cast %get3A_547 : vector<1x16xf32> to vector<16xf32>
      %mul3A_549 = vector.broadcast %squeeze3A_476 : f32 to vector<16xf32>
      %mul3A_550 = arith.mulf %get3A_548, %mul3A_549 : vector<16xf32>
      %swap3A_551 = arith.constant 1 : i32
      %swap3A_552 = arith.constant 0 : i32
      %swap3A_553 = arith.constant 0 : i32
      %swap3A_554 = tpu.memref_slice %arg13[%scan3A_282, %swap3A_552, %swap3A_553] : memref<4x128x128xf32, #tpu.memory_space<vmem>> -> memref<1x16x128xf32, #tpu.memory_space<vmem>>
      %swap3A_555 = tpu.memref_squeeze %swap3A_554 : memref<1x16x128xf32, #tpu.memory_space<vmem>> -> memref<16x128xf32, #tpu.memory_space<vmem>>
      %swap3A_556 = arith.index_cast %swap3A_551 : i32 to index
      %swap3A_557 = arith.constant 48 : index
      %swap3A_558 = tpu.vector_load %swap3A_555[%swap3A_556, %swap3A_557] {strides = array<i32>} : memref<16x128xf32, #tpu.memory_space<vmem>>, vector<1x16xf32>,
      %swap3A_559 = vector.shape_cast %swap3A_558 : vector<1x16xf32> to vector<16xf32>
      %swap3A_560 = vector.shape_cast %mul3A_550 : vector<16xf32> to vector<1x16xf32>
      tpu.vector_store %swap3A_555[%swap3A_556, %swap3A_557], %swap3A_560 {strides = array<i32>} : memref<16x128xf32, #tpu.memory_space<vmem>>, vector<1x16xf32>,
      %get3A_561 = arith.constant 1 : i32
      %get3A_562 = arith.constant 0 : i32
      %get3A_563 = arith.constant 0 : i32
      %get3A_564 = tpu.memref_slice %arg13[%scan3A_282, %get3A_562, %get3A_563] : memref<4x128x128xf32, #tpu.memory_space<vmem>> -> memref<1x16x128xf32, #tpu.memory_space<vmem>>
      %get3A_565 = tpu.memref_squeeze %get3A_564 : memref<1x16x128xf32, #tpu.memory_space<vmem>> -> memref<16x128xf32, #tpu.memory_space<vmem>>
      %get3A_566 = arith.index_cast %get3A_561 : i32 to index
      %get3A_567 = arith.constant 64 : index
      %get3A_568 = tpu.vector_load %get3A_565[%get3A_566, %get3A_567] {strides = array<i32>} : memref<16x128xf32, #tpu.memory_space<vmem>>, vector<1x16xf32>,
      %get3A_569 = vector.shape_cast %get3A_568 : vector<1x16xf32> to vector<16xf32>
      %mul3A_570 = vector.broadcast %squeeze3A_476 : f32 to vector<16xf32>
      %mul3A_571 = arith.mulf %get3A_569, %mul3A_570 : vector<16xf32>
      %swap3A_572 = arith.constant 1 : i32
      %swap3A_573 = arith.constant 0 : i32
      %swap3A_574 = arith.constant 0 : i32
      %swap3A_575 = tpu.memref_slice %arg13[%scan3A_282, %swap3A_573, %swap3A_574] : memref<4x128x128xf32, #tpu.memory_space<vmem>> -> memref<1x16x128xf32, #tpu.memory_space<vmem>>
      %swap3A_576 = tpu.memref_squeeze %swap3A_575 : memref<1x16x128xf32, #tpu.memory_space<vmem>> -> memref<16x128xf32, #tpu.memory_space<vmem>>
      %swap3A_577 = arith.index_cast %swap3A_572 : i32 to index
      %swap3A_578 = arith.constant 64 : index
      %swap3A_579 = tpu.vector_load %swap3A_576[%swap3A_577, %swap3A_578] {strides = array<i32>} : memref<16x128xf32, #tpu.memory_space<vmem>>, vector<1x16xf32>,
      %swap3A_580 = vector.shape_cast %swap3A_579 : vector<1x16xf32> to vector<16xf32>
      %swap3A_581 = vector.shape_cast %mul3A_571 : vector<16xf32> to vector<1x16xf32>
      tpu.vector_store %swap3A_576[%swap3A_577, %swap3A_578], %swap3A_581 {strides = array<i32>} : memref<16x128xf32, #tpu.memory_space<vmem>>, vector<1x16xf32>,
      %get3A_582 = arith.constant 1 : i32
      %get3A_583 = arith.constant 0 : i32
      %get3A_584 = arith.constant 0 : i32
      %get3A_585 = tpu.memref_slice %arg13[%scan3A_282, %get3A_583, %get3A_584] : memref<4x128x128xf32, #tpu.memory_space<vmem>> -> memref<1x16x128xf32, #tpu.memory_space<vmem>>
      %get3A_586 = tpu.memref_squeeze %get3A_585 : memref<1x16x128xf32, #tpu.memory_space<vmem>> -> memref<16x128xf32, #tpu.memory_space<vmem>>
      %get3A_587 = arith.index_cast %get3A_582 : i32 to index
      %get3A_588 = arith.constant 80 : index
      %get3A_589 = tpu.vector_load %get3A_586[%get3A_587, %get3A_588] {strides = array<i32>} : memref<16x128xf32, #tpu.memory_space<vmem>>, vector<1x16xf32>,
      %get3A_590 = vector.shape_cast %get3A_589 : vector<1x16xf32> to vector<16xf32>
      %mul3A_591 = vector.broadcast %squeeze3A_476 : f32 to vector<16xf32>
      %mul3A_592 = arith.mulf %get3A_590, %mul3A_591 : vector<16xf32>
      %swap3A_593 = arith.constant 1 : i32
      %swap3A_594 = arith.constant 0 : i32
      %swap3A_595 = arith.constant 0 : i32
      %swap3A_596 = tpu.memref_slice %arg13[%scan3A_282, %swap3A_594, %swap3A_595] : memref<4x128x128xf32, #tpu.memory_space<vmem>> -> memref<1x16x128xf32, #tpu.memory_space<vmem>>
      %swap3A_597 = tpu.memref_squeeze %swap3A_596 : memref<1x16x128xf32, #tpu.memory_space<vmem>> -> memref<16x128xf32, #tpu.memory_space<vmem>>
      %swap3A_598 = arith.index_cast %swap3A_593 : i32 to index
      %swap3A_599 = arith.constant 80 : index
      %swap3A_600 = tpu.vector_load %swap3A_597[%swap3A_598, %swap3A_599] {strides = array<i32>} : memref<16x128xf32, #tpu.memory_space<vmem>>, vector<1x16xf32>,
      %swap3A_601 = vector.shape_cast %swap3A_600 : vector<1x16xf32> to vector<16xf32>
      %swap3A_602 = vector.shape_cast %mul3A_592 : vector<16xf32> to vector<1x16xf32>
      tpu.vector_store %swap3A_597[%swap3A_598, %swap3A_599], %swap3A_602 {strides = array<i32>} : memref<16x128xf32, #tpu.memory_space<vmem>>, vector<1x16xf32>,
      %get3A_603 = arith.constant 1 : i32
      %get3A_604 = arith.constant 0 : i32
      %get3A_605 = arith.constant 0 : i32
      %get3A_606 = tpu.memref_slice %arg13[%scan3A_282, %get3A_604, %get3A_605] : memref<4x128x128xf32, #tpu.memory_space<vmem>> -> memref<1x16x128xf32, #tpu.memory_space<vmem>>
      %get3A_607 = tpu.memref_squeeze %get3A_606 : memref<1x16x128xf32, #tpu.memory_space<vmem>> -> memref<16x128xf32, #tpu.memory_space<vmem>>
      %get3A_608 = arith.index_cast %get3A_603 : i32 to index
      %get3A_609 = arith.constant 96 : index
      %get3A_610 = tpu.vector_load %get3A_607[%get3A_608, %get3A_609] {strides = array<i32>} : memref<16x128xf32, #tpu.memory_space<vmem>>, vector<1x16xf32>,
      %get3A_611 = vector.shape_cast %get3A_610 : vector<1x16xf32> to vector<16xf32>
      %mul3A_612 = vector.broadcast %squeeze3A_476 : f32 to vector<16xf32>
      %mul3A_613 = arith.mulf %get3A_611, %mul3A_612 : vector<16xf32>
      %swap3A_614 = arith.constant 1 : i32
      %swap3A_615 = arith.constant 0 : i32
      %swap3A_616 = arith.constant 0 : i32
      %swap3A_617 = tpu.memref_slice %arg13[%scan3A_282, %swap3A_615, %swap3A_616] : memref<4x128x128xf32, #tpu.memory_space<vmem>> -> memref<1x16x128xf32, #tpu.memory_space<vmem>>
      %swap3A_618 = tpu.memref_squeeze %swap3A_617 : memref<1x16x128xf32, #tpu.memory_space<vmem>> -> memref<16x128xf32, #tpu.memory_space<vmem>>
      %swap3A_619 = arith.index_cast %swap3A_614 : i32 to index
      %swap3A_620 = arith.constant 96 : index
      %swap3A_621 = tpu.vector_load %swap3A_618[%swap3A_619, %swap3A_620] {strides = array<i32>} : memref<16x128xf32, #tpu.memory_space<vmem>>, vector<1x16xf32>,
      %swap3A_622 = vector.shape_cast %swap3A_621 : vector<1x16xf32> to vector<16xf32>
      %swap3A_623 = vector.shape_cast %mul3A_613 : vector<16xf32> to vector<1x16xf32>
      tpu.vector_store %swap3A_618[%swap3A_619, %swap3A_620], %swap3A_623 {strides = array<i32>} : memref<16x128xf32, #tpu.memory_space<vmem>>, vector<1x16xf32>,
      %get3A_624 = arith.constant 1 : i32
      %get3A_625 = arith.constant 0 : i32
      %get3A_626 = arith.constant 0 : i32
      %get3A_627 = tpu.memref_slice %arg13[%scan3A_282, %get3A_625, %get3A_626] : memref<4x128x128xf32, #tpu.memory_space<vmem>> -> memref<1x16x128xf32, #tpu.memory_space<vmem>>
      %get3A_628 = tpu.memref_squeeze %get3A_627 : memref<1x16x128xf32, #tpu.memory_space<vmem>> -> memref<16x128xf32, #tpu.memory_space<vmem>>
      %get3A_629 = arith.index_cast %get3A_624 : i32 to index
      %get3A_630 = arith.constant 112 : index
      %get3A_631 = tpu.vector_load %get3A_628[%get3A_629, %get3A_630] {strides = array<i32>} : memref<16x128xf32, #tpu.memory_space<vmem>>, vector<1x16xf32>,
      %get3A_632 = vector.shape_cast %get3A_631 : vector<1x16xf32> to vector<16xf32>
      %mul3A_633 = vector.broadcast %squeeze3A_476 : f32 to vector<16xf32>
      %mul3A_634 = arith.mulf %get3A_632, %mul3A_633 : vector<16xf32>
      %swap3A_635 = arith.constant 1 : i32
      %swap3A_636 = arith.constant 0 : i32
      %swap3A_637 = arith.constant 0 : i32
      %swap3A_638 = tpu.memref_slice %arg13[%scan3A_282, %swap3A_636, %swap3A_637] : memref<4x128x128xf32, #tpu.memory_space<vmem>> -> memref<1x16x128xf32, #tpu.memory_space<vmem>>
      %swap3A_639 = tpu.memref_squeeze %swap3A_638 : memref<1x16x128xf32, #tpu.memory_space<vmem>> -> memref<16x128xf32, #tpu.memory_space<vmem>>
      %swap3A_640 = arith.index_cast %swap3A_635 : i32 to index
      %swap3A_641 = arith.constant 112 : index
      %swap3A_642 = tpu.vector_load %swap3A_639[%swap3A_640, %swap3A_641] {strides = array<i32>} : memref<16x128xf32, #tpu.memory_space<vmem>>, vector<1x16xf32>,
      %swap3A_643 = vector.shape_cast %swap3A_642 : vector<1x16xf32> to vector<16xf32>
      %swap3A_644 = vector.shape_cast %mul3A_634 : vector<16xf32> to vector<1x16xf32>
      tpu.vector_store %swap3A_639[%swap3A_640, %swap3A_641], %swap3A_644 {strides = array<i32>} : memref<16x128xf32, #tpu.memory_space<vmem>>, vector<1x16xf32>,
      %slice3A_645 = vector.extract_strided_slice %div3A {offsets = [2], sizes = [1], strides = [1]} : vector<16xf32> to vector<1xf32>
      %squeeze3A_646 = vector.extract %slice3A_645[0] : f32 from vector<1xf32>
      %get3A_647 = arith.constant 2 : i32
      %get3A_648 = arith.constant 0 : i32
      %get3A_649 = arith.constant 0 : i32
      %get3A_650 = tpu.memref_slice %arg13[%scan3A_282, %get3A_648, %get3A_649] : memref<4x128x128xf32, #tpu.memory_space<vmem>> -> memref<1x16x128xf32, #tpu.memory_space<vmem>>
      %get3A_651 = tpu.memref_squeeze %get3A_650 : memref<1x16x128xf32, #tpu.memory_space<vmem>> -> memref<16x128xf32, #tpu.memory_space<vmem>>
      %get3A_652 = arith.index_cast %get3A_647 : i32 to index
      %get3A_653 = arith.constant 0 : index
      %get3A_654 = tpu.vector_load %get3A_651[%get3A_652, %get3A_653] {strides = array<i32>} : memref<16x128xf32, #tpu.memory_space<vmem>>, vector<1x16xf32>,
      %get3A_655 = vector.shape_cast %get3A_654 : vector<1x16xf32> to vector<16xf32>
      %mul3A_656 = vector.broadcast %squeeze3A_646 : f32 to vector<16xf32>
      %mul3A_657 = arith.mulf %get3A_655, %mul3A_656 : vector<16xf32>
      %swap3A_658 = arith.constant 2 : i32
      %swap3A_659 = arith.constant 0 : i32
      %swap3A_660 = arith.constant 0 : i32
      %swap3A_661 = tpu.memref_slice %arg13[%scan3A_282, %swap3A_659, %swap3A_660] : memref<4x128x128xf32, #tpu.memory_space<vmem>> -> memref<1x16x128xf32, #tpu.memory_space<vmem>>
      %swap3A_662 = tpu.memref_squeeze %swap3A_661 : memref<1x16x128xf32, #tpu.memory_space<vmem>> -> memref<16x128xf32, #tpu.memory_space<vmem>>
      %swap3A_663 = arith.index_cast %swap3A_658 : i32 to index
      %swap3A_664 = arith.constant 0 : index
      %swap3A_665 = tpu.vector_load %swap3A_662[%swap3A_663, %swap3A_664] {strides = array<i32>} : memref<16x128xf32, #tpu.memory_space<vmem>>, vector<1x16xf32>,
      %swap3A_666 = vector.shape_cast %swap3A_665 : vector<1x16xf32> to vector<16xf32>
      %swap3A_667 = vector.shape_cast %mul3A_657 : vector<16xf32> to vector<1x16xf32>
      tpu.vector_store %swap3A_662[%swap3A_663, %swap3A_664], %swap3A_667 {strides = array<i32>} : memref<16x128xf32, #tpu.memory_space<vmem>>, vector<1x16xf32>,
      %get3A_668 = arith.constant 2 : i32
      %get3A_669 = arith.constant 0 : i32
      %get3A_670 = arith.constant 0 : i32
      %get3A_671 = tpu.memref_slice %arg13[%scan3A_282, %get3A_669, %get3A_670] : memref<4x128x128xf32, #tpu.memory_space<vmem>> -> memref<1x16x128xf32, #tpu.memory_space<vmem>>
      %get3A_672 = tpu.memref_squeeze %get3A_671 : memref<1x16x128xf32, #tpu.memory_space<vmem>> -> memref<16x128xf32, #tpu.memory_space<vmem>>
      %get3A_673 = arith.index_cast %get3A_668 : i32 to index
      %get3A_674 = arith.constant 16 : index
      %get3A_675 = tpu.vector_load %get3A_672[%get3A_673, %get3A_674] {strides = array<i32>} : memref<16x128xf32, #tpu.memory_space<vmem>>, vector<1x16xf32>,
      %get3A_676 = vector.shape_cast %get3A_675 : vector<1x16xf32> to vector<16xf32>
      %mul3A_677 = vector.broadcast %squeeze3A_646 : f32 to vector<16xf32>
      %mul3A_678 = arith.mulf %get3A_676, %mul3A_677 : vector<16xf32>
      %swap3A_679 = arith.constant 2 : i32
      %swap3A_680 = arith.constant 0 : i32
      %swap3A_681 = arith.constant 0 : i32
      %swap3A_682 = tpu.memref_slice %arg13[%scan3A_282, %swap3A_680, %swap3A_681] : memref<4x128x128xf32, #tpu.memory_space<vmem>> -> memref<1x16x128xf32, #tpu.memory_space<vmem>>
      %swap3A_683 = tpu.memref_squeeze %swap3A_682 : memref<1x16x128xf32, #tpu.memory_space<vmem>> -> memref<16x128xf32, #tpu.memory_space<vmem>>
      %swap3A_684 = arith.index_cast %swap3A_679 : i32 to index
      %swap3A_685 = arith.constant 16 : index
      %swap3A_686 = tpu.vector_load %swap3A_683[%swap3A_684, %swap3A_685] {strides = array<i32>} : memref<16x128xf32, #tpu.memory_space<vmem>>, vector<1x16xf32>,
      %swap3A_687 = vector.shape_cast %swap3A_686 : vector<1x16xf32> to vector<16xf32>
      %swap3A_688 = vector.shape_cast %mul3A_678 : vector<16xf32> to vector<1x16xf32>
      tpu.vector_store %swap3A_683[%swap3A_684, %swap3A_685], %swap3A_688 {strides = array<i32>} : memref<16x128xf32, #tpu.memory_space<vmem>>, vector<1x16xf32>,
      %get3A_689 = arith.constant 2 : i32
      %get3A_690 = arith.constant 0 : i32
      %get3A_691 = arith.constant 0 : i32
      %get3A_692 = tpu.memref_slice %arg13[%scan3A_282, %get3A_690, %get3A_691] : memref<4x128x128xf32, #tpu.memory_space<vmem>> -> memref<1x16x128xf32, #tpu.memory_space<vmem>>
      %get3A_693 = tpu.memref_squeeze %get3A_692 : memref<1x16x128xf32, #tpu.memory_space<vmem>> -> memref<16x128xf32, #tpu.memory_space<vmem>>
      %get3A_694 = arith.index_cast %get3A_689 : i32 to index
      %get3A_695 = arith.constant 32 : index
      %get3A_696 = tpu.vector_load %get3A_693[%get3A_694, %get3A_695] {strides = array<i32>} : memref<16x128xf32, #tpu.memory_space<vmem>>, vector<1x16xf32>,
      %get3A_697 = vector.shape_cast %get3A_696 : vector<1x16xf32> to vector<16xf32>
      %mul3A_698 = vector.broadcast %squeeze3A_646 : f32 to vector<16xf32>
      %mul3A_699 = arith.mulf %get3A_697, %mul3A_698 : vector<16xf32>
      %swap3A_700 = arith.constant 2 : i32
      %swap3A_701 = arith.constant 0 : i32
      %swap3A_702 = arith.constant 0 : i32
      %swap3A_703 = tpu.memref_slice %arg13[%scan3A_282, %swap3A_701, %swap3A_702] : memref<4x128x128xf32, #tpu.memory_space<vmem>> -> memref<1x16x128xf32, #tpu.memory_space<vmem>>
      %swap3A_704 = tpu.memref_squeeze %swap3A_703 : memref<1x16x128xf32, #tpu.memory_space<vmem>> -> memref<16x128xf32, #tpu.memory_space<vmem>>
      %swap3A_705 = arith.index_cast %swap3A_700 : i32 to index
      %swap3A_706 = arith.constant 32 : index
      %swap3A_707 = tpu.vector_load %swap3A_704[%swap3A_705, %swap3A_706] {strides = array<i32>} : memref<16x128xf32, #tpu.memory_space<vmem>>, vector<1x16xf32>,
      %swap3A_708 = vector.shape_cast %swap3A_707 : vector<1x16xf32> to vector<16xf32>
      %swap3A_709 = vector.shape_cast %mul3A_699 : vector<16xf32> to vector<1x16xf32>
      tpu.vector_store %swap3A_704[%swap3A_705, %swap3A_706], %swap3A_709 {strides = array<i32>} : memref<16x128xf32, #tpu.memory_space<vmem>>, vector<1x16xf32>,
      %get3A_710 = arith.constant 2 : i32
      %get3A_711 = arith.constant 0 : i32
      %get3A_712 = arith.constant 0 : i32
      %get3A_713 = tpu.memref_slice %arg13[%scan3A_282, %get3A_711, %get3A_712] : memref<4x128x128xf32, #tpu.memory_space<vmem>> -> memref<1x16x128xf32, #tpu.memory_space<vmem>>
      %get3A_714 = tpu.memref_squeeze %get3A_713 : memref<1x16x128xf32, #tpu.memory_space<vmem>> -> memref<16x128xf32, #tpu.memory_space<vmem>>
      %get3A_715 = arith.index_cast %get3A_710 : i32 to index
      %get3A_716 = arith.constant 48 : index
      %get3A_717 = tpu.vector_load %get3A_714[%get3A_715, %get3A_716] {strides = array<i32>} : memref<16x128xf32, #tpu.memory_space<vmem>>, vector<1x16xf32>,
      %get3A_718 = vector.shape_cast %get3A_717 : vector<1x16xf32> to vector<16xf32>
      %mul3A_719 = vector.broadcast %squeeze3A_646 : f32 to vector<16xf32>
      %mul3A_720 = arith.mulf %get3A_718, %mul3A_719 : vector<16xf32>
      %swap3A_721 = arith.constant 2 : i32
      %swap3A_722 = arith.constant 0 : i32
      %swap3A_723 = arith.constant 0 : i32
      %swap3A_724 = tpu.memref_slice %arg13[%scan3A_282, %swap3A_722, %swap3A_723] : memref<4x128x128xf32, #tpu.memory_space<vmem>> -> memref<1x16x128xf32, #tpu.memory_space<vmem>>
      %swap3A_725 = tpu.memref_squeeze %swap3A_724 : memref<1x16x128xf32, #tpu.memory_space<vmem>> -> memref<16x128xf32, #tpu.memory_space<vmem>>
      %swap3A_726 = arith.index_cast %swap3A_721 : i32 to index
      %swap3A_727 = arith.constant 48 : index
      %swap3A_728 = tpu.vector_load %swap3A_725[%swap3A_726, %swap3A_727] {strides = array<i32>} : memref<16x128xf32, #tpu.memory_space<vmem>>, vector<1x16xf32>,
      %swap3A_729 = vector.shape_cast %swap3A_728 : vector<1x16xf32> to vector<16xf32>
      %swap3A_730 = vector.shape_cast %mul3A_720 : vector<16xf32> to vector<1x16xf32>
      tpu.vector_store %swap3A_725[%swap3A_726, %swap3A_727], %swap3A_730 {strides = array<i32>} : memref<16x128xf32, #tpu.memory_space<vmem>>, vector<1x16xf32>,
      %get3A_731 = arith.constant 2 : i32
      %get3A_732 = arith.constant 0 : i32
      %get3A_733 = arith.constant 0 : i32
      %get3A_734 = tpu.memref_slice %arg13[%scan3A_282, %get3A_732, %get3A_733] : memref<4x128x128xf32, #tpu.memory_space<vmem>> -> memref<1x16x128xf32, #tpu.memory_space<vmem>>
      %get3A_735 = tpu.memref_squeeze %get3A_734 : memref<1x16x128xf32, #tpu.memory_space<vmem>> -> memref<16x128xf32, #tpu.memory_space<vmem>>
      %get3A_736 = arith.index_cast %get3A_731 : i32 to index
      %get3A_737 = arith.constant 64 : index
      %get3A_738 = tpu.vector_load %get3A_735[%get3A_736, %get3A_737] {strides = array<i32>} : memref<16x128xf32, #tpu.memory_space<vmem>>, vector<1x16xf32>,
      %get3A_739 = vector.shape_cast %get3A_738 : vector<1x16xf32> to vector<16xf32>
      %mul3A_740 = vector.broadcast %squeeze3A_646 : f32 to vector<16xf32>
      %mul3A_741 = arith.mulf %get3A_739, %mul3A_740 : vector<16xf32>
      %swap3A_742 = arith.constant 2 : i32
      %swap3A_743 = arith.constant 0 : i32
      %swap3A_744 = arith.constant 0 : i32
      %swap3A_745 = tpu.memref_slice %arg13[%scan3A_282, %swap3A_743, %swap3A_744] : memref<4x128x128xf32, #tpu.memory_space<vmem>> -> memref<1x16x128xf32, #tpu.memory_space<vmem>>
      %swap3A_746 = tpu.memref_squeeze %swap3A_745 : memref<1x16x128xf32, #tpu.memory_space<vmem>> -> memref<16x128xf32, #tpu.memory_space<vmem>>
      %swap3A_747 = arith.index_cast %swap3A_742 : i32 to index
      %swap3A_748 = arith.constant 64 : index
      %swap3A_749 = tpu.vector_load %swap3A_746[%swap3A_747, %swap3A_748] {strides = array<i32>} : memref<16x128xf32, #tpu.memory_space<vmem>>, vector<1x16xf32>,
      %swap3A_750 = vector.shape_cast %swap3A_749 : vector<1x16xf32> to vector<16xf32>
      %swap3A_751 = vector.shape_cast %mul3A_741 : vector<16xf32> to vector<1x16xf32>
      tpu.vector_store %swap3A_746[%swap3A_747, %swap3A_748], %swap3A_751 {strides = array<i32>} : memref<16x128xf32, #tpu.memory_space<vmem>>, vector<1x16xf32>,
      %get3A_752 = arith.constant 2 : i32
      %get3A_753 = arith.constant 0 : i32
      %get3A_754 = arith.constant 0 : i32
      %get3A_755 = tpu.memref_slice %arg13[%scan3A_282, %get3A_753, %get3A_754] : memref<4x128x128xf32, #tpu.memory_space<vmem>> -> memref<1x16x128xf32, #tpu.memory_space<vmem>>
      %get3A_756 = tpu.memref_squeeze %get3A_755 : memref<1x16x128xf32, #tpu.memory_space<vmem>> -> memref<16x128xf32, #tpu.memory_space<vmem>>
      %get3A_757 = arith.index_cast %get3A_752 : i32 to index
      %get3A_758 = arith.constant 80 : index
      %get3A_759 = tpu.vector_load %get3A_756[%get3A_757, %get3A_758] {strides = array<i32>} : memref<16x128xf32, #tpu.memory_space<vmem>>, vector<1x16xf32>,
      %get3A_760 = vector.shape_cast %get3A_759 : vector<1x16xf32> to vector<16xf32>
      %mul3A_761 = vector.broadcast %squeeze3A_646 : f32 to vector<16xf32>
      %mul3A_762 = arith.mulf %get3A_760, %mul3A_761 : vector<16xf32>
      %swap3A_763 = arith.constant 2 : i32
      %swap3A_764 = arith.constant 0 : i32
      %swap3A_765 = arith.constant 0 : i32
      %swap3A_766 = tpu.memref_slice %arg13[%scan3A_282, %swap3A_764, %swap3A_765] : memref<4x128x128xf32, #tpu.memory_space<vmem>> -> memref<1x16x128xf32, #tpu.memory_space<vmem>>
      %swap3A_767 = tpu.memref_squeeze %swap3A_766 : memref<1x16x128xf32, #tpu.memory_space<vmem>> -> memref<16x128xf32, #tpu.memory_space<vmem>>
      %swap3A_768 = arith.index_cast %swap3A_763 : i32 to index
      %swap3A_769 = arith.constant 80 : index
      %swap3A_770 = tpu.vector_load %swap3A_767[%swap3A_768, %swap3A_769] {strides = array<i32>} : memref<16x128xf32, #tpu.memory_space<vmem>>, vector<1x16xf32>,
      %swap3A_771 = vector.shape_cast %swap3A_770 : vector<1x16xf32> to vector<16xf32>
      %swap3A_772 = vector.shape_cast %mul3A_762 : vector<16xf32> to vector<1x16xf32>
      tpu.vector_store %swap3A_767[%swap3A_768, %swap3A_769], %swap3A_772 {strides = array<i32>} : memref<16x128xf32, #tpu.memory_space<vmem>>, vector<1x16xf32>,
      %get3A_773 = arith.constant 2 : i32
      %get3A_774 = arith.constant 0 : i32
      %get3A_775 = arith.constant 0 : i32
      %get3A_776 = tpu.memref_slice %arg13[%scan3A_282, %get3A_774, %get3A_775] : memref<4x128x128xf32, #tpu.memory_space<vmem>> -> memref<1x16x128xf32, #tpu.memory_space<vmem>>
      %get3A_777 = tpu.memref_squeeze %get3A_776 : memref<1x16x128xf32, #tpu.memory_space<vmem>> -> memref<16x128xf32, #tpu.memory_space<vmem>>
      %get3A_778 = arith.index_cast %get3A_773 : i32 to index
      %get3A_779 = arith.constant 96 : index
      %get3A_780 = tpu.vector_load %get3A_777[%get3A_778, %get3A_779] {strides = array<i32>} : memref<16x128xf32, #tpu.memory_space<vmem>>, vector<1x16xf32>,
      %get3A_781 = vector.shape_cast %get3A_780 : vector<1x16xf32> to vector<16xf32>
      %mul3A_782 = vector.broadcast %squeeze3A_646 : f32 to vector<16xf32>
      %mul3A_783 = arith.mulf %get3A_781, %mul3A_782 : vector<16xf32>
      %swap3A_784 = arith.constant 2 : i32
      %swap3A_785 = arith.constant 0 : i32
      %swap3A_786 = arith.constant 0 : i32
      %swap3A_787 = tpu.memref_slice %arg13[%scan3A_282, %swap3A_785, %swap3A_786] : memref<4x128x128xf32, #tpu.memory_space<vmem>> -> memref<1x16x128xf32, #tpu.memory_space<vmem>>
      %swap3A_788 = tpu.memref_squeeze %swap3A_787 : memref<1x16x128xf32, #tpu.memory_space<vmem>> -> memref<16x128xf32, #tpu.memory_space<vmem>>
      %swap3A_789 = arith.index_cast %swap3A_784 : i32 to index
      %swap3A_790 = arith.constant 96 : index
      %swap3A_791 = tpu.vector_load %swap3A_788[%swap3A_789, %swap3A_790] {strides = array<i32>} : memref<16x128xf32, #tpu.memory_space<vmem>>, vector<1x16xf32>,
      %swap3A_792 = vector.shape_cast %swap3A_791 : vector<1x16xf32> to vector<16xf32>
      %swap3A_793 = vector.shape_cast %mul3A_783 : vector<16xf32> to vector<1x16xf32>
      tpu.vector_store %swap3A_788[%swap3A_789, %swap3A_790], %swap3A_793 {strides = array<i32>} : memref<16x128xf32, #tpu.memory_space<vmem>>, vector<1x16xf32>,
      %get3A_794 = arith.constant 2 : i32
      %get3A_795 = arith.constant 0 : i32
      %get3A_796 = arith.constant 0 : i32
      %get3A_797 = tpu.memref_slice %arg13[%scan3A_282, %get3A_795, %get3A_796] : memref<4x128x128xf32, #tpu.memory_space<vmem>> -> memref<1x16x128xf32, #tpu.memory_space<vmem>>
      %get3A_798 = tpu.memref_squeeze %get3A_797 : memref<1x16x128xf32, #tpu.memory_space<vmem>> -> memref<16x128xf32, #tpu.memory_space<vmem>>
      %get3A_799 = arith.index_cast %get3A_794 : i32 to index
      %get3A_800 = arith.constant 112 : index
      %get3A_801 = tpu.vector_load %get3A_798[%get3A_799, %get3A_800] {strides = array<i32>} : memref<16x128xf32, #tpu.memory_space<vmem>>, vector<1x16xf32>,
      %get3A_802 = vector.shape_cast %get3A_801 : vector<1x16xf32> to vector<16xf32>
      %mul3A_803 = vector.broadcast %squeeze3A_646 : f32 to vector<16xf32>
      %mul3A_804 = arith.mulf %get3A_802, %mul3A_803 : vector<16xf32>
      %swap3A_805 = arith.constant 2 : i32
      %swap3A_806 = arith.constant 0 : i32
      %swap3A_807 = arith.constant 0 : i32
      %swap3A_808 = tpu.memref_slice %arg13[%scan3A_282, %swap3A_806, %swap3A_807] : memref<4x128x128xf32, #tpu.memory_space<vmem>> -> memref<1x16x128xf32, #tpu.memory_space<vmem>>
      %swap3A_809 = tpu.memref_squeeze %swap3A_808 : memref<1x16x128xf32, #tpu.memory_space<vmem>> -> memref<16x128xf32, #tpu.memory_space<vmem>>
      %swap3A_810 = arith.index_cast %swap3A_805 : i32 to index
      %swap3A_811 = arith.constant 112 : index
      %swap3A_812 = tpu.vector_load %swap3A_809[%swap3A_810, %swap3A_811] {strides = array<i32>} : memref<16x128xf32, #tpu.memory_space<vmem>>, vector<1x16xf32>,
      %swap3A_813 = vector.shape_cast %swap3A_812 : vector<1x16xf32> to vector<16xf32>
      %swap3A_814 = vector.shape_cast %mul3A_804 : vector<16xf32> to vector<1x16xf32>
      tpu.vector_store %swap3A_809[%swap3A_810, %swap3A_811], %swap3A_814 {strides = array<i32>} : memref<16x128xf32, #tpu.memory_space<vmem>>, vector<1x16xf32>,
      %slice3A_815 = vector.extract_strided_slice %div3A {offsets = [3], sizes = [1], strides = [1]} : vector<16xf32> to vector<1xf32>
      %squeeze3A_816 = vector.extract %slice3A_815[0] : f32 from vector<1xf32>
      %get3A_817 = arith.constant 3 : i32
      %get3A_818 = arith.constant 0 : i32
      %get3A_819 = arith.constant 0 : i32
      %get3A_820 = tpu.memref_slice %arg13[%scan3A_282, %get3A_818, %get3A_819] : memref<4x128x128xf32, #tpu.memory_space<vmem>> -> memref<1x16x128xf32, #tpu.memory_space<vmem>>
      %get3A_821 = tpu.memref_squeeze %get3A_820 : memref<1x16x128xf32, #tpu.memory_space<vmem>> -> memref<16x128xf32, #tpu.memory_space<vmem>>
      %get3A_822 = arith.index_cast %get3A_817 : i32 to index
      %get3A_823 = arith.constant 0 : index
      %get3A_824 = tpu.vector_load %get3A_821[%get3A_822, %get3A_823] {strides = array<i32>} : memref<16x128xf32, #tpu.memory_space<vmem>>, vector<1x16xf32>,
      %get3A_825 = vector.shape_cast %get3A_824 : vector<1x16xf32> to vector<16xf32>
      %mul3A_826 = vector.broadcast %squeeze3A_816 : f32 to vector<16xf32>
      %mul3A_827 = arith.mulf %get3A_825, %mul3A_826 : vector<16xf32>
      %swap3A_828 = arith.constant 3 : i32
      %swap3A_829 = arith.constant 0 : i32
      %swap3A_830 = arith.constant 0 : i32
      %swap3A_831 = tpu.memref_slice %arg13[%scan3A_282, %swap3A_829, %swap3A_830] : memref<4x128x128xf32, #tpu.memory_space<vmem>> -> memref<1x16x128xf32, #tpu.memory_space<vmem>>
      %swap3A_832 = tpu.memref_squeeze %swap3A_831 : memref<1x16x128xf32, #tpu.memory_space<vmem>> -> memref<16x128xf32, #tpu.memory_space<vmem>>
      %swap3A_833 = arith.index_cast %swap3A_828 : i32 to index
      %swap3A_834 = arith.constant 0 : index
      %swap3A_835 = tpu.vector_load %swap3A_832[%swap3A_833, %swap3A_834] {strides = array<i32>} : memref<16x128xf32, #tpu.memory_space<vmem>>, vector<1x16xf32>,
      %swap3A_836 = vector.shape_cast %swap3A_835 : vector<1x16xf32> to vector<16xf32>
      %swap3A_837 = vector.shape_cast %mul3A_827 : vector<16xf32> to vector<1x16xf32>
      tpu.vector_store %swap3A_832[%swap3A_833, %swap3A_834], %swap3A_837 {strides = array<i32>} : memref<16x128xf32, #tpu.memory_space<vmem>>, vector<1x16xf32>,
      %get3A_838 = arith.constant 3 : i32
      %get3A_839 = arith.constant 0 : i32
      %get3A_840 = arith.constant 0 : i32
      %get3A_841 = tpu.memref_slice %arg13[%scan3A_282, %get3A_839, %get3A_840] : memref<4x128x128xf32, #tpu.memory_space<vmem>> -> memref<1x16x128xf32, #tpu.memory_space<vmem>>
      %get3A_842 = tpu.memref_squeeze %get3A_841 : memref<1x16x128xf32, #tpu.memory_space<vmem>> -> memref<16x128xf32, #tpu.memory_space<vmem>>
      %get3A_843 = arith.index_cast %get3A_838 : i32 to index
      %get3A_844 = arith.constant 16 : index
      %get3A_845 = tpu.vector_load %get3A_842[%get3A_843, %get3A_844] {strides = array<i32>} : memref<16x128xf32, #tpu.memory_space<vmem>>, vector<1x16xf32>,
      %get3A_846 = vector.shape_cast %get3A_845 : vector<1x16xf32> to vector<16xf32>
      %mul3A_847 = vector.broadcast %squeeze3A_816 : f32 to vector<16xf32>
      %mul3A_848 = arith.mulf %get3A_846, %mul3A_847 : vector<16xf32>
      %swap3A_849 = arith.constant 3 : i32
      %swap3A_850 = arith.constant 0 : i32
      %swap3A_851 = arith.constant 0 : i32
      %swap3A_852 = tpu.memref_slice %arg13[%scan3A_282, %swap3A_850, %swap3A_851] : memref<4x128x128xf32, #tpu.memory_space<vmem>> -> memref<1x16x128xf32, #tpu.memory_space<vmem>>
      %swap3A_853 = tpu.memref_squeeze %swap3A_852 : memref<1x16x128xf32, #tpu.memory_space<vmem>> -> memref<16x128xf32, #tpu.memory_space<vmem>>
      %swap3A_854 = arith.index_cast %swap3A_849 : i32 to index
      %swap3A_855 = arith.constant 16 : index
      %swap3A_856 = tpu.vector_load %swap3A_853[%swap3A_854, %swap3A_855] {strides = array<i32>} : memref<16x128xf32, #tpu.memory_space<vmem>>, vector<1x16xf32>,
      %swap3A_857 = vector.shape_cast %swap3A_856 : vector<1x16xf32> to vector<16xf32>
      %swap3A_858 = vector.shape_cast %mul3A_848 : vector<16xf32> to vector<1x16xf32>
      tpu.vector_store %swap3A_853[%swap3A_854, %swap3A_855], %swap3A_858 {strides = array<i32>} : memref<16x128xf32, #tpu.memory_space<vmem>>, vector<1x16xf32>,
      %get3A_859 = arith.constant 3 : i32
      %get3A_860 = arith.constant 0 : i32
      %get3A_861 = arith.constant 0 : i32
      %get3A_862 = tpu.memref_slice %arg13[%scan3A_282, %get3A_860, %get3A_861] : memref<4x128x128xf32, #tpu.memory_space<vmem>> -> memref<1x16x128xf32, #tpu.memory_space<vmem>>
      %get3A_863 = tpu.memref_squeeze %get3A_862 : memref<1x16x128xf32, #tpu.memory_space<vmem>> -> memref<16x128xf32, #tpu.memory_space<vmem>>
      %get3A_864 = arith.index_cast %get3A_859 : i32 to index
      %get3A_865 = arith.constant 32 : index
      %get3A_866 = tpu.vector_load %get3A_863[%get3A_864, %get3A_865] {strides = array<i32>} : memref<16x128xf32, #tpu.memory_space<vmem>>, vector<1x16xf32>,
      %get3A_867 = vector.shape_cast %get3A_866 : vector<1x16xf32> to vector<16xf32>
      %mul3A_868 = vector.broadcast %squeeze3A_816 : f32 to vector<16xf32>
      %mul3A_869 = arith.mulf %get3A_867, %mul3A_868 : vector<16xf32>
      %swap3A_870 = arith.constant 3 : i32
      %swap3A_871 = arith.constant 0 : i32
      %swap3A_872 = arith.constant 0 : i32
      %swap3A_873 = tpu.memref_slice %arg13[%scan3A_282, %swap3A_871, %swap3A_872] : memref<4x128x128xf32, #tpu.memory_space<vmem>> -> memref<1x16x128xf32, #tpu.memory_space<vmem>>
      %swap3A_874 = tpu.memref_squeeze %swap3A_873 : memref<1x16x128xf32, #tpu.memory_space<vmem>> -> memref<16x128xf32, #tpu.memory_space<vmem>>
      %swap3A_875 = arith.index_cast %swap3A_870 : i32 to index
      %swap3A_876 = arith.constant 32 : index
      %swap3A_877 = tpu.vector_load %swap3A_874[%swap3A_875, %swap3A_876] {strides = array<i32>} : memref<16x128xf32, #tpu.memory_space<vmem>>, vector<1x16xf32>,
      %swap3A_878 = vector.shape_cast %swap3A_877 : vector<1x16xf32> to vector<16xf32>
      %swap3A_879 = vector.shape_cast %mul3A_869 : vector<16xf32> to vector<1x16xf32>
      tpu.vector_store %swap3A_874[%swap3A_875, %swap3A_876], %swap3A_879 {strides = array<i32>} : memref<16x128xf32, #tpu.memory_space<vmem>>, vector<1x16xf32>,
      %get3A_880 = arith.constant 3 : i32
      %get3A_881 = arith.constant 0 : i32
      %get3A_882 = arith.constant 0 : i32
      %get3A_883 = tpu.memref_slice %arg13[%scan3A_282, %get3A_881, %get3A_882] : memref<4x128x128xf32, #tpu.memory_space<vmem>> -> memref<1x16x128xf32, #tpu.memory_space<vmem>>
      %get3A_884 = tpu.memref_squeeze %get3A_883 : memref<1x16x128xf32, #tpu.memory_space<vmem>> -> memref<16x128xf32, #tpu.memory_space<vmem>>
      %get3A_885 = arith.index_cast %get3A_880 : i32 to index
      %get3A_886 = arith.constant 48 : index
      %get3A_887 = tpu.vector_load %get3A_884[%get3A_885, %get3A_886] {strides = array<i32>} : memref<16x128xf32, #tpu.memory_space<vmem>>, vector<1x16xf32>,
      %get3A_888 = vector.shape_cast %get3A_887 : vector<1x16xf32> to vector<16xf32>
      %mul3A_889 = vector.broadcast %squeeze3A_816 : f32 to vector<16xf32>
      %mul3A_890 = arith.mulf %get3A_888, %mul3A_889 : vector<16xf32>
      %swap3A_891 = arith.constant 3 : i32
      %swap3A_892 = arith.constant 0 : i32
      %swap3A_893 = arith.constant 0 : i32
      %swap3A_894 = tpu.memref_slice %arg13[%scan3A_282, %swap3A_892, %swap3A_893] : memref<4x128x128xf32, #tpu.memory_space<vmem>> -> memref<1x16x128xf32, #tpu.memory_space<vmem>>
      %swap3A_895 = tpu.memref_squeeze %swap3A_894 : memref<1x16x128xf32, #tpu.memory_space<vmem>> -> memref<16x128xf32, #tpu.memory_space<vmem>>
      %swap3A_896 = arith.index_cast %swap3A_891 : i32 to index
      %swap3A_897 = arith.constant 48 : index
      %swap3A_898 = tpu.vector_load %swap3A_895[%swap3A_896, %swap3A_897] {strides = array<i32>} : memref<16x128xf32, #tpu.memory_space<vmem>>, vector<1x16xf32>,
      %swap3A_899 = vector.shape_cast %swap3A_898 : vector<1x16xf32> to vector<16xf32>
      %swap3A_900 = vector.shape_cast %mul3A_890 : vector<16xf32> to vector<1x16xf32>
      tpu.vector_store %swap3A_895[%swap3A_896, %swap3A_897], %swap3A_900 {strides = array<i32>} : memref<16x128xf32, #tpu.memory_space<vmem>>, vector<1x16xf32>,
      %get3A_901 = arith.constant 3 : i32
      %get3A_902 = arith.constant 0 : i32
      %get3A_903 = arith.constant 0 : i32
      %get3A_904 = tpu.memref_slice %arg13[%scan3A_282, %get3A_902, %get3A_903] : memref<4x128x128xf32, #tpu.memory_space<vmem>> -> memref<1x16x128xf32, #tpu.memory_space<vmem>>
      %get3A_905 = tpu.memref_squeeze %get3A_904 : memref<1x16x128xf32, #tpu.memory_space<vmem>> -> memref<16x128xf32, #tpu.memory_space<vmem>>
      %get3A_906 = arith.index_cast %get3A_901 : i32 to index
      %get3A_907 = arith.constant 64 : index
      %get3A_908 = tpu.vector_load %get3A_905[%get3A_906, %get3A_907] {strides = array<i32>} : memref<16x128xf32, #tpu.memory_space<vmem>>, vector<1x16xf32>,
      %get3A_909 = vector.shape_cast %get3A_908 : vector<1x16xf32> to vector<16xf32>
      %mul3A_910 = vector.broadcast %squeeze3A_816 : f32 to vector<16xf32>
      %mul3A_911 = arith.mulf %get3A_909, %mul3A_910 : vector<16xf32>
      %swap3A_912 = arith.constant 3 : i32
      %swap3A_913 = arith.constant 0 : i32
      %swap3A_914 = arith.constant 0 : i32
      %swap3A_915 = tpu.memref_slice %arg13[%scan3A_282, %swap3A_913, %swap3A_914] : memref<4x128x128xf32, #tpu.memory_space<vmem>> -> memref<1x16x128xf32, #tpu.memory_space<vmem>>
      %swap3A_916 = tpu.memref_squeeze %swap3A_915 : memref<1x16x128xf32, #tpu.memory_space<vmem>> -> memref<16x128xf32, #tpu.memory_space<vmem>>
      %swap3A_917 = arith.index_cast %swap3A_912 : i32 to index
      %swap3A_918 = arith.constant 64 : index
      %swap3A_919 = tpu.vector_load %swap3A_916[%swap3A_917, %swap3A_918] {strides = array<i32>} : memref<16x128xf32, #tpu.memory_space<vmem>>, vector<1x16xf32>,
      %swap3A_920 = vector.shape_cast %swap3A_919 : vector<1x16xf32> to vector<16xf32>
      %swap3A_921 = vector.shape_cast %mul3A_911 : vector<16xf32> to vector<1x16xf32>
      tpu.vector_store %swap3A_916[%swap3A_917, %swap3A_918], %swap3A_921 {strides = array<i32>} : memref<16x128xf32, #tpu.memory_space<vmem>>, vector<1x16xf32>,
      %get3A_922 = arith.constant 3 : i32
      %get3A_923 = arith.constant 0 : i32
      %get3A_924 = arith.constant 0 : i32
      %get3A_925 = tpu.memref_slice %arg13[%scan3A_282, %get3A_923, %get3A_924] : memref<4x128x128xf32, #tpu.memory_space<vmem>> -> memref<1x16x128xf32, #tpu.memory_space<vmem>>
      %get3A_926 = tpu.memref_squeeze %get3A_925 : memref<1x16x128xf32, #tpu.memory_space<vmem>> -> memref<16x128xf32, #tpu.memory_space<vmem>>
      %get3A_927 = arith.index_cast %get3A_922 : i32 to index
      %get3A_928 = arith.constant 80 : index
      %get3A_929 = tpu.vector_load %get3A_926[%get3A_927, %get3A_928] {strides = array<i32>} : memref<16x128xf32, #tpu.memory_space<vmem>>, vector<1x16xf32>,
      %get3A_930 = vector.shape_cast %get3A_929 : vector<1x16xf32> to vector<16xf32>
      %mul3A_931 = vector.broadcast %squeeze3A_816 : f32 to vector<16xf32>
      %mul3A_932 = arith.mulf %get3A_930, %mul3A_931 : vector<16xf32>
      %swap3A_933 = arith.constant 3 : i32
      %swap3A_934 = arith.constant 0 : i32
      %swap3A_935 = arith.constant 0 : i32
      %swap3A_936 = tpu.memref_slice %arg13[%scan3A_282, %swap3A_934, %swap3A_935] : memref<4x128x128xf32, #tpu.memory_space<vmem>> -> memref<1x16x128xf32, #tpu.memory_space<vmem>>
      %swap3A_937 = tpu.memref_squeeze %swap3A_936 : memref<1x16x128xf32, #tpu.memory_space<vmem>> -> memref<16x128xf32, #tpu.memory_space<vmem>>
      %swap3A_938 = arith.index_cast %swap3A_933 : i32 to index
      %swap3A_939 = arith.constant 80 : index
      %swap3A_940 = tpu.vector_load %swap3A_937[%swap3A_938, %swap3A_939] {strides = array<i32>} : memref<16x128xf32, #tpu.memory_space<vmem>>, vector<1x16xf32>,
      %swap3A_941 = vector.shape_cast %swap3A_940 : vector<1x16xf32> to vector<16xf32>
      %swap3A_942 = vector.shape_cast %mul3A_932 : vector<16xf32> to vector<1x16xf32>
      tpu.vector_store %swap3A_937[%swap3A_938, %swap3A_939], %swap3A_942 {strides = array<i32>} : memref<16x128xf32, #tpu.memory_space<vmem>>, vector<1x16xf32>,
      %get3A_943 = arith.constant 3 : i32
      %get3A_944 = arith.constant 0 : i32
      %get3A_945 = arith.constant 0 : i32
      %get3A_946 = tpu.memref_slice %arg13[%scan3A_282, %get3A_944, %get3A_945] : memref<4x128x128xf32, #tpu.memory_space<vmem>> -> memref<1x16x128xf32, #tpu.memory_space<vmem>>
      %get3A_947 = tpu.memref_squeeze %get3A_946 : memref<1x16x128xf32, #tpu.memory_space<vmem>> -> memref<16x128xf32, #tpu.memory_space<vmem>>
      %get3A_948 = arith.index_cast %get3A_943 : i32 to index
      %get3A_949 = arith.constant 96 : index
      %get3A_950 = tpu.vector_load %get3A_947[%get3A_948, %get3A_949] {strides = array<i32>} : memref<16x128xf32, #tpu.memory_space<vmem>>, vector<1x16xf32>,
      %get3A_951 = vector.shape_cast %get3A_950 : vector<1x16xf32> to vector<16xf32>
      %mul3A_952 = vector.broadcast %squeeze3A_816 : f32 to vector<16xf32>
      %mul3A_953 = arith.mulf %get3A_951, %mul3A_952 : vector<16xf32>
      %swap3A_954 = arith.constant 3 : i32
      %swap3A_955 = arith.constant 0 : i32
      %swap3A_956 = arith.constant 0 : i32
      %swap3A_957 = tpu.memref_slice %arg13[%scan3A_282, %swap3A_955, %swap3A_956] : memref<4x128x128xf32, #tpu.memory_space<vmem>> -> memref<1x16x128xf32, #tpu.memory_space<vmem>>
      %swap3A_958 = tpu.memref_squeeze %swap3A_957 : memref<1x16x128xf32, #tpu.memory_space<vmem>> -> memref<16x128xf32, #tpu.memory_space<vmem>>
      %swap3A_959 = arith.index_cast %swap3A_954 : i32 to index
      %swap3A_960 = arith.constant 96 : index
      %swap3A_961 = tpu.vector_load %swap3A_958[%swap3A_959, %swap3A_960] {strides = array<i32>} : memref<16x128xf32, #tpu.memory_space<vmem>>, vector<1x16xf32>,
      %swap3A_962 = vector.shape_cast %swap3A_961 : vector<1x16xf32> to vector<16xf32>
      %swap3A_963 = vector.shape_cast %mul3A_953 : vector<16xf32> to vector<1x16xf32>
      tpu.vector_store %swap3A_958[%swap3A_959, %swap3A_960], %swap3A_963 {strides = array<i32>} : memref<16x128xf32, #tpu.memory_space<vmem>>, vector<1x16xf32>,
      %get3A_964 = arith.constant 3 : i32
      %get3A_965 = arith.constant 0 : i32
      %get3A_966 = arith.constant 0 : i32
      %get3A_967 = tpu.memref_slice %arg13[%scan3A_282, %get3A_965, %get3A_966] : memref<4x128x128xf32, #tpu.memory_space<vmem>> -> memref<1x16x128xf32, #tpu.memory_space<vmem>>
      %get3A_968 = tpu.memref_squeeze %get3A_967 : memref<1x16x128xf32, #tpu.memory_space<vmem>> -> memref<16x128xf32, #tpu.memory_space<vmem>>
      %get3A_969 = arith.index_cast %get3A_964 : i32 to index
      %get3A_970 = arith.constant 112 : index
      %get3A_971 = tpu.vector_load %get3A_968[%get3A_969, %get3A_970] {strides = array<i32>} : memref<16x128xf32, #tpu.memory_space<vmem>>, vector<1x16xf32>,
      %get3A_972 = vector.shape_cast %get3A_971 : vector<1x16xf32> to vector<16xf32>
      %mul3A_973 = vector.broadcast %squeeze3A_816 : f32 to vector<16xf32>
      %mul3A_974 = arith.mulf %get3A_972, %mul3A_973 : vector<16xf32>
      %swap3A_975 = arith.constant 3 : i32
      %swap3A_976 = arith.constant 0 : i32
      %swap3A_977 = arith.constant 0 : i32
      %swap3A_978 = tpu.memref_slice %arg13[%scan3A_282, %swap3A_976, %swap3A_977] : memref<4x128x128xf32, #tpu.memory_space<vmem>> -> memref<1x16x128xf32, #tpu.memory_space<vmem>>
      %swap3A_979 = tpu.memref_squeeze %swap3A_978 : memref<1x16x128xf32, #tpu.memory_space<vmem>> -> memref<16x128xf32, #tpu.memory_space<vmem>>
      %swap3A_980 = arith.index_cast %swap3A_975 : i32 to index
      %swap3A_981 = arith.constant 112 : index
      %swap3A_982 = tpu.vector_load %swap3A_979[%swap3A_980, %swap3A_981] {strides = array<i32>} : memref<16x128xf32, #tpu.memory_space<vmem>>, vector<1x16xf32>,
      %swap3A_983 = vector.shape_cast %swap3A_982 : vector<1x16xf32> to vector<16xf32>
      %swap3A_984 = vector.shape_cast %mul3A_974 : vector<16xf32> to vector<1x16xf32>
      tpu.vector_store %swap3A_979[%swap3A_980, %swap3A_981], %swap3A_984 {strides = array<i32>} : memref<16x128xf32, #tpu.memory_space<vmem>>, vector<1x16xf32>,
      %slice3A_985 = vector.extract_strided_slice %div3A {offsets = [4], sizes = [1], strides = [1]} : vector<16xf32> to vector<1xf32>
      %squeeze3A_986 = vector.extract %slice3A_985[0] : f32 from vector<1xf32>
      %get3A_987 = arith.constant 4 : i32
      %get3A_988 = arith.constant 0 : i32
      %get3A_989 = arith.constant 0 : i32
      %get3A_990 = tpu.memref_slice %arg13[%scan3A_282, %get3A_988, %get3A_989] : memref<4x128x128xf32, #tpu.memory_space<vmem>> -> memref<1x16x128xf32, #tpu.memory_space<vmem>>
      %get3A_991 = tpu.memref_squeeze %get3A_990 : memref<1x16x128xf32, #tpu.memory_space<vmem>> -> memref<16x128xf32, #tpu.memory_space<vmem>>
      %get3A_992 = arith.index_cast %get3A_987 : i32 to index
      %get3A_993 = arith.constant 0 : index
      %get3A_994 = tpu.vector_load %get3A_991[%get3A_992, %get3A_993] {strides = array<i32>} : memref<16x128xf32, #tpu.memory_space<vmem>>, vector<1x16xf32>,
      %get3A_995 = vector.shape_cast %get3A_994 : vector<1x16xf32> to vector<16xf32>
      %mul3A_996 = vector.broadcast %squeeze3A_986 : f32 to vector<16xf32>
      %mul3A_997 = arith.mulf %get3A_995, %mul3A_996 : vector<16xf32>
      %swap3A_998 = arith.constant 4 : i32
      %swap3A_999 = arith.constant 0 : i32
      %swap3A_1000 = arith.constant 0 : i32
      %swap3A_1001 = tpu.memref_slice %arg13[%scan3A_282, %swap3A_999, %swap3A_1000] : memref<4x128x128xf32, #tpu.memory_space<vmem>> -> memref<1x16x128xf32, #tpu.memory_space<vmem>>
      %swap3A_1002 = tpu.memref_squeeze %swap3A_1001 : memref<1x16x128xf32, #tpu.memory_space<vmem>> -> memref<16x128xf32, #tpu.memory_space<vmem>>
      %swap3A_1003 = arith.index_cast %swap3A_998 : i32 to index
      %swap3A_1004 = arith.constant 0 : index
      %swap3A_1005 = tpu.vector_load %swap3A_1002[%swap3A_1003, %swap3A_1004] {strides = array<i32>} : memref<16x128xf32, #tpu.memory_space<vmem>>, vector<1x16xf32>,
      %swap3A_1006 = vector.shape_cast %swap3A_1005 : vector<1x16xf32> to vector<16xf32>
      %swap3A_1007 = vector.shape_cast %mul3A_997 : vector<16xf32> to vector<1x16xf32>
      tpu.vector_store %swap3A_1002[%swap3A_1003, %swap3A_1004], %swap3A_1007 {strides = array<i32>} : memref<16x128xf32, #tpu.memory_space<vmem>>, vector<1x16xf32>,
      %get3A_1008 = arith.constant 4 : i32
      %get3A_1009 = arith.constant 0 : i32
      %get3A_1010 = arith.constant 0 : i32
      %get3A_1011 = tpu.memref_slice %arg13[%scan3A_282, %get3A_1009, %get3A_1010] : memref<4x128x128xf32, #tpu.memory_space<vmem>> -> memref<1x16x128xf32, #tpu.memory_space<vmem>>
      %get3A_1012 = tpu.memref_squeeze %get3A_1011 : memref<1x16x128xf32, #tpu.memory_space<vmem>> -> memref<16x128xf32, #tpu.memory_space<vmem>>
      %get3A_1013 = arith.index_cast %get3A_1008 : i32 to index
      %get3A_1014 = arith.constant 16 : index
      %get3A_1015 = tpu.vector_load %get3A_1012[%get3A_1013, %get3A_1014] {strides = array<i32>} : memref<16x128xf32, #tpu.memory_space<vmem>>, vector<1x16xf32>,
      %get3A_1016 = vector.shape_cast %get3A_1015 : vector<1x16xf32> to vector<16xf32>
      %mul3A_1017 = vector.broadcast %squeeze3A_986 : f32 to vector<16xf32>
      %mul3A_1018 = arith.mulf %get3A_1016, %mul3A_1017 : vector<16xf32>
      %swap3A_1019 = arith.constant 4 : i32
      %swap3A_1020 = arith.constant 0 : i32
      %swap3A_1021 = arith.constant 0 : i32
      %swap3A_1022 = tpu.memref_slice %arg13[%scan3A_282, %swap3A_1020, %swap3A_1021] : memref<4x128x128xf32, #tpu.memory_space<vmem>> -> memref<1x16x128xf32, #tpu.memory_space<vmem>>
      %swap3A_1023 = tpu.memref_squeeze %swap3A_1022 : memref<1x16x128xf32, #tpu.memory_space<vmem>> -> memref<16x128xf32, #tpu.memory_space<vmem>>
      %swap3A_1024 = arith.index_cast %swap3A_1019 : i32 to index
      %swap3A_1025 = arith.constant 16 : index
      %swap3A_1026 = tpu.vector_load %swap3A_1023[%swap3A_1024, %swap3A_1025] {strides = array<i32>} : memref<16x128xf32, #tpu.memory_space<vmem>>, vector<1x16xf32>,
      %swap3A_1027 = vector.shape_cast %swap3A_1026 : vector<1x16xf32> to vector<16xf32>
      %swap3A_1028 = vector.shape_cast %mul3A_1018 : vector<16xf32> to vector<1x16xf32>
      tpu.vector_store %swap3A_1023[%swap3A_1024, %swap3A_1025], %swap3A_1028 {strides = array<i32>} : memref<16x128xf32, #tpu.memory_space<vmem>>, vector<1x16xf32>,
      %get3A_1029 = arith.constant 4 : i32
      %get3A_1030 = arith.constant 0 : i32
      %get3A_1031 = arith.constant 0 : i32
      %get3A_1032 = tpu.memref_slice %arg13[%scan3A_282, %get3A_1030, %get3A_1031] : memref<4x128x128xf32, #tpu.memory_space<vmem>> -> memref<1x16x128xf32, #tpu.memory_space<vmem>>
      %get3A_1033 = tpu.memref_squeeze %get3A_1032 : memref<1x16x128xf32, #tpu.memory_space<vmem>> -> memref<16x128xf32, #tpu.memory_space<vmem>>
      %get3A_1034 = arith.index_cast %get3A_1029 : i32 to index
      %get3A_1035 = arith.constant 32 : index
      %get3A_1036 = tpu.vector_load %get3A_1033[%get3A_1034, %get3A_1035] {strides = array<i32>} : memref<16x128xf32, #tpu.memory_space<vmem>>, vector<1x16xf32>,
      %get3A_1037 = vector.shape_cast %get3A_1036 : vector<1x16xf32> to vector<16xf32>
      %mul3A_1038 = vector.broadcast %squeeze3A_986 : f32 to vector<16xf32>
      %mul3A_1039 = arith.mulf %get3A_1037, %mul3A_1038 : vector<16xf32>
      %swap3A_1040 = arith.constant 4 : i32
      %swap3A_1041 = arith.constant 0 : i32
      %swap3A_1042 = arith.constant 0 : i32
      %swap3A_1043 = tpu.memref_slice %arg13[%scan3A_282, %swap3A_1041, %swap3A_1042] : memref<4x128x128xf32, #tpu.memory_space<vmem>> -> memref<1x16x128xf32, #tpu.memory_space<vmem>>
      %swap3A_1044 = tpu.memref_squeeze %swap3A_1043 : memref<1x16x128xf32, #tpu.memory_space<vmem>> -> memref<16x128xf32, #tpu.memory_space<vmem>>
      %swap3A_1045 = arith.index_cast %swap3A_1040 : i32 to index
      %swap3A_1046 = arith.constant 32 : index
      %swap3A_1047 = tpu.vector_load %swap3A_1044[%swap3A_1045, %swap3A_1046] {strides = array<i32>} : memref<16x128xf32, #tpu.memory_space<vmem>>, vector<1x16xf32>,
      %swap3A_1048 = vector.shape_cast %swap3A_1047 : vector<1x16xf32> to vector<16xf32>
      %swap3A_1049 = vector.shape_cast %mul3A_1039 : vector<16xf32> to vector<1x16xf32>
      tpu.vector_store %swap3A_1044[%swap3A_1045, %swap3A_1046], %swap3A_1049 {strides = array<i32>} : memref<16x128xf32, #tpu.memory_space<vmem>>, vector<1x16xf32>,
      %get3A_1050 = arith.constant 4 : i32
      %get3A_1051 = arith.constant 0 : i32
      %get3A_1052 = arith.constant 0 : i32
      %get3A_1053 = tpu.memref_slice %arg13[%scan3A_282, %get3A_1051, %get3A_1052] : memref<4x128x128xf32, #tpu.memory_space<vmem>> -> memref<1x16x128xf32, #tpu.memory_space<vmem>>
      %get3A_1054 = tpu.memref_squeeze %get3A_1053 : memref<1x16x128xf32, #tpu.memory_space<vmem>> -> memref<16x128xf32, #tpu.memory_space<vmem>>
      %get3A_1055 = arith.index_cast %get3A_1050 : i32 to index
      %get3A_1056 = arith.constant 48 : index
      %get3A_1057 = tpu.vector_load %get3A_1054[%get3A_1055, %get3A_1056] {strides = array<i32>} : memref<16x128xf32, #tpu.memory_space<vmem>>, vector<1x16xf32>,
      %get3A_1058 = vector.shape_cast %get3A_1057 : vector<1x16xf32> to vector<16xf32>
      %mul3A_1059 = vector.broadcast %squeeze3A_986 : f32 to vector<16xf32>
      %mul3A_1060 = arith.mulf %get3A_1058, %mul3A_1059 : vector<16xf32>
      %swap3A_1061 = arith.constant 4 : i32
      %swap3A_1062 = arith.constant 0 : i32
      %swap3A_1063 = arith.constant 0 : i32
      %swap3A_1064 = tpu.memref_slice %arg13[%scan3A_282, %swap3A_1062, %swap3A_1063] : memref<4x128x128xf32, #tpu.memory_space<vmem>> -> memref<1x16x128xf32, #tpu.memory_space<vmem>>
      %swap3A_1065 = tpu.memref_squeeze %swap3A_1064 : memref<1x16x128xf32, #tpu.memory_space<vmem>> -> memref<16x128xf32, #tpu.memory_space<vmem>>
      %swap3A_1066 = arith.index_cast %swap3A_1061 : i32 to index
      %swap3A_1067 = arith.constant 48 : index
      %swap3A_1068 = tpu.vector_load %swap3A_1065[%swap3A_1066, %swap3A_1067] {strides = array<i32>} : memref<16x128xf32, #tpu.memory_space<vmem>>, vector<1x16xf32>,
      %swap3A_1069 = vector.shape_cast %swap3A_1068 : vector<1x16xf32> to vector<16xf32>
      %swap3A_1070 = vector.shape_cast %mul3A_1060 : vector<16xf32> to vector<1x16xf32>
      tpu.vector_store %swap3A_1065[%swap3A_1066, %swap3A_1067], %swap3A_1070 {strides = array<i32>} : memref<16x128xf32, #tpu.memory_space<vmem>>, vector<1x16xf32>,
      %get3A_1071 = arith.constant 4 : i32
      %get3A_1072 = arith.constant 0 : i32
      %get3A_1073 = arith.constant 0 : i32
      %get3A_1074 = tpu.memref_slice %arg13[%scan3A_282, %get3A_1072, %get3A_1073] : memref<4x128x128xf32, #tpu.memory_space<vmem>> -> memref<1x16x128xf32, #tpu.memory_space<vmem>>
      %get3A_1075 = tpu.memref_squeeze %get3A_1074 : memref<1x16x128xf32, #tpu.memory_space<vmem>> -> memref<16x128xf32, #tpu.memory_space<vmem>>
      %get3A_1076 = arith.index_cast %get3A_1071 : i32 to index
      %get3A_1077 = arith.constant 64 : index
      %get3A_1078 = tpu.vector_load %get3A_1075[%get3A_1076, %get3A_1077] {strides = array<i32>} : memref<16x128xf32, #tpu.memory_space<vmem>>, vector<1x16xf32>,
      %get3A_1079 = vector.shape_cast %get3A_1078 : vector<1x16xf32> to vector<16xf32>
      %mul3A_1080 = vector.broadcast %squeeze3A_986 : f32 to vector<16xf32>
      %mul3A_1081 = arith.mulf %get3A_1079, %mul3A_1080 : vector<16xf32>
      %swap3A_1082 = arith.constant 4 : i32
      %swap3A_1083 = arith.constant 0 : i32
      %swap3A_1084 = arith.constant 0 : i32
      %swap3A_1085 = tpu.memref_slice %arg13[%scan3A_282, %swap3A_1083, %swap3A_1084] : memref<4x128x128xf32, #tpu.memory_space<vmem>> -> memref<1x16x128xf32, #tpu.memory_space<vmem>>
      %swap3A_1086 = tpu.memref_squeeze %swap3A_1085 : memref<1x16x128xf32, #tpu.memory_space<vmem>> -> memref<16x128xf32, #tpu.memory_space<vmem>>
      %swap3A_1087 = arith.index_cast %swap3A_1082 : i32 to index
      %swap3A_1088 = arith.constant 64 : index
      %swap3A_1089 = tpu.vector_load %swap3A_1086[%swap3A_1087, %swap3A_1088] {strides = array<i32>} : memref<16x128xf32, #tpu.memory_space<vmem>>, vector<1x16xf32>,
      %swap3A_1090 = vector.shape_cast %swap3A_1089 : vector<1x16xf32> to vector<16xf32>
      %swap3A_1091 = vector.shape_cast %mul3A_1081 : vector<16xf32> to vector<1x16xf32>
      tpu.vector_store %swap3A_1086[%swap3A_1087, %swap3A_1088], %swap3A_1091 {strides = array<i32>} : memref<16x128xf32, #tpu.memory_space<vmem>>, vector<1x16xf32>,
      %get3A_1092 = arith.constant 4 : i32
      %get3A_1093 = arith.constant 0 : i32
      %get3A_1094 = arith.constant 0 : i32
      %get3A_1095 = tpu.memref_slice %arg13[%scan3A_282, %get3A_1093, %get3A_1094] : memref<4x128x128xf32, #tpu.memory_space<vmem>> -> memref<1x16x128xf32, #tpu.memory_space<vmem>>
      %get3A_1096 = tpu.memref_squeeze %get3A_1095 : memref<1x16x128xf32, #tpu.memory_space<vmem>> -> memref<16x128xf32, #tpu.memory_space<vmem>>
      %get3A_1097 = arith.index_cast %get3A_1092 : i32 to index
      %get3A_1098 = arith.constant 80 : index
      %get3A_1099 = tpu.vector_load %get3A_1096[%get3A_1097, %get3A_1098] {strides = array<i32>} : memref<16x128xf32, #tpu.memory_space<vmem>>, vector<1x16xf32>,
      %get3A_1100 = vector.shape_cast %get3A_1099 : vector<1x16xf32> to vector<16xf32>
      %mul3A_1101 = vector.broadcast %squeeze3A_986 : f32 to vector<16xf32>
      %mul3A_1102 = arith.mulf %get3A_1100, %mul3A_1101 : vector<16xf32>
      %swap3A_1103 = arith.constant 4 : i32
      %swap3A_1104 = arith.constant 0 : i32
      %swap3A_1105 = arith.constant 0 : i32
      %swap3A_1106 = tpu.memref_slice %arg13[%scan3A_282, %swap3A_1104, %swap3A_1105] : memref<4x128x128xf32, #tpu.memory_space<vmem>> -> memref<1x16x128xf32, #tpu.memory_space<vmem>>
      %swap3A_1107 = tpu.memref_squeeze %swap3A_1106 : memref<1x16x128xf32, #tpu.memory_space<vmem>> -> memref<16x128xf32, #tpu.memory_space<vmem>>
      %swap3A_1108 = arith.index_cast %swap3A_1103 : i32 to index
      %swap3A_1109 = arith.constant 80 : index
      %swap3A_1110 = tpu.vector_load %swap3A_1107[%swap3A_1108, %swap3A_1109] {strides = array<i32>} : memref<16x128xf32, #tpu.memory_space<vmem>>, vector<1x16xf32>,
      %swap3A_1111 = vector.shape_cast %swap3A_1110 : vector<1x16xf32> to vector<16xf32>
      %swap3A_1112 = vector.shape_cast %mul3A_1102 : vector<16xf32> to vector<1x16xf32>
      tpu.vector_store %swap3A_1107[%swap3A_1108, %swap3A_1109], %swap3A_1112 {strides = array<i32>} : memref<16x128xf32, #tpu.memory_space<vmem>>, vector<1x16xf32>,
      %get3A_1113 = arith.constant 4 : i32
      %get3A_1114 = arith.constant 0 : i32
      %get3A_1115 = arith.constant 0 : i32
      %get3A_1116 = tpu.memref_slice %arg13[%scan3A_282, %get3A_1114, %get3A_1115] : memref<4x128x128xf32, #tpu.memory_space<vmem>> -> memref<1x16x128xf32, #tpu.memory_space<vmem>>
      %get3A_1117 = tpu.memref_squeeze %get3A_1116 : memref<1x16x128xf32, #tpu.memory_space<vmem>> -> memref<16x128xf32, #tpu.memory_space<vmem>>
      %get3A_1118 = arith.index_cast %get3A_1113 : i32 to index
      %get3A_1119 = arith.constant 96 : index
      %get3A_1120 = tpu.vector_load %get3A_1117[%get3A_1118, %get3A_1119] {strides = array<i32>} : memref<16x128xf32, #tpu.memory_space<vmem>>, vector<1x16xf32>,
      %get3A_1121 = vector.shape_cast %get3A_1120 : vector<1x16xf32> to vector<16xf32>
      %mul3A_1122 = vector.broadcast %squeeze3A_986 : f32 to vector<16xf32>
      %mul3A_1123 = arith.mulf %get3A_1121, %mul3A_1122 : vector<16xf32>
      %swap3A_1124 = arith.constant 4 : i32
      %swap3A_1125 = arith.constant 0 : i32
      %swap3A_1126 = arith.constant 0 : i32
      %swap3A_1127 = tpu.memref_slice %arg13[%scan3A_282, %swap3A_1125, %swap3A_1126] : memref<4x128x128xf32, #tpu.memory_space<vmem>> -> memref<1x16x128xf32, #tpu.memory_space<vmem>>
      %swap3A_1128 = tpu.memref_squeeze %swap3A_1127 : memref<1x16x128xf32, #tpu.memory_space<vmem>> -> memref<16x128xf32, #tpu.memory_space<vmem>>
      %swap3A_1129 = arith.index_cast %swap3A_1124 : i32 to index
      %swap3A_1130 = arith.constant 96 : index
      %swap3A_1131 = tpu.vector_load %swap3A_1128[%swap3A_1129, %swap3A_1130] {strides = array<i32>} : memref<16x128xf32, #tpu.memory_space<vmem>>, vector<1x16xf32>,
      %swap3A_1132 = vector.shape_cast %swap3A_1131 : vector<1x16xf32> to vector<16xf32>
      %swap3A_1133 = vector.shape_cast %mul3A_1123 : vector<16xf32> to vector<1x16xf32>
      tpu.vector_store %swap3A_1128[%swap3A_1129, %swap3A_1130], %swap3A_1133 {strides = array<i32>} : memref<16x128xf32, #tpu.memory_space<vmem>>, vector<1x16xf32>,
      %get3A_1134 = arith.constant 4 : i32
      %get3A_1135 = arith.constant 0 : i32
      %get3A_1136 = arith.constant 0 : i32
      %get3A_1137 = tpu.memref_slice %arg13[%scan3A_282, %get3A_1135, %get3A_1136] : memref<4x128x128xf32, #tpu.memory_space<vmem>> -> memref<1x16x128xf32, #tpu.memory_space<vmem>>
      %get3A_1138 = tpu.memref_squeeze %get3A_1137 : memref<1x16x128xf32, #tpu.memory_space<vmem>> -> memref<16x128xf32, #tpu.memory_space<vmem>>
      %get3A_1139 = arith.index_cast %get3A_1134 : i32 to index
      %get3A_1140 = arith.constant 112 : index
      %get3A_1141 = tpu.vector_load %get3A_1138[%get3A_1139, %get3A_1140] {strides = array<i32>} : memref<16x128xf32, #tpu.memory_space<vmem>>, vector<1x16xf32>,
      %get3A_1142 = vector.shape_cast %get3A_1141 : vector<1x16xf32> to vector<16xf32>
      %mul3A_1143 = vector.broadcast %squeeze3A_986 : f32 to vector<16xf32>
      %mul3A_1144 = arith.mulf %get3A_1142, %mul3A_1143 : vector<16xf32>
      %swap3A_1145 = arith.constant 4 : i32
      %swap3A_1146 = arith.constant 0 : i32
      %swap3A_1147 = arith.constant 0 : i32
      %swap3A_1148 = tpu.memref_slice %arg13[%scan3A_282, %swap3A_1146, %swap3A_1147] : memref<4x128x128xf32, #tpu.memory_space<vmem>> -> memref<1x16x128xf32, #tpu.memory_space<vmem>>
      %swap3A_1149 = tpu.memref_squeeze %swap3A_1148 : memref<1x16x128xf32, #tpu.memory_space<vmem>> -> memref<16x128xf32, #tpu.memory_space<vmem>>
      %swap3A_1150 = arith.index_cast %swap3A_1145 : i32 to index
      %swap3A_1151 = arith.constant 112 : index
      %swap3A_1152 = tpu.vector_load %swap3A_1149[%swap3A_1150, %swap3A_1151] {strides = array<i32>} : memref<16x128xf32, #tpu.memory_space<vmem>>, vector<1x16xf32>,
      %swap3A_1153 = vector.shape_cast %swap3A_1152 : vector<1x16xf32> to vector<16xf32>
      %swap3A_1154 = vector.shape_cast %mul3A_1144 : vector<16xf32> to vector<1x16xf32>
      tpu.vector_store %swap3A_1149[%swap3A_1150, %swap3A_1151], %swap3A_1154 {strides = array<i32>} : memref<16x128xf32, #tpu.memory_space<vmem>>, vector<1x16xf32>,
      %slice3A_1155 = vector.extract_strided_slice %div3A {offsets = [5], sizes = [1], strides = [1]} : vector<16xf32> to vector<1xf32>
      %squeeze3A_1156 = vector.extract %slice3A_1155[0] : f32 from vector<1xf32>
      %get3A_1157 = arith.constant 5 : i32
      %get3A_1158 = arith.constant 0 : i32
      %get3A_1159 = arith.constant 0 : i32
      %get3A_1160 = tpu.memref_slice %arg13[%scan3A_282, %get3A_1158, %get3A_1159] : memref<4x128x128xf32, #tpu.memory_space<vmem>> -> memref<1x16x128xf32, #tpu.memory_space<vmem>>
      %get3A_1161 = tpu.memref_squeeze %get3A_1160 : memref<1x16x128xf32, #tpu.memory_space<vmem>> -> memref<16x128xf32, #tpu.memory_space<vmem>>
      %get3A_1162 = arith.index_cast %get3A_1157 : i32 to index
      %get3A_1163 = arith.constant 0 : index
      %get3A_1164 = tpu.vector_load %get3A_1161[%get3A_1162, %get3A_1163] {strides = array<i32>} : memref<16x128xf32, #tpu.memory_space<vmem>>, vector<1x16xf32>,
      %get3A_1165 = vector.shape_cast %get3A_1164 : vector<1x16xf32> to vector<16xf32>
      %mul3A_1166 = vector.broadcast %squeeze3A_1156 : f32 to vector<16xf32>
      %mul3A_1167 = arith.mulf %get3A_1165, %mul3A_1166 : vector<16xf32>
      %swap3A_1168 = arith.constant 5 : i32
      %swap3A_1169 = arith.constant 0 : i32
      %swap3A_1170 = arith.constant 0 : i32
      %swap3A_1171 = tpu.memref_slice %arg13[%scan3A_282, %swap3A_1169, %swap3A_1170] : memref<4x128x128xf32, #tpu.memory_space<vmem>> -> memref<1x16x128xf32, #tpu.memory_space<vmem>>
      %swap3A_1172 = tpu.memref_squeeze %swap3A_1171 : memref<1x16x128xf32, #tpu.memory_space<vmem>> -> memref<16x128xf32, #tpu.memory_space<vmem>>
      %swap3A_1173 = arith.index_cast %swap3A_1168 : i32 to index
      %swap3A_1174 = arith.constant 0 : index
      %swap3A_1175 = tpu.vector_load %swap3A_1172[%swap3A_1173, %swap3A_1174] {strides = array<i32>} : memref<16x128xf32, #tpu.memory_space<vmem>>, vector<1x16xf32>,
      %swap3A_1176 = vector.shape_cast %swap3A_1175 : vector<1x16xf32> to vector<16xf32>
      %swap3A_1177 = vector.shape_cast %mul3A_1167 : vector<16xf32> to vector<1x16xf32>
      tpu.vector_store %swap3A_1172[%swap3A_1173, %swap3A_1174], %swap3A_1177 {strides = array<i32>} : memref<16x128xf32, #tpu.memory_space<vmem>>, vector<1x16xf32>,
      %get3A_1178 = arith.constant 5 : i32
      %get3A_1179 = arith.constant 0 : i32
      %get3A_1180 = arith.constant 0 : i32
      %get3A_1181 = tpu.memref_slice %arg13[%scan3A_282, %get3A_1179, %get3A_1180] : memref<4x128x128xf32, #tpu.memory_space<vmem>> -> memref<1x16x128xf32, #tpu.memory_space<vmem>>
      %get3A_1182 = tpu.memref_squeeze %get3A_1181 : memref<1x16x128xf32, #tpu.memory_space<vmem>> -> memref<16x128xf32, #tpu.memory_space<vmem>>
      %get3A_1183 = arith.index_cast %get3A_1178 : i32 to index
      %get3A_1184 = arith.constant 16 : index
      %get3A_1185 = tpu.vector_load %get3A_1182[%get3A_1183, %get3A_1184] {strides = array<i32>} : memref<16x128xf32, #tpu.memory_space<vmem>>, vector<1x16xf32>,
      %get3A_1186 = vector.shape_cast %get3A_1185 : vector<1x16xf32> to vector<16xf32>
      %mul3A_1187 = vector.broadcast %squeeze3A_1156 : f32 to vector<16xf32>
      %mul3A_1188 = arith.mulf %get3A_1186, %mul3A_1187 : vector<16xf32>
      %swap3A_1189 = arith.constant 5 : i32
      %swap3A_1190 = arith.constant 0 : i32
      %swap3A_1191 = arith.constant 0 : i32
      %swap3A_1192 = tpu.memref_slice %arg13[%scan3A_282, %swap3A_1190, %swap3A_1191] : memref<4x128x128xf32, #tpu.memory_space<vmem>> -> memref<1x16x128xf32, #tpu.memory_space<vmem>>
      %swap3A_1193 = tpu.memref_squeeze %swap3A_1192 : memref<1x16x128xf32, #tpu.memory_space<vmem>> -> memref<16x128xf32, #tpu.memory_space<vmem>>
      %swap3A_1194 = arith.index_cast %swap3A_1189 : i32 to index
      %swap3A_1195 = arith.constant 16 : index
      %swap3A_1196 = tpu.vector_load %swap3A_1193[%swap3A_1194, %swap3A_1195] {strides = array<i32>} : memref<16x128xf32, #tpu.memory_space<vmem>>, vector<1x16xf32>,
      %swap3A_1197 = vector.shape_cast %swap3A_1196 : vector<1x16xf32> to vector<16xf32>
      %swap3A_1198 = vector.shape_cast %mul3A_1188 : vector<16xf32> to vector<1x16xf32>
      tpu.vector_store %swap3A_1193[%swap3A_1194, %swap3A_1195], %swap3A_1198 {strides = array<i32>} : memref<16x128xf32, #tpu.memory_space<vmem>>, vector<1x16xf32>,
      %get3A_1199 = arith.constant 5 : i32
      %get3A_1200 = arith.constant 0 : i32
      %get3A_1201 = arith.constant 0 : i32
      %get3A_1202 = tpu.memref_slice %arg13[%scan3A_282, %get3A_1200, %get3A_1201] : memref<4x128x128xf32, #tpu.memory_space<vmem>> -> memref<1x16x128xf32, #tpu.memory_space<vmem>>
      %get3A_1203 = tpu.memref_squeeze %get3A_1202 : memref<1x16x128xf32, #tpu.memory_space<vmem>> -> memref<16x128xf32, #tpu.memory_space<vmem>>
      %get3A_1204 = arith.index_cast %get3A_1199 : i32 to index
      %get3A_1205 = arith.constant 32 : index
      %get3A_1206 = tpu.vector_load %get3A_1203[%get3A_1204, %get3A_1205] {strides = array<i32>} : memref<16x128xf32, #tpu.memory_space<vmem>>, vector<1x16xf32>,
      %get3A_1207 = vector.shape_cast %get3A_1206 : vector<1x16xf32> to vector<16xf32>
      %mul3A_1208 = vector.broadcast %squeeze3A_1156 : f32 to vector<16xf32>
      %mul3A_1209 = arith.mulf %get3A_1207, %mul3A_1208 : vector<16xf32>
      %swap3A_1210 = arith.constant 5 : i32
      %swap3A_1211 = arith.constant 0 : i32
      %swap3A_1212 = arith.constant 0 : i32
      %swap3A_1213 = tpu.memref_slice %arg13[%scan3A_282, %swap3A_1211, %swap3A_1212] : memref<4x128x128xf32, #tpu.memory_space<vmem>> -> memref<1x16x128xf32, #tpu.memory_space<vmem>>
      %swap3A_1214 = tpu.memref_squeeze %swap3A_1213 : memref<1x16x128xf32, #tpu.memory_space<vmem>> -> memref<16x128xf32, #tpu.memory_space<vmem>>
      %swap3A_1215 = arith.index_cast %swap3A_1210 : i32 to index
      %swap3A_1216 = arith.constant 32 : index
      %swap3A_1217 = tpu.vector_load %swap3A_1214[%swap3A_1215, %swap3A_1216] {strides = array<i32>} : memref<16x128xf32, #tpu.memory_space<vmem>>, vector<1x16xf32>,
      %swap3A_1218 = vector.shape_cast %swap3A_1217 : vector<1x16xf32> to vector<16xf32>
      %swap3A_1219 = vector.shape_cast %mul3A_1209 : vector<16xf32> to vector<1x16xf32>
      tpu.vector_store %swap3A_1214[%swap3A_1215, %swap3A_1216], %swap3A_1219 {strides = array<i32>} : memref<16x128xf32, #tpu.memory_space<vmem>>, vector<1x16xf32>,
      %get3A_1220 = arith.constant 5 : i32
      %get3A_1221 = arith.constant 0 : i32
      %get3A_1222 = arith.constant 0 : i32
      %get3A_1223 = tpu.memref_slice %arg13[%scan3A_282, %get3A_1221, %get3A_1222] : memref<4x128x128xf32, #tpu.memory_space<vmem>> -> memref<1x16x128xf32, #tpu.memory_space<vmem>>
      %get3A_1224 = tpu.memref_squeeze %get3A_1223 : memref<1x16x128xf32, #tpu.memory_space<vmem>> -> memref<16x128xf32, #tpu.memory_space<vmem>>
      %get3A_1225 = arith.index_cast %get3A_1220 : i32 to index
      %get3A_1226 = arith.constant 48 : index
      %get3A_1227 = tpu.vector_load %get3A_1224[%get3A_1225, %get3A_1226] {strides = array<i32>} : memref<16x128xf32, #tpu.memory_space<vmem>>, vector<1x16xf32>,
      %get3A_1228 = vector.shape_cast %get3A_1227 : vector<1x16xf32> to vector<16xf32>
      %mul3A_1229 = vector.broadcast %squeeze3A_1156 : f32 to vector<16xf32>
      %mul3A_1230 = arith.mulf %get3A_1228, %mul3A_1229 : vector<16xf32>
      %swap3A_1231 = arith.constant 5 : i32
      %swap3A_1232 = arith.constant 0 : i32
      %swap3A_1233 = arith.constant 0 : i32
      %swap3A_1234 = tpu.memref_slice %arg13[%scan3A_282, %swap3A_1232, %swap3A_1233] : memref<4x128x128xf32, #tpu.memory_space<vmem>> -> memref<1x16x128xf32, #tpu.memory_space<vmem>>
      %swap3A_1235 = tpu.memref_squeeze %swap3A_1234 : memref<1x16x128xf32, #tpu.memory_space<vmem>> -> memref<16x128xf32, #tpu.memory_space<vmem>>
      %swap3A_1236 = arith.index_cast %swap3A_1231 : i32 to index
      %swap3A_1237 = arith.constant 48 : index
      %swap3A_1238 = tpu.vector_load %swap3A_1235[%swap3A_1236, %swap3A_1237] {strides = array<i32>} : memref<16x128xf32, #tpu.memory_space<vmem>>, vector<1x16xf32>,
      %swap3A_1239 = vector.shape_cast %swap3A_1238 : vector<1x16xf32> to vector<16xf32>
      %swap3A_1240 = vector.shape_cast %mul3A_1230 : vector<16xf32> to vector<1x16xf32>
      tpu.vector_store %swap3A_1235[%swap3A_1236, %swap3A_1237], %swap3A_1240 {strides = array<i32>} : memref<16x128xf32, #tpu.memory_space<vmem>>, vector<1x16xf32>,
      %get3A_1241 = arith.constant 5 : i32
      %get3A_1242 = arith.constant 0 : i32
      %get3A_1243 = arith.constant 0 : i32
      %get3A_1244 = tpu.memref_slice %arg13[%scan3A_282, %get3A_1242, %get3A_1243] : memref<4x128x128xf32, #tpu.memory_space<vmem>> -> memref<1x16x128xf32, #tpu.memory_space<vmem>>
      %get3A_1245 = tpu.memref_squeeze %get3A_1244 : memref<1x16x128xf32, #tpu.memory_space<vmem>> -> memref<16x128xf32, #tpu.memory_space<vmem>>
      %get3A_1246 = arith.index_cast %get3A_1241 : i32 to index
      %get3A_1247 = arith.constant 64 : index
      %get3A_1248 = tpu.vector_load %get3A_1245[%get3A_1246, %get3A_1247] {strides = array<i32>} : memref<16x128xf32, #tpu.memory_space<vmem>>, vector<1x16xf32>,
      %get3A_1249 = vector.shape_cast %get3A_1248 : vector<1x16xf32> to vector<16xf32>
      %mul3A_1250 = vector.broadcast %squeeze3A_1156 : f32 to vector<16xf32>
      %mul3A_1251 = arith.mulf %get3A_1249, %mul3A_1250 : vector<16xf32>
      %swap3A_1252 = arith.constant 5 : i32
      %swap3A_1253 = arith.constant 0 : i32
      %swap3A_1254 = arith.constant 0 : i32
      %swap3A_1255 = tpu.memref_slice %arg13[%scan3A_282, %swap3A_1253, %swap3A_1254] : memref<4x128x128xf32, #tpu.memory_space<vmem>> -> memref<1x16x128xf32, #tpu.memory_space<vmem>>
      %swap3A_1256 = tpu.memref_squeeze %swap3A_1255 : memref<1x16x128xf32, #tpu.memory_space<vmem>> -> memref<16x128xf32, #tpu.memory_space<vmem>>
      %swap3A_1257 = arith.index_cast %swap3A_1252 : i32 to index
      %swap3A_1258 = arith.constant 64 : index
      %swap3A_1259 = tpu.vector_load %swap3A_1256[%swap3A_1257, %swap3A_1258] {strides = array<i32>} : memref<16x128xf32, #tpu.memory_space<vmem>>, vector<1x16xf32>,
      %swap3A_1260 = vector.shape_cast %swap3A_1259 : vector<1x16xf32> to vector<16xf32>
      %swap3A_1261 = vector.shape_cast %mul3A_1251 : vector<16xf32> to vector<1x16xf32>
      tpu.vector_store %swap3A_1256[%swap3A_1257, %swap3A_1258], %swap3A_1261 {strides = array<i32>} : memref<16x128xf32, #tpu.memory_space<vmem>>, vector<1x16xf32>,
      %get3A_1262 = arith.constant 5 : i32
      %get3A_1263 = arith.constant 0 : i32
      %get3A_1264 = arith.constant 0 : i32
      %get3A_1265 = tpu.memref_slice %arg13[%scan3A_282, %get3A_1263, %get3A_1264] : memref<4x128x128xf32, #tpu.memory_space<vmem>> -> memref<1x16x128xf32, #tpu.memory_space<vmem>>
      %get3A_1266 = tpu.memref_squeeze %get3A_1265 : memref<1x16x128xf32, #tpu.memory_space<vmem>> -> memref<16x128xf32, #tpu.memory_space<vmem>>
      %get3A_1267 = arith.index_cast %get3A_1262 : i32 to index
      %get3A_1268 = arith.constant 80 : index
      %get3A_1269 = tpu.vector_load %get3A_1266[%get3A_1267, %get3A_1268] {strides = array<i32>} : memref<16x128xf32, #tpu.memory_space<vmem>>, vector<1x16xf32>,
      %get3A_1270 = vector.shape_cast %get3A_1269 : vector<1x16xf32> to vector<16xf32>
      %mul3A_1271 = vector.broadcast %squeeze3A_1156 : f32 to vector<16xf32>
      %mul3A_1272 = arith.mulf %get3A_1270, %mul3A_1271 : vector<16xf32>
      %swap3A_1273 = arith.constant 5 : i32
      %swap3A_1274 = arith.constant 0 : i32
      %swap3A_1275 = arith.constant 0 : i32
      %swap3A_1276 = tpu.memref_slice %arg13[%scan3A_282, %swap3A_1274, %swap3A_1275] : memref<4x128x128xf32, #tpu.memory_space<vmem>> -> memref<1x16x128xf32, #tpu.memory_space<vmem>>
      %swap3A_1277 = tpu.memref_squeeze %swap3A_1276 : memref<1x16x128xf32, #tpu.memory_space<vmem>> -> memref<16x128xf32, #tpu.memory_space<vmem>>
      %swap3A_1278 = arith.index_cast %swap3A_1273 : i32 to index
      %swap3A_1279 = arith.constant 80 : index
      %swap3A_1280 = tpu.vector_load %swap3A_1277[%swap3A_1278, %swap3A_1279] {strides = array<i32>} : memref<16x128xf32, #tpu.memory_space<vmem>>, vector<1x16xf32>,
      %swap3A_1281 = vector.shape_cast %swap3A_1280 : vector<1x16xf32> to vector<16xf32>
      %swap3A_1282 = vector.shape_cast %mul3A_1272 : vector<16xf32> to vector<1x16xf32>
      tpu.vector_store %swap3A_1277[%swap3A_1278, %swap3A_1279], %swap3A_1282 {strides = array<i32>} : memref<16x128xf32, #tpu.memory_space<vmem>>, vector<1x16xf32>,
      %get3A_1283 = arith.constant 5 : i32
      %get3A_1284 = arith.constant 0 : i32
      %get3A_1285 = arith.constant 0 : i32
      %get3A_1286 = tpu.memref_slice %arg13[%scan3A_282, %get3A_1284, %get3A_1285] : memref<4x128x128xf32, #tpu.memory_space<vmem>> -> memref<1x16x128xf32, #tpu.memory_space<vmem>>
      %get3A_1287 = tpu.memref_squeeze %get3A_1286 : memref<1x16x128xf32, #tpu.memory_space<vmem>> -> memref<16x128xf32, #tpu.memory_space<vmem>>
      %get3A_1288 = arith.index_cast %get3A_1283 : i32 to index
      %get3A_1289 = arith.constant 96 : index
      %get3A_1290 = tpu.vector_load %get3A_1287[%get3A_1288, %get3A_1289] {strides = array<i32>} : memref<16x128xf32, #tpu.memory_space<vmem>>, vector<1x16xf32>,
      %get3A_1291 = vector.shape_cast %get3A_1290 : vector<1x16xf32> to vector<16xf32>
      %mul3A_1292 = vector.broadcast %squeeze3A_1156 : f32 to vector<16xf32>
      %mul3A_1293 = arith.mulf %get3A_1291, %mul3A_1292 : vector<16xf32>
      %swap3A_1294 = arith.constant 5 : i32
      %swap3A_1295 = arith.constant 0 : i32
      %swap3A_1296 = arith.constant 0 : i32
      %swap3A_1297 = tpu.memref_slice %arg13[%scan3A_282, %swap3A_1295, %swap3A_1296] : memref<4x128x128xf32, #tpu.memory_space<vmem>> -> memref<1x16x128xf32, #tpu.memory_space<vmem>>
      %swap3A_1298 = tpu.memref_squeeze %swap3A_1297 : memref<1x16x128xf32, #tpu.memory_space<vmem>> -> memref<16x128xf32, #tpu.memory_space<vmem>>
      %swap3A_1299 = arith.index_cast %swap3A_1294 : i32 to index
      %swap3A_1300 = arith.constant 96 : index
      %swap3A_1301 = tpu.vector_load %swap3A_1298[%swap3A_1299, %swap3A_1300] {strides = array<i32>} : memref<16x128xf32, #tpu.memory_space<vmem>>, vector<1x16xf32>,
      %swap3A_1302 = vector.shape_cast %swap3A_1301 : vector<1x16xf32> to vector<16xf32>
      %swap3A_1303 = vector.shape_cast %mul3A_1293 : vector<16xf32> to vector<1x16xf32>
      tpu.vector_store %swap3A_1298[%swap3A_1299, %swap3A_1300], %swap3A_1303 {strides = array<i32>} : memref<16x128xf32, #tpu.memory_space<vmem>>, vector<1x16xf32>,
      %get3A_1304 = arith.constant 5 : i32
      %get3A_1305 = arith.constant 0 : i32
      %get3A_1306 = arith.constant 0 : i32
      %get3A_1307 = tpu.memref_slice %arg13[%scan3A_282, %get3A_1305, %get3A_1306] : memref<4x128x128xf32, #tpu.memory_space<vmem>> -> memref<1x16x128xf32, #tpu.memory_space<vmem>>
      %get3A_1308 = tpu.memref_squeeze %get3A_1307 : memref<1x16x128xf32, #tpu.memory_space<vmem>> -> memref<16x128xf32, #tpu.memory_space<vmem>>
      %get3A_1309 = arith.index_cast %get3A_1304 : i32 to index
      %get3A_1310 = arith.constant 112 : index
      %get3A_1311 = tpu.vector_load %get3A_1308[%get3A_1309, %get3A_1310] {strides = array<i32>} : memref<16x128xf32, #tpu.memory_space<vmem>>, vector<1x16xf32>,
      %get3A_1312 = vector.shape_cast %get3A_1311 : vector<1x16xf32> to vector<16xf32>
      %mul3A_1313 = vector.broadcast %squeeze3A_1156 : f32 to vector<16xf32>
      %mul3A_1314 = arith.mulf %get3A_1312, %mul3A_1313 : vector<16xf32>
      %swap3A_1315 = arith.constant 5 : i32
      %swap3A_1316 = arith.constant 0 : i32
      %swap3A_1317 = arith.constant 0 : i32
      %swap3A_1318 = tpu.memref_slice %arg13[%scan3A_282, %swap3A_1316, %swap3A_1317] : memref<4x128x128xf32, #tpu.memory_space<vmem>> -> memref<1x16x128xf32, #tpu.memory_space<vmem>>
      %swap3A_1319 = tpu.memref_squeeze %swap3A_1318 : memref<1x16x128xf32, #tpu.memory_space<vmem>> -> memref<16x128xf32, #tpu.memory_space<vmem>>
      %swap3A_1320 = arith.index_cast %swap3A_1315 : i32 to index
      %swap3A_1321 = arith.constant 112 : index
      %swap3A_1322 = tpu.vector_load %swap3A_1319[%swap3A_1320, %swap3A_1321] {strides = array<i32>} : memref<16x128xf32, #tpu.memory_space<vmem>>, vector<1x16xf32>,
      %swap3A_1323 = vector.shape_cast %swap3A_1322 : vector<1x16xf32> to vector<16xf32>
      %swap3A_1324 = vector.shape_cast %mul3A_1314 : vector<16xf32> to vector<1x16xf32>
      tpu.vector_store %swap3A_1319[%swap3A_1320, %swap3A_1321], %swap3A_1324 {strides = array<i32>} : memref<16x128xf32, #tpu.memory_space<vmem>>, vector<1x16xf32>,
      %slice3A_1325 = vector.extract_strided_slice %div3A {offsets = [6], sizes = [1], strides = [1]} : vector<16xf32> to vector<1xf32>
      %squeeze3A_1326 = vector.extract %slice3A_1325[0] : f32 from vector<1xf32>
      %get3A_1327 = arith.constant 6 : i32
      %get3A_1328 = arith.constant 0 : i32
      %get3A_1329 = arith.constant 0 : i32
      %get3A_1330 = tpu.memref_slice %arg13[%scan3A_282, %get3A_1328, %get3A_1329] : memref<4x128x128xf32, #tpu.memory_space<vmem>> -> memref<1x16x128xf32, #tpu.memory_space<vmem>>
      %get3A_1331 = tpu.memref_squeeze %get3A_1330 : memref<1x16x128xf32, #tpu.memory_space<vmem>> -> memref<16x128xf32, #tpu.memory_space<vmem>>
      %get3A_1332 = arith.index_cast %get3A_1327 : i32 to index
      %get3A_1333 = arith.constant 0 : index
      %get3A_1334 = tpu.vector_load %get3A_1331[%get3A_1332, %get3A_1333] {strides = array<i32>} : memref<16x128xf32, #tpu.memory_space<vmem>>, vector<1x16xf32>,
      %get3A_1335 = vector.shape_cast %get3A_1334 : vector<1x16xf32> to vector<16xf32>
      %mul3A_1336 = vector.broadcast %squeeze3A_1326 : f32 to vector<16xf32>
      %mul3A_1337 = arith.mulf %get3A_1335, %mul3A_1336 : vector<16xf32>
      %swap3A_1338 = arith.constant 6 : i32
      %swap3A_1339 = arith.constant 0 : i32
      %swap3A_1340 = arith.constant 0 : i32
      %swap3A_1341 = tpu.memref_slice %arg13[%scan3A_282, %swap3A_1339, %swap3A_1340] : memref<4x128x128xf32, #tpu.memory_space<vmem>> -> memref<1x16x128xf32, #tpu.memory_space<vmem>>
      %swap3A_1342 = tpu.memref_squeeze %swap3A_1341 : memref<1x16x128xf32, #tpu.memory_space<vmem>> -> memref<16x128xf32, #tpu.memory_space<vmem>>
      %swap3A_1343 = arith.index_cast %swap3A_1338 : i32 to index
      %swap3A_1344 = arith.constant 0 : index
      %swap3A_1345 = tpu.vector_load %swap3A_1342[%swap3A_1343, %swap3A_1344] {strides = array<i32>} : memref<16x128xf32, #tpu.memory_space<vmem>>, vector<1x16xf32>,
      %swap3A_1346 = vector.shape_cast %swap3A_1345 : vector<1x16xf32> to vector<16xf32>
      %swap3A_1347 = vector.shape_cast %mul3A_1337 : vector<16xf32> to vector<1x16xf32>
      tpu.vector_store %swap3A_1342[%swap3A_1343, %swap3A_1344], %swap3A_1347 {strides = array<i32>} : memref<16x128xf32, #tpu.memory_space<vmem>>, vector<1x16xf32>,
      %get3A_1348 = arith.constant 6 : i32
      %get3A_1349 = arith.constant 0 : i32
      %get3A_1350 = arith.constant 0 : i32
      %get3A_1351 = tpu.memref_slice %arg13[%scan3A_282, %get3A_1349, %get3A_1350] : memref<4x128x128xf32, #tpu.memory_space<vmem>> -> memref<1x16x128xf32, #tpu.memory_space<vmem>>
      %get3A_1352 = tpu.memref_squeeze %get3A_1351 : memref<1x16x128xf32, #tpu.memory_space<vmem>> -> memref<16x128xf32, #tpu.memory_space<vmem>>
      %get3A_1353 = arith.index_cast %get3A_1348 : i32 to index
      %get3A_1354 = arith.constant 16 : index
      %get3A_1355 = tpu.vector_load %get3A_1352[%get3A_1353, %get3A_1354] {strides = array<i32>} : memref<16x128xf32, #tpu.memory_space<vmem>>, vector<1x16xf32>,
      %get3A_1356 = vector.shape_cast %get3A_1355 : vector<1x16xf32> to vector<16xf32>
      %mul3A_1357 = vector.broadcast %squeeze3A_1326 : f32 to vector<16xf32>
      %mul3A_1358 = arith.mulf %get3A_1356, %mul3A_1357 : vector<16xf32>
      %swap3A_1359 = arith.constant 6 : i32
      %swap3A_1360 = arith.constant 0 : i32
      %swap3A_1361 = arith.constant 0 : i32
      %swap3A_1362 = tpu.memref_slice %arg13[%scan3A_282, %swap3A_1360, %swap3A_1361] : memref<4x128x128xf32, #tpu.memory_space<vmem>> -> memref<1x16x128xf32, #tpu.memory_space<vmem>>
      %swap3A_1363 = tpu.memref_squeeze %swap3A_1362 : memref<1x16x128xf32, #tpu.memory_space<vmem>> -> memref<16x128xf32, #tpu.memory_space<vmem>>
      %swap3A_1364 = arith.index_cast %swap3A_1359 : i32 to index
      %swap3A_1365 = arith.constant 16 : index
      %swap3A_1366 = tpu.vector_load %swap3A_1363[%swap3A_1364, %swap3A_1365] {strides = array<i32>} : memref<16x128xf32, #tpu.memory_space<vmem>>, vector<1x16xf32>,
      %swap3A_1367 = vector.shape_cast %swap3A_1366 : vector<1x16xf32> to vector<16xf32>
      %swap3A_1368 = vector.shape_cast %mul3A_1358 : vector<16xf32> to vector<1x16xf32>
      tpu.vector_store %swap3A_1363[%swap3A_1364, %swap3A_1365], %swap3A_1368 {strides = array<i32>} : memref<16x128xf32, #tpu.memory_space<vmem>>, vector<1x16xf32>,
      %get3A_1369 = arith.constant 6 : i32
      %get3A_1370 = arith.constant 0 : i32
      %get3A_1371 = arith.constant 0 : i32
      %get3A_1372 = tpu.memref_slice %arg13[%scan3A_282, %get3A_1370, %get3A_1371] : memref<4x128x128xf32, #tpu.memory_space<vmem>> -> memref<1x16x128xf32, #tpu.memory_space<vmem>>
      %get3A_1373 = tpu.memref_squeeze %get3A_1372 : memref<1x16x128xf32, #tpu.memory_space<vmem>> -> memref<16x128xf32, #tpu.memory_space<vmem>>
      %get3A_1374 = arith.index_cast %get3A_1369 : i32 to index
      %get3A_1375 = arith.constant 32 : index
      %get3A_1376 = tpu.vector_load %get3A_1373[%get3A_1374, %get3A_1375] {strides = array<i32>} : memref<16x128xf32, #tpu.memory_space<vmem>>, vector<1x16xf32>,
      %get3A_1377 = vector.shape_cast %get3A_1376 : vector<1x16xf32> to vector<16xf32>
      %mul3A_1378 = vector.broadcast %squeeze3A_1326 : f32 to vector<16xf32>
      %mul3A_1379 = arith.mulf %get3A_1377, %mul3A_1378 : vector<16xf32>
      %swap3A_1380 = arith.constant 6 : i32
      %swap3A_1381 = arith.constant 0 : i32
      %swap3A_1382 = arith.constant 0 : i32
      %swap3A_1383 = tpu.memref_slice %arg13[%scan3A_282, %swap3A_1381, %swap3A_1382] : memref<4x128x128xf32, #tpu.memory_space<vmem>> -> memref<1x16x128xf32, #tpu.memory_space<vmem>>
      %swap3A_1384 = tpu.memref_squeeze %swap3A_1383 : memref<1x16x128xf32, #tpu.memory_space<vmem>> -> memref<16x128xf32, #tpu.memory_space<vmem>>
      %swap3A_1385 = arith.index_cast %swap3A_1380 : i32 to index
      %swap3A_1386 = arith.constant 32 : index
      %swap3A_1387 = tpu.vector_load %swap3A_1384[%swap3A_1385, %swap3A_1386] {strides = array<i32>} : memref<16x128xf32, #tpu.memory_space<vmem>>, vector<1x16xf32>,
      %swap3A_1388 = vector.shape_cast %swap3A_1387 : vector<1x16xf32> to vector<16xf32>
      %swap3A_1389 = vector.shape_cast %mul3A_1379 : vector<16xf32> to vector<1x16xf32>
      tpu.vector_store %swap3A_1384[%swap3A_1385, %swap3A_1386], %swap3A_1389 {strides = array<i32>} : memref<16x128xf32, #tpu.memory_space<vmem>>, vector<1x16xf32>,
      %get3A_1390 = arith.constant 6 : i32
      %get3A_1391 = arith.constant 0 : i32
      %get3A_1392 = arith.constant 0 : i32
      %get3A_1393 = tpu.memref_slice %arg13[%scan3A_282, %get3A_1391, %get3A_1392] : memref<4x128x128xf32, #tpu.memory_space<vmem>> -> memref<1x16x128xf32, #tpu.memory_space<vmem>>
      %get3A_1394 = tpu.memref_squeeze %get3A_1393 : memref<1x16x128xf32, #tpu.memory_space<vmem>> -> memref<16x128xf32, #tpu.memory_space<vmem>>
      %get3A_1395 = arith.index_cast %get3A_1390 : i32 to index
      %get3A_1396 = arith.constant 48 : index
      %get3A_1397 = tpu.vector_load %get3A_1394[%get3A_1395, %get3A_1396] {strides = array<i32>} : memref<16x128xf32, #tpu.memory_space<vmem>>, vector<1x16xf32>,
      %get3A_1398 = vector.shape_cast %get3A_1397 : vector<1x16xf32> to vector<16xf32>
      %mul3A_1399 = vector.broadcast %squeeze3A_1326 : f32 to vector<16xf32>
      %mul3A_1400 = arith.mulf %get3A_1398, %mul3A_1399 : vector<16xf32>
      %swap3A_1401 = arith.constant 6 : i32
      %swap3A_1402 = arith.constant 0 : i32
      %swap3A_1403 = arith.constant 0 : i32
      %swap3A_1404 = tpu.memref_slice %arg13[%scan3A_282, %swap3A_1402, %swap3A_1403] : memref<4x128x128xf32, #tpu.memory_space<vmem>> -> memref<1x16x128xf32, #tpu.memory_space<vmem>>
      %swap3A_1405 = tpu.memref_squeeze %swap3A_1404 : memref<1x16x128xf32, #tpu.memory_space<vmem>> -> memref<16x128xf32, #tpu.memory_space<vmem>>
      %swap3A_1406 = arith.index_cast %swap3A_1401 : i32 to index
      %swap3A_1407 = arith.constant 48 : index
      %swap3A_1408 = tpu.vector_load %swap3A_1405[%swap3A_1406, %swap3A_1407] {strides = array<i32>} : memref<16x128xf32, #tpu.memory_space<vmem>>, vector<1x16xf32>,
      %swap3A_1409 = vector.shape_cast %swap3A_1408 : vector<1x16xf32> to vector<16xf32>
      %swap3A_1410 = vector.shape_cast %mul3A_1400 : vector<16xf32> to vector<1x16xf32>
      tpu.vector_store %swap3A_1405[%swap3A_1406, %swap3A_1407], %swap3A_1410 {strides = array<i32>} : memref<16x128xf32, #tpu.memory_space<vmem>>, vector<1x16xf32>,
      %get3A_1411 = arith.constant 6 : i32
      %get3A_1412 = arith.constant 0 : i32
      %get3A_1413 = arith.constant 0 : i32
      %get3A_1414 = tpu.memref_slice %arg13[%scan3A_282, %get3A_1412, %get3A_1413] : memref<4x128x128xf32, #tpu.memory_space<vmem>> -> memref<1x16x128xf32, #tpu.memory_space<vmem>>
      %get3A_1415 = tpu.memref_squeeze %get3A_1414 : memref<1x16x128xf32, #tpu.memory_space<vmem>> -> memref<16x128xf32, #tpu.memory_space<vmem>>
      %get3A_1416 = arith.index_cast %get3A_1411 : i32 to index
      %get3A_1417 = arith.constant 64 : index
      %get3A_1418 = tpu.vector_load %get3A_1415[%get3A_1416, %get3A_1417] {strides = array<i32>} : memref<16x128xf32, #tpu.memory_space<vmem>>, vector<1x16xf32>,
      %get3A_1419 = vector.shape_cast %get3A_1418 : vector<1x16xf32> to vector<16xf32>
      %mul3A_1420 = vector.broadcast %squeeze3A_1326 : f32 to vector<16xf32>
      %mul3A_1421 = arith.mulf %get3A_1419, %mul3A_1420 : vector<16xf32>
      %swap3A_1422 = arith.constant 6 : i32
      %swap3A_1423 = arith.constant 0 : i32
      %swap3A_1424 = arith.constant 0 : i32
      %swap3A_1425 = tpu.memref_slice %arg13[%scan3A_282, %swap3A_1423, %swap3A_1424] : memref<4x128x128xf32, #tpu.memory_space<vmem>> -> memref<1x16x128xf32, #tpu.memory_space<vmem>>
      %swap3A_1426 = tpu.memref_squeeze %swap3A_1425 : memref<1x16x128xf32, #tpu.memory_space<vmem>> -> memref<16x128xf32, #tpu.memory_space<vmem>>
      %swap3A_1427 = arith.index_cast %swap3A_1422 : i32 to index
      %swap3A_1428 = arith.constant 64 : index
      %swap3A_1429 = tpu.vector_load %swap3A_1426[%swap3A_1427, %swap3A_1428] {strides = array<i32>} : memref<16x128xf32, #tpu.memory_space<vmem>>, vector<1x16xf32>,
      %swap3A_1430 = vector.shape_cast %swap3A_1429 : vector<1x16xf32> to vector<16xf32>
      %swap3A_1431 = vector.shape_cast %mul3A_1421 : vector<16xf32> to vector<1x16xf32>
      tpu.vector_store %swap3A_1426[%swap3A_1427, %swap3A_1428], %swap3A_1431 {strides = array<i32>} : memref<16x128xf32, #tpu.memory_space<vmem>>, vector<1x16xf32>,
      %get3A_1432 = arith.constant 6 : i32
      %get3A_1433 = arith.constant 0 : i32
      %get3A_1434 = arith.constant 0 : i32
      %get3A_1435 = tpu.memref_slice %arg13[%scan3A_282, %get3A_1433, %get3A_1434] : memref<4x128x128xf32, #tpu.memory_space<vmem>> -> memref<1x16x128xf32, #tpu.memory_space<vmem>>
      %get3A_1436 = tpu.memref_squeeze %get3A_1435 : memref<1x16x128xf32, #tpu.memory_space<vmem>> -> memref<16x128xf32, #tpu.memory_space<vmem>>
      %get3A_1437 = arith.index_cast %get3A_1432 : i32 to index
      %get3A_1438 = arith.constant 80 : index
      %get3A_1439 = tpu.vector_load %get3A_1436[%get3A_1437, %get3A_1438] {strides = array<i32>} : memref<16x128xf32, #tpu.memory_space<vmem>>, vector<1x16xf32>,
      %get3A_1440 = vector.shape_cast %get3A_1439 : vector<1x16xf32> to vector<16xf32>
      %mul3A_1441 = vector.broadcast %squeeze3A_1326 : f32 to vector<16xf32>
      %mul3A_1442 = arith.mulf %get3A_1440, %mul3A_1441 : vector<16xf32>
      %swap3A_1443 = arith.constant 6 : i32
      %swap3A_1444 = arith.constant 0 : i32
      %swap3A_1445 = arith.constant 0 : i32
      %swap3A_1446 = tpu.memref_slice %arg13[%scan3A_282, %swap3A_1444, %swap3A_1445] : memref<4x128x128xf32, #tpu.memory_space<vmem>> -> memref<1x16x128xf32, #tpu.memory_space<vmem>>
      %swap3A_1447 = tpu.memref_squeeze %swap3A_1446 : memref<1x16x128xf32, #tpu.memory_space<vmem>> -> memref<16x128xf32, #tpu.memory_space<vmem>>
      %swap3A_1448 = arith.index_cast %swap3A_1443 : i32 to index
      %swap3A_1449 = arith.constant 80 : index
      %swap3A_1450 = tpu.vector_load %swap3A_1447[%swap3A_1448, %swap3A_1449] {strides = array<i32>} : memref<16x128xf32, #tpu.memory_space<vmem>>, vector<1x16xf32>,
      %swap3A_1451 = vector.shape_cast %swap3A_1450 : vector<1x16xf32> to vector<16xf32>
      %swap3A_1452 = vector.shape_cast %mul3A_1442 : vector<16xf32> to vector<1x16xf32>
      tpu.vector_store %swap3A_1447[%swap3A_1448, %swap3A_1449], %swap3A_1452 {strides = array<i32>} : memref<16x128xf32, #tpu.memory_space<vmem>>, vector<1x16xf32>,
      %get3A_1453 = arith.constant 6 : i32
      %get3A_1454 = arith.constant 0 : i32
      %get3A_1455 = arith.constant 0 : i32
      %get3A_1456 = tpu.memref_slice %arg13[%scan3A_282, %get3A_1454, %get3A_1455] : memref<4x128x128xf32, #tpu.memory_space<vmem>> -> memref<1x16x128xf32, #tpu.memory_space<vmem>>
      %get3A_1457 = tpu.memref_squeeze %get3A_1456 : memref<1x16x128xf32, #tpu.memory_space<vmem>> -> memref<16x128xf32, #tpu.memory_space<vmem>>
      %get3A_1458 = arith.index_cast %get3A_1453 : i32 to index
      %get3A_1459 = arith.constant 96 : index
      %get3A_1460 = tpu.vector_load %get3A_1457[%get3A_1458, %get3A_1459] {strides = array<i32>} : memref<16x128xf32, #tpu.memory_space<vmem>>, vector<1x16xf32>,
      %get3A_1461 = vector.shape_cast %get3A_1460 : vector<1x16xf32> to vector<16xf32>
      %mul3A_1462 = vector.broadcast %squeeze3A_1326 : f32 to vector<16xf32>
      %mul3A_1463 = arith.mulf %get3A_1461, %mul3A_1462 : vector<16xf32>
      %swap3A_1464 = arith.constant 6 : i32
      %swap3A_1465 = arith.constant 0 : i32
      %swap3A_1466 = arith.constant 0 : i32
      %swap3A_1467 = tpu.memref_slice %arg13[%scan3A_282, %swap3A_1465, %swap3A_1466] : memref<4x128x128xf32, #tpu.memory_space<vmem>> -> memref<1x16x128xf32, #tpu.memory_space<vmem>>
      %swap3A_1468 = tpu.memref_squeeze %swap3A_1467 : memref<1x16x128xf32, #tpu.memory_space<vmem>> -> memref<16x128xf32, #tpu.memory_space<vmem>>
      %swap3A_1469 = arith.index_cast %swap3A_1464 : i32 to index
      %swap3A_1470 = arith.constant 96 : index
      %swap3A_1471 = tpu.vector_load %swap3A_1468[%swap3A_1469, %swap3A_1470] {strides = array<i32>} : memref<16x128xf32, #tpu.memory_space<vmem>>, vector<1x16xf32>,
      %swap3A_1472 = vector.shape_cast %swap3A_1471 : vector<1x16xf32> to vector<16xf32>
      %swap3A_1473 = vector.shape_cast %mul3A_1463 : vector<16xf32> to vector<1x16xf32>
      tpu.vector_store %swap3A_1468[%swap3A_1469, %swap3A_1470], %swap3A_1473 {strides = array<i32>} : memref<16x128xf32, #tpu.memory_space<vmem>>, vector<1x16xf32>,
      %get3A_1474 = arith.constant 6 : i32
      %get3A_1475 = arith.constant 0 : i32
      %get3A_1476 = arith.constant 0 : i32
      %get3A_1477 = tpu.memref_slice %arg13[%scan3A_282, %get3A_1475, %get3A_1476] : memref<4x128x128xf32, #tpu.memory_space<vmem>> -> memref<1x16x128xf32, #tpu.memory_space<vmem>>
      %get3A_1478 = tpu.memref_squeeze %get3A_1477 : memref<1x16x128xf32, #tpu.memory_space<vmem>> -> memref<16x128xf32, #tpu.memory_space<vmem>>
      %get3A_1479 = arith.index_cast %get3A_1474 : i32 to index
      %get3A_1480 = arith.constant 112 : index
      %get3A_1481 = tpu.vector_load %get3A_1478[%get3A_1479, %get3A_1480] {strides = array<i32>} : memref<16x128xf32, #tpu.memory_space<vmem>>, vector<1x16xf32>,
      %get3A_1482 = vector.shape_cast %get3A_1481 : vector<1x16xf32> to vector<16xf32>
      %mul3A_1483 = vector.broadcast %squeeze3A_1326 : f32 to vector<16xf32>
      %mul3A_1484 = arith.mulf %get3A_1482, %mul3A_1483 : vector<16xf32>
      %swap3A_1485 = arith.constant 6 : i32
      %swap3A_1486 = arith.constant 0 : i32
      %swap3A_1487 = arith.constant 0 : i32
      %swap3A_1488 = tpu.memref_slice %arg13[%scan3A_282, %swap3A_1486, %swap3A_1487] : memref<4x128x128xf32, #tpu.memory_space<vmem>> -> memref<1x16x128xf32, #tpu.memory_space<vmem>>
      %swap3A_1489 = tpu.memref_squeeze %swap3A_1488 : memref<1x16x128xf32, #tpu.memory_space<vmem>> -> memref<16x128xf32, #tpu.memory_space<vmem>>
      %swap3A_1490 = arith.index_cast %swap3A_1485 : i32 to index
      %swap3A_1491 = arith.constant 112 : index
      %swap3A_1492 = tpu.vector_load %swap3A_1489[%swap3A_1490, %swap3A_1491] {strides = array<i32>} : memref<16x128xf32, #tpu.memory_space<vmem>>, vector<1x16xf32>,
      %swap3A_1493 = vector.shape_cast %swap3A_1492 : vector<1x16xf32> to vector<16xf32>
      %swap3A_1494 = vector.shape_cast %mul3A_1484 : vector<16xf32> to vector<1x16xf32>
      tpu.vector_store %swap3A_1489[%swap3A_1490, %swap3A_1491], %swap3A_1494 {strides = array<i32>} : memref<16x128xf32, #tpu.memory_space<vmem>>, vector<1x16xf32>,
      %slice3A_1495 = vector.extract_strided_slice %div3A {offsets = [7], sizes = [1], strides = [1]} : vector<16xf32> to vector<1xf32>
      %squeeze3A_1496 = vector.extract %slice3A_1495[0] : f32 from vector<1xf32>
      %get3A_1497 = arith.constant 7 : i32
      %get3A_1498 = arith.constant 0 : i32
      %get3A_1499 = arith.constant 0 : i32
      %get3A_1500 = tpu.memref_slice %arg13[%scan3A_282, %get3A_1498, %get3A_1499] : memref<4x128x128xf32, #tpu.memory_space<vmem>> -> memref<1x16x128xf32, #tpu.memory_space<vmem>>
      %get3A_1501 = tpu.memref_squeeze %get3A_1500 : memref<1x16x128xf32, #tpu.memory_space<vmem>> -> memref<16x128xf32, #tpu.memory_space<vmem>>
      %get3A_1502 = arith.index_cast %get3A_1497 : i32 to index
      %get3A_1503 = arith.constant 0 : index
      %get3A_1504 = tpu.vector_load %get3A_1501[%get3A_1502, %get3A_1503] {strides = array<i32>} : memref<16x128xf32, #tpu.memory_space<vmem>>, vector<1x16xf32>,
      %get3A_1505 = vector.shape_cast %get3A_1504 : vector<1x16xf32> to vector<16xf32>
      %mul3A_1506 = vector.broadcast %squeeze3A_1496 : f32 to vector<16xf32>
      %mul3A_1507 = arith.mulf %get3A_1505, %mul3A_1506 : vector<16xf32>
      %swap3A_1508 = arith.constant 7 : i32
      %swap3A_1509 = arith.constant 0 : i32
      %swap3A_1510 = arith.constant 0 : i32
      %swap3A_1511 = tpu.memref_slice %arg13[%scan3A_282, %swap3A_1509, %swap3A_1510] : memref<4x128x128xf32, #tpu.memory_space<vmem>> -> memref<1x16x128xf32, #tpu.memory_space<vmem>>
      %swap3A_1512 = tpu.memref_squeeze %swap3A_1511 : memref<1x16x128xf32, #tpu.memory_space<vmem>> -> memref<16x128xf32, #tpu.memory_space<vmem>>
      %swap3A_1513 = arith.index_cast %swap3A_1508 : i32 to index
      %swap3A_1514 = arith.constant 0 : index
      %swap3A_1515 = tpu.vector_load %swap3A_1512[%swap3A_1513, %swap3A_1514] {strides = array<i32>} : memref<16x128xf32, #tpu.memory_space<vmem>>, vector<1x16xf32>,
      %swap3A_1516 = vector.shape_cast %swap3A_1515 : vector<1x16xf32> to vector<16xf32>
      %swap3A_1517 = vector.shape_cast %mul3A_1507 : vector<16xf32> to vector<1x16xf32>
      tpu.vector_store %swap3A_1512[%swap3A_1513, %swap3A_1514], %swap3A_1517 {strides = array<i32>} : memref<16x128xf32, #tpu.memory_space<vmem>>, vector<1x16xf32>,
      %get3A_1518 = arith.constant 7 : i32
      %get3A_1519 = arith.constant 0 : i32
      %get3A_1520 = arith.constant 0 : i32
      %get3A_1521 = tpu.memref_slice %arg13[%scan3A_282, %get3A_1519, %get3A_1520] : memref<4x128x128xf32, #tpu.memory_space<vmem>> -> memref<1x16x128xf32, #tpu.memory_space<vmem>>
      %get3A_1522 = tpu.memref_squeeze %get3A_1521 : memref<1x16x128xf32, #tpu.memory_space<vmem>> -> memref<16x128xf32, #tpu.memory_space<vmem>>
      %get3A_1523 = arith.index_cast %get3A_1518 : i32 to index
      %get3A_1524 = arith.constant 16 : index
      %get3A_1525 = tpu.vector_load %get3A_1522[%get3A_1523, %get3A_1524] {strides = array<i32>} : memref<16x128xf32, #tpu.memory_space<vmem>>, vector<1x16xf32>,
      %get3A_1526 = vector.shape_cast %get3A_1525 : vector<1x16xf32> to vector<16xf32>
      %mul3A_1527 = vector.broadcast %squeeze3A_1496 : f32 to vector<16xf32>
      %mul3A_1528 = arith.mulf %get3A_1526, %mul3A_1527 : vector<16xf32>
      %swap3A_1529 = arith.constant 7 : i32
      %swap3A_1530 = arith.constant 0 : i32
      %swap3A_1531 = arith.constant 0 : i32
      %swap3A_1532 = tpu.memref_slice %arg13[%scan3A_282, %swap3A_1530, %swap3A_1531] : memref<4x128x128xf32, #tpu.memory_space<vmem>> -> memref<1x16x128xf32, #tpu.memory_space<vmem>>
      %swap3A_1533 = tpu.memref_squeeze %swap3A_1532 : memref<1x16x128xf32, #tpu.memory_space<vmem>> -> memref<16x128xf32, #tpu.memory_space<vmem>>
      %swap3A_1534 = arith.index_cast %swap3A_1529 : i32 to index
      %swap3A_1535 = arith.constant 16 : index
      %swap3A_1536 = tpu.vector_load %swap3A_1533[%swap3A_1534, %swap3A_1535] {strides = array<i32>} : memref<16x128xf32, #tpu.memory_space<vmem>>, vector<1x16xf32>,
      %swap3A_1537 = vector.shape_cast %swap3A_1536 : vector<1x16xf32> to vector<16xf32>
      %swap3A_1538 = vector.shape_cast %mul3A_1528 : vector<16xf32> to vector<1x16xf32>
      tpu.vector_store %swap3A_1533[%swap3A_1534, %swap3A_1535], %swap3A_1538 {strides = array<i32>} : memref<16x128xf32, #tpu.memory_space<vmem>>, vector<1x16xf32>,
      %get3A_1539 = arith.constant 7 : i32
      %get3A_1540 = arith.constant 0 : i32
      %get3A_1541 = arith.constant 0 : i32
      %get3A_1542 = tpu.memref_slice %arg13[%scan3A_282, %get3A_1540, %get3A_1541] : memref<4x128x128xf32, #tpu.memory_space<vmem>> -> memref<1x16x128xf32, #tpu.memory_space<vmem>>
      %get3A_1543 = tpu.memref_squeeze %get3A_1542 : memref<1x16x128xf32, #tpu.memory_space<vmem>> -> memref<16x128xf32, #tpu.memory_space<vmem>>
      %get3A_1544 = arith.index_cast %get3A_1539 : i32 to index
      %get3A_1545 = arith.constant 32 : index
      %get3A_1546 = tpu.vector_load %get3A_1543[%get3A_1544, %get3A_1545] {strides = array<i32>} : memref<16x128xf32, #tpu.memory_space<vmem>>, vector<1x16xf32>,
      %get3A_1547 = vector.shape_cast %get3A_1546 : vector<1x16xf32> to vector<16xf32>
      %mul3A_1548 = vector.broadcast %squeeze3A_1496 : f32 to vector<16xf32>
      %mul3A_1549 = arith.mulf %get3A_1547, %mul3A_1548 : vector<16xf32>
      %swap3A_1550 = arith.constant 7 : i32
      %swap3A_1551 = arith.constant 0 : i32
      %swap3A_1552 = arith.constant 0 : i32
      %swap3A_1553 = tpu.memref_slice %arg13[%scan3A_282, %swap3A_1551, %swap3A_1552] : memref<4x128x128xf32, #tpu.memory_space<vmem>> -> memref<1x16x128xf32, #tpu.memory_space<vmem>>
      %swap3A_1554 = tpu.memref_squeeze %swap3A_1553 : memref<1x16x128xf32, #tpu.memory_space<vmem>> -> memref<16x128xf32, #tpu.memory_space<vmem>>
      %swap3A_1555 = arith.index_cast %swap3A_1550 : i32 to index
      %swap3A_1556 = arith.constant 32 : index
      %swap3A_1557 = tpu.vector_load %swap3A_1554[%swap3A_1555, %swap3A_1556] {strides = array<i32>} : memref<16x128xf32, #tpu.memory_space<vmem>>, vector<1x16xf32>,
      %swap3A_1558 = vector.shape_cast %swap3A_1557 : vector<1x16xf32> to vector<16xf32>
      %swap3A_1559 = vector.shape_cast %mul3A_1549 : vector<16xf32> to vector<1x16xf32>
      tpu.vector_store %swap3A_1554[%swap3A_1555, %swap3A_1556], %swap3A_1559 {strides = array<i32>} : memref<16x128xf32, #tpu.memory_space<vmem>>, vector<1x16xf32>,
      %get3A_1560 = arith.constant 7 : i32
      %get3A_1561 = arith.constant 0 : i32
      %get3A_1562 = arith.constant 0 : i32
      %get3A_1563 = tpu.memref_slice %arg13[%scan3A_282, %get3A_1561, %get3A_1562] : memref<4x128x128xf32, #tpu.memory_space<vmem>> -> memref<1x16x128xf32, #tpu.memory_space<vmem>>
      %get3A_1564 = tpu.memref_squeeze %get3A_1563 : memref<1x16x128xf32, #tpu.memory_space<vmem>> -> memref<16x128xf32, #tpu.memory_space<vmem>>
      %get3A_1565 = arith.index_cast %get3A_1560 : i32 to index
      %get3A_1566 = arith.constant 48 : index
      %get3A_1567 = tpu.vector_load %get3A_1564[%get3A_1565, %get3A_1566] {strides = array<i32>} : memref<16x128xf32, #tpu.memory_space<vmem>>, vector<1x16xf32>,
      %get3A_1568 = vector.shape_cast %get3A_1567 : vector<1x16xf32> to vector<16xf32>
      %mul3A_1569 = vector.broadcast %squeeze3A_1496 : f32 to vector<16xf32>
      %mul3A_1570 = arith.mulf %get3A_1568, %mul3A_1569 : vector<16xf32>
      %swap3A_1571 = arith.constant 7 : i32
      %swap3A_1572 = arith.constant 0 : i32
      %swap3A_1573 = arith.constant 0 : i32
      %swap3A_1574 = tpu.memref_slice %arg13[%scan3A_282, %swap3A_1572, %swap3A_1573] : memref<4x128x128xf32, #tpu.memory_space<vmem>> -> memref<1x16x128xf32, #tpu.memory_space<vmem>>
      %swap3A_1575 = tpu.memref_squeeze %swap3A_1574 : memref<1x16x128xf32, #tpu.memory_space<vmem>> -> memref<16x128xf32, #tpu.memory_space<vmem>>
      %swap3A_1576 = arith.index_cast %swap3A_1571 : i32 to index
      %swap3A_1577 = arith.constant 48 : index
      %swap3A_1578 = tpu.vector_load %swap3A_1575[%swap3A_1576, %swap3A_1577] {strides = array<i32>} : memref<16x128xf32, #tpu.memory_space<vmem>>, vector<1x16xf32>,
      %swap3A_1579 = vector.shape_cast %swap3A_1578 : vector<1x16xf32> to vector<16xf32>
      %swap3A_1580 = vector.shape_cast %mul3A_1570 : vector<16xf32> to vector<1x16xf32>
      tpu.vector_store %swap3A_1575[%swap3A_1576, %swap3A_1577], %swap3A_1580 {strides = array<i32>} : memref<16x128xf32, #tpu.memory_space<vmem>>, vector<1x16xf32>,
      %get3A_1581 = arith.constant 7 : i32
      %get3A_1582 = arith.constant 0 : i32
      %get3A_1583 = arith.constant 0 : i32
      %get3A_1584 = tpu.memref_slice %arg13[%scan3A_282, %get3A_1582, %get3A_1583] : memref<4x128x128xf32, #tpu.memory_space<vmem>> -> memref<1x16x128xf32, #tpu.memory_space<vmem>>
      %get3A_1585 = tpu.memref_squeeze %get3A_1584 : memref<1x16x128xf32, #tpu.memory_space<vmem>> -> memref<16x128xf32, #tpu.memory_space<vmem>>
      %get3A_1586 = arith.index_cast %get3A_1581 : i32 to index
      %get3A_1587 = arith.constant 64 : index
      %get3A_1588 = tpu.vector_load %get3A_1585[%get3A_1586, %get3A_1587] {strides = array<i32>} : memref<16x128xf32, #tpu.memory_space<vmem>>, vector<1x16xf32>,
      %get3A_1589 = vector.shape_cast %get3A_1588 : vector<1x16xf32> to vector<16xf32>
      %mul3A_1590 = vector.broadcast %squeeze3A_1496 : f32 to vector<16xf32>
      %mul3A_1591 = arith.mulf %get3A_1589, %mul3A_1590 : vector<16xf32>
      %swap3A_1592 = arith.constant 7 : i32
      %swap3A_1593 = arith.constant 0 : i32
      %swap3A_1594 = arith.constant 0 : i32
      %swap3A_1595 = tpu.memref_slice %arg13[%scan3A_282, %swap3A_1593, %swap3A_1594] : memref<4x128x128xf32, #tpu.memory_space<vmem>> -> memref<1x16x128xf32, #tpu.memory_space<vmem>>
      %swap3A_1596 = tpu.memref_squeeze %swap3A_1595 : memref<1x16x128xf32, #tpu.memory_space<vmem>> -> memref<16x128xf32, #tpu.memory_space<vmem>>
      %swap3A_1597 = arith.index_cast %swap3A_1592 : i32 to index
      %swap3A_1598 = arith.constant 64 : index
      %swap3A_1599 = tpu.vector_load %swap3A_1596[%swap3A_1597, %swap3A_1598] {strides = array<i32>} : memref<16x128xf32, #tpu.memory_space<vmem>>, vector<1x16xf32>,
      %swap3A_1600 = vector.shape_cast %swap3A_1599 : vector<1x16xf32> to vector<16xf32>
      %swap3A_1601 = vector.shape_cast %mul3A_1591 : vector<16xf32> to vector<1x16xf32>
      tpu.vector_store %swap3A_1596[%swap3A_1597, %swap3A_1598], %swap3A_1601 {strides = array<i32>} : memref<16x128xf32, #tpu.memory_space<vmem>>, vector<1x16xf32>,
      %get3A_1602 = arith.constant 7 : i32
      %get3A_1603 = arith.constant 0 : i32
      %get3A_1604 = arith.constant 0 : i32
      %get3A_1605 = tpu.memref_slice %arg13[%scan3A_282, %get3A_1603, %get3A_1604] : memref<4x128x128xf32, #tpu.memory_space<vmem>> -> memref<1x16x128xf32, #tpu.memory_space<vmem>>
      %get3A_1606 = tpu.memref_squeeze %get3A_1605 : memref<1x16x128xf32, #tpu.memory_space<vmem>> -> memref<16x128xf32, #tpu.memory_space<vmem>>
      %get3A_1607 = arith.index_cast %get3A_1602 : i32 to index
      %get3A_1608 = arith.constant 80 : index
      %get3A_1609 = tpu.vector_load %get3A_1606[%get3A_1607, %get3A_1608] {strides = array<i32>} : memref<16x128xf32, #tpu.memory_space<vmem>>, vector<1x16xf32>,
      %get3A_1610 = vector.shape_cast %get3A_1609 : vector<1x16xf32> to vector<16xf32>
      %mul3A_1611 = vector.broadcast %squeeze3A_1496 : f32 to vector<16xf32>
      %mul3A_1612 = arith.mulf %get3A_1610, %mul3A_1611 : vector<16xf32>
      %swap3A_1613 = arith.constant 7 : i32
      %swap3A_1614 = arith.constant 0 : i32
      %swap3A_1615 = arith.constant 0 : i32
      %swap3A_1616 = tpu.memref_slice %arg13[%scan3A_282, %swap3A_1614, %swap3A_1615] : memref<4x128x128xf32, #tpu.memory_space<vmem>> -> memref<1x16x128xf32, #tpu.memory_space<vmem>>
      %swap3A_1617 = tpu.memref_squeeze %swap3A_1616 : memref<1x16x128xf32, #tpu.memory_space<vmem>> -> memref<16x128xf32, #tpu.memory_space<vmem>>
      %swap3A_1618 = arith.index_cast %swap3A_1613 : i32 to index
      %swap3A_1619 = arith.constant 80 : index
      %swap3A_1620 = tpu.vector_load %swap3A_1617[%swap3A_1618, %swap3A_1619] {strides = array<i32>} : memref<16x128xf32, #tpu.memory_space<vmem>>, vector<1x16xf32>,
      %swap3A_1621 = vector.shape_cast %swap3A_1620 : vector<1x16xf32> to vector<16xf32>
      %swap3A_1622 = vector.shape_cast %mul3A_1612 : vector<16xf32> to vector<1x16xf32>
      tpu.vector_store %swap3A_1617[%swap3A_1618, %swap3A_1619], %swap3A_1622 {strides = array<i32>} : memref<16x128xf32, #tpu.memory_space<vmem>>, vector<1x16xf32>,
      %get3A_1623 = arith.constant 7 : i32
      %get3A_1624 = arith.constant 0 : i32
      %get3A_1625 = arith.constant 0 : i32
      %get3A_1626 = tpu.memref_slice %arg13[%scan3A_282, %get3A_1624, %get3A_1625] : memref<4x128x128xf32, #tpu.memory_space<vmem>> -> memref<1x16x128xf32, #tpu.memory_space<vmem>>
      %get3A_1627 = tpu.memref_squeeze %get3A_1626 : memref<1x16x128xf32, #tpu.memory_space<vmem>> -> memref<16x128xf32, #tpu.memory_space<vmem>>
      %get3A_1628 = arith.index_cast %get3A_1623 : i32 to index
      %get3A_1629 = arith.constant 96 : index
      %get3A_1630 = tpu.vector_load %get3A_1627[%get3A_1628, %get3A_1629] {strides = array<i32>} : memref<16x128xf32, #tpu.memory_space<vmem>>, vector<1x16xf32>,
      %get3A_1631 = vector.shape_cast %get3A_1630 : vector<1x16xf32> to vector<16xf32>
      %mul3A_1632 = vector.broadcast %squeeze3A_1496 : f32 to vector<16xf32>
      %mul3A_1633 = arith.mulf %get3A_1631, %mul3A_1632 : vector<16xf32>
      %swap3A_1634 = arith.constant 7 : i32
      %swap3A_1635 = arith.constant 0 : i32
      %swap3A_1636 = arith.constant 0 : i32
      %swap3A_1637 = tpu.memref_slice %arg13[%scan3A_282, %swap3A_1635, %swap3A_1636] : memref<4x128x128xf32, #tpu.memory_space<vmem>> -> memref<1x16x128xf32, #tpu.memory_space<vmem>>
      %swap3A_1638 = tpu.memref_squeeze %swap3A_1637 : memref<1x16x128xf32, #tpu.memory_space<vmem>> -> memref<16x128xf32, #tpu.memory_space<vmem>>
      %swap3A_1639 = arith.index_cast %swap3A_1634 : i32 to index
      %swap3A_1640 = arith.constant 96 : index
      %swap3A_1641 = tpu.vector_load %swap3A_1638[%swap3A_1639, %swap3A_1640] {strides = array<i32>} : memref<16x128xf32, #tpu.memory_space<vmem>>, vector<1x16xf32>,
      %swap3A_1642 = vector.shape_cast %swap3A_1641 : vector<1x16xf32> to vector<16xf32>
      %swap3A_1643 = vector.shape_cast %mul3A_1633 : vector<16xf32> to vector<1x16xf32>
      tpu.vector_store %swap3A_1638[%swap3A_1639, %swap3A_1640], %swap3A_1643 {strides = array<i32>} : memref<16x128xf32, #tpu.memory_space<vmem>>, vector<1x16xf32>,
      %get3A_1644 = arith.constant 7 : i32
      %get3A_1645 = arith.constant 0 : i32
      %get3A_1646 = arith.constant 0 : i32
      %get3A_1647 = tpu.memref_slice %arg13[%scan3A_282, %get3A_1645, %get3A_1646] : memref<4x128x128xf32, #tpu.memory_space<vmem>> -> memref<1x16x128xf32, #tpu.memory_space<vmem>>
      %get3A_1648 = tpu.memref_squeeze %get3A_1647 : memref<1x16x128xf32, #tpu.memory_space<vmem>> -> memref<16x128xf32, #tpu.memory_space<vmem>>
      %get3A_1649 = arith.index_cast %get3A_1644 : i32 to index
      %get3A_1650 = arith.constant 112 : index
      %get3A_1651 = tpu.vector_load %get3A_1648[%get3A_1649, %get3A_1650] {strides = array<i32>} : memref<16x128xf32, #tpu.memory_space<vmem>>, vector<1x16xf32>,
      %get3A_1652 = vector.shape_cast %get3A_1651 : vector<1x16xf32> to vector<16xf32>
      %mul3A_1653 = vector.broadcast %squeeze3A_1496 : f32 to vector<16xf32>
      %mul3A_1654 = arith.mulf %get3A_1652, %mul3A_1653 : vector<16xf32>
      %swap3A_1655 = arith.constant 7 : i32
      %swap3A_1656 = arith.constant 0 : i32
      %swap3A_1657 = arith.constant 0 : i32
      %swap3A_1658 = tpu.memref_slice %arg13[%scan3A_282, %swap3A_1656, %swap3A_1657] : memref<4x128x128xf32, #tpu.memory_space<vmem>> -> memref<1x16x128xf32, #tpu.memory_space<vmem>>
      %swap3A_1659 = tpu.memref_squeeze %swap3A_1658 : memref<1x16x128xf32, #tpu.memory_space<vmem>> -> memref<16x128xf32, #tpu.memory_space<vmem>>
      %swap3A_1660 = arith.index_cast %swap3A_1655 : i32 to index
      %swap3A_1661 = arith.constant 112 : index
      %swap3A_1662 = tpu.vector_load %swap3A_1659[%swap3A_1660, %swap3A_1661] {strides = array<i32>} : memref<16x128xf32, #tpu.memory_space<vmem>>, vector<1x16xf32>,
      %swap3A_1663 = vector.shape_cast %swap3A_1662 : vector<1x16xf32> to vector<16xf32>
      %swap3A_1664 = vector.shape_cast %mul3A_1654 : vector<16xf32> to vector<1x16xf32>
      tpu.vector_store %swap3A_1659[%swap3A_1660, %swap3A_1661], %swap3A_1664 {strides = array<i32>} : memref<16x128xf32, #tpu.memory_space<vmem>>, vector<1x16xf32>,
      %slice3A_1665 = vector.extract_strided_slice %div3A {offsets = [8], sizes = [1], strides = [1]} : vector<16xf32> to vector<1xf32>
      %squeeze3A_1666 = vector.extract %slice3A_1665[0] : f32 from vector<1xf32>
      %get3A_1667 = arith.constant 8 : i32
      %get3A_1668 = arith.constant 0 : i32
      %get3A_1669 = arith.constant 0 : i32
      %get3A_1670 = tpu.memref_slice %arg13[%scan3A_282, %get3A_1668, %get3A_1669] : memref<4x128x128xf32, #tpu.memory_space<vmem>> -> memref<1x16x128xf32, #tpu.memory_space<vmem>>
      %get3A_1671 = tpu.memref_squeeze %get3A_1670 : memref<1x16x128xf32, #tpu.memory_space<vmem>> -> memref<16x128xf32, #tpu.memory_space<vmem>>
      %get3A_1672 = arith.index_cast %get3A_1667 : i32 to index
      %get3A_1673 = arith.constant 0 : index
      %get3A_1674 = tpu.vector_load %get3A_1671[%get3A_1672, %get3A_1673] {strides = array<i32>} : memref<16x128xf32, #tpu.memory_space<vmem>>, vector<1x16xf32>,
      %get3A_1675 = vector.shape_cast %get3A_1674 : vector<1x16xf32> to vector<16xf32>
      %mul3A_1676 = vector.broadcast %squeeze3A_1666 : f32 to vector<16xf32>
      %mul3A_1677 = arith.mulf %get3A_1675, %mul3A_1676 : vector<16xf32>
      %swap3A_1678 = arith.constant 8 : i32
      %swap3A_1679 = arith.constant 0 : i32
      %swap3A_1680 = arith.constant 0 : i32
      %swap3A_1681 = tpu.memref_slice %arg13[%scan3A_282, %swap3A_1679, %swap3A_1680] : memref<4x128x128xf32, #tpu.memory_space<vmem>> -> memref<1x16x128xf32, #tpu.memory_space<vmem>>
      %swap3A_1682 = tpu.memref_squeeze %swap3A_1681 : memref<1x16x128xf32, #tpu.memory_space<vmem>> -> memref<16x128xf32, #tpu.memory_space<vmem>>
      %swap3A_1683 = arith.index_cast %swap3A_1678 : i32 to index
      %swap3A_1684 = arith.constant 0 : index
      %swap3A_1685 = tpu.vector_load %swap3A_1682[%swap3A_1683, %swap3A_1684] {strides = array<i32>} : memref<16x128xf32, #tpu.memory_space<vmem>>, vector<1x16xf32>,
      %swap3A_1686 = vector.shape_cast %swap3A_1685 : vector<1x16xf32> to vector<16xf32>
      %swap3A_1687 = vector.shape_cast %mul3A_1677 : vector<16xf32> to vector<1x16xf32>
      tpu.vector_store %swap3A_1682[%swap3A_1683, %swap3A_1684], %swap3A_1687 {strides = array<i32>} : memref<16x128xf32, #tpu.memory_space<vmem>>, vector<1x16xf32>,
      %get3A_1688 = arith.constant 8 : i32
      %get3A_1689 = arith.constant 0 : i32
      %get3A_1690 = arith.constant 0 : i32
      %get3A_1691 = tpu.memref_slice %arg13[%scan3A_282, %get3A_1689, %get3A_1690] : memref<4x128x128xf32, #tpu.memory_space<vmem>> -> memref<1x16x128xf32, #tpu.memory_space<vmem>>
      %get3A_1692 = tpu.memref_squeeze %get3A_1691 : memref<1x16x128xf32, #tpu.memory_space<vmem>> -> memref<16x128xf32, #tpu.memory_space<vmem>>
      %get3A_1693 = arith.index_cast %get3A_1688 : i32 to index
      %get3A_1694 = arith.constant 16 : index
      %get3A_1695 = tpu.vector_load %get3A_1692[%get3A_1693, %get3A_1694] {strides = array<i32>} : memref<16x128xf32, #tpu.memory_space<vmem>>, vector<1x16xf32>,
      %get3A_1696 = vector.shape_cast %get3A_1695 : vector<1x16xf32> to vector<16xf32>
      %mul3A_1697 = vector.broadcast %squeeze3A_1666 : f32 to vector<16xf32>
      %mul3A_1698 = arith.mulf %get3A_1696, %mul3A_1697 : vector<16xf32>
      %swap3A_1699 = arith.constant 8 : i32
      %swap3A_1700 = arith.constant 0 : i32
      %swap3A_1701 = arith.constant 0 : i32
      %swap3A_1702 = tpu.memref_slice %arg13[%scan3A_282, %swap3A_1700, %swap3A_1701] : memref<4x128x128xf32, #tpu.memory_space<vmem>> -> memref<1x16x128xf32, #tpu.memory_space<vmem>>
      %swap3A_1703 = tpu.memref_squeeze %swap3A_1702 : memref<1x16x128xf32, #tpu.memory_space<vmem>> -> memref<16x128xf32, #tpu.memory_space<vmem>>
      %swap3A_1704 = arith.index_cast %swap3A_1699 : i32 to index
      %swap3A_1705 = arith.constant 16 : index
      %swap3A_1706 = tpu.vector_load %swap3A_1703[%swap3A_1704, %swap3A_1705] {strides = array<i32>} : memref<16x128xf32, #tpu.memory_space<vmem>>, vector<1x16xf32>,
      %swap3A_1707 = vector.shape_cast %swap3A_1706 : vector<1x16xf32> to vector<16xf32>
      %swap3A_1708 = vector.shape_cast %mul3A_1698 : vector<16xf32> to vector<1x16xf32>
      tpu.vector_store %swap3A_1703[%swap3A_1704, %swap3A_1705], %swap3A_1708 {strides = array<i32>} : memref<16x128xf32, #tpu.memory_space<vmem>>, vector<1x16xf32>,
      %get3A_1709 = arith.constant 8 : i32
      %get3A_1710 = arith.constant 0 : i32
      %get3A_1711 = arith.constant 0 : i32
      %get3A_1712 = tpu.memref_slice %arg13[%scan3A_282, %get3A_1710, %get3A_1711] : memref<4x128x128xf32, #tpu.memory_space<vmem>> -> memref<1x16x128xf32, #tpu.memory_space<vmem>>
      %get3A_1713 = tpu.memref_squeeze %get3A_1712 : memref<1x16x128xf32, #tpu.memory_space<vmem>> -> memref<16x128xf32, #tpu.memory_space<vmem>>
      %get3A_1714 = arith.index_cast %get3A_1709 : i32 to index
      %get3A_1715 = arith.constant 32 : index
      %get3A_1716 = tpu.vector_load %get3A_1713[%get3A_1714, %get3A_1715] {strides = array<i32>} : memref<16x128xf32, #tpu.memory_space<vmem>>, vector<1x16xf32>,
      %get3A_1717 = vector.shape_cast %get3A_1716 : vector<1x16xf32> to vector<16xf32>
      %mul3A_1718 = vector.broadcast %squeeze3A_1666 : f32 to vector<16xf32>
      %mul3A_1719 = arith.mulf %get3A_1717, %mul3A_1718 : vector<16xf32>
      %swap3A_1720 = arith.constant 8 : i32
      %swap3A_1721 = arith.constant 0 : i32
      %swap3A_1722 = arith.constant 0 : i32
      %swap3A_1723 = tpu.memref_slice %arg13[%scan3A_282, %swap3A_1721, %swap3A_1722] : memref<4x128x128xf32, #tpu.memory_space<vmem>> -> memref<1x16x128xf32, #tpu.memory_space<vmem>>
      %swap3A_1724 = tpu.memref_squeeze %swap3A_1723 : memref<1x16x128xf32, #tpu.memory_space<vmem>> -> memref<16x128xf32, #tpu.memory_space<vmem>>
      %swap3A_1725 = arith.index_cast %swap3A_1720 : i32 to index
      %swap3A_1726 = arith.constant 32 : index
      %swap3A_1727 = tpu.vector_load %swap3A_1724[%swap3A_1725, %swap3A_1726] {strides = array<i32>} : memref<16x128xf32, #tpu.memory_space<vmem>>, vector<1x16xf32>,
      %swap3A_1728 = vector.shape_cast %swap3A_1727 : vector<1x16xf32> to vector<16xf32>
      %swap3A_1729 = vector.shape_cast %mul3A_1719 : vector<16xf32> to vector<1x16xf32>
      tpu.vector_store %swap3A_1724[%swap3A_1725, %swap3A_1726], %swap3A_1729 {strides = array<i32>} : memref<16x128xf32, #tpu.memory_space<vmem>>, vector<1x16xf32>,
      %get3A_1730 = arith.constant 8 : i32
      %get3A_1731 = arith.constant 0 : i32
      %get3A_1732 = arith.constant 0 : i32
      %get3A_1733 = tpu.memref_slice %arg13[%scan3A_282, %get3A_1731, %get3A_1732] : memref<4x128x128xf32, #tpu.memory_space<vmem>> -> memref<1x16x128xf32, #tpu.memory_space<vmem>>
      %get3A_1734 = tpu.memref_squeeze %get3A_1733 : memref<1x16x128xf32, #tpu.memory_space<vmem>> -> memref<16x128xf32, #tpu.memory_space<vmem>>
      %get3A_1735 = arith.index_cast %get3A_1730 : i32 to index
      %get3A_1736 = arith.constant 48 : index
      %get3A_1737 = tpu.vector_load %get3A_1734[%get3A_1735, %get3A_1736] {strides = array<i32>} : memref<16x128xf32, #tpu.memory_space<vmem>>, vector<1x16xf32>,
      %get3A_1738 = vector.shape_cast %get3A_1737 : vector<1x16xf32> to vector<16xf32>
      %mul3A_1739 = vector.broadcast %squeeze3A_1666 : f32 to vector<16xf32>
      %mul3A_1740 = arith.mulf %get3A_1738, %mul3A_1739 : vector<16xf32>
      %swap3A_1741 = arith.constant 8 : i32
      %swap3A_1742 = arith.constant 0 : i32
      %swap3A_1743 = arith.constant 0 : i32
      %swap3A_1744 = tpu.memref_slice %arg13[%scan3A_282, %swap3A_1742, %swap3A_1743] : memref<4x128x128xf32, #tpu.memory_space<vmem>> -> memref<1x16x128xf32, #tpu.memory_space<vmem>>
      %swap3A_1745 = tpu.memref_squeeze %swap3A_1744 : memref<1x16x128xf32, #tpu.memory_space<vmem>> -> memref<16x128xf32, #tpu.memory_space<vmem>>
      %swap3A_1746 = arith.index_cast %swap3A_1741 : i32 to index
      %swap3A_1747 = arith.constant 48 : index
      %swap3A_1748 = tpu.vector_load %swap3A_1745[%swap3A_1746, %swap3A_1747] {strides = array<i32>} : memref<16x128xf32, #tpu.memory_space<vmem>>, vector<1x16xf32>,
      %swap3A_1749 = vector.shape_cast %swap3A_1748 : vector<1x16xf32> to vector<16xf32>
      %swap3A_1750 = vector.shape_cast %mul3A_1740 : vector<16xf32> to vector<1x16xf32>
      tpu.vector_store %swap3A_1745[%swap3A_1746, %swap3A_1747], %swap3A_1750 {strides = array<i32>} : memref<16x128xf32, #tpu.memory_space<vmem>>, vector<1x16xf32>,
      %get3A_1751 = arith.constant 8 : i32
      %get3A_1752 = arith.constant 0 : i32
      %get3A_1753 = arith.constant 0 : i32
      %get3A_1754 = tpu.memref_slice %arg13[%scan3A_282, %get3A_1752, %get3A_1753] : memref<4x128x128xf32, #tpu.memory_space<vmem>> -> memref<1x16x128xf32, #tpu.memory_space<vmem>>
      %get3A_1755 = tpu.memref_squeeze %get3A_1754 : memref<1x16x128xf32, #tpu.memory_space<vmem>> -> memref<16x128xf32, #tpu.memory_space<vmem>>
      %get3A_1756 = arith.index_cast %get3A_1751 : i32 to index
      %get3A_1757 = arith.constant 64 : index
      %get3A_1758 = tpu.vector_load %get3A_1755[%get3A_1756, %get3A_1757] {strides = array<i32>} : memref<16x128xf32, #tpu.memory_space<vmem>>, vector<1x16xf32>,
      %get3A_1759 = vector.shape_cast %get3A_1758 : vector<1x16xf32> to vector<16xf32>
      %mul3A_1760 = vector.broadcast %squeeze3A_1666 : f32 to vector<16xf32>
      %mul3A_1761 = arith.mulf %get3A_1759, %mul3A_1760 : vector<16xf32>
      %swap3A_1762 = arith.constant 8 : i32
      %swap3A_1763 = arith.constant 0 : i32
      %swap3A_1764 = arith.constant 0 : i32
      %swap3A_1765 = tpu.memref_slice %arg13[%scan3A_282, %swap3A_1763, %swap3A_1764] : memref<4x128x128xf32, #tpu.memory_space<vmem>> -> memref<1x16x128xf32, #tpu.memory_space<vmem>>
      %swap3A_1766 = tpu.memref_squeeze %swap3A_1765 : memref<1x16x128xf32, #tpu.memory_space<vmem>> -> memref<16x128xf32, #tpu.memory_space<vmem>>
      %swap3A_1767 = arith.index_cast %swap3A_1762 : i32 to index
      %swap3A_1768 = arith.constant 64 : index
      %swap3A_1769 = tpu.vector_load %swap3A_1766[%swap3A_1767, %swap3A_1768] {strides = array<i32>} : memref<16x128xf32, #tpu.memory_space<vmem>>, vector<1x16xf32>,
      %swap3A_1770 = vector.shape_cast %swap3A_1769 : vector<1x16xf32> to vector<16xf32>
      %swap3A_1771 = vector.shape_cast %mul3A_1761 : vector<16xf32> to vector<1x16xf32>
      tpu.vector_store %swap3A_1766[%swap3A_1767, %swap3A_1768], %swap3A_1771 {strides = array<i32>} : memref<16x128xf32, #tpu.memory_space<vmem>>, vector<1x16xf32>,
      %get3A_1772 = arith.constant 8 : i32
      %get3A_1773 = arith.constant 0 : i32
      %get3A_1774 = arith.constant 0 : i32
      %get3A_1775 = tpu.memref_slice %arg13[%scan3A_282, %get3A_1773, %get3A_1774] : memref<4x128x128xf32, #tpu.memory_space<vmem>> -> memref<1x16x128xf32, #tpu.memory_space<vmem>>
      %get3A_1776 = tpu.memref_squeeze %get3A_1775 : memref<1x16x128xf32, #tpu.memory_space<vmem>> -> memref<16x128xf32, #tpu.memory_space<vmem>>
      %get3A_1777 = arith.index_cast %get3A_1772 : i32 to index
      %get3A_1778 = arith.constant 80 : index
      %get3A_1779 = tpu.vector_load %get3A_1776[%get3A_1777, %get3A_1778] {strides = array<i32>} : memref<16x128xf32, #tpu.memory_space<vmem>>, vector<1x16xf32>,
      %get3A_1780 = vector.shape_cast %get3A_1779 : vector<1x16xf32> to vector<16xf32>
      %mul3A_1781 = vector.broadcast %squeeze3A_1666 : f32 to vector<16xf32>
      %mul3A_1782 = arith.mulf %get3A_1780, %mul3A_1781 : vector<16xf32>
      %swap3A_1783 = arith.constant 8 : i32
      %swap3A_1784 = arith.constant 0 : i32
      %swap3A_1785 = arith.constant 0 : i32
      %swap3A_1786 = tpu.memref_slice %arg13[%scan3A_282, %swap3A_1784, %swap3A_1785] : memref<4x128x128xf32, #tpu.memory_space<vmem>> -> memref<1x16x128xf32, #tpu.memory_space<vmem>>
      %swap3A_1787 = tpu.memref_squeeze %swap3A_1786 : memref<1x16x128xf32, #tpu.memory_space<vmem>> -> memref<16x128xf32, #tpu.memory_space<vmem>>
      %swap3A_1788 = arith.index_cast %swap3A_1783 : i32 to index
      %swap3A_1789 = arith.constant 80 : index
      %swap3A_1790 = tpu.vector_load %swap3A_1787[%swap3A_1788, %swap3A_1789] {strides = array<i32>} : memref<16x128xf32, #tpu.memory_space<vmem>>, vector<1x16xf32>,
      %swap3A_1791 = vector.shape_cast %swap3A_1790 : vector<1x16xf32> to vector<16xf32>
      %swap3A_1792 = vector.shape_cast %mul3A_1782 : vector<16xf32> to vector<1x16xf32>
      tpu.vector_store %swap3A_1787[%swap3A_1788, %swap3A_1789], %swap3A_1792 {strides = array<i32>} : memref<16x128xf32, #tpu.memory_space<vmem>>, vector<1x16xf32>,
      %get3A_1793 = arith.constant 8 : i32
      %get3A_1794 = arith.constant 0 : i32
      %get3A_1795 = arith.constant 0 : i32
      %get3A_1796 = tpu.memref_slice %arg13[%scan3A_282, %get3A_1794, %get3A_1795] : memref<4x128x128xf32, #tpu.memory_space<vmem>> -> memref<1x16x128xf32, #tpu.memory_space<vmem>>
      %get3A_1797 = tpu.memref_squeeze %get3A_1796 : memref<1x16x128xf32, #tpu.memory_space<vmem>> -> memref<16x128xf32, #tpu.memory_space<vmem>>
      %get3A_1798 = arith.index_cast %get3A_1793 : i32 to index
      %get3A_1799 = arith.constant 96 : index
      %get3A_1800 = tpu.vector_load %get3A_1797[%get3A_1798, %get3A_1799] {strides = array<i32>} : memref<16x128xf32, #tpu.memory_space<vmem>>, vector<1x16xf32>,
      %get3A_1801 = vector.shape_cast %get3A_1800 : vector<1x16xf32> to vector<16xf32>
      %mul3A_1802 = vector.broadcast %squeeze3A_1666 : f32 to vector<16xf32>
      %mul3A_1803 = arith.mulf %get3A_1801, %mul3A_1802 : vector<16xf32>
      %swap3A_1804 = arith.constant 8 : i32
      %swap3A_1805 = arith.constant 0 : i32
      %swap3A_1806 = arith.constant 0 : i32
      %swap3A_1807 = tpu.memref_slice %arg13[%scan3A_282, %swap3A_1805, %swap3A_1806] : memref<4x128x128xf32, #tpu.memory_space<vmem>> -> memref<1x16x128xf32, #tpu.memory_space<vmem>>
      %swap3A_1808 = tpu.memref_squeeze %swap3A_1807 : memref<1x16x128xf32, #tpu.memory_space<vmem>> -> memref<16x128xf32, #tpu.memory_space<vmem>>
      %swap3A_1809 = arith.index_cast %swap3A_1804 : i32 to index
      %swap3A_1810 = arith.constant 96 : index
      %swap3A_1811 = tpu.vector_load %swap3A_1808[%swap3A_1809, %swap3A_1810] {strides = array<i32>} : memref<16x128xf32, #tpu.memory_space<vmem>>, vector<1x16xf32>,
      %swap3A_1812 = vector.shape_cast %swap3A_1811 : vector<1x16xf32> to vector<16xf32>
      %swap3A_1813 = vector.shape_cast %mul3A_1803 : vector<16xf32> to vector<1x16xf32>
      tpu.vector_store %swap3A_1808[%swap3A_1809, %swap3A_1810], %swap3A_1813 {strides = array<i32>} : memref<16x128xf32, #tpu.memory_space<vmem>>, vector<1x16xf32>,
      %get3A_1814 = arith.constant 8 : i32
      %get3A_1815 = arith.constant 0 : i32
      %get3A_1816 = arith.constant 0 : i32
      %get3A_1817 = tpu.memref_slice %arg13[%scan3A_282, %get3A_1815, %get3A_1816] : memref<4x128x128xf32, #tpu.memory_space<vmem>> -> memref<1x16x128xf32, #tpu.memory_space<vmem>>
      %get3A_1818 = tpu.memref_squeeze %get3A_1817 : memref<1x16x128xf32, #tpu.memory_space<vmem>> -> memref<16x128xf32, #tpu.memory_space<vmem>>
      %get3A_1819 = arith.index_cast %get3A_1814 : i32 to index
      %get3A_1820 = arith.constant 112 : index
      %get3A_1821 = tpu.vector_load %get3A_1818[%get3A_1819, %get3A_1820] {strides = array<i32>} : memref<16x128xf32, #tpu.memory_space<vmem>>, vector<1x16xf32>,
      %get3A_1822 = vector.shape_cast %get3A_1821 : vector<1x16xf32> to vector<16xf32>
      %mul3A_1823 = vector.broadcast %squeeze3A_1666 : f32 to vector<16xf32>
      %mul3A_1824 = arith.mulf %get3A_1822, %mul3A_1823 : vector<16xf32>
      %swap3A_1825 = arith.constant 8 : i32
      %swap3A_1826 = arith.constant 0 : i32
      %swap3A_1827 = arith.constant 0 : i32
      %swap3A_1828 = tpu.memref_slice %arg13[%scan3A_282, %swap3A_1826, %swap3A_1827] : memref<4x128x128xf32, #tpu.memory_space<vmem>> -> memref<1x16x128xf32, #tpu.memory_space<vmem>>
      %swap3A_1829 = tpu.memref_squeeze %swap3A_1828 : memref<1x16x128xf32, #tpu.memory_space<vmem>> -> memref<16x128xf32, #tpu.memory_space<vmem>>
      %swap3A_1830 = arith.index_cast %swap3A_1825 : i32 to index
      %swap3A_1831 = arith.constant 112 : index
      %swap3A_1832 = tpu.vector_load %swap3A_1829[%swap3A_1830, %swap3A_1831] {strides = array<i32>} : memref<16x128xf32, #tpu.memory_space<vmem>>, vector<1x16xf32>,
      %swap3A_1833 = vector.shape_cast %swap3A_1832 : vector<1x16xf32> to vector<16xf32>
      %swap3A_1834 = vector.shape_cast %mul3A_1824 : vector<16xf32> to vector<1x16xf32>
      tpu.vector_store %swap3A_1829[%swap3A_1830, %swap3A_1831], %swap3A_1834 {strides = array<i32>} : memref<16x128xf32, #tpu.memory_space<vmem>>, vector<1x16xf32>,
      %slice3A_1835 = vector.extract_strided_slice %div3A {offsets = [9], sizes = [1], strides = [1]} : vector<16xf32> to vector<1xf32>
      %squeeze3A_1836 = vector.extract %slice3A_1835[0] : f32 from vector<1xf32>
      %get3A_1837 = arith.constant 9 : i32
      %get3A_1838 = arith.constant 0 : i32
      %get3A_1839 = arith.constant 0 : i32
      %get3A_1840 = tpu.memref_slice %arg13[%scan3A_282, %get3A_1838, %get3A_1839] : memref<4x128x128xf32, #tpu.memory_space<vmem>> -> memref<1x16x128xf32, #tpu.memory_space<vmem>>
      %get3A_1841 = tpu.memref_squeeze %get3A_1840 : memref<1x16x128xf32, #tpu.memory_space<vmem>> -> memref<16x128xf32, #tpu.memory_space<vmem>>
      %get3A_1842 = arith.index_cast %get3A_1837 : i32 to index
      %get3A_1843 = arith.constant 0 : index
      %get3A_1844 = tpu.vector_load %get3A_1841[%get3A_1842, %get3A_1843] {strides = array<i32>} : memref<16x128xf32, #tpu.memory_space<vmem>>, vector<1x16xf32>,
      %get3A_1845 = vector.shape_cast %get3A_1844 : vector<1x16xf32> to vector<16xf32>
      %mul3A_1846 = vector.broadcast %squeeze3A_1836 : f32 to vector<16xf32>
      %mul3A_1847 = arith.mulf %get3A_1845, %mul3A_1846 : vector<16xf32>
      %swap3A_1848 = arith.constant 9 : i32
      %swap3A_1849 = arith.constant 0 : i32
      %swap3A_1850 = arith.constant 0 : i32
      %swap3A_1851 = tpu.memref_slice %arg13[%scan3A_282, %swap3A_1849, %swap3A_1850] : memref<4x128x128xf32, #tpu.memory_space<vmem>> -> memref<1x16x128xf32, #tpu.memory_space<vmem>>
      %swap3A_1852 = tpu.memref_squeeze %swap3A_1851 : memref<1x16x128xf32, #tpu.memory_space<vmem>> -> memref<16x128xf32, #tpu.memory_space<vmem>>
      %swap3A_1853 = arith.index_cast %swap3A_1848 : i32 to index
      %swap3A_1854 = arith.constant 0 : index
      %swap3A_1855 = tpu.vector_load %swap3A_1852[%swap3A_1853, %swap3A_1854] {strides = array<i32>} : memref<16x128xf32, #tpu.memory_space<vmem>>, vector<1x16xf32>,
      %swap3A_1856 = vector.shape_cast %swap3A_1855 : vector<1x16xf32> to vector<16xf32>
      %swap3A_1857 = vector.shape_cast %mul3A_1847 : vector<16xf32> to vector<1x16xf32>
      tpu.vector_store %swap3A_1852[%swap3A_1853, %swap3A_1854], %swap3A_1857 {strides = array<i32>} : memref<16x128xf32, #tpu.memory_space<vmem>>, vector<1x16xf32>,
      %get3A_1858 = arith.constant 9 : i32
      %get3A_1859 = arith.constant 0 : i32
      %get3A_1860 = arith.constant 0 : i32
      %get3A_1861 = tpu.memref_slice %arg13[%scan3A_282, %get3A_1859, %get3A_1860] : memref<4x128x128xf32, #tpu.memory_space<vmem>> -> memref<1x16x128xf32, #tpu.memory_space<vmem>>
      %get3A_1862 = tpu.memref_squeeze %get3A_1861 : memref<1x16x128xf32, #tpu.memory_space<vmem>> -> memref<16x128xf32, #tpu.memory_space<vmem>>
      %get3A_1863 = arith.index_cast %get3A_1858 : i32 to index
      %get3A_1864 = arith.constant 16 : index
      %get3A_1865 = tpu.vector_load %get3A_1862[%get3A_1863, %get3A_1864] {strides = array<i32>} : memref<16x128xf32, #tpu.memory_space<vmem>>, vector<1x16xf32>,
      %get3A_1866 = vector.shape_cast %get3A_1865 : vector<1x16xf32> to vector<16xf32>
      %mul3A_1867 = vector.broadcast %squeeze3A_1836 : f32 to vector<16xf32>
      %mul3A_1868 = arith.mulf %get3A_1866, %mul3A_1867 : vector<16xf32>
      %swap3A_1869 = arith.constant 9 : i32
      %swap3A_1870 = arith.constant 0 : i32
      %swap3A_1871 = arith.constant 0 : i32
      %swap3A_1872 = tpu.memref_slice %arg13[%scan3A_282, %swap3A_1870, %swap3A_1871] : memref<4x128x128xf32, #tpu.memory_space<vmem>> -> memref<1x16x128xf32, #tpu.memory_space<vmem>>
      %swap3A_1873 = tpu.memref_squeeze %swap3A_1872 : memref<1x16x128xf32, #tpu.memory_space<vmem>> -> memref<16x128xf32, #tpu.memory_space<vmem>>
      %swap3A_1874 = arith.index_cast %swap3A_1869 : i32 to index
      %swap3A_1875 = arith.constant 16 : index
      %swap3A_1876 = tpu.vector_load %swap3A_1873[%swap3A_1874, %swap3A_1875] {strides = array<i32>} : memref<16x128xf32, #tpu.memory_space<vmem>>, vector<1x16xf32>,
      %swap3A_1877 = vector.shape_cast %swap3A_1876 : vector<1x16xf32> to vector<16xf32>
      %swap3A_1878 = vector.shape_cast %mul3A_1868 : vector<16xf32> to vector<1x16xf32>
      tpu.vector_store %swap3A_1873[%swap3A_1874, %swap3A_1875], %swap3A_1878 {strides = array<i32>} : memref<16x128xf32, #tpu.memory_space<vmem>>, vector<1x16xf32>,
      %get3A_1879 = arith.constant 9 : i32
      %get3A_1880 = arith.constant 0 : i32
      %get3A_1881 = arith.constant 0 : i32
      %get3A_1882 = tpu.memref_slice %arg13[%scan3A_282, %get3A_1880, %get3A_1881] : memref<4x128x128xf32, #tpu.memory_space<vmem>> -> memref<1x16x128xf32, #tpu.memory_space<vmem>>
      %get3A_1883 = tpu.memref_squeeze %get3A_1882 : memref<1x16x128xf32, #tpu.memory_space<vmem>> -> memref<16x128xf32, #tpu.memory_space<vmem>>
      %get3A_1884 = arith.index_cast %get3A_1879 : i32 to index
      %get3A_1885 = arith.constant 32 : index
      %get3A_1886 = tpu.vector_load %get3A_1883[%get3A_1884, %get3A_1885] {strides = array<i32>} : memref<16x128xf32, #tpu.memory_space<vmem>>, vector<1x16xf32>,
      %get3A_1887 = vector.shape_cast %get3A_1886 : vector<1x16xf32> to vector<16xf32>
      %mul3A_1888 = vector.broadcast %squeeze3A_1836 : f32 to vector<16xf32>
      %mul3A_1889 = arith.mulf %get3A_1887, %mul3A_1888 : vector<16xf32>
      %swap3A_1890 = arith.constant 9 : i32
      %swap3A_1891 = arith.constant 0 : i32
      %swap3A_1892 = arith.constant 0 : i32
      %swap3A_1893 = tpu.memref_slice %arg13[%scan3A_282, %swap3A_1891, %swap3A_1892] : memref<4x128x128xf32, #tpu.memory_space<vmem>> -> memref<1x16x128xf32, #tpu.memory_space<vmem>>
      %swap3A_1894 = tpu.memref_squeeze %swap3A_1893 : memref<1x16x128xf32, #tpu.memory_space<vmem>> -> memref<16x128xf32, #tpu.memory_space<vmem>>
      %swap3A_1895 = arith.index_cast %swap3A_1890 : i32 to index
      %swap3A_1896 = arith.constant 32 : index
      %swap3A_1897 = tpu.vector_load %swap3A_1894[%swap3A_1895, %swap3A_1896] {strides = array<i32>} : memref<16x128xf32, #tpu.memory_space<vmem>>, vector<1x16xf32>,
      %swap3A_1898 = vector.shape_cast %swap3A_1897 : vector<1x16xf32> to vector<16xf32>
      %swap3A_1899 = vector.shape_cast %mul3A_1889 : vector<16xf32> to vector<1x16xf32>
      tpu.vector_store %swap3A_1894[%swap3A_1895, %swap3A_1896], %swap3A_1899 {strides = array<i32>} : memref<16x128xf32, #tpu.memory_space<vmem>>, vector<1x16xf32>,
      %get3A_1900 = arith.constant 9 : i32
      %get3A_1901 = arith.constant 0 : i32
      %get3A_1902 = arith.constant 0 : i32
      %get3A_1903 = tpu.memref_slice %arg13[%scan3A_282, %get3A_1901, %get3A_1902] : memref<4x128x128xf32, #tpu.memory_space<vmem>> -> memref<1x16x128xf32, #tpu.memory_space<vmem>>
      %get3A_1904 = tpu.memref_squeeze %get3A_1903 : memref<1x16x128xf32, #tpu.memory_space<vmem>> -> memref<16x128xf32, #tpu.memory_space<vmem>>
      %get3A_1905 = arith.index_cast %get3A_1900 : i32 to index
      %get3A_1906 = arith.constant 48 : index
      %get3A_1907 = tpu.vector_load %get3A_1904[%get3A_1905, %get3A_1906] {strides = array<i32>} : memref<16x128xf32, #tpu.memory_space<vmem>>, vector<1x16xf32>,
      %get3A_1908 = vector.shape_cast %get3A_1907 : vector<1x16xf32> to vector<16xf32>
      %mul3A_1909 = vector.broadcast %squeeze3A_1836 : f32 to vector<16xf32>
      %mul3A_1910 = arith.mulf %get3A_1908, %mul3A_1909 : vector<16xf32>
      %swap3A_1911 = arith.constant 9 : i32
      %swap3A_1912 = arith.constant 0 : i32
      %swap3A_1913 = arith.constant 0 : i32
      %swap3A_1914 = tpu.memref_slice %arg13[%scan3A_282, %swap3A_1912, %swap3A_1913] : memref<4x128x128xf32, #tpu.memory_space<vmem>> -> memref<1x16x128xf32, #tpu.memory_space<vmem>>
      %swap3A_1915 = tpu.memref_squeeze %swap3A_1914 : memref<1x16x128xf32, #tpu.memory_space<vmem>> -> memref<16x128xf32, #tpu.memory_space<vmem>>
      %swap3A_1916 = arith.index_cast %swap3A_1911 : i32 to index
      %swap3A_1917 = arith.constant 48 : index
      %swap3A_1918 = tpu.vector_load %swap3A_1915[%swap3A_1916, %swap3A_1917] {strides = array<i32>} : memref<16x128xf32, #tpu.memory_space<vmem>>, vector<1x16xf32>,
      %swap3A_1919 = vector.shape_cast %swap3A_1918 : vector<1x16xf32> to vector<16xf32>
      %swap3A_1920 = vector.shape_cast %mul3A_1910 : vector<16xf32> to vector<1x16xf32>
      tpu.vector_store %swap3A_1915[%swap3A_1916, %swap3A_1917], %swap3A_1920 {strides = array<i32>} : memref<16x128xf32, #tpu.memory_space<vmem>>, vector<1x16xf32>,
      %get3A_1921 = arith.constant 9 : i32
      %get3A_1922 = arith.constant 0 : i32
      %get3A_1923 = arith.constant 0 : i32
      %get3A_1924 = tpu.memref_slice %arg13[%scan3A_282, %get3A_1922, %get3A_1923] : memref<4x128x128xf32, #tpu.memory_space<vmem>> -> memref<1x16x128xf32, #tpu.memory_space<vmem>>
      %get3A_1925 = tpu.memref_squeeze %get3A_1924 : memref<1x16x128xf32, #tpu.memory_space<vmem>> -> memref<16x128xf32, #tpu.memory_space<vmem>>
      %get3A_1926 = arith.index_cast %get3A_1921 : i32 to index
      %get3A_1927 = arith.constant 64 : index
      %get3A_1928 = tpu.vector_load %get3A_1925[%get3A_1926, %get3A_1927] {strides = array<i32>} : memref<16x128xf32, #tpu.memory_space<vmem>>, vector<1x16xf32>,
      %get3A_1929 = vector.shape_cast %get3A_1928 : vector<1x16xf32> to vector<16xf32>
      %mul3A_1930 = vector.broadcast %squeeze3A_1836 : f32 to vector<16xf32>
      %mul3A_1931 = arith.mulf %get3A_1929, %mul3A_1930 : vector<16xf32>
      %swap3A_1932 = arith.constant 9 : i32
      %swap3A_1933 = arith.constant 0 : i32
      %swap3A_1934 = arith.constant 0 : i32
      %swap3A_1935 = tpu.memref_slice %arg13[%scan3A_282, %swap3A_1933, %swap3A_1934] : memref<4x128x128xf32, #tpu.memory_space<vmem>> -> memref<1x16x128xf32, #tpu.memory_space<vmem>>
      %swap3A_1936 = tpu.memref_squeeze %swap3A_1935 : memref<1x16x128xf32, #tpu.memory_space<vmem>> -> memref<16x128xf32, #tpu.memory_space<vmem>>
      %swap3A_1937 = arith.index_cast %swap3A_1932 : i32 to index
      %swap3A_1938 = arith.constant 64 : index
      %swap3A_1939 = tpu.vector_load %swap3A_1936[%swap3A_1937, %swap3A_1938] {strides = array<i32>} : memref<16x128xf32, #tpu.memory_space<vmem>>, vector<1x16xf32>,
      %swap3A_1940 = vector.shape_cast %swap3A_1939 : vector<1x16xf32> to vector<16xf32>
      %swap3A_1941 = vector.shape_cast %mul3A_1931 : vector<16xf32> to vector<1x16xf32>
      tpu.vector_store %swap3A_1936[%swap3A_1937, %swap3A_1938], %swap3A_1941 {strides = array<i32>} : memref<16x128xf32, #tpu.memory_space<vmem>>, vector<1x16xf32>,
      %get3A_1942 = arith.constant 9 : i32
      %get3A_1943 = arith.constant 0 : i32
      %get3A_1944 = arith.constant 0 : i32
      %get3A_1945 = tpu.memref_slice %arg13[%scan3A_282, %get3A_1943, %get3A_1944] : memref<4x128x128xf32, #tpu.memory_space<vmem>> -> memref<1x16x128xf32, #tpu.memory_space<vmem>>
      %get3A_1946 = tpu.memref_squeeze %get3A_1945 : memref<1x16x128xf32, #tpu.memory_space<vmem>> -> memref<16x128xf32, #tpu.memory_space<vmem>>
      %get3A_1947 = arith.index_cast %get3A_1942 : i32 to index
      %get3A_1948 = arith.constant 80 : index
      %get3A_1949 = tpu.vector_load %get3A_1946[%get3A_1947, %get3A_1948] {strides = array<i32>} : memref<16x128xf32, #tpu.memory_space<vmem>>, vector<1x16xf32>,
      %get3A_1950 = vector.shape_cast %get3A_1949 : vector<1x16xf32> to vector<16xf32>
      %mul3A_1951 = vector.broadcast %squeeze3A_1836 : f32 to vector<16xf32>
      %mul3A_1952 = arith.mulf %get3A_1950, %mul3A_1951 : vector<16xf32>
      %swap3A_1953 = arith.constant 9 : i32
      %swap3A_1954 = arith.constant 0 : i32
      %swap3A_1955 = arith.constant 0 : i32
      %swap3A_1956 = tpu.memref_slice %arg13[%scan3A_282, %swap3A_1954, %swap3A_1955] : memref<4x128x128xf32, #tpu.memory_space<vmem>> -> memref<1x16x128xf32, #tpu.memory_space<vmem>>
      %swap3A_1957 = tpu.memref_squeeze %swap3A_1956 : memref<1x16x128xf32, #tpu.memory_space<vmem>> -> memref<16x128xf32, #tpu.memory_space<vmem>>
      %swap3A_1958 = arith.index_cast %swap3A_1953 : i32 to index
      %swap3A_1959 = arith.constant 80 : index
      %swap3A_1960 = tpu.vector_load %swap3A_1957[%swap3A_1958, %swap3A_1959] {strides = array<i32>} : memref<16x128xf32, #tpu.memory_space<vmem>>, vector<1x16xf32>,
      %swap3A_1961 = vector.shape_cast %swap3A_1960 : vector<1x16xf32> to vector<16xf32>
      %swap3A_1962 = vector.shape_cast %mul3A_1952 : vector<16xf32> to vector<1x16xf32>
      tpu.vector_store %swap3A_1957[%swap3A_1958, %swap3A_1959], %swap3A_1962 {strides = array<i32>} : memref<16x128xf32, #tpu.memory_space<vmem>>, vector<1x16xf32>,
      %get3A_1963 = arith.constant 9 : i32
      %get3A_1964 = arith.constant 0 : i32
      %get3A_1965 = arith.constant 0 : i32
      %get3A_1966 = tpu.memref_slice %arg13[%scan3A_282, %get3A_1964, %get3A_1965] : memref<4x128x128xf32, #tpu.memory_space<vmem>> -> memref<1x16x128xf32, #tpu.memory_space<vmem>>
      %get3A_1967 = tpu.memref_squeeze %get3A_1966 : memref<1x16x128xf32, #tpu.memory_space<vmem>> -> memref<16x128xf32, #tpu.memory_space<vmem>>
      %get3A_1968 = arith.index_cast %get3A_1963 : i32 to index
      %get3A_1969 = arith.constant 96 : index
      %get3A_1970 = tpu.vector_load %get3A_1967[%get3A_1968, %get3A_1969] {strides = array<i32>} : memref<16x128xf32, #tpu.memory_space<vmem>>, vector<1x16xf32>,
      %get3A_1971 = vector.shape_cast %get3A_1970 : vector<1x16xf32> to vector<16xf32>
      %mul3A_1972 = vector.broadcast %squeeze3A_1836 : f32 to vector<16xf32>
      %mul3A_1973 = arith.mulf %get3A_1971, %mul3A_1972 : vector<16xf32>
      %swap3A_1974 = arith.constant 9 : i32
      %swap3A_1975 = arith.constant 0 : i32
      %swap3A_1976 = arith.constant 0 : i32
      %swap3A_1977 = tpu.memref_slice %arg13[%scan3A_282, %swap3A_1975, %swap3A_1976] : memref<4x128x128xf32, #tpu.memory_space<vmem>> -> memref<1x16x128xf32, #tpu.memory_space<vmem>>
      %swap3A_1978 = tpu.memref_squeeze %swap3A_1977 : memref<1x16x128xf32, #tpu.memory_space<vmem>> -> memref<16x128xf32, #tpu.memory_space<vmem>>
      %swap3A_1979 = arith.index_cast %swap3A_1974 : i32 to index
      %swap3A_1980 = arith.constant 96 : index
      %swap3A_1981 = tpu.vector_load %swap3A_1978[%swap3A_1979, %swap3A_1980] {strides = array<i32>} : memref<16x128xf32, #tpu.memory_space<vmem>>, vector<1x16xf32>,
      %swap3A_1982 = vector.shape_cast %swap3A_1981 : vector<1x16xf32> to vector<16xf32>
      %swap3A_1983 = vector.shape_cast %mul3A_1973 : vector<16xf32> to vector<1x16xf32>
      tpu.vector_store %swap3A_1978[%swap3A_1979, %swap3A_1980], %swap3A_1983 {strides = array<i32>} : memref<16x128xf32, #tpu.memory_space<vmem>>, vector<1x16xf32>,
      %get3A_1984 = arith.constant 9 : i32
      %get3A_1985 = arith.constant 0 : i32
      %get3A_1986 = arith.constant 0 : i32
      %get3A_1987 = tpu.memref_slice %arg13[%scan3A_282, %get3A_1985, %get3A_1986] : memref<4x128x128xf32, #tpu.memory_space<vmem>> -> memref<1x16x128xf32, #tpu.memory_space<vmem>>
      %get3A_1988 = tpu.memref_squeeze %get3A_1987 : memref<1x16x128xf32, #tpu.memory_space<vmem>> -> memref<16x128xf32, #tpu.memory_space<vmem>>
      %get3A_1989 = arith.index_cast %get3A_1984 : i32 to index
      %get3A_1990 = arith.constant 112 : index
      %get3A_1991 = tpu.vector_load %get3A_1988[%get3A_1989, %get3A_1990] {strides = array<i32>} : memref<16x128xf32, #tpu.memory_space<vmem>>, vector<1x16xf32>,
      %get3A_1992 = vector.shape_cast %get3A_1991 : vector<1x16xf32> to vector<16xf32>
      %mul3A_1993 = vector.broadcast %squeeze3A_1836 : f32 to vector<16xf32>
      %mul3A_1994 = arith.mulf %get3A_1992, %mul3A_1993 : vector<16xf32>
      %swap3A_1995 = arith.constant 9 : i32
      %swap3A_1996 = arith.constant 0 : i32
      %swap3A_1997 = arith.constant 0 : i32
      %swap3A_1998 = tpu.memref_slice %arg13[%scan3A_282, %swap3A_1996, %swap3A_1997] : memref<4x128x128xf32, #tpu.memory_space<vmem>> -> memref<1x16x128xf32, #tpu.memory_space<vmem>>
      %swap3A_1999 = tpu.memref_squeeze %swap3A_1998 : memref<1x16x128xf32, #tpu.memory_space<vmem>> -> memref<16x128xf32, #tpu.memory_space<vmem>>
      %swap3A_2000 = arith.index_cast %swap3A_1995 : i32 to index
      %swap3A_2001 = arith.constant 112 : index
      %swap3A_2002 = tpu.vector_load %swap3A_1999[%swap3A_2000, %swap3A_2001] {strides = array<i32>} : memref<16x128xf32, #tpu.memory_space<vmem>>, vector<1x16xf32>,
      %swap3A_2003 = vector.shape_cast %swap3A_2002 : vector<1x16xf32> to vector<16xf32>
      %swap3A_2004 = vector.shape_cast %mul3A_1994 : vector<16xf32> to vector<1x16xf32>
      tpu.vector_store %swap3A_1999[%swap3A_2000, %swap3A_2001], %swap3A_2004 {strides = array<i32>} : memref<16x128xf32, #tpu.memory_space<vmem>>, vector<1x16xf32>,
      %slice3A_2005 = vector.extract_strided_slice %div3A {offsets = [10], sizes = [1], strides = [1]} : vector<16xf32> to vector<1xf32>
      %squeeze3A_2006 = vector.extract %slice3A_2005[0] : f32 from vector<1xf32>
      %get3A_2007 = arith.constant 10 : i32
      %get3A_2008 = arith.constant 0 : i32
      %get3A_2009 = arith.constant 0 : i32
      %get3A_2010 = tpu.memref_slice %arg13[%scan3A_282, %get3A_2008, %get3A_2009] : memref<4x128x128xf32, #tpu.memory_space<vmem>> -> memref<1x16x128xf32, #tpu.memory_space<vmem>>
      %get3A_2011 = tpu.memref_squeeze %get3A_2010 : memref<1x16x128xf32, #tpu.memory_space<vmem>> -> memref<16x128xf32, #tpu.memory_space<vmem>>
      %get3A_2012 = arith.index_cast %get3A_2007 : i32 to index
      %get3A_2013 = arith.constant 0 : index
      %get3A_2014 = tpu.vector_load %get3A_2011[%get3A_2012, %get3A_2013] {strides = array<i32>} : memref<16x128xf32, #tpu.memory_space<vmem>>, vector<1x16xf32>,
      %get3A_2015 = vector.shape_cast %get3A_2014 : vector<1x16xf32> to vector<16xf32>
      %mul3A_2016 = vector.broadcast %squeeze3A_2006 : f32 to vector<16xf32>
      %mul3A_2017 = arith.mulf %get3A_2015, %mul3A_2016 : vector<16xf32>
      %swap3A_2018 = arith.constant 10 : i32
      %swap3A_2019 = arith.constant 0 : i32
      %swap3A_2020 = arith.constant 0 : i32
      %swap3A_2021 = tpu.memref_slice %arg13[%scan3A_282, %swap3A_2019, %swap3A_2020] : memref<4x128x128xf32, #tpu.memory_space<vmem>> -> memref<1x16x128xf32, #tpu.memory_space<vmem>>
      %swap3A_2022 = tpu.memref_squeeze %swap3A_2021 : memref<1x16x128xf32, #tpu.memory_space<vmem>> -> memref<16x128xf32, #tpu.memory_space<vmem>>
      %swap3A_2023 = arith.index_cast %swap3A_2018 : i32 to index
      %swap3A_2024 = arith.constant 0 : index
      %swap3A_2025 = tpu.vector_load %swap3A_2022[%swap3A_2023, %swap3A_2024] {strides = array<i32>} : memref<16x128xf32, #tpu.memory_space<vmem>>, vector<1x16xf32>,
      %swap3A_2026 = vector.shape_cast %swap3A_2025 : vector<1x16xf32> to vector<16xf32>
      %swap3A_2027 = vector.shape_cast %mul3A_2017 : vector<16xf32> to vector<1x16xf32>
      tpu.vector_store %swap3A_2022[%swap3A_2023, %swap3A_2024], %swap3A_2027 {strides = array<i32>} : memref<16x128xf32, #tpu.memory_space<vmem>>, vector<1x16xf32>,
      %get3A_2028 = arith.constant 10 : i32
      %get3A_2029 = arith.constant 0 : i32
      %get3A_2030 = arith.constant 0 : i32
      %get3A_2031 = tpu.memref_slice %arg13[%scan3A_282, %get3A_2029, %get3A_2030] : memref<4x128x128xf32, #tpu.memory_space<vmem>> -> memref<1x16x128xf32, #tpu.memory_space<vmem>>
      %get3A_2032 = tpu.memref_squeeze %get3A_2031 : memref<1x16x128xf32, #tpu.memory_space<vmem>> -> memref<16x128xf32, #tpu.memory_space<vmem>>
      %get3A_2033 = arith.index_cast %get3A_2028 : i32 to index
      %get3A_2034 = arith.constant 16 : index
      %get3A_2035 = tpu.vector_load %get3A_2032[%get3A_2033, %get3A_2034] {strides = array<i32>} : memref<16x128xf32, #tpu.memory_space<vmem>>, vector<1x16xf32>,
      %get3A_2036 = vector.shape_cast %get3A_2035 : vector<1x16xf32> to vector<16xf32>
      %mul3A_2037 = vector.broadcast %squeeze3A_2006 : f32 to vector<16xf32>
      %mul3A_2038 = arith.mulf %get3A_2036, %mul3A_2037 : vector<16xf32>
      %swap3A_2039 = arith.constant 10 : i32
      %swap3A_2040 = arith.constant 0 : i32
      %swap3A_2041 = arith.constant 0 : i32
      %swap3A_2042 = tpu.memref_slice %arg13[%scan3A_282, %swap3A_2040, %swap3A_2041] : memref<4x128x128xf32, #tpu.memory_space<vmem>> -> memref<1x16x128xf32, #tpu.memory_space<vmem>>
      %swap3A_2043 = tpu.memref_squeeze %swap3A_2042 : memref<1x16x128xf32, #tpu.memory_space<vmem>> -> memref<16x128xf32, #tpu.memory_space<vmem>>
      %swap3A_2044 = arith.index_cast %swap3A_2039 : i32 to index
      %swap3A_2045 = arith.constant 16 : index
      %swap3A_2046 = tpu.vector_load %swap3A_2043[%swap3A_2044, %swap3A_2045] {strides = array<i32>} : memref<16x128xf32, #tpu.memory_space<vmem>>, vector<1x16xf32>,
      %swap3A_2047 = vector.shape_cast %swap3A_2046 : vector<1x16xf32> to vector<16xf32>
      %swap3A_2048 = vector.shape_cast %mul3A_2038 : vector<16xf32> to vector<1x16xf32>
      tpu.vector_store %swap3A_2043[%swap3A_2044, %swap3A_2045], %swap3A_2048 {strides = array<i32>} : memref<16x128xf32, #tpu.memory_space<vmem>>, vector<1x16xf32>,
      %get3A_2049 = arith.constant 10 : i32
      %get3A_2050 = arith.constant 0 : i32
      %get3A_2051 = arith.constant 0 : i32
      %get3A_2052 = tpu.memref_slice %arg13[%scan3A_282, %get3A_2050, %get3A_2051] : memref<4x128x128xf32, #tpu.memory_space<vmem>> -> memref<1x16x128xf32, #tpu.memory_space<vmem>>
      %get3A_2053 = tpu.memref_squeeze %get3A_2052 : memref<1x16x128xf32, #tpu.memory_space<vmem>> -> memref<16x128xf32, #tpu.memory_space<vmem>>
      %get3A_2054 = arith.index_cast %get3A_2049 : i32 to index
      %get3A_2055 = arith.constant 32 : index
      %get3A_2056 = tpu.vector_load %get3A_2053[%get3A_2054, %get3A_2055] {strides = array<i32>} : memref<16x128xf32, #tpu.memory_space<vmem>>, vector<1x16xf32>,
      %get3A_2057 = vector.shape_cast %get3A_2056 : vector<1x16xf32> to vector<16xf32>
      %mul3A_2058 = vector.broadcast %squeeze3A_2006 : f32 to vector<16xf32>
      %mul3A_2059 = arith.mulf %get3A_2057, %mul3A_2058 : vector<16xf32>
      %swap3A_2060 = arith.constant 10 : i32
      %swap3A_2061 = arith.constant 0 : i32
      %swap3A_2062 = arith.constant 0 : i32
      %swap3A_2063 = tpu.memref_slice %arg13[%scan3A_282, %swap3A_2061, %swap3A_2062] : memref<4x128x128xf32, #tpu.memory_space<vmem>> -> memref<1x16x128xf32, #tpu.memory_space<vmem>>
      %swap3A_2064 = tpu.memref_squeeze %swap3A_2063 : memref<1x16x128xf32, #tpu.memory_space<vmem>> -> memref<16x128xf32, #tpu.memory_space<vmem>>
      %swap3A_2065 = arith.index_cast %swap3A_2060 : i32 to index
      %swap3A_2066 = arith.constant 32 : index
      %swap3A_2067 = tpu.vector_load %swap3A_2064[%swap3A_2065, %swap3A_2066] {strides = array<i32>} : memref<16x128xf32, #tpu.memory_space<vmem>>, vector<1x16xf32>,
      %swap3A_2068 = vector.shape_cast %swap3A_2067 : vector<1x16xf32> to vector<16xf32>
      %swap3A_2069 = vector.shape_cast %mul3A_2059 : vector<16xf32> to vector<1x16xf32>
      tpu.vector_store %swap3A_2064[%swap3A_2065, %swap3A_2066], %swap3A_2069 {strides = array<i32>} : memref<16x128xf32, #tpu.memory_space<vmem>>, vector<1x16xf32>,
      %get3A_2070 = arith.constant 10 : i32
      %get3A_2071 = arith.constant 0 : i32
      %get3A_2072 = arith.constant 0 : i32
      %get3A_2073 = tpu.memref_slice %arg13[%scan3A_282, %get3A_2071, %get3A_2072] : memref<4x128x128xf32, #tpu.memory_space<vmem>> -> memref<1x16x128xf32, #tpu.memory_space<vmem>>
      %get3A_2074 = tpu.memref_squeeze %get3A_2073 : memref<1x16x128xf32, #tpu.memory_space<vmem>> -> memref<16x128xf32, #tpu.memory_space<vmem>>
      %get3A_2075 = arith.index_cast %get3A_2070 : i32 to index
      %get3A_2076 = arith.constant 48 : index
      %get3A_2077 = tpu.vector_load %get3A_2074[%get3A_2075, %get3A_2076] {strides = array<i32>} : memref<16x128xf32, #tpu.memory_space<vmem>>, vector<1x16xf32>,
      %get3A_2078 = vector.shape_cast %get3A_2077 : vector<1x16xf32> to vector<16xf32>
      %mul3A_2079 = vector.broadcast %squeeze3A_2006 : f32 to vector<16xf32>
      %mul3A_2080 = arith.mulf %get3A_2078, %mul3A_2079 : vector<16xf32>
      %swap3A_2081 = arith.constant 10 : i32
      %swap3A_2082 = arith.constant 0 : i32
      %swap3A_2083 = arith.constant 0 : i32
      %swap3A_2084 = tpu.memref_slice %arg13[%scan3A_282, %swap3A_2082, %swap3A_2083] : memref<4x128x128xf32, #tpu.memory_space<vmem>> -> memref<1x16x128xf32, #tpu.memory_space<vmem>>
      %swap3A_2085 = tpu.memref_squeeze %swap3A_2084 : memref<1x16x128xf32, #tpu.memory_space<vmem>> -> memref<16x128xf32, #tpu.memory_space<vmem>>
      %swap3A_2086 = arith.index_cast %swap3A_2081 : i32 to index
      %swap3A_2087 = arith.constant 48 : index
      %swap3A_2088 = tpu.vector_load %swap3A_2085[%swap3A_2086, %swap3A_2087] {strides = array<i32>} : memref<16x128xf32, #tpu.memory_space<vmem>>, vector<1x16xf32>,
      %swap3A_2089 = vector.shape_cast %swap3A_2088 : vector<1x16xf32> to vector<16xf32>
      %swap3A_2090 = vector.shape_cast %mul3A_2080 : vector<16xf32> to vector<1x16xf32>
      tpu.vector_store %swap3A_2085[%swap3A_2086, %swap3A_2087], %swap3A_2090 {strides = array<i32>} : memref<16x128xf32, #tpu.memory_space<vmem>>, vector<1x16xf32>,
      %get3A_2091 = arith.constant 10 : i32
      %get3A_2092 = arith.constant 0 : i32
      %get3A_2093 = arith.constant 0 : i32
      %get3A_2094 = tpu.memref_slice %arg13[%scan3A_282, %get3A_2092, %get3A_2093] : memref<4x128x128xf32, #tpu.memory_space<vmem>> -> memref<1x16x128xf32, #tpu.memory_space<vmem>>
      %get3A_2095 = tpu.memref_squeeze %get3A_2094 : memref<1x16x128xf32, #tpu.memory_space<vmem>> -> memref<16x128xf32, #tpu.memory_space<vmem>>
      %get3A_2096 = arith.index_cast %get3A_2091 : i32 to index
      %get3A_2097 = arith.constant 64 : index
      %get3A_2098 = tpu.vector_load %get3A_2095[%get3A_2096, %get3A_2097] {strides = array<i32>} : memref<16x128xf32, #tpu.memory_space<vmem>>, vector<1x16xf32>,
      %get3A_2099 = vector.shape_cast %get3A_2098 : vector<1x16xf32> to vector<16xf32>
      %mul3A_2100 = vector.broadcast %squeeze3A_2006 : f32 to vector<16xf32>
      %mul3A_2101 = arith.mulf %get3A_2099, %mul3A_2100 : vector<16xf32>
      %swap3A_2102 = arith.constant 10 : i32
      %swap3A_2103 = arith.constant 0 : i32
      %swap3A_2104 = arith.constant 0 : i32
      %swap3A_2105 = tpu.memref_slice %arg13[%scan3A_282, %swap3A_2103, %swap3A_2104] : memref<4x128x128xf32, #tpu.memory_space<vmem>> -> memref<1x16x128xf32, #tpu.memory_space<vmem>>
      %swap3A_2106 = tpu.memref_squeeze %swap3A_2105 : memref<1x16x128xf32, #tpu.memory_space<vmem>> -> memref<16x128xf32, #tpu.memory_space<vmem>>
      %swap3A_2107 = arith.index_cast %swap3A_2102 : i32 to index
      %swap3A_2108 = arith.constant 64 : index
      %swap3A_2109 = tpu.vector_load %swap3A_2106[%swap3A_2107, %swap3A_2108] {strides = array<i32>} : memref<16x128xf32, #tpu.memory_space<vmem>>, vector<1x16xf32>,
      %swap3A_2110 = vector.shape_cast %swap3A_2109 : vector<1x16xf32> to vector<16xf32>
      %swap3A_2111 = vector.shape_cast %mul3A_2101 : vector<16xf32> to vector<1x16xf32>
      tpu.vector_store %swap3A_2106[%swap3A_2107, %swap3A_2108], %swap3A_2111 {strides = array<i32>} : memref<16x128xf32, #tpu.memory_space<vmem>>, vector<1x16xf32>,
      %get3A_2112 = arith.constant 10 : i32
      %get3A_2113 = arith.constant 0 : i32
      %get3A_2114 = arith.constant 0 : i32
      %get3A_2115 = tpu.memref_slice %arg13[%scan3A_282, %get3A_2113, %get3A_2114] : memref<4x128x128xf32, #tpu.memory_space<vmem>> -> memref<1x16x128xf32, #tpu.memory_space<vmem>>
      %get3A_2116 = tpu.memref_squeeze %get3A_2115 : memref<1x16x128xf32, #tpu.memory_space<vmem>> -> memref<16x128xf32, #tpu.memory_space<vmem>>
      %get3A_2117 = arith.index_cast %get3A_2112 : i32 to index
      %get3A_2118 = arith.constant 80 : index
      %get3A_2119 = tpu.vector_load %get3A_2116[%get3A_2117, %get3A_2118] {strides = array<i32>} : memref<16x128xf32, #tpu.memory_space<vmem>>, vector<1x16xf32>,
      %get3A_2120 = vector.shape_cast %get3A_2119 : vector<1x16xf32> to vector<16xf32>
      %mul3A_2121 = vector.broadcast %squeeze3A_2006 : f32 to vector<16xf32>
      %mul3A_2122 = arith.mulf %get3A_2120, %mul3A_2121 : vector<16xf32>
      %swap3A_2123 = arith.constant 10 : i32
      %swap3A_2124 = arith.constant 0 : i32
      %swap3A_2125 = arith.constant 0 : i32
      %swap3A_2126 = tpu.memref_slice %arg13[%scan3A_282, %swap3A_2124, %swap3A_2125] : memref<4x128x128xf32, #tpu.memory_space<vmem>> -> memref<1x16x128xf32, #tpu.memory_space<vmem>>
      %swap3A_2127 = tpu.memref_squeeze %swap3A_2126 : memref<1x16x128xf32, #tpu.memory_space<vmem>> -> memref<16x128xf32, #tpu.memory_space<vmem>>
      %swap3A_2128 = arith.index_cast %swap3A_2123 : i32 to index
      %swap3A_2129 = arith.constant 80 : index
      %swap3A_2130 = tpu.vector_load %swap3A_2127[%swap3A_2128, %swap3A_2129] {strides = array<i32>} : memref<16x128xf32, #tpu.memory_space<vmem>>, vector<1x16xf32>,
      %swap3A_2131 = vector.shape_cast %swap3A_2130 : vector<1x16xf32> to vector<16xf32>
      %swap3A_2132 = vector.shape_cast %mul3A_2122 : vector<16xf32> to vector<1x16xf32>
      tpu.vector_store %swap3A_2127[%swap3A_2128, %swap3A_2129], %swap3A_2132 {strides = array<i32>} : memref<16x128xf32, #tpu.memory_space<vmem>>, vector<1x16xf32>,
      %get3A_2133 = arith.constant 10 : i32
      %get3A_2134 = arith.constant 0 : i32
      %get3A_2135 = arith.constant 0 : i32
      %get3A_2136 = tpu.memref_slice %arg13[%scan3A_282, %get3A_2134, %get3A_2135] : memref<4x128x128xf32, #tpu.memory_space<vmem>> -> memref<1x16x128xf32, #tpu.memory_space<vmem>>
      %get3A_2137 = tpu.memref_squeeze %get3A_2136 : memref<1x16x128xf32, #tpu.memory_space<vmem>> -> memref<16x128xf32, #tpu.memory_space<vmem>>
      %get3A_2138 = arith.index_cast %get3A_2133 : i32 to index
      %get3A_2139 = arith.constant 96 : index
      %get3A_2140 = tpu.vector_load %get3A_2137[%get3A_2138, %get3A_2139] {strides = array<i32>} : memref<16x128xf32, #tpu.memory_space<vmem>>, vector<1x16xf32>,
      %get3A_2141 = vector.shape_cast %get3A_2140 : vector<1x16xf32> to vector<16xf32>
      %mul3A_2142 = vector.broadcast %squeeze3A_2006 : f32 to vector<16xf32>
      %mul3A_2143 = arith.mulf %get3A_2141, %mul3A_2142 : vector<16xf32>
      %swap3A_2144 = arith.constant 10 : i32
      %swap3A_2145 = arith.constant 0 : i32
      %swap3A_2146 = arith.constant 0 : i32
      %swap3A_2147 = tpu.memref_slice %arg13[%scan3A_282, %swap3A_2145, %swap3A_2146] : memref<4x128x128xf32, #tpu.memory_space<vmem>> -> memref<1x16x128xf32, #tpu.memory_space<vmem>>
      %swap3A_2148 = tpu.memref_squeeze %swap3A_2147 : memref<1x16x128xf32, #tpu.memory_space<vmem>> -> memref<16x128xf32, #tpu.memory_space<vmem>>
      %swap3A_2149 = arith.index_cast %swap3A_2144 : i32 to index
      %swap3A_2150 = arith.constant 96 : index
      %swap3A_2151 = tpu.vector_load %swap3A_2148[%swap3A_2149, %swap3A_2150] {strides = array<i32>} : memref<16x128xf32, #tpu.memory_space<vmem>>, vector<1x16xf32>,
      %swap3A_2152 = vector.shape_cast %swap3A_2151 : vector<1x16xf32> to vector<16xf32>
      %swap3A_2153 = vector.shape_cast %mul3A_2143 : vector<16xf32> to vector<1x16xf32>
      tpu.vector_store %swap3A_2148[%swap3A_2149, %swap3A_2150], %swap3A_2153 {strides = array<i32>} : memref<16x128xf32, #tpu.memory_space<vmem>>, vector<1x16xf32>,
      %get3A_2154 = arith.constant 10 : i32
      %get3A_2155 = arith.constant 0 : i32
      %get3A_2156 = arith.constant 0 : i32
      %get3A_2157 = tpu.memref_slice %arg13[%scan3A_282, %get3A_2155, %get3A_2156] : memref<4x128x128xf32, #tpu.memory_space<vmem>> -> memref<1x16x128xf32, #tpu.memory_space<vmem>>
      %get3A_2158 = tpu.memref_squeeze %get3A_2157 : memref<1x16x128xf32, #tpu.memory_space<vmem>> -> memref<16x128xf32, #tpu.memory_space<vmem>>
      %get3A_2159 = arith.index_cast %get3A_2154 : i32 to index
      %get3A_2160 = arith.constant 112 : index
      %get3A_2161 = tpu.vector_load %get3A_2158[%get3A_2159, %get3A_2160] {strides = array<i32>} : memref<16x128xf32, #tpu.memory_space<vmem>>, vector<1x16xf32>,
      %get3A_2162 = vector.shape_cast %get3A_2161 : vector<1x16xf32> to vector<16xf32>
      %mul3A_2163 = vector.broadcast %squeeze3A_2006 : f32 to vector<16xf32>
      %mul3A_2164 = arith.mulf %get3A_2162, %mul3A_2163 : vector<16xf32>
      %swap3A_2165 = arith.constant 10 : i32
      %swap3A_2166 = arith.constant 0 : i32
      %swap3A_2167 = arith.constant 0 : i32
      %swap3A_2168 = tpu.memref_slice %arg13[%scan3A_282, %swap3A_2166, %swap3A_2167] : memref<4x128x128xf32, #tpu.memory_space<vmem>> -> memref<1x16x128xf32, #tpu.memory_space<vmem>>
      %swap3A_2169 = tpu.memref_squeeze %swap3A_2168 : memref<1x16x128xf32, #tpu.memory_space<vmem>> -> memref<16x128xf32, #tpu.memory_space<vmem>>
      %swap3A_2170 = arith.index_cast %swap3A_2165 : i32 to index
      %swap3A_2171 = arith.constant 112 : index
      %swap3A_2172 = tpu.vector_load %swap3A_2169[%swap3A_2170, %swap3A_2171] {strides = array<i32>} : memref<16x128xf32, #tpu.memory_space<vmem>>, vector<1x16xf32>,
      %swap3A_2173 = vector.shape_cast %swap3A_2172 : vector<1x16xf32> to vector<16xf32>
      %swap3A_2174 = vector.shape_cast %mul3A_2164 : vector<16xf32> to vector<1x16xf32>
      tpu.vector_store %swap3A_2169[%swap3A_2170, %swap3A_2171], %swap3A_2174 {strides = array<i32>} : memref<16x128xf32, #tpu.memory_space<vmem>>, vector<1x16xf32>,
      %slice3A_2175 = vector.extract_strided_slice %div3A {offsets = [11], sizes = [1], strides = [1]} : vector<16xf32> to vector<1xf32>
      %squeeze3A_2176 = vector.extract %slice3A_2175[0] : f32 from vector<1xf32>
      %get3A_2177 = arith.constant 11 : i32
      %get3A_2178 = arith.constant 0 : i32
      %get3A_2179 = arith.constant 0 : i32
      %get3A_2180 = tpu.memref_slice %arg13[%scan3A_282, %get3A_2178, %get3A_2179] : memref<4x128x128xf32, #tpu.memory_space<vmem>> -> memref<1x16x128xf32, #tpu.memory_space<vmem>>
      %get3A_2181 = tpu.memref_squeeze %get3A_2180 : memref<1x16x128xf32, #tpu.memory_space<vmem>> -> memref<16x128xf32, #tpu.memory_space<vmem>>
      %get3A_2182 = arith.index_cast %get3A_2177 : i32 to index
      %get3A_2183 = arith.constant 0 : index
      %get3A_2184 = tpu.vector_load %get3A_2181[%get3A_2182, %get3A_2183] {strides = array<i32>} : memref<16x128xf32, #tpu.memory_space<vmem>>, vector<1x16xf32>,
      %get3A_2185 = vector.shape_cast %get3A_2184 : vector<1x16xf32> to vector<16xf32>
      %mul3A_2186 = vector.broadcast %squeeze3A_2176 : f32 to vector<16xf32>
      %mul3A_2187 = arith.mulf %get3A_2185, %mul3A_2186 : vector<16xf32>
      %swap3A_2188 = arith.constant 11 : i32
      %swap3A_2189 = arith.constant 0 : i32
      %swap3A_2190 = arith.constant 0 : i32
      %swap3A_2191 = tpu.memref_slice %arg13[%scan3A_282, %swap3A_2189, %swap3A_2190] : memref<4x128x128xf32, #tpu.memory_space<vmem>> -> memref<1x16x128xf32, #tpu.memory_space<vmem>>
      %swap3A_2192 = tpu.memref_squeeze %swap3A_2191 : memref<1x16x128xf32, #tpu.memory_space<vmem>> -> memref<16x128xf32, #tpu.memory_space<vmem>>
      %swap3A_2193 = arith.index_cast %swap3A_2188 : i32 to index
      %swap3A_2194 = arith.constant 0 : index
      %swap3A_2195 = tpu.vector_load %swap3A_2192[%swap3A_2193, %swap3A_2194] {strides = array<i32>} : memref<16x128xf32, #tpu.memory_space<vmem>>, vector<1x16xf32>,
      %swap3A_2196 = vector.shape_cast %swap3A_2195 : vector<1x16xf32> to vector<16xf32>
      %swap3A_2197 = vector.shape_cast %mul3A_2187 : vector<16xf32> to vector<1x16xf32>
      tpu.vector_store %swap3A_2192[%swap3A_2193, %swap3A_2194], %swap3A_2197 {strides = array<i32>} : memref<16x128xf32, #tpu.memory_space<vmem>>, vector<1x16xf32>,
      %get3A_2198 = arith.constant 11 : i32
      %get3A_2199 = arith.constant 0 : i32
      %get3A_2200 = arith.constant 0 : i32
      %get3A_2201 = tpu.memref_slice %arg13[%scan3A_282, %get3A_2199, %get3A_2200] : memref<4x128x128xf32, #tpu.memory_space<vmem>> -> memref<1x16x128xf32, #tpu.memory_space<vmem>>
      %get3A_2202 = tpu.memref_squeeze %get3A_2201 : memref<1x16x128xf32, #tpu.memory_space<vmem>> -> memref<16x128xf32, #tpu.memory_space<vmem>>
      %get3A_2203 = arith.index_cast %get3A_2198 : i32 to index
      %get3A_2204 = arith.constant 16 : index
      %get3A_2205 = tpu.vector_load %get3A_2202[%get3A_2203, %get3A_2204] {strides = array<i32>} : memref<16x128xf32, #tpu.memory_space<vmem>>, vector<1x16xf32>,
      %get3A_2206 = vector.shape_cast %get3A_2205 : vector<1x16xf32> to vector<16xf32>
      %mul3A_2207 = vector.broadcast %squeeze3A_2176 : f32 to vector<16xf32>
      %mul3A_2208 = arith.mulf %get3A_2206, %mul3A_2207 : vector<16xf32>
      %swap3A_2209 = arith.constant 11 : i32
      %swap3A_2210 = arith.constant 0 : i32
      %swap3A_2211 = arith.constant 0 : i32
      %swap3A_2212 = tpu.memref_slice %arg13[%scan3A_282, %swap3A_2210, %swap3A_2211] : memref<4x128x128xf32, #tpu.memory_space<vmem>> -> memref<1x16x128xf32, #tpu.memory_space<vmem>>
      %swap3A_2213 = tpu.memref_squeeze %swap3A_2212 : memref<1x16x128xf32, #tpu.memory_space<vmem>> -> memref<16x128xf32, #tpu.memory_space<vmem>>
      %swap3A_2214 = arith.index_cast %swap3A_2209 : i32 to index
      %swap3A_2215 = arith.constant 16 : index
      %swap3A_2216 = tpu.vector_load %swap3A_2213[%swap3A_2214, %swap3A_2215] {strides = array<i32>} : memref<16x128xf32, #tpu.memory_space<vmem>>, vector<1x16xf32>,
      %swap3A_2217 = vector.shape_cast %swap3A_2216 : vector<1x16xf32> to vector<16xf32>
      %swap3A_2218 = vector.shape_cast %mul3A_2208 : vector<16xf32> to vector<1x16xf32>
      tpu.vector_store %swap3A_2213[%swap3A_2214, %swap3A_2215], %swap3A_2218 {strides = array<i32>} : memref<16x128xf32, #tpu.memory_space<vmem>>, vector<1x16xf32>,
      %get3A_2219 = arith.constant 11 : i32
      %get3A_2220 = arith.constant 0 : i32
      %get3A_2221 = arith.constant 0 : i32
      %get3A_2222 = tpu.memref_slice %arg13[%scan3A_282, %get3A_2220, %get3A_2221] : memref<4x128x128xf32, #tpu.memory_space<vmem>> -> memref<1x16x128xf32, #tpu.memory_space<vmem>>
      %get3A_2223 = tpu.memref_squeeze %get3A_2222 : memref<1x16x128xf32, #tpu.memory_space<vmem>> -> memref<16x128xf32, #tpu.memory_space<vmem>>
      %get3A_2224 = arith.index_cast %get3A_2219 : i32 to index
      %get3A_2225 = arith.constant 32 : index
      %get3A_2226 = tpu.vector_load %get3A_2223[%get3A_2224, %get3A_2225] {strides = array<i32>} : memref<16x128xf32, #tpu.memory_space<vmem>>, vector<1x16xf32>,
      %get3A_2227 = vector.shape_cast %get3A_2226 : vector<1x16xf32> to vector<16xf32>
      %mul3A_2228 = vector.broadcast %squeeze3A_2176 : f32 to vector<16xf32>
      %mul3A_2229 = arith.mulf %get3A_2227, %mul3A_2228 : vector<16xf32>
      %swap3A_2230 = arith.constant 11 : i32
      %swap3A_2231 = arith.constant 0 : i32
      %swap3A_2232 = arith.constant 0 : i32
      %swap3A_2233 = tpu.memref_slice %arg13[%scan3A_282, %swap3A_2231, %swap3A_2232] : memref<4x128x128xf32, #tpu.memory_space<vmem>> -> memref<1x16x128xf32, #tpu.memory_space<vmem>>
      %swap3A_2234 = tpu.memref_squeeze %swap3A_2233 : memref<1x16x128xf32, #tpu.memory_space<vmem>> -> memref<16x128xf32, #tpu.memory_space<vmem>>
      %swap3A_2235 = arith.index_cast %swap3A_2230 : i32 to index
      %swap3A_2236 = arith.constant 32 : index
      %swap3A_2237 = tpu.vector_load %swap3A_2234[%swap3A_2235, %swap3A_2236] {strides = array<i32>} : memref<16x128xf32, #tpu.memory_space<vmem>>, vector<1x16xf32>,
      %swap3A_2238 = vector.shape_cast %swap3A_2237 : vector<1x16xf32> to vector<16xf32>
      %swap3A_2239 = vector.shape_cast %mul3A_2229 : vector<16xf32> to vector<1x16xf32>
      tpu.vector_store %swap3A_2234[%swap3A_2235, %swap3A_2236], %swap3A_2239 {strides = array<i32>} : memref<16x128xf32, #tpu.memory_space<vmem>>, vector<1x16xf32>,
      %get3A_2240 = arith.constant 11 : i32
      %get3A_2241 = arith.constant 0 : i32
      %get3A_2242 = arith.constant 0 : i32
      %get3A_2243 = tpu.memref_slice %arg13[%scan3A_282, %get3A_2241, %get3A_2242] : memref<4x128x128xf32, #tpu.memory_space<vmem>> -> memref<1x16x128xf32, #tpu.memory_space<vmem>>
      %get3A_2244 = tpu.memref_squeeze %get3A_2243 : memref<1x16x128xf32, #tpu.memory_space<vmem>> -> memref<16x128xf32, #tpu.memory_space<vmem>>
      %get3A_2245 = arith.index_cast %get3A_2240 : i32 to index
      %get3A_2246 = arith.constant 48 : index
      %get3A_2247 = tpu.vector_load %get3A_2244[%get3A_2245, %get3A_2246] {strides = array<i32>} : memref<16x128xf32, #tpu.memory_space<vmem>>, vector<1x16xf32>,
      %get3A_2248 = vector.shape_cast %get3A_2247 : vector<1x16xf32> to vector<16xf32>
      %mul3A_2249 = vector.broadcast %squeeze3A_2176 : f32 to vector<16xf32>
      %mul3A_2250 = arith.mulf %get3A_2248, %mul3A_2249 : vector<16xf32>
      %swap3A_2251 = arith.constant 11 : i32
      %swap3A_2252 = arith.constant 0 : i32
      %swap3A_2253 = arith.constant 0 : i32
      %swap3A_2254 = tpu.memref_slice %arg13[%scan3A_282, %swap3A_2252, %swap3A_2253] : memref<4x128x128xf32, #tpu.memory_space<vmem>> -> memref<1x16x128xf32, #tpu.memory_space<vmem>>
      %swap3A_2255 = tpu.memref_squeeze %swap3A_2254 : memref<1x16x128xf32, #tpu.memory_space<vmem>> -> memref<16x128xf32, #tpu.memory_space<vmem>>
      %swap3A_2256 = arith.index_cast %swap3A_2251 : i32 to index
      %swap3A_2257 = arith.constant 48 : index
      %swap3A_2258 = tpu.vector_load %swap3A_2255[%swap3A_2256, %swap3A_2257] {strides = array<i32>} : memref<16x128xf32, #tpu.memory_space<vmem>>, vector<1x16xf32>,
      %swap3A_2259 = vector.shape_cast %swap3A_2258 : vector<1x16xf32> to vector<16xf32>
      %swap3A_2260 = vector.shape_cast %mul3A_2250 : vector<16xf32> to vector<1x16xf32>
      tpu.vector_store %swap3A_2255[%swap3A_2256, %swap3A_2257], %swap3A_2260 {strides = array<i32>} : memref<16x128xf32, #tpu.memory_space<vmem>>, vector<1x16xf32>,
      %get3A_2261 = arith.constant 11 : i32
      %get3A_2262 = arith.constant 0 : i32
      %get3A_2263 = arith.constant 0 : i32
      %get3A_2264 = tpu.memref_slice %arg13[%scan3A_282, %get3A_2262, %get3A_2263] : memref<4x128x128xf32, #tpu.memory_space<vmem>> -> memref<1x16x128xf32, #tpu.memory_space<vmem>>
      %get3A_2265 = tpu.memref_squeeze %get3A_2264 : memref<1x16x128xf32, #tpu.memory_space<vmem>> -> memref<16x128xf32, #tpu.memory_space<vmem>>
      %get3A_2266 = arith.index_cast %get3A_2261 : i32 to index
      %get3A_2267 = arith.constant 64 : index
      %get3A_2268 = tpu.vector_load %get3A_2265[%get3A_2266, %get3A_2267] {strides = array<i32>} : memref<16x128xf32, #tpu.memory_space<vmem>>, vector<1x16xf32>,
      %get3A_2269 = vector.shape_cast %get3A_2268 : vector<1x16xf32> to vector<16xf32>
      %mul3A_2270 = vector.broadcast %squeeze3A_2176 : f32 to vector<16xf32>
      %mul3A_2271 = arith.mulf %get3A_2269, %mul3A_2270 : vector<16xf32>
      %swap3A_2272 = arith.constant 11 : i32
      %swap3A_2273 = arith.constant 0 : i32
      %swap3A_2274 = arith.constant 0 : i32
      %swap3A_2275 = tpu.memref_slice %arg13[%scan3A_282, %swap3A_2273, %swap3A_2274] : memref<4x128x128xf32, #tpu.memory_space<vmem>> -> memref<1x16x128xf32, #tpu.memory_space<vmem>>
      %swap3A_2276 = tpu.memref_squeeze %swap3A_2275 : memref<1x16x128xf32, #tpu.memory_space<vmem>> -> memref<16x128xf32, #tpu.memory_space<vmem>>
      %swap3A_2277 = arith.index_cast %swap3A_2272 : i32 to index
      %swap3A_2278 = arith.constant 64 : index
      %swap3A_2279 = tpu.vector_load %swap3A_2276[%swap3A_2277, %swap3A_2278] {strides = array<i32>} : memref<16x128xf32, #tpu.memory_space<vmem>>, vector<1x16xf32>,
      %swap3A_2280 = vector.shape_cast %swap3A_2279 : vector<1x16xf32> to vector<16xf32>
      %swap3A_2281 = vector.shape_cast %mul3A_2271 : vector<16xf32> to vector<1x16xf32>
      tpu.vector_store %swap3A_2276[%swap3A_2277, %swap3A_2278], %swap3A_2281 {strides = array<i32>} : memref<16x128xf32, #tpu.memory_space<vmem>>, vector<1x16xf32>,
      %get3A_2282 = arith.constant 11 : i32
      %get3A_2283 = arith.constant 0 : i32
      %get3A_2284 = arith.constant 0 : i32
      %get3A_2285 = tpu.memref_slice %arg13[%scan3A_282, %get3A_2283, %get3A_2284] : memref<4x128x128xf32, #tpu.memory_space<vmem>> -> memref<1x16x128xf32, #tpu.memory_space<vmem>>
      %get3A_2286 = tpu.memref_squeeze %get3A_2285 : memref<1x16x128xf32, #tpu.memory_space<vmem>> -> memref<16x128xf32, #tpu.memory_space<vmem>>
      %get3A_2287 = arith.index_cast %get3A_2282 : i32 to index
      %get3A_2288 = arith.constant 80 : index
      %get3A_2289 = tpu.vector_load %get3A_2286[%get3A_2287, %get3A_2288] {strides = array<i32>} : memref<16x128xf32, #tpu.memory_space<vmem>>, vector<1x16xf32>,
      %get3A_2290 = vector.shape_cast %get3A_2289 : vector<1x16xf32> to vector<16xf32>
      %mul3A_2291 = vector.broadcast %squeeze3A_2176 : f32 to vector<16xf32>
      %mul3A_2292 = arith.mulf %get3A_2290, %mul3A_2291 : vector<16xf32>
      %swap3A_2293 = arith.constant 11 : i32
      %swap3A_2294 = arith.constant 0 : i32
      %swap3A_2295 = arith.constant 0 : i32
      %swap3A_2296 = tpu.memref_slice %arg13[%scan3A_282, %swap3A_2294, %swap3A_2295] : memref<4x128x128xf32, #tpu.memory_space<vmem>> -> memref<1x16x128xf32, #tpu.memory_space<vmem>>
      %swap3A_2297 = tpu.memref_squeeze %swap3A_2296 : memref<1x16x128xf32, #tpu.memory_space<vmem>> -> memref<16x128xf32, #tpu.memory_space<vmem>>
      %swap3A_2298 = arith.index_cast %swap3A_2293 : i32 to index
      %swap3A_2299 = arith.constant 80 : index
      %swap3A_2300 = tpu.vector_load %swap3A_2297[%swap3A_2298, %swap3A_2299] {strides = array<i32>} : memref<16x128xf32, #tpu.memory_space<vmem>>, vector<1x16xf32>,
      %swap3A_2301 = vector.shape_cast %swap3A_2300 : vector<1x16xf32> to vector<16xf32>
      %swap3A_2302 = vector.shape_cast %mul3A_2292 : vector<16xf32> to vector<1x16xf32>
      tpu.vector_store %swap3A_2297[%swap3A_2298, %swap3A_2299], %swap3A_2302 {strides = array<i32>} : memref<16x128xf32, #tpu.memory_space<vmem>>, vector<1x16xf32>,
      %get3A_2303 = arith.constant 11 : i32
      %get3A_2304 = arith.constant 0 : i32
      %get3A_2305 = arith.constant 0 : i32
      %get3A_2306 = tpu.memref_slice %arg13[%scan3A_282, %get3A_2304, %get3A_2305] : memref<4x128x128xf32, #tpu.memory_space<vmem>> -> memref<1x16x128xf32, #tpu.memory_space<vmem>>
      %get3A_2307 = tpu.memref_squeeze %get3A_2306 : memref<1x16x128xf32, #tpu.memory_space<vmem>> -> memref<16x128xf32, #tpu.memory_space<vmem>>
      %get3A_2308 = arith.index_cast %get3A_2303 : i32 to index
      %get3A_2309 = arith.constant 96 : index
      %get3A_2310 = tpu.vector_load %get3A_2307[%get3A_2308, %get3A_2309] {strides = array<i32>} : memref<16x128xf32, #tpu.memory_space<vmem>>, vector<1x16xf32>,
      %get3A_2311 = vector.shape_cast %get3A_2310 : vector<1x16xf32> to vector<16xf32>
      %mul3A_2312 = vector.broadcast %squeeze3A_2176 : f32 to vector<16xf32>
      %mul3A_2313 = arith.mulf %get3A_2311, %mul3A_2312 : vector<16xf32>
      %swap3A_2314 = arith.constant 11 : i32
      %swap3A_2315 = arith.constant 0 : i32
      %swap3A_2316 = arith.constant 0 : i32
      %swap3A_2317 = tpu.memref_slice %arg13[%scan3A_282, %swap3A_2315, %swap3A_2316] : memref<4x128x128xf32, #tpu.memory_space<vmem>> -> memref<1x16x128xf32, #tpu.memory_space<vmem>>
      %swap3A_2318 = tpu.memref_squeeze %swap3A_2317 : memref<1x16x128xf32, #tpu.memory_space<vmem>> -> memref<16x128xf32, #tpu.memory_space<vmem>>
      %swap3A_2319 = arith.index_cast %swap3A_2314 : i32 to index
      %swap3A_2320 = arith.constant 96 : index
      %swap3A_2321 = tpu.vector_load %swap3A_2318[%swap3A_2319, %swap3A_2320] {strides = array<i32>} : memref<16x128xf32, #tpu.memory_space<vmem>>, vector<1x16xf32>,
      %swap3A_2322 = vector.shape_cast %swap3A_2321 : vector<1x16xf32> to vector<16xf32>
      %swap3A_2323 = vector.shape_cast %mul3A_2313 : vector<16xf32> to vector<1x16xf32>
      tpu.vector_store %swap3A_2318[%swap3A_2319, %swap3A_2320], %swap3A_2323 {strides = array<i32>} : memref<16x128xf32, #tpu.memory_space<vmem>>, vector<1x16xf32>,
      %get3A_2324 = arith.constant 11 : i32
      %get3A_2325 = arith.constant 0 : i32
      %get3A_2326 = arith.constant 0 : i32
      %get3A_2327 = tpu.memref_slice %arg13[%scan3A_282, %get3A_2325, %get3A_2326] : memref<4x128x128xf32, #tpu.memory_space<vmem>> -> memref<1x16x128xf32, #tpu.memory_space<vmem>>
      %get3A_2328 = tpu.memref_squeeze %get3A_2327 : memref<1x16x128xf32, #tpu.memory_space<vmem>> -> memref<16x128xf32, #tpu.memory_space<vmem>>
      %get3A_2329 = arith.index_cast %get3A_2324 : i32 to index
      %get3A_2330 = arith.constant 112 : index
      %get3A_2331 = tpu.vector_load %get3A_2328[%get3A_2329, %get3A_2330] {strides = array<i32>} : memref<16x128xf32, #tpu.memory_space<vmem>>, vector<1x16xf32>,
      %get3A_2332 = vector.shape_cast %get3A_2331 : vector<1x16xf32> to vector<16xf32>
      %mul3A_2333 = vector.broadcast %squeeze3A_2176 : f32 to vector<16xf32>
      %mul3A_2334 = arith.mulf %get3A_2332, %mul3A_2333 : vector<16xf32>
      %swap3A_2335 = arith.constant 11 : i32
      %swap3A_2336 = arith.constant 0 : i32
      %swap3A_2337 = arith.constant 0 : i32
      %swap3A_2338 = tpu.memref_slice %arg13[%scan3A_282, %swap3A_2336, %swap3A_2337] : memref<4x128x128xf32, #tpu.memory_space<vmem>> -> memref<1x16x128xf32, #tpu.memory_space<vmem>>
      %swap3A_2339 = tpu.memref_squeeze %swap3A_2338 : memref<1x16x128xf32, #tpu.memory_space<vmem>> -> memref<16x128xf32, #tpu.memory_space<vmem>>
      %swap3A_2340 = arith.index_cast %swap3A_2335 : i32 to index
      %swap3A_2341 = arith.constant 112 : index
      %swap3A_2342 = tpu.vector_load %swap3A_2339[%swap3A_2340, %swap3A_2341] {strides = array<i32>} : memref<16x128xf32, #tpu.memory_space<vmem>>, vector<1x16xf32>,
      %swap3A_2343 = vector.shape_cast %swap3A_2342 : vector<1x16xf32> to vector<16xf32>
      %swap3A_2344 = vector.shape_cast %mul3A_2334 : vector<16xf32> to vector<1x16xf32>
      tpu.vector_store %swap3A_2339[%swap3A_2340, %swap3A_2341], %swap3A_2344 {strides = array<i32>} : memref<16x128xf32, #tpu.memory_space<vmem>>, vector<1x16xf32>,
      %slice3A_2345 = vector.extract_strided_slice %div3A {offsets = [12], sizes = [1], strides = [1]} : vector<16xf32> to vector<1xf32>
      %squeeze3A_2346 = vector.extract %slice3A_2345[0] : f32 from vector<1xf32>
      %get3A_2347 = arith.constant 12 : i32
      %get3A_2348 = arith.constant 0 : i32
      %get3A_2349 = arith.constant 0 : i32
      %get3A_2350 = tpu.memref_slice %arg13[%scan3A_282, %get3A_2348, %get3A_2349] : memref<4x128x128xf32, #tpu.memory_space<vmem>> -> memref<1x16x128xf32, #tpu.memory_space<vmem>>
      %get3A_2351 = tpu.memref_squeeze %get3A_2350 : memref<1x16x128xf32, #tpu.memory_space<vmem>> -> memref<16x128xf32, #tpu.memory_space<vmem>>
      %get3A_2352 = arith.index_cast %get3A_2347 : i32 to index
      %get3A_2353 = arith.constant 0 : index
      %get3A_2354 = tpu.vector_load %get3A_2351[%get3A_2352, %get3A_2353] {strides = array<i32>} : memref<16x128xf32, #tpu.memory_space<vmem>>, vector<1x16xf32>,
      %get3A_2355 = vector.shape_cast %get3A_2354 : vector<1x16xf32> to vector<16xf32>
      %mul3A_2356 = vector.broadcast %squeeze3A_2346 : f32 to vector<16xf32>
      %mul3A_2357 = arith.mulf %get3A_2355, %mul3A_2356 : vector<16xf32>
      %swap3A_2358 = arith.constant 12 : i32
      %swap3A_2359 = arith.constant 0 : i32
      %swap3A_2360 = arith.constant 0 : i32
      %swap3A_2361 = tpu.memref_slice %arg13[%scan3A_282, %swap3A_2359, %swap3A_2360] : memref<4x128x128xf32, #tpu.memory_space<vmem>> -> memref<1x16x128xf32, #tpu.memory_space<vmem>>
      %swap3A_2362 = tpu.memref_squeeze %swap3A_2361 : memref<1x16x128xf32, #tpu.memory_space<vmem>> -> memref<16x128xf32, #tpu.memory_space<vmem>>
      %swap3A_2363 = arith.index_cast %swap3A_2358 : i32 to index
      %swap3A_2364 = arith.constant 0 : index
      %swap3A_2365 = tpu.vector_load %swap3A_2362[%swap3A_2363, %swap3A_2364] {strides = array<i32>} : memref<16x128xf32, #tpu.memory_space<vmem>>, vector<1x16xf32>,
      %swap3A_2366 = vector.shape_cast %swap3A_2365 : vector<1x16xf32> to vector<16xf32>
      %swap3A_2367 = vector.shape_cast %mul3A_2357 : vector<16xf32> to vector<1x16xf32>
      tpu.vector_store %swap3A_2362[%swap3A_2363, %swap3A_2364], %swap3A_2367 {strides = array<i32>} : memref<16x128xf32, #tpu.memory_space<vmem>>, vector<1x16xf32>,
      %get3A_2368 = arith.constant 12 : i32
      %get3A_2369 = arith.constant 0 : i32
      %get3A_2370 = arith.constant 0 : i32
      %get3A_2371 = tpu.memref_slice %arg13[%scan3A_282, %get3A_2369, %get3A_2370] : memref<4x128x128xf32, #tpu.memory_space<vmem>> -> memref<1x16x128xf32, #tpu.memory_space<vmem>>
      %get3A_2372 = tpu.memref_squeeze %get3A_2371 : memref<1x16x128xf32, #tpu.memory_space<vmem>> -> memref<16x128xf32, #tpu.memory_space<vmem>>
      %get3A_2373 = arith.index_cast %get3A_2368 : i32 to index
      %get3A_2374 = arith.constant 16 : index
      %get3A_2375 = tpu.vector_load %get3A_2372[%get3A_2373, %get3A_2374] {strides = array<i32>} : memref<16x128xf32, #tpu.memory_space<vmem>>, vector<1x16xf32>,
      %get3A_2376 = vector.shape_cast %get3A_2375 : vector<1x16xf32> to vector<16xf32>
      %mul3A_2377 = vector.broadcast %squeeze3A_2346 : f32 to vector<16xf32>
      %mul3A_2378 = arith.mulf %get3A_2376, %mul3A_2377 : vector<16xf32>
      %swap3A_2379 = arith.constant 12 : i32
      %swap3A_2380 = arith.constant 0 : i32
      %swap3A_2381 = arith.constant 0 : i32
      %swap3A_2382 = tpu.memref_slice %arg13[%scan3A_282, %swap3A_2380, %swap3A_2381] : memref<4x128x128xf32, #tpu.memory_space<vmem>> -> memref<1x16x128xf32, #tpu.memory_space<vmem>>
      %swap3A_2383 = tpu.memref_squeeze %swap3A_2382 : memref<1x16x128xf32, #tpu.memory_space<vmem>> -> memref<16x128xf32, #tpu.memory_space<vmem>>
      %swap3A_2384 = arith.index_cast %swap3A_2379 : i32 to index
      %swap3A_2385 = arith.constant 16 : index
      %swap3A_2386 = tpu.vector_load %swap3A_2383[%swap3A_2384, %swap3A_2385] {strides = array<i32>} : memref<16x128xf32, #tpu.memory_space<vmem>>, vector<1x16xf32>,
      %swap3A_2387 = vector.shape_cast %swap3A_2386 : vector<1x16xf32> to vector<16xf32>
      %swap3A_2388 = vector.shape_cast %mul3A_2378 : vector<16xf32> to vector<1x16xf32>
      tpu.vector_store %swap3A_2383[%swap3A_2384, %swap3A_2385], %swap3A_2388 {strides = array<i32>} : memref<16x128xf32, #tpu.memory_space<vmem>>, vector<1x16xf32>,
      %get3A_2389 = arith.constant 12 : i32
      %get3A_2390 = arith.constant 0 : i32
      %get3A_2391 = arith.constant 0 : i32
      %get3A_2392 = tpu.memref_slice %arg13[%scan3A_282, %get3A_2390, %get3A_2391] : memref<4x128x128xf32, #tpu.memory_space<vmem>> -> memref<1x16x128xf32, #tpu.memory_space<vmem>>
      %get3A_2393 = tpu.memref_squeeze %get3A_2392 : memref<1x16x128xf32, #tpu.memory_space<vmem>> -> memref<16x128xf32, #tpu.memory_space<vmem>>
      %get3A_2394 = arith.index_cast %get3A_2389 : i32 to index
      %get3A_2395 = arith.constant 32 : index
      %get3A_2396 = tpu.vector_load %get3A_2393[%get3A_2394, %get3A_2395] {strides = array<i32>} : memref<16x128xf32, #tpu.memory_space<vmem>>, vector<1x16xf32>,
      %get3A_2397 = vector.shape_cast %get3A_2396 : vector<1x16xf32> to vector<16xf32>
      %mul3A_2398 = vector.broadcast %squeeze3A_2346 : f32 to vector<16xf32>
      %mul3A_2399 = arith.mulf %get3A_2397, %mul3A_2398 : vector<16xf32>
      %swap3A_2400 = arith.constant 12 : i32
      %swap3A_2401 = arith.constant 0 : i32
      %swap3A_2402 = arith.constant 0 : i32
      %swap3A_2403 = tpu.memref_slice %arg13[%scan3A_282, %swap3A_2401, %swap3A_2402] : memref<4x128x128xf32, #tpu.memory_space<vmem>> -> memref<1x16x128xf32, #tpu.memory_space<vmem>>
      %swap3A_2404 = tpu.memref_squeeze %swap3A_2403 : memref<1x16x128xf32, #tpu.memory_space<vmem>> -> memref<16x128xf32, #tpu.memory_space<vmem>>
      %swap3A_2405 = arith.index_cast %swap3A_2400 : i32 to index
      %swap3A_2406 = arith.constant 32 : index
      %swap3A_2407 = tpu.vector_load %swap3A_2404[%swap3A_2405, %swap3A_2406] {strides = array<i32>} : memref<16x128xf32, #tpu.memory_space<vmem>>, vector<1x16xf32>,
      %swap3A_2408 = vector.shape_cast %swap3A_2407 : vector<1x16xf32> to vector<16xf32>
      %swap3A_2409 = vector.shape_cast %mul3A_2399 : vector<16xf32> to vector<1x16xf32>
      tpu.vector_store %swap3A_2404[%swap3A_2405, %swap3A_2406], %swap3A_2409 {strides = array<i32>} : memref<16x128xf32, #tpu.memory_space<vmem>>, vector<1x16xf32>,
      %get3A_2410 = arith.constant 12 : i32
      %get3A_2411 = arith.constant 0 : i32
      %get3A_2412 = arith.constant 0 : i32
      %get3A_2413 = tpu.memref_slice %arg13[%scan3A_282, %get3A_2411, %get3A_2412] : memref<4x128x128xf32, #tpu.memory_space<vmem>> -> memref<1x16x128xf32, #tpu.memory_space<vmem>>
      %get3A_2414 = tpu.memref_squeeze %get3A_2413 : memref<1x16x128xf32, #tpu.memory_space<vmem>> -> memref<16x128xf32, #tpu.memory_space<vmem>>
      %get3A_2415 = arith.index_cast %get3A_2410 : i32 to index
      %get3A_2416 = arith.constant 48 : index
      %get3A_2417 = tpu.vector_load %get3A_2414[%get3A_2415, %get3A_2416] {strides = array<i32>} : memref<16x128xf32, #tpu.memory_space<vmem>>, vector<1x16xf32>,
      %get3A_2418 = vector.shape_cast %get3A_2417 : vector<1x16xf32> to vector<16xf32>
      %mul3A_2419 = vector.broadcast %squeeze3A_2346 : f32 to vector<16xf32>
      %mul3A_2420 = arith.mulf %get3A_2418, %mul3A_2419 : vector<16xf32>
      %swap3A_2421 = arith.constant 12 : i32
      %swap3A_2422 = arith.constant 0 : i32
      %swap3A_2423 = arith.constant 0 : i32
      %swap3A_2424 = tpu.memref_slice %arg13[%scan3A_282, %swap3A_2422, %swap3A_2423] : memref<4x128x128xf32, #tpu.memory_space<vmem>> -> memref<1x16x128xf32, #tpu.memory_space<vmem>>
      %swap3A_2425 = tpu.memref_squeeze %swap3A_2424 : memref<1x16x128xf32, #tpu.memory_space<vmem>> -> memref<16x128xf32, #tpu.memory_space<vmem>>
      %swap3A_2426 = arith.index_cast %swap3A_2421 : i32 to index
      %swap3A_2427 = arith.constant 48 : index
      %swap3A_2428 = tpu.vector_load %swap3A_2425[%swap3A_2426, %swap3A_2427] {strides = array<i32>} : memref<16x128xf32, #tpu.memory_space<vmem>>, vector<1x16xf32>,
      %swap3A_2429 = vector.shape_cast %swap3A_2428 : vector<1x16xf32> to vector<16xf32>
      %swap3A_2430 = vector.shape_cast %mul3A_2420 : vector<16xf32> to vector<1x16xf32>
      tpu.vector_store %swap3A_2425[%swap3A_2426, %swap3A_2427], %swap3A_2430 {strides = array<i32>} : memref<16x128xf32, #tpu.memory_space<vmem>>, vector<1x16xf32>,
      %get3A_2431 = arith.constant 12 : i32
      %get3A_2432 = arith.constant 0 : i32
      %get3A_2433 = arith.constant 0 : i32
      %get3A_2434 = tpu.memref_slice %arg13[%scan3A_282, %get3A_2432, %get3A_2433] : memref<4x128x128xf32, #tpu.memory_space<vmem>> -> memref<1x16x128xf32, #tpu.memory_space<vmem>>
      %get3A_2435 = tpu.memref_squeeze %get3A_2434 : memref<1x16x128xf32, #tpu.memory_space<vmem>> -> memref<16x128xf32, #tpu.memory_space<vmem>>
      %get3A_2436 = arith.index_cast %get3A_2431 : i32 to index
      %get3A_2437 = arith.constant 64 : index
      %get3A_2438 = tpu.vector_load %get3A_2435[%get3A_2436, %get3A_2437] {strides = array<i32>} : memref<16x128xf32, #tpu.memory_space<vmem>>, vector<1x16xf32>,
      %get3A_2439 = vector.shape_cast %get3A_2438 : vector<1x16xf32> to vector<16xf32>
      %mul3A_2440 = vector.broadcast %squeeze3A_2346 : f32 to vector<16xf32>
      %mul3A_2441 = arith.mulf %get3A_2439, %mul3A_2440 : vector<16xf32>
      %swap3A_2442 = arith.constant 12 : i32
      %swap3A_2443 = arith.constant 0 : i32
      %swap3A_2444 = arith.constant 0 : i32
      %swap3A_2445 = tpu.memref_slice %arg13[%scan3A_282, %swap3A_2443, %swap3A_2444] : memref<4x128x128xf32, #tpu.memory_space<vmem>> -> memref<1x16x128xf32, #tpu.memory_space<vmem>>
      %swap3A_2446 = tpu.memref_squeeze %swap3A_2445 : memref<1x16x128xf32, #tpu.memory_space<vmem>> -> memref<16x128xf32, #tpu.memory_space<vmem>>
      %swap3A_2447 = arith.index_cast %swap3A_2442 : i32 to index
      %swap3A_2448 = arith.constant 64 : index
      %swap3A_2449 = tpu.vector_load %swap3A_2446[%swap3A_2447, %swap3A_2448] {strides = array<i32>} : memref<16x128xf32, #tpu.memory_space<vmem>>, vector<1x16xf32>,
      %swap3A_2450 = vector.shape_cast %swap3A_2449 : vector<1x16xf32> to vector<16xf32>
      %swap3A_2451 = vector.shape_cast %mul3A_2441 : vector<16xf32> to vector<1x16xf32>
      tpu.vector_store %swap3A_2446[%swap3A_2447, %swap3A_2448], %swap3A_2451 {strides = array<i32>} : memref<16x128xf32, #tpu.memory_space<vmem>>, vector<1x16xf32>,
      %get3A_2452 = arith.constant 12 : i32
      %get3A_2453 = arith.constant 0 : i32
      %get3A_2454 = arith.constant 0 : i32
      %get3A_2455 = tpu.memref_slice %arg13[%scan3A_282, %get3A_2453, %get3A_2454] : memref<4x128x128xf32, #tpu.memory_space<vmem>> -> memref<1x16x128xf32, #tpu.memory_space<vmem>>
      %get3A_2456 = tpu.memref_squeeze %get3A_2455 : memref<1x16x128xf32, #tpu.memory_space<vmem>> -> memref<16x128xf32, #tpu.memory_space<vmem>>
      %get3A_2457 = arith.index_cast %get3A_2452 : i32 to index
      %get3A_2458 = arith.constant 80 : index
      %get3A_2459 = tpu.vector_load %get3A_2456[%get3A_2457, %get3A_2458] {strides = array<i32>} : memref<16x128xf32, #tpu.memory_space<vmem>>, vector<1x16xf32>,
      %get3A_2460 = vector.shape_cast %get3A_2459 : vector<1x16xf32> to vector<16xf32>
      %mul3A_2461 = vector.broadcast %squeeze3A_2346 : f32 to vector<16xf32>
      %mul3A_2462 = arith.mulf %get3A_2460, %mul3A_2461 : vector<16xf32>
      %swap3A_2463 = arith.constant 12 : i32
      %swap3A_2464 = arith.constant 0 : i32
      %swap3A_2465 = arith.constant 0 : i32
      %swap3A_2466 = tpu.memref_slice %arg13[%scan3A_282, %swap3A_2464, %swap3A_2465] : memref<4x128x128xf32, #tpu.memory_space<vmem>> -> memref<1x16x128xf32, #tpu.memory_space<vmem>>
      %swap3A_2467 = tpu.memref_squeeze %swap3A_2466 : memref<1x16x128xf32, #tpu.memory_space<vmem>> -> memref<16x128xf32, #tpu.memory_space<vmem>>
      %swap3A_2468 = arith.index_cast %swap3A_2463 : i32 to index
      %swap3A_2469 = arith.constant 80 : index
      %swap3A_2470 = tpu.vector_load %swap3A_2467[%swap3A_2468, %swap3A_2469] {strides = array<i32>} : memref<16x128xf32, #tpu.memory_space<vmem>>, vector<1x16xf32>,
      %swap3A_2471 = vector.shape_cast %swap3A_2470 : vector<1x16xf32> to vector<16xf32>
      %swap3A_2472 = vector.shape_cast %mul3A_2462 : vector<16xf32> to vector<1x16xf32>
      tpu.vector_store %swap3A_2467[%swap3A_2468, %swap3A_2469], %swap3A_2472 {strides = array<i32>} : memref<16x128xf32, #tpu.memory_space<vmem>>, vector<1x16xf32>,
      %get3A_2473 = arith.constant 12 : i32
      %get3A_2474 = arith.constant 0 : i32
      %get3A_2475 = arith.constant 0 : i32
      %get3A_2476 = tpu.memref_slice %arg13[%scan3A_282, %get3A_2474, %get3A_2475] : memref<4x128x128xf32, #tpu.memory_space<vmem>> -> memref<1x16x128xf32, #tpu.memory_space<vmem>>
      %get3A_2477 = tpu.memref_squeeze %get3A_2476 : memref<1x16x128xf32, #tpu.memory_space<vmem>> -> memref<16x128xf32, #tpu.memory_space<vmem>>
      %get3A_2478 = arith.index_cast %get3A_2473 : i32 to index
      %get3A_2479 = arith.constant 96 : index
      %get3A_2480 = tpu.vector_load %get3A_2477[%get3A_2478, %get3A_2479] {strides = array<i32>} : memref<16x128xf32, #tpu.memory_space<vmem>>, vector<1x16xf32>,
      %get3A_2481 = vector.shape_cast %get3A_2480 : vector<1x16xf32> to vector<16xf32>
      %mul3A_2482 = vector.broadcast %squeeze3A_2346 : f32 to vector<16xf32>
      %mul3A_2483 = arith.mulf %get3A_2481, %mul3A_2482 : vector<16xf32>
      %swap3A_2484 = arith.constant 12 : i32
      %swap3A_2485 = arith.constant 0 : i32
      %swap3A_2486 = arith.constant 0 : i32
      %swap3A_2487 = tpu.memref_slice %arg13[%scan3A_282, %swap3A_2485, %swap3A_2486] : memref<4x128x128xf32, #tpu.memory_space<vmem>> -> memref<1x16x128xf32, #tpu.memory_space<vmem>>
      %swap3A_2488 = tpu.memref_squeeze %swap3A_2487 : memref<1x16x128xf32, #tpu.memory_space<vmem>> -> memref<16x128xf32, #tpu.memory_space<vmem>>
      %swap3A_2489 = arith.index_cast %swap3A_2484 : i32 to index
      %swap3A_2490 = arith.constant 96 : index
      %swap3A_2491 = tpu.vector_load %swap3A_2488[%swap3A_2489, %swap3A_2490] {strides = array<i32>} : memref<16x128xf32, #tpu.memory_space<vmem>>, vector<1x16xf32>,
      %swap3A_2492 = vector.shape_cast %swap3A_2491 : vector<1x16xf32> to vector<16xf32>
      %swap3A_2493 = vector.shape_cast %mul3A_2483 : vector<16xf32> to vector<1x16xf32>
      tpu.vector_store %swap3A_2488[%swap3A_2489, %swap3A_2490], %swap3A_2493 {strides = array<i32>} : memref<16x128xf32, #tpu.memory_space<vmem>>, vector<1x16xf32>,
      %get3A_2494 = arith.constant 12 : i32
      %get3A_2495 = arith.constant 0 : i32
      %get3A_2496 = arith.constant 0 : i32
      %get3A_2497 = tpu.memref_slice %arg13[%scan3A_282, %get3A_2495, %get3A_2496] : memref<4x128x128xf32, #tpu.memory_space<vmem>> -> memref<1x16x128xf32, #tpu.memory_space<vmem>>
      %get3A_2498 = tpu.memref_squeeze %get3A_2497 : memref<1x16x128xf32, #tpu.memory_space<vmem>> -> memref<16x128xf32, #tpu.memory_space<vmem>>
      %get3A_2499 = arith.index_cast %get3A_2494 : i32 to index
      %get3A_2500 = arith.constant 112 : index
      %get3A_2501 = tpu.vector_load %get3A_2498[%get3A_2499, %get3A_2500] {strides = array<i32>} : memref<16x128xf32, #tpu.memory_space<vmem>>, vector<1x16xf32>,
      %get3A_2502 = vector.shape_cast %get3A_2501 : vector<1x16xf32> to vector<16xf32>
      %mul3A_2503 = vector.broadcast %squeeze3A_2346 : f32 to vector<16xf32>
      %mul3A_2504 = arith.mulf %get3A_2502, %mul3A_2503 : vector<16xf32>
      %swap3A_2505 = arith.constant 12 : i32
      %swap3A_2506 = arith.constant 0 : i32
      %swap3A_2507 = arith.constant 0 : i32
      %swap3A_2508 = tpu.memref_slice %arg13[%scan3A_282, %swap3A_2506, %swap3A_2507] : memref<4x128x128xf32, #tpu.memory_space<vmem>> -> memref<1x16x128xf32, #tpu.memory_space<vmem>>
      %swap3A_2509 = tpu.memref_squeeze %swap3A_2508 : memref<1x16x128xf32, #tpu.memory_space<vmem>> -> memref<16x128xf32, #tpu.memory_space<vmem>>
      %swap3A_2510 = arith.index_cast %swap3A_2505 : i32 to index
      %swap3A_2511 = arith.constant 112 : index
      %swap3A_2512 = tpu.vector_load %swap3A_2509[%swap3A_2510, %swap3A_2511] {strides = array<i32>} : memref<16x128xf32, #tpu.memory_space<vmem>>, vector<1x16xf32>,
      %swap3A_2513 = vector.shape_cast %swap3A_2512 : vector<1x16xf32> to vector<16xf32>
      %swap3A_2514 = vector.shape_cast %mul3A_2504 : vector<16xf32> to vector<1x16xf32>
      tpu.vector_store %swap3A_2509[%swap3A_2510, %swap3A_2511], %swap3A_2514 {strides = array<i32>} : memref<16x128xf32, #tpu.memory_space<vmem>>, vector<1x16xf32>,
      %slice3A_2515 = vector.extract_strided_slice %div3A {offsets = [13], sizes = [1], strides = [1]} : vector<16xf32> to vector<1xf32>
      %squeeze3A_2516 = vector.extract %slice3A_2515[0] : f32 from vector<1xf32>
      %get3A_2517 = arith.constant 13 : i32
      %get3A_2518 = arith.constant 0 : i32
      %get3A_2519 = arith.constant 0 : i32
      %get3A_2520 = tpu.memref_slice %arg13[%scan3A_282, %get3A_2518, %get3A_2519] : memref<4x128x128xf32, #tpu.memory_space<vmem>> -> memref<1x16x128xf32, #tpu.memory_space<vmem>>
      %get3A_2521 = tpu.memref_squeeze %get3A_2520 : memref<1x16x128xf32, #tpu.memory_space<vmem>> -> memref<16x128xf32, #tpu.memory_space<vmem>>
      %get3A_2522 = arith.index_cast %get3A_2517 : i32 to index
      %get3A_2523 = arith.constant 0 : index
      %get3A_2524 = tpu.vector_load %get3A_2521[%get3A_2522, %get3A_2523] {strides = array<i32>} : memref<16x128xf32, #tpu.memory_space<vmem>>, vector<1x16xf32>,
      %get3A_2525 = vector.shape_cast %get3A_2524 : vector<1x16xf32> to vector<16xf32>
      %mul3A_2526 = vector.broadcast %squeeze3A_2516 : f32 to vector<16xf32>
      %mul3A_2527 = arith.mulf %get3A_2525, %mul3A_2526 : vector<16xf32>
      %swap3A_2528 = arith.constant 13 : i32
      %swap3A_2529 = arith.constant 0 : i32
      %swap3A_2530 = arith.constant 0 : i32
      %swap3A_2531 = tpu.memref_slice %arg13[%scan3A_282, %swap3A_2529, %swap3A_2530] : memref<4x128x128xf32, #tpu.memory_space<vmem>> -> memref<1x16x128xf32, #tpu.memory_space<vmem>>
      %swap3A_2532 = tpu.memref_squeeze %swap3A_2531 : memref<1x16x128xf32, #tpu.memory_space<vmem>> -> memref<16x128xf32, #tpu.memory_space<vmem>>
      %swap3A_2533 = arith.index_cast %swap3A_2528 : i32 to index
      %swap3A_2534 = arith.constant 0 : index
      %swap3A_2535 = tpu.vector_load %swap3A_2532[%swap3A_2533, %swap3A_2534] {strides = array<i32>} : memref<16x128xf32, #tpu.memory_space<vmem>>, vector<1x16xf32>,
      %swap3A_2536 = vector.shape_cast %swap3A_2535 : vector<1x16xf32> to vector<16xf32>
      %swap3A_2537 = vector.shape_cast %mul3A_2527 : vector<16xf32> to vector<1x16xf32>
      tpu.vector_store %swap3A_2532[%swap3A_2533, %swap3A_2534], %swap3A_2537 {strides = array<i32>} : memref<16x128xf32, #tpu.memory_space<vmem>>, vector<1x16xf32>,
      %get3A_2538 = arith.constant 13 : i32
      %get3A_2539 = arith.constant 0 : i32
      %get3A_2540 = arith.constant 0 : i32
      %get3A_2541 = tpu.memref_slice %arg13[%scan3A_282, %get3A_2539, %get3A_2540] : memref<4x128x128xf32, #tpu.memory_space<vmem>> -> memref<1x16x128xf32, #tpu.memory_space<vmem>>
      %get3A_2542 = tpu.memref_squeeze %get3A_2541 : memref<1x16x128xf32, #tpu.memory_space<vmem>> -> memref<16x128xf32, #tpu.memory_space<vmem>>
      %get3A_2543 = arith.index_cast %get3A_2538 : i32 to index
      %get3A_2544 = arith.constant 16 : index
      %get3A_2545 = tpu.vector_load %get3A_2542[%get3A_2543, %get3A_2544] {strides = array<i32>} : memref<16x128xf32, #tpu.memory_space<vmem>>, vector<1x16xf32>,
      %get3A_2546 = vector.shape_cast %get3A_2545 : vector<1x16xf32> to vector<16xf32>
      %mul3A_2547 = vector.broadcast %squeeze3A_2516 : f32 to vector<16xf32>
      %mul3A_2548 = arith.mulf %get3A_2546, %mul3A_2547 : vector<16xf32>
      %swap3A_2549 = arith.constant 13 : i32
      %swap3A_2550 = arith.constant 0 : i32
      %swap3A_2551 = arith.constant 0 : i32
      %swap3A_2552 = tpu.memref_slice %arg13[%scan3A_282, %swap3A_2550, %swap3A_2551] : memref<4x128x128xf32, #tpu.memory_space<vmem>> -> memref<1x16x128xf32, #tpu.memory_space<vmem>>
      %swap3A_2553 = tpu.memref_squeeze %swap3A_2552 : memref<1x16x128xf32, #tpu.memory_space<vmem>> -> memref<16x128xf32, #tpu.memory_space<vmem>>
      %swap3A_2554 = arith.index_cast %swap3A_2549 : i32 to index
      %swap3A_2555 = arith.constant 16 : index
      %swap3A_2556 = tpu.vector_load %swap3A_2553[%swap3A_2554, %swap3A_2555] {strides = array<i32>} : memref<16x128xf32, #tpu.memory_space<vmem>>, vector<1x16xf32>,
      %swap3A_2557 = vector.shape_cast %swap3A_2556 : vector<1x16xf32> to vector<16xf32>
      %swap3A_2558 = vector.shape_cast %mul3A_2548 : vector<16xf32> to vector<1x16xf32>
      tpu.vector_store %swap3A_2553[%swap3A_2554, %swap3A_2555], %swap3A_2558 {strides = array<i32>} : memref<16x128xf32, #tpu.memory_space<vmem>>, vector<1x16xf32>,
      %get3A_2559 = arith.constant 13 : i32
      %get3A_2560 = arith.constant 0 : i32
      %get3A_2561 = arith.constant 0 : i32
      %get3A_2562 = tpu.memref_slice %arg13[%scan3A_282, %get3A_2560, %get3A_2561] : memref<4x128x128xf32, #tpu.memory_space<vmem>> -> memref<1x16x128xf32, #tpu.memory_space<vmem>>
      %get3A_2563 = tpu.memref_squeeze %get3A_2562 : memref<1x16x128xf32, #tpu.memory_space<vmem>> -> memref<16x128xf32, #tpu.memory_space<vmem>>
      %get3A_2564 = arith.index_cast %get3A_2559 : i32 to index
      %get3A_2565 = arith.constant 32 : index
      %get3A_2566 = tpu.vector_load %get3A_2563[%get3A_2564, %get3A_2565] {strides = array<i32>} : memref<16x128xf32, #tpu.memory_space<vmem>>, vector<1x16xf32>,
      %get3A_2567 = vector.shape_cast %get3A_2566 : vector<1x16xf32> to vector<16xf32>
      %mul3A_2568 = vector.broadcast %squeeze3A_2516 : f32 to vector<16xf32>
      %mul3A_2569 = arith.mulf %get3A_2567, %mul3A_2568 : vector<16xf32>
      %swap3A_2570 = arith.constant 13 : i32
      %swap3A_2571 = arith.constant 0 : i32
      %swap3A_2572 = arith.constant 0 : i32
      %swap3A_2573 = tpu.memref_slice %arg13[%scan3A_282, %swap3A_2571, %swap3A_2572] : memref<4x128x128xf32, #tpu.memory_space<vmem>> -> memref<1x16x128xf32, #tpu.memory_space<vmem>>
      %swap3A_2574 = tpu.memref_squeeze %swap3A_2573 : memref<1x16x128xf32, #tpu.memory_space<vmem>> -> memref<16x128xf32, #tpu.memory_space<vmem>>
      %swap3A_2575 = arith.index_cast %swap3A_2570 : i32 to index
      %swap3A_2576 = arith.constant 32 : index
      %swap3A_2577 = tpu.vector_load %swap3A_2574[%swap3A_2575, %swap3A_2576] {strides = array<i32>} : memref<16x128xf32, #tpu.memory_space<vmem>>, vector<1x16xf32>,
      %swap3A_2578 = vector.shape_cast %swap3A_2577 : vector<1x16xf32> to vector<16xf32>
      %swap3A_2579 = vector.shape_cast %mul3A_2569 : vector<16xf32> to vector<1x16xf32>
      tpu.vector_store %swap3A_2574[%swap3A_2575, %swap3A_2576], %swap3A_2579 {strides = array<i32>} : memref<16x128xf32, #tpu.memory_space<vmem>>, vector<1x16xf32>,
      %get3A_2580 = arith.constant 13 : i32
      %get3A_2581 = arith.constant 0 : i32
      %get3A_2582 = arith.constant 0 : i32
      %get3A_2583 = tpu.memref_slice %arg13[%scan3A_282, %get3A_2581, %get3A_2582] : memref<4x128x128xf32, #tpu.memory_space<vmem>> -> memref<1x16x128xf32, #tpu.memory_space<vmem>>
      %get3A_2584 = tpu.memref_squeeze %get3A_2583 : memref<1x16x128xf32, #tpu.memory_space<vmem>> -> memref<16x128xf32, #tpu.memory_space<vmem>>
      %get3A_2585 = arith.index_cast %get3A_2580 : i32 to index
      %get3A_2586 = arith.constant 48 : index
      %get3A_2587 = tpu.vector_load %get3A_2584[%get3A_2585, %get3A_2586] {strides = array<i32>} : memref<16x128xf32, #tpu.memory_space<vmem>>, vector<1x16xf32>,
      %get3A_2588 = vector.shape_cast %get3A_2587 : vector<1x16xf32> to vector<16xf32>
      %mul3A_2589 = vector.broadcast %squeeze3A_2516 : f32 to vector<16xf32>
      %mul3A_2590 = arith.mulf %get3A_2588, %mul3A_2589 : vector<16xf32>
      %swap3A_2591 = arith.constant 13 : i32
      %swap3A_2592 = arith.constant 0 : i32
      %swap3A_2593 = arith.constant 0 : i32
      %swap3A_2594 = tpu.memref_slice %arg13[%scan3A_282, %swap3A_2592, %swap3A_2593] : memref<4x128x128xf32, #tpu.memory_space<vmem>> -> memref<1x16x128xf32, #tpu.memory_space<vmem>>
      %swap3A_2595 = tpu.memref_squeeze %swap3A_2594 : memref<1x16x128xf32, #tpu.memory_space<vmem>> -> memref<16x128xf32, #tpu.memory_space<vmem>>
      %swap3A_2596 = arith.index_cast %swap3A_2591 : i32 to index
      %swap3A_2597 = arith.constant 48 : index
      %swap3A_2598 = tpu.vector_load %swap3A_2595[%swap3A_2596, %swap3A_2597] {strides = array<i32>} : memref<16x128xf32, #tpu.memory_space<vmem>>, vector<1x16xf32>,
      %swap3A_2599 = vector.shape_cast %swap3A_2598 : vector<1x16xf32> to vector<16xf32>
      %swap3A_2600 = vector.shape_cast %mul3A_2590 : vector<16xf32> to vector<1x16xf32>
      tpu.vector_store %swap3A_2595[%swap3A_2596, %swap3A_2597], %swap3A_2600 {strides = array<i32>} : memref<16x128xf32, #tpu.memory_space<vmem>>, vector<1x16xf32>,
      %get3A_2601 = arith.constant 13 : i32
      %get3A_2602 = arith.constant 0 : i32
      %get3A_2603 = arith.constant 0 : i32
      %get3A_2604 = tpu.memref_slice %arg13[%scan3A_282, %get3A_2602, %get3A_2603] : memref<4x128x128xf32, #tpu.memory_space<vmem>> -> memref<1x16x128xf32, #tpu.memory_space<vmem>>
      %get3A_2605 = tpu.memref_squeeze %get3A_2604 : memref<1x16x128xf32, #tpu.memory_space<vmem>> -> memref<16x128xf32, #tpu.memory_space<vmem>>
      %get3A_2606 = arith.index_cast %get3A_2601 : i32 to index
      %get3A_2607 = arith.constant 64 : index
      %get3A_2608 = tpu.vector_load %get3A_2605[%get3A_2606, %get3A_2607] {strides = array<i32>} : memref<16x128xf32, #tpu.memory_space<vmem>>, vector<1x16xf32>,
      %get3A_2609 = vector.shape_cast %get3A_2608 : vector<1x16xf32> to vector<16xf32>
      %mul3A_2610 = vector.broadcast %squeeze3A_2516 : f32 to vector<16xf32>
      %mul3A_2611 = arith.mulf %get3A_2609, %mul3A_2610 : vector<16xf32>
      %swap3A_2612 = arith.constant 13 : i32
      %swap3A_2613 = arith.constant 0 : i32
      %swap3A_2614 = arith.constant 0 : i32
      %swap3A_2615 = tpu.memref_slice %arg13[%scan3A_282, %swap3A_2613, %swap3A_2614] : memref<4x128x128xf32, #tpu.memory_space<vmem>> -> memref<1x16x128xf32, #tpu.memory_space<vmem>>
      %swap3A_2616 = tpu.memref_squeeze %swap3A_2615 : memref<1x16x128xf32, #tpu.memory_space<vmem>> -> memref<16x128xf32, #tpu.memory_space<vmem>>
      %swap3A_2617 = arith.index_cast %swap3A_2612 : i32 to index
      %swap3A_2618 = arith.constant 64 : index
      %swap3A_2619 = tpu.vector_load %swap3A_2616[%swap3A_2617, %swap3A_2618] {strides = array<i32>} : memref<16x128xf32, #tpu.memory_space<vmem>>, vector<1x16xf32>,
      %swap3A_2620 = vector.shape_cast %swap3A_2619 : vector<1x16xf32> to vector<16xf32>
      %swap3A_2621 = vector.shape_cast %mul3A_2611 : vector<16xf32> to vector<1x16xf32>
      tpu.vector_store %swap3A_2616[%swap3A_2617, %swap3A_2618], %swap3A_2621 {strides = array<i32>} : memref<16x128xf32, #tpu.memory_space<vmem>>, vector<1x16xf32>,
      %get3A_2622 = arith.constant 13 : i32
      %get3A_2623 = arith.constant 0 : i32
      %get3A_2624 = arith.constant 0 : i32
      %get3A_2625 = tpu.memref_slice %arg13[%scan3A_282, %get3A_2623, %get3A_2624] : memref<4x128x128xf32, #tpu.memory_space<vmem>> -> memref<1x16x128xf32, #tpu.memory_space<vmem>>
      %get3A_2626 = tpu.memref_squeeze %get3A_2625 : memref<1x16x128xf32, #tpu.memory_space<vmem>> -> memref<16x128xf32, #tpu.memory_space<vmem>>
      %get3A_2627 = arith.index_cast %get3A_2622 : i32 to index
      %get3A_2628 = arith.constant 80 : index
      %get3A_2629 = tpu.vector_load %get3A_2626[%get3A_2627, %get3A_2628] {strides = array<i32>} : memref<16x128xf32, #tpu.memory_space<vmem>>, vector<1x16xf32>,
      %get3A_2630 = vector.shape_cast %get3A_2629 : vector<1x16xf32> to vector<16xf32>
      %mul3A_2631 = vector.broadcast %squeeze3A_2516 : f32 to vector<16xf32>
      %mul3A_2632 = arith.mulf %get3A_2630, %mul3A_2631 : vector<16xf32>
      %swap3A_2633 = arith.constant 13 : i32
      %swap3A_2634 = arith.constant 0 : i32
      %swap3A_2635 = arith.constant 0 : i32
      %swap3A_2636 = tpu.memref_slice %arg13[%scan3A_282, %swap3A_2634, %swap3A_2635] : memref<4x128x128xf32, #tpu.memory_space<vmem>> -> memref<1x16x128xf32, #tpu.memory_space<vmem>>
      %swap3A_2637 = tpu.memref_squeeze %swap3A_2636 : memref<1x16x128xf32, #tpu.memory_space<vmem>> -> memref<16x128xf32, #tpu.memory_space<vmem>>
      %swap3A_2638 = arith.index_cast %swap3A_2633 : i32 to index
      %swap3A_2639 = arith.constant 80 : index
      %swap3A_2640 = tpu.vector_load %swap3A_2637[%swap3A_2638, %swap3A_2639] {strides = array<i32>} : memref<16x128xf32, #tpu.memory_space<vmem>>, vector<1x16xf32>,
      %swap3A_2641 = vector.shape_cast %swap3A_2640 : vector<1x16xf32> to vector<16xf32>
      %swap3A_2642 = vector.shape_cast %mul3A_2632 : vector<16xf32> to vector<1x16xf32>
      tpu.vector_store %swap3A_2637[%swap3A_2638, %swap3A_2639], %swap3A_2642 {strides = array<i32>} : memref<16x128xf32, #tpu.memory_space<vmem>>, vector<1x16xf32>,
      %get3A_2643 = arith.constant 13 : i32
      %get3A_2644 = arith.constant 0 : i32
      %get3A_2645 = arith.constant 0 : i32
      %get3A_2646 = tpu.memref_slice %arg13[%scan3A_282, %get3A_2644, %get3A_2645] : memref<4x128x128xf32, #tpu.memory_space<vmem>> -> memref<1x16x128xf32, #tpu.memory_space<vmem>>
      %get3A_2647 = tpu.memref_squeeze %get3A_2646 : memref<1x16x128xf32, #tpu.memory_space<vmem>> -> memref<16x128xf32, #tpu.memory_space<vmem>>
      %get3A_2648 = arith.index_cast %get3A_2643 : i32 to index
      %get3A_2649 = arith.constant 96 : index
      %get3A_2650 = tpu.vector_load %get3A_2647[%get3A_2648, %get3A_2649] {strides = array<i32>} : memref<16x128xf32, #tpu.memory_space<vmem>>, vector<1x16xf32>,
      %get3A_2651 = vector.shape_cast %get3A_2650 : vector<1x16xf32> to vector<16xf32>
      %mul3A_2652 = vector.broadcast %squeeze3A_2516 : f32 to vector<16xf32>
      %mul3A_2653 = arith.mulf %get3A_2651, %mul3A_2652 : vector<16xf32>
      %swap3A_2654 = arith.constant 13 : i32
      %swap3A_2655 = arith.constant 0 : i32
      %swap3A_2656 = arith.constant 0 : i32
      %swap3A_2657 = tpu.memref_slice %arg13[%scan3A_282, %swap3A_2655, %swap3A_2656] : memref<4x128x128xf32, #tpu.memory_space<vmem>> -> memref<1x16x128xf32, #tpu.memory_space<vmem>>
      %swap3A_2658 = tpu.memref_squeeze %swap3A_2657 : memref<1x16x128xf32, #tpu.memory_space<vmem>> -> memref<16x128xf32, #tpu.memory_space<vmem>>
      %swap3A_2659 = arith.index_cast %swap3A_2654 : i32 to index
      %swap3A_2660 = arith.constant 96 : index
      %swap3A_2661 = tpu.vector_load %swap3A_2658[%swap3A_2659, %swap3A_2660] {strides = array<i32>} : memref<16x128xf32, #tpu.memory_space<vmem>>, vector<1x16xf32>,
      %swap3A_2662 = vector.shape_cast %swap3A_2661 : vector<1x16xf32> to vector<16xf32>
      %swap3A_2663 = vector.shape_cast %mul3A_2653 : vector<16xf32> to vector<1x16xf32>
      tpu.vector_store %swap3A_2658[%swap3A_2659, %swap3A_2660], %swap3A_2663 {strides = array<i32>} : memref<16x128xf32, #tpu.memory_space<vmem>>, vector<1x16xf32>,
      %get3A_2664 = arith.constant 13 : i32
      %get3A_2665 = arith.constant 0 : i32
      %get3A_2666 = arith.constant 0 : i32
      %get3A_2667 = tpu.memref_slice %arg13[%scan3A_282, %get3A_2665, %get3A_2666] : memref<4x128x128xf32, #tpu.memory_space<vmem>> -> memref<1x16x128xf32, #tpu.memory_space<vmem>>
      %get3A_2668 = tpu.memref_squeeze %get3A_2667 : memref<1x16x128xf32, #tpu.memory_space<vmem>> -> memref<16x128xf32, #tpu.memory_space<vmem>>
      %get3A_2669 = arith.index_cast %get3A_2664 : i32 to index
      %get3A_2670 = arith.constant 112 : index
      %get3A_2671 = tpu.vector_load %get3A_2668[%get3A_2669, %get3A_2670] {strides = array<i32>} : memref<16x128xf32, #tpu.memory_space<vmem>>, vector<1x16xf32>,
      %get3A_2672 = vector.shape_cast %get3A_2671 : vector<1x16xf32> to vector<16xf32>
      %mul3A_2673 = vector.broadcast %squeeze3A_2516 : f32 to vector<16xf32>
      %mul3A_2674 = arith.mulf %get3A_2672, %mul3A_2673 : vector<16xf32>
      %swap3A_2675 = arith.constant 13 : i32
      %swap3A_2676 = arith.constant 0 : i32
      %swap3A_2677 = arith.constant 0 : i32
      %swap3A_2678 = tpu.memref_slice %arg13[%scan3A_282, %swap3A_2676, %swap3A_2677] : memref<4x128x128xf32, #tpu.memory_space<vmem>> -> memref<1x16x128xf32, #tpu.memory_space<vmem>>
      %swap3A_2679 = tpu.memref_squeeze %swap3A_2678 : memref<1x16x128xf32, #tpu.memory_space<vmem>> -> memref<16x128xf32, #tpu.memory_space<vmem>>
      %swap3A_2680 = arith.index_cast %swap3A_2675 : i32 to index
      %swap3A_2681 = arith.constant 112 : index
      %swap3A_2682 = tpu.vector_load %swap3A_2679[%swap3A_2680, %swap3A_2681] {strides = array<i32>} : memref<16x128xf32, #tpu.memory_space<vmem>>, vector<1x16xf32>,
      %swap3A_2683 = vector.shape_cast %swap3A_2682 : vector<1x16xf32> to vector<16xf32>
      %swap3A_2684 = vector.shape_cast %mul3A_2674 : vector<16xf32> to vector<1x16xf32>
      tpu.vector_store %swap3A_2679[%swap3A_2680, %swap3A_2681], %swap3A_2684 {strides = array<i32>} : memref<16x128xf32, #tpu.memory_space<vmem>>, vector<1x16xf32>,
      %slice3A_2685 = vector.extract_strided_slice %div3A {offsets = [14], sizes = [1], strides = [1]} : vector<16xf32> to vector<1xf32>
      %squeeze3A_2686 = vector.extract %slice3A_2685[0] : f32 from vector<1xf32>
      %get3A_2687 = arith.constant 14 : i32
      %get3A_2688 = arith.constant 0 : i32
      %get3A_2689 = arith.constant 0 : i32
      %get3A_2690 = tpu.memref_slice %arg13[%scan3A_282, %get3A_2688, %get3A_2689] : memref<4x128x128xf32, #tpu.memory_space<vmem>> -> memref<1x16x128xf32, #tpu.memory_space<vmem>>
      %get3A_2691 = tpu.memref_squeeze %get3A_2690 : memref<1x16x128xf32, #tpu.memory_space<vmem>> -> memref<16x128xf32, #tpu.memory_space<vmem>>
      %get3A_2692 = arith.index_cast %get3A_2687 : i32 to index
      %get3A_2693 = arith.constant 0 : index
      %get3A_2694 = tpu.vector_load %get3A_2691[%get3A_2692, %get3A_2693] {strides = array<i32>} : memref<16x128xf32, #tpu.memory_space<vmem>>, vector<1x16xf32>,
      %get3A_2695 = vector.shape_cast %get3A_2694 : vector<1x16xf32> to vector<16xf32>
      %mul3A_2696 = vector.broadcast %squeeze3A_2686 : f32 to vector<16xf32>
      %mul3A_2697 = arith.mulf %get3A_2695, %mul3A_2696 : vector<16xf32>
      %swap3A_2698 = arith.constant 14 : i32
      %swap3A_2699 = arith.constant 0 : i32
      %swap3A_2700 = arith.constant 0 : i32
      %swap3A_2701 = tpu.memref_slice %arg13[%scan3A_282, %swap3A_2699, %swap3A_2700] : memref<4x128x128xf32, #tpu.memory_space<vmem>> -> memref<1x16x128xf32, #tpu.memory_space<vmem>>
      %swap3A_2702 = tpu.memref_squeeze %swap3A_2701 : memref<1x16x128xf32, #tpu.memory_space<vmem>> -> memref<16x128xf32, #tpu.memory_space<vmem>>
      %swap3A_2703 = arith.index_cast %swap3A_2698 : i32 to index
      %swap3A_2704 = arith.constant 0 : index
      %swap3A_2705 = tpu.vector_load %swap3A_2702[%swap3A_2703, %swap3A_2704] {strides = array<i32>} : memref<16x128xf32, #tpu.memory_space<vmem>>, vector<1x16xf32>,
      %swap3A_2706 = vector.shape_cast %swap3A_2705 : vector<1x16xf32> to vector<16xf32>
      %swap3A_2707 = vector.shape_cast %mul3A_2697 : vector<16xf32> to vector<1x16xf32>
      tpu.vector_store %swap3A_2702[%swap3A_2703, %swap3A_2704], %swap3A_2707 {strides = array<i32>} : memref<16x128xf32, #tpu.memory_space<vmem>>, vector<1x16xf32>,
      %get3A_2708 = arith.constant 14 : i32
      %get3A_2709 = arith.constant 0 : i32
      %get3A_2710 = arith.constant 0 : i32
      %get3A_2711 = tpu.memref_slice %arg13[%scan3A_282, %get3A_2709, %get3A_2710] : memref<4x128x128xf32, #tpu.memory_space<vmem>> -> memref<1x16x128xf32, #tpu.memory_space<vmem>>
      %get3A_2712 = tpu.memref_squeeze %get3A_2711 : memref<1x16x128xf32, #tpu.memory_space<vmem>> -> memref<16x128xf32, #tpu.memory_space<vmem>>
      %get3A_2713 = arith.index_cast %get3A_2708 : i32 to index
      %get3A_2714 = arith.constant 16 : index
      %get3A_2715 = tpu.vector_load %get3A_2712[%get3A_2713, %get3A_2714] {strides = array<i32>} : memref<16x128xf32, #tpu.memory_space<vmem>>, vector<1x16xf32>,
      %get3A_2716 = vector.shape_cast %get3A_2715 : vector<1x16xf32> to vector<16xf32>
      %mul3A_2717 = vector.broadcast %squeeze3A_2686 : f32 to vector<16xf32>
      %mul3A_2718 = arith.mulf %get3A_2716, %mul3A_2717 : vector<16xf32>
      %swap3A_2719 = arith.constant 14 : i32
      %swap3A_2720 = arith.constant 0 : i32
      %swap3A_2721 = arith.constant 0 : i32
      %swap3A_2722 = tpu.memref_slice %arg13[%scan3A_282, %swap3A_2720, %swap3A_2721] : memref<4x128x128xf32, #tpu.memory_space<vmem>> -> memref<1x16x128xf32, #tpu.memory_space<vmem>>
      %swap3A_2723 = tpu.memref_squeeze %swap3A_2722 : memref<1x16x128xf32, #tpu.memory_space<vmem>> -> memref<16x128xf32, #tpu.memory_space<vmem>>
      %swap3A_2724 = arith.index_cast %swap3A_2719 : i32 to index
      %swap3A_2725 = arith.constant 16 : index
      %swap3A_2726 = tpu.vector_load %swap3A_2723[%swap3A_2724, %swap3A_2725] {strides = array<i32>} : memref<16x128xf32, #tpu.memory_space<vmem>>, vector<1x16xf32>,
      %swap3A_2727 = vector.shape_cast %swap3A_2726 : vector<1x16xf32> to vector<16xf32>
      %swap3A_2728 = vector.shape_cast %mul3A_2718 : vector<16xf32> to vector<1x16xf32>
      tpu.vector_store %swap3A_2723[%swap3A_2724, %swap3A_2725], %swap3A_2728 {strides = array<i32>} : memref<16x128xf32, #tpu.memory_space<vmem>>, vector<1x16xf32>,
      %get3A_2729 = arith.constant 14 : i32
      %get3A_2730 = arith.constant 0 : i32
      %get3A_2731 = arith.constant 0 : i32
      %get3A_2732 = tpu.memref_slice %arg13[%scan3A_282, %get3A_2730, %get3A_2731] : memref<4x128x128xf32, #tpu.memory_space<vmem>> -> memref<1x16x128xf32, #tpu.memory_space<vmem>>
      %get3A_2733 = tpu.memref_squeeze %get3A_2732 : memref<1x16x128xf32, #tpu.memory_space<vmem>> -> memref<16x128xf32, #tpu.memory_space<vmem>>
      %get3A_2734 = arith.index_cast %get3A_2729 : i32 to index
      %get3A_2735 = arith.constant 32 : index
      %get3A_2736 = tpu.vector_load %get3A_2733[%get3A_2734, %get3A_2735] {strides = array<i32>} : memref<16x128xf32, #tpu.memory_space<vmem>>, vector<1x16xf32>,
      %get3A_2737 = vector.shape_cast %get3A_2736 : vector<1x16xf32> to vector<16xf32>
      %mul3A_2738 = vector.broadcast %squeeze3A_2686 : f32 to vector<16xf32>
      %mul3A_2739 = arith.mulf %get3A_2737, %mul3A_2738 : vector<16xf32>
      %swap3A_2740 = arith.constant 14 : i32
      %swap3A_2741 = arith.constant 0 : i32
      %swap3A_2742 = arith.constant 0 : i32
      %swap3A_2743 = tpu.memref_slice %arg13[%scan3A_282, %swap3A_2741, %swap3A_2742] : memref<4x128x128xf32, #tpu.memory_space<vmem>> -> memref<1x16x128xf32, #tpu.memory_space<vmem>>
      %swap3A_2744 = tpu.memref_squeeze %swap3A_2743 : memref<1x16x128xf32, #tpu.memory_space<vmem>> -> memref<16x128xf32, #tpu.memory_space<vmem>>
      %swap3A_2745 = arith.index_cast %swap3A_2740 : i32 to index
      %swap3A_2746 = arith.constant 32 : index
      %swap3A_2747 = tpu.vector_load %swap3A_2744[%swap3A_2745, %swap3A_2746] {strides = array<i32>} : memref<16x128xf32, #tpu.memory_space<vmem>>, vector<1x16xf32>,
      %swap3A_2748 = vector.shape_cast %swap3A_2747 : vector<1x16xf32> to vector<16xf32>
      %swap3A_2749 = vector.shape_cast %mul3A_2739 : vector<16xf32> to vector<1x16xf32>
      tpu.vector_store %swap3A_2744[%swap3A_2745, %swap3A_2746], %swap3A_2749 {strides = array<i32>} : memref<16x128xf32, #tpu.memory_space<vmem>>, vector<1x16xf32>,
      %get3A_2750 = arith.constant 14 : i32
      %get3A_2751 = arith.constant 0 : i32
      %get3A_2752 = arith.constant 0 : i32
      %get3A_2753 = tpu.memref_slice %arg13[%scan3A_282, %get3A_2751, %get3A_2752] : memref<4x128x128xf32, #tpu.memory_space<vmem>> -> memref<1x16x128xf32, #tpu.memory_space<vmem>>
      %get3A_2754 = tpu.memref_squeeze %get3A_2753 : memref<1x16x128xf32, #tpu.memory_space<vmem>> -> memref<16x128xf32, #tpu.memory_space<vmem>>
      %get3A_2755 = arith.index_cast %get3A_2750 : i32 to index
      %get3A_2756 = arith.constant 48 : index
      %get3A_2757 = tpu.vector_load %get3A_2754[%get3A_2755, %get3A_2756] {strides = array<i32>} : memref<16x128xf32, #tpu.memory_space<vmem>>, vector<1x16xf32>,
      %get3A_2758 = vector.shape_cast %get3A_2757 : vector<1x16xf32> to vector<16xf32>
      %mul3A_2759 = vector.broadcast %squeeze3A_2686 : f32 to vector<16xf32>
      %mul3A_2760 = arith.mulf %get3A_2758, %mul3A_2759 : vector<16xf32>
      %swap3A_2761 = arith.constant 14 : i32
      %swap3A_2762 = arith.constant 0 : i32
      %swap3A_2763 = arith.constant 0 : i32
      %swap3A_2764 = tpu.memref_slice %arg13[%scan3A_282, %swap3A_2762, %swap3A_2763] : memref<4x128x128xf32, #tpu.memory_space<vmem>> -> memref<1x16x128xf32, #tpu.memory_space<vmem>>
      %swap3A_2765 = tpu.memref_squeeze %swap3A_2764 : memref<1x16x128xf32, #tpu.memory_space<vmem>> -> memref<16x128xf32, #tpu.memory_space<vmem>>
      %swap3A_2766 = arith.index_cast %swap3A_2761 : i32 to index
      %swap3A_2767 = arith.constant 48 : index
      %swap3A_2768 = tpu.vector_load %swap3A_2765[%swap3A_2766, %swap3A_2767] {strides = array<i32>} : memref<16x128xf32, #tpu.memory_space<vmem>>, vector<1x16xf32>,
      %swap3A_2769 = vector.shape_cast %swap3A_2768 : vector<1x16xf32> to vector<16xf32>
      %swap3A_2770 = vector.shape_cast %mul3A_2760 : vector<16xf32> to vector<1x16xf32>
      tpu.vector_store %swap3A_2765[%swap3A_2766, %swap3A_2767], %swap3A_2770 {strides = array<i32>} : memref<16x128xf32, #tpu.memory_space<vmem>>, vector<1x16xf32>,
      %get3A_2771 = arith.constant 14 : i32
      %get3A_2772 = arith.constant 0 : i32
      %get3A_2773 = arith.constant 0 : i32
      %get3A_2774 = tpu.memref_slice %arg13[%scan3A_282, %get3A_2772, %get3A_2773] : memref<4x128x128xf32, #tpu.memory_space<vmem>> -> memref<1x16x128xf32, #tpu.memory_space<vmem>>
      %get3A_2775 = tpu.memref_squeeze %get3A_2774 : memref<1x16x128xf32, #tpu.memory_space<vmem>> -> memref<16x128xf32, #tpu.memory_space<vmem>>
      %get3A_2776 = arith.index_cast %get3A_2771 : i32 to index
      %get3A_2777 = arith.constant 64 : index
      %get3A_2778 = tpu.vector_load %get3A_2775[%get3A_2776, %get3A_2777] {strides = array<i32>} : memref<16x128xf32, #tpu.memory_space<vmem>>, vector<1x16xf32>,
      %get3A_2779 = vector.shape_cast %get3A_2778 : vector<1x16xf32> to vector<16xf32>
      %mul3A_2780 = vector.broadcast %squeeze3A_2686 : f32 to vector<16xf32>
      %mul3A_2781 = arith.mulf %get3A_2779, %mul3A_2780 : vector<16xf32>
      %swap3A_2782 = arith.constant 14 : i32
      %swap3A_2783 = arith.constant 0 : i32
      %swap3A_2784 = arith.constant 0 : i32
      %swap3A_2785 = tpu.memref_slice %arg13[%scan3A_282, %swap3A_2783, %swap3A_2784] : memref<4x128x128xf32, #tpu.memory_space<vmem>> -> memref<1x16x128xf32, #tpu.memory_space<vmem>>
      %swap3A_2786 = tpu.memref_squeeze %swap3A_2785 : memref<1x16x128xf32, #tpu.memory_space<vmem>> -> memref<16x128xf32, #tpu.memory_space<vmem>>
      %swap3A_2787 = arith.index_cast %swap3A_2782 : i32 to index
      %swap3A_2788 = arith.constant 64 : index
      %swap3A_2789 = tpu.vector_load %swap3A_2786[%swap3A_2787, %swap3A_2788] {strides = array<i32>} : memref<16x128xf32, #tpu.memory_space<vmem>>, vector<1x16xf32>,
      %swap3A_2790 = vector.shape_cast %swap3A_2789 : vector<1x16xf32> to vector<16xf32>
      %swap3A_2791 = vector.shape_cast %mul3A_2781 : vector<16xf32> to vector<1x16xf32>
      tpu.vector_store %swap3A_2786[%swap3A_2787, %swap3A_2788], %swap3A_2791 {strides = array<i32>} : memref<16x128xf32, #tpu.memory_space<vmem>>, vector<1x16xf32>,
      %get3A_2792 = arith.constant 14 : i32
      %get3A_2793 = arith.constant 0 : i32
      %get3A_2794 = arith.constant 0 : i32
      %get3A_2795 = tpu.memref_slice %arg13[%scan3A_282, %get3A_2793, %get3A_2794] : memref<4x128x128xf32, #tpu.memory_space<vmem>> -> memref<1x16x128xf32, #tpu.memory_space<vmem>>
      %get3A_2796 = tpu.memref_squeeze %get3A_2795 : memref<1x16x128xf32, #tpu.memory_space<vmem>> -> memref<16x128xf32, #tpu.memory_space<vmem>>
      %get3A_2797 = arith.index_cast %get3A_2792 : i32 to index
      %get3A_2798 = arith.constant 80 : index
      %get3A_2799 = tpu.vector_load %get3A_2796[%get3A_2797, %get3A_2798] {strides = array<i32>} : memref<16x128xf32, #tpu.memory_space<vmem>>, vector<1x16xf32>,
      %get3A_2800 = vector.shape_cast %get3A_2799 : vector<1x16xf32> to vector<16xf32>
      %mul3A_2801 = vector.broadcast %squeeze3A_2686 : f32 to vector<16xf32>
      %mul3A_2802 = arith.mulf %get3A_2800, %mul3A_2801 : vector<16xf32>
      %swap3A_2803 = arith.constant 14 : i32
      %swap3A_2804 = arith.constant 0 : i32
      %swap3A_2805 = arith.constant 0 : i32
      %swap3A_2806 = tpu.memref_slice %arg13[%scan3A_282, %swap3A_2804, %swap3A_2805] : memref<4x128x128xf32, #tpu.memory_space<vmem>> -> memref<1x16x128xf32, #tpu.memory_space<vmem>>
      %swap3A_2807 = tpu.memref_squeeze %swap3A_2806 : memref<1x16x128xf32, #tpu.memory_space<vmem>> -> memref<16x128xf32, #tpu.memory_space<vmem>>
      %swap3A_2808 = arith.index_cast %swap3A_2803 : i32 to index
      %swap3A_2809 = arith.constant 80 : index
      %swap3A_2810 = tpu.vector_load %swap3A_2807[%swap3A_2808, %swap3A_2809] {strides = array<i32>} : memref<16x128xf32, #tpu.memory_space<vmem>>, vector<1x16xf32>,
      %swap3A_2811 = vector.shape_cast %swap3A_2810 : vector<1x16xf32> to vector<16xf32>
      %swap3A_2812 = vector.shape_cast %mul3A_2802 : vector<16xf32> to vector<1x16xf32>
      tpu.vector_store %swap3A_2807[%swap3A_2808, %swap3A_2809], %swap3A_2812 {strides = array<i32>} : memref<16x128xf32, #tpu.memory_space<vmem>>, vector<1x16xf32>,
      %get3A_2813 = arith.constant 14 : i32
      %get3A_2814 = arith.constant 0 : i32
      %get3A_2815 = arith.constant 0 : i32
      %get3A_2816 = tpu.memref_slice %arg13[%scan3A_282, %get3A_2814, %get3A_2815] : memref<4x128x128xf32, #tpu.memory_space<vmem>> -> memref<1x16x128xf32, #tpu.memory_space<vmem>>
      %get3A_2817 = tpu.memref_squeeze %get3A_2816 : memref<1x16x128xf32, #tpu.memory_space<vmem>> -> memref<16x128xf32, #tpu.memory_space<vmem>>
      %get3A_2818 = arith.index_cast %get3A_2813 : i32 to index
      %get3A_2819 = arith.constant 96 : index
      %get3A_2820 = tpu.vector_load %get3A_2817[%get3A_2818, %get3A_2819] {strides = array<i32>} : memref<16x128xf32, #tpu.memory_space<vmem>>, vector<1x16xf32>,
      %get3A_2821 = vector.shape_cast %get3A_2820 : vector<1x16xf32> to vector<16xf32>
      %mul3A_2822 = vector.broadcast %squeeze3A_2686 : f32 to vector<16xf32>
      %mul3A_2823 = arith.mulf %get3A_2821, %mul3A_2822 : vector<16xf32>
      %swap3A_2824 = arith.constant 14 : i32
      %swap3A_2825 = arith.constant 0 : i32
      %swap3A_2826 = arith.constant 0 : i32
      %swap3A_2827 = tpu.memref_slice %arg13[%scan3A_282, %swap3A_2825, %swap3A_2826] : memref<4x128x128xf32, #tpu.memory_space<vmem>> -> memref<1x16x128xf32, #tpu.memory_space<vmem>>
      %swap3A_2828 = tpu.memref_squeeze %swap3A_2827 : memref<1x16x128xf32, #tpu.memory_space<vmem>> -> memref<16x128xf32, #tpu.memory_space<vmem>>
      %swap3A_2829 = arith.index_cast %swap3A_2824 : i32 to index
      %swap3A_2830 = arith.constant 96 : index
      %swap3A_2831 = tpu.vector_load %swap3A_2828[%swap3A_2829, %swap3A_2830] {strides = array<i32>} : memref<16x128xf32, #tpu.memory_space<vmem>>, vector<1x16xf32>,
      %swap3A_2832 = vector.shape_cast %swap3A_2831 : vector<1x16xf32> to vector<16xf32>
      %swap3A_2833 = vector.shape_cast %mul3A_2823 : vector<16xf32> to vector<1x16xf32>
      tpu.vector_store %swap3A_2828[%swap3A_2829, %swap3A_2830], %swap3A_2833 {strides = array<i32>} : memref<16x128xf32, #tpu.memory_space<vmem>>, vector<1x16xf32>,
      %get3A_2834 = arith.constant 14 : i32
      %get3A_2835 = arith.constant 0 : i32
      %get3A_2836 = arith.constant 0 : i32
      %get3A_2837 = tpu.memref_slice %arg13[%scan3A_282, %get3A_2835, %get3A_2836] : memref<4x128x128xf32, #tpu.memory_space<vmem>> -> memref<1x16x128xf32, #tpu.memory_space<vmem>>
      %get3A_2838 = tpu.memref_squeeze %get3A_2837 : memref<1x16x128xf32, #tpu.memory_space<vmem>> -> memref<16x128xf32, #tpu.memory_space<vmem>>
      %get3A_2839 = arith.index_cast %get3A_2834 : i32 to index
      %get3A_2840 = arith.constant 112 : index
      %get3A_2841 = tpu.vector_load %get3A_2838[%get3A_2839, %get3A_2840] {strides = array<i32>} : memref<16x128xf32, #tpu.memory_space<vmem>>, vector<1x16xf32>,
      %get3A_2842 = vector.shape_cast %get3A_2841 : vector<1x16xf32> to vector<16xf32>
      %mul3A_2843 = vector.broadcast %squeeze3A_2686 : f32 to vector<16xf32>
      %mul3A_2844 = arith.mulf %get3A_2842, %mul3A_2843 : vector<16xf32>
      %swap3A_2845 = arith.constant 14 : i32
      %swap3A_2846 = arith.constant 0 : i32
      %swap3A_2847 = arith.constant 0 : i32
      %swap3A_2848 = tpu.memref_slice %arg13[%scan3A_282, %swap3A_2846, %swap3A_2847] : memref<4x128x128xf32, #tpu.memory_space<vmem>> -> memref<1x16x128xf32, #tpu.memory_space<vmem>>
      %swap3A_2849 = tpu.memref_squeeze %swap3A_2848 : memref<1x16x128xf32, #tpu.memory_space<vmem>> -> memref<16x128xf32, #tpu.memory_space<vmem>>
      %swap3A_2850 = arith.index_cast %swap3A_2845 : i32 to index
      %swap3A_2851 = arith.constant 112 : index
      %swap3A_2852 = tpu.vector_load %swap3A_2849[%swap3A_2850, %swap3A_2851] {strides = array<i32>} : memref<16x128xf32, #tpu.memory_space<vmem>>, vector<1x16xf32>,
      %swap3A_2853 = vector.shape_cast %swap3A_2852 : vector<1x16xf32> to vector<16xf32>
      %swap3A_2854 = vector.shape_cast %mul3A_2844 : vector<16xf32> to vector<1x16xf32>
      tpu.vector_store %swap3A_2849[%swap3A_2850, %swap3A_2851], %swap3A_2854 {strides = array<i32>} : memref<16x128xf32, #tpu.memory_space<vmem>>, vector<1x16xf32>,
      %slice3A_2855 = vector.extract_strided_slice %div3A {offsets = [15], sizes = [1], strides = [1]} : vector<16xf32> to vector<1xf32>
      %squeeze3A_2856 = vector.extract %slice3A_2855[0] : f32 from vector<1xf32>
      %get3A_2857 = arith.constant 15 : i32
      %get3A_2858 = arith.constant 0 : i32
      %get3A_2859 = arith.constant 0 : i32
      %get3A_2860 = tpu.memref_slice %arg13[%scan3A_282, %get3A_2858, %get3A_2859] : memref<4x128x128xf32, #tpu.memory_space<vmem>> -> memref<1x16x128xf32, #tpu.memory_space<vmem>>
      %get3A_2861 = tpu.memref_squeeze %get3A_2860 : memref<1x16x128xf32, #tpu.memory_space<vmem>> -> memref<16x128xf32, #tpu.memory_space<vmem>>
      %get3A_2862 = arith.index_cast %get3A_2857 : i32 to index
      %get3A_2863 = arith.constant 0 : index
      %get3A_2864 = tpu.vector_load %get3A_2861[%get3A_2862, %get3A_2863] {strides = array<i32>} : memref<16x128xf32, #tpu.memory_space<vmem>>, vector<1x16xf32>,
      %get3A_2865 = vector.shape_cast %get3A_2864 : vector<1x16xf32> to vector<16xf32>
      %mul3A_2866 = vector.broadcast %squeeze3A_2856 : f32 to vector<16xf32>
      %mul3A_2867 = arith.mulf %get3A_2865, %mul3A_2866 : vector<16xf32>
      %swap3A_2868 = arith.constant 15 : i32
      %swap3A_2869 = arith.constant 0 : i32
      %swap3A_2870 = arith.constant 0 : i32
      %swap3A_2871 = tpu.memref_slice %arg13[%scan3A_282, %swap3A_2869, %swap3A_2870] : memref<4x128x128xf32, #tpu.memory_space<vmem>> -> memref<1x16x128xf32, #tpu.memory_space<vmem>>
      %swap3A_2872 = tpu.memref_squeeze %swap3A_2871 : memref<1x16x128xf32, #tpu.memory_space<vmem>> -> memref<16x128xf32, #tpu.memory_space<vmem>>
      %swap3A_2873 = arith.index_cast %swap3A_2868 : i32 to index
      %swap3A_2874 = arith.constant 0 : index
      %swap3A_2875 = tpu.vector_load %swap3A_2872[%swap3A_2873, %swap3A_2874] {strides = array<i32>} : memref<16x128xf32, #tpu.memory_space<vmem>>, vector<1x16xf32>,
      %swap3A_2876 = vector.shape_cast %swap3A_2875 : vector<1x16xf32> to vector<16xf32>
      %swap3A_2877 = vector.shape_cast %mul3A_2867 : vector<16xf32> to vector<1x16xf32>
      tpu.vector_store %swap3A_2872[%swap3A_2873, %swap3A_2874], %swap3A_2877 {strides = array<i32>} : memref<16x128xf32, #tpu.memory_space<vmem>>, vector<1x16xf32>,
      %get3A_2878 = arith.constant 15 : i32
      %get3A_2879 = arith.constant 0 : i32
      %get3A_2880 = arith.constant 0 : i32
      %get3A_2881 = tpu.memref_slice %arg13[%scan3A_282, %get3A_2879, %get3A_2880] : memref<4x128x128xf32, #tpu.memory_space<vmem>> -> memref<1x16x128xf32, #tpu.memory_space<vmem>>
      %get3A_2882 = tpu.memref_squeeze %get3A_2881 : memref<1x16x128xf32, #tpu.memory_space<vmem>> -> memref<16x128xf32, #tpu.memory_space<vmem>>
      %get3A_2883 = arith.index_cast %get3A_2878 : i32 to index
      %get3A_2884 = arith.constant 16 : index
      %get3A_2885 = tpu.vector_load %get3A_2882[%get3A_2883, %get3A_2884] {strides = array<i32>} : memref<16x128xf32, #tpu.memory_space<vmem>>, vector<1x16xf32>,
      %get3A_2886 = vector.shape_cast %get3A_2885 : vector<1x16xf32> to vector<16xf32>
      %mul3A_2887 = vector.broadcast %squeeze3A_2856 : f32 to vector<16xf32>
      %mul3A_2888 = arith.mulf %get3A_2886, %mul3A_2887 : vector<16xf32>
      %swap3A_2889 = arith.constant 15 : i32
      %swap3A_2890 = arith.constant 0 : i32
      %swap3A_2891 = arith.constant 0 : i32
      %swap3A_2892 = tpu.memref_slice %arg13[%scan3A_282, %swap3A_2890, %swap3A_2891] : memref<4x128x128xf32, #tpu.memory_space<vmem>> -> memref<1x16x128xf32, #tpu.memory_space<vmem>>
      %swap3A_2893 = tpu.memref_squeeze %swap3A_2892 : memref<1x16x128xf32, #tpu.memory_space<vmem>> -> memref<16x128xf32, #tpu.memory_space<vmem>>
      %swap3A_2894 = arith.index_cast %swap3A_2889 : i32 to index
      %swap3A_2895 = arith.constant 16 : index
      %swap3A_2896 = tpu.vector_load %swap3A_2893[%swap3A_2894, %swap3A_2895] {strides = array<i32>} : memref<16x128xf32, #tpu.memory_space<vmem>>, vector<1x16xf32>,
      %swap3A_2897 = vector.shape_cast %swap3A_2896 : vector<1x16xf32> to vector<16xf32>
      %swap3A_2898 = vector.shape_cast %mul3A_2888 : vector<16xf32> to vector<1x16xf32>
      tpu.vector_store %swap3A_2893[%swap3A_2894, %swap3A_2895], %swap3A_2898 {strides = array<i32>} : memref<16x128xf32, #tpu.memory_space<vmem>>, vector<1x16xf32>,
      %get3A_2899 = arith.constant 15 : i32
      %get3A_2900 = arith.constant 0 : i32
      %get3A_2901 = arith.constant 0 : i32
      %get3A_2902 = tpu.memref_slice %arg13[%scan3A_282, %get3A_2900, %get3A_2901] : memref<4x128x128xf32, #tpu.memory_space<vmem>> -> memref<1x16x128xf32, #tpu.memory_space<vmem>>
      %get3A_2903 = tpu.memref_squeeze %get3A_2902 : memref<1x16x128xf32, #tpu.memory_space<vmem>> -> memref<16x128xf32, #tpu.memory_space<vmem>>
      %get3A_2904 = arith.index_cast %get3A_2899 : i32 to index
      %get3A_2905 = arith.constant 32 : index
      %get3A_2906 = tpu.vector_load %get3A_2903[%get3A_2904, %get3A_2905] {strides = array<i32>} : memref<16x128xf32, #tpu.memory_space<vmem>>, vector<1x16xf32>,
      %get3A_2907 = vector.shape_cast %get3A_2906 : vector<1x16xf32> to vector<16xf32>
      %mul3A_2908 = vector.broadcast %squeeze3A_2856 : f32 to vector<16xf32>
      %mul3A_2909 = arith.mulf %get3A_2907, %mul3A_2908 : vector<16xf32>
      %swap3A_2910 = arith.constant 15 : i32
      %swap3A_2911 = arith.constant 0 : i32
      %swap3A_2912 = arith.constant 0 : i32
      %swap3A_2913 = tpu.memref_slice %arg13[%scan3A_282, %swap3A_2911, %swap3A_2912] : memref<4x128x128xf32, #tpu.memory_space<vmem>> -> memref<1x16x128xf32, #tpu.memory_space<vmem>>
      %swap3A_2914 = tpu.memref_squeeze %swap3A_2913 : memref<1x16x128xf32, #tpu.memory_space<vmem>> -> memref<16x128xf32, #tpu.memory_space<vmem>>
      %swap3A_2915 = arith.index_cast %swap3A_2910 : i32 to index
      %swap3A_2916 = arith.constant 32 : index
      %swap3A_2917 = tpu.vector_load %swap3A_2914[%swap3A_2915, %swap3A_2916] {strides = array<i32>} : memref<16x128xf32, #tpu.memory_space<vmem>>, vector<1x16xf32>,
      %swap3A_2918 = vector.shape_cast %swap3A_2917 : vector<1x16xf32> to vector<16xf32>
      %swap3A_2919 = vector.shape_cast %mul3A_2909 : vector<16xf32> to vector<1x16xf32>
      tpu.vector_store %swap3A_2914[%swap3A_2915, %swap3A_2916], %swap3A_2919 {strides = array<i32>} : memref<16x128xf32, #tpu.memory_space<vmem>>, vector<1x16xf32>,
      %get3A_2920 = arith.constant 15 : i32
      %get3A_2921 = arith.constant 0 : i32
      %get3A_2922 = arith.constant 0 : i32
      %get3A_2923 = tpu.memref_slice %arg13[%scan3A_282, %get3A_2921, %get3A_2922] : memref<4x128x128xf32, #tpu.memory_space<vmem>> -> memref<1x16x128xf32, #tpu.memory_space<vmem>>
      %get3A_2924 = tpu.memref_squeeze %get3A_2923 : memref<1x16x128xf32, #tpu.memory_space<vmem>> -> memref<16x128xf32, #tpu.memory_space<vmem>>
      %get3A_2925 = arith.index_cast %get3A_2920 : i32 to index
      %get3A_2926 = arith.constant 48 : index
      %get3A_2927 = tpu.vector_load %get3A_2924[%get3A_2925, %get3A_2926] {strides = array<i32>} : memref<16x128xf32, #tpu.memory_space<vmem>>, vector<1x16xf32>,
      %get3A_2928 = vector.shape_cast %get3A_2927 : vector<1x16xf32> to vector<16xf32>
      %mul3A_2929 = vector.broadcast %squeeze3A_2856 : f32 to vector<16xf32>
      %mul3A_2930 = arith.mulf %get3A_2928, %mul3A_2929 : vector<16xf32>
      %swap3A_2931 = arith.constant 15 : i32
      %swap3A_2932 = arith.constant 0 : i32
      %swap3A_2933 = arith.constant 0 : i32
      %swap3A_2934 = tpu.memref_slice %arg13[%scan3A_282, %swap3A_2932, %swap3A_2933] : memref<4x128x128xf32, #tpu.memory_space<vmem>> -> memref<1x16x128xf32, #tpu.memory_space<vmem>>
      %swap3A_2935 = tpu.memref_squeeze %swap3A_2934 : memref<1x16x128xf32, #tpu.memory_space<vmem>> -> memref<16x128xf32, #tpu.memory_space<vmem>>
      %swap3A_2936 = arith.index_cast %swap3A_2931 : i32 to index
      %swap3A_2937 = arith.constant 48 : index
      %swap3A_2938 = tpu.vector_load %swap3A_2935[%swap3A_2936, %swap3A_2937] {strides = array<i32>} : memref<16x128xf32, #tpu.memory_space<vmem>>, vector<1x16xf32>,
      %swap3A_2939 = vector.shape_cast %swap3A_2938 : vector<1x16xf32> to vector<16xf32>
      %swap3A_2940 = vector.shape_cast %mul3A_2930 : vector<16xf32> to vector<1x16xf32>
      tpu.vector_store %swap3A_2935[%swap3A_2936, %swap3A_2937], %swap3A_2940 {strides = array<i32>} : memref<16x128xf32, #tpu.memory_space<vmem>>, vector<1x16xf32>,
      %get3A_2941 = arith.constant 15 : i32
      %get3A_2942 = arith.constant 0 : i32
      %get3A_2943 = arith.constant 0 : i32
      %get3A_2944 = tpu.memref_slice %arg13[%scan3A_282, %get3A_2942, %get3A_2943] : memref<4x128x128xf32, #tpu.memory_space<vmem>> -> memref<1x16x128xf32, #tpu.memory_space<vmem>>
      %get3A_2945 = tpu.memref_squeeze %get3A_2944 : memref<1x16x128xf32, #tpu.memory_space<vmem>> -> memref<16x128xf32, #tpu.memory_space<vmem>>
      %get3A_2946 = arith.index_cast %get3A_2941 : i32 to index
      %get3A_2947 = arith.constant 64 : index
      %get3A_2948 = tpu.vector_load %get3A_2945[%get3A_2946, %get3A_2947] {strides = array<i32>} : memref<16x128xf32, #tpu.memory_space<vmem>>, vector<1x16xf32>,
      %get3A_2949 = vector.shape_cast %get3A_2948 : vector<1x16xf32> to vector<16xf32>
      %mul3A_2950 = vector.broadcast %squeeze3A_2856 : f32 to vector<16xf32>
      %mul3A_2951 = arith.mulf %get3A_2949, %mul3A_2950 : vector<16xf32>
      %swap3A_2952 = arith.constant 15 : i32
      %swap3A_2953 = arith.constant 0 : i32
      %swap3A_2954 = arith.constant 0 : i32
      %swap3A_2955 = tpu.memref_slice %arg13[%scan3A_282, %swap3A_2953, %swap3A_2954] : memref<4x128x128xf32, #tpu.memory_space<vmem>> -> memref<1x16x128xf32, #tpu.memory_space<vmem>>
      %swap3A_2956 = tpu.memref_squeeze %swap3A_2955 : memref<1x16x128xf32, #tpu.memory_space<vmem>> -> memref<16x128xf32, #tpu.memory_space<vmem>>
      %swap3A_2957 = arith.index_cast %swap3A_2952 : i32 to index
      %swap3A_2958 = arith.constant 64 : index
      %swap3A_2959 = tpu.vector_load %swap3A_2956[%swap3A_2957, %swap3A_2958] {strides = array<i32>} : memref<16x128xf32, #tpu.memory_space<vmem>>, vector<1x16xf32>,
      %swap3A_2960 = vector.shape_cast %swap3A_2959 : vector<1x16xf32> to vector<16xf32>
      %swap3A_2961 = vector.shape_cast %mul3A_2951 : vector<16xf32> to vector<1x16xf32>
      tpu.vector_store %swap3A_2956[%swap3A_2957, %swap3A_2958], %swap3A_2961 {strides = array<i32>} : memref<16x128xf32, #tpu.memory_space<vmem>>, vector<1x16xf32>,
      %get3A_2962 = arith.constant 15 : i32
      %get3A_2963 = arith.constant 0 : i32
      %get3A_2964 = arith.constant 0 : i32
      %get3A_2965 = tpu.memref_slice %arg13[%scan3A_282, %get3A_2963, %get3A_2964] : memref<4x128x128xf32, #tpu.memory_space<vmem>> -> memref<1x16x128xf32, #tpu.memory_space<vmem>>
      %get3A_2966 = tpu.memref_squeeze %get3A_2965 : memref<1x16x128xf32, #tpu.memory_space<vmem>> -> memref<16x128xf32, #tpu.memory_space<vmem>>
      %get3A_2967 = arith.index_cast %get3A_2962 : i32 to index
      %get3A_2968 = arith.constant 80 : index
      %get3A_2969 = tpu.vector_load %get3A_2966[%get3A_2967, %get3A_2968] {strides = array<i32>} : memref<16x128xf32, #tpu.memory_space<vmem>>, vector<1x16xf32>,
      %get3A_2970 = vector.shape_cast %get3A_2969 : vector<1x16xf32> to vector<16xf32>
      %mul3A_2971 = vector.broadcast %squeeze3A_2856 : f32 to vector<16xf32>
      %mul3A_2972 = arith.mulf %get3A_2970, %mul3A_2971 : vector<16xf32>
      %swap3A_2973 = arith.constant 15 : i32
      %swap3A_2974 = arith.constant 0 : i32
      %swap3A_2975 = arith.constant 0 : i32
      %swap3A_2976 = tpu.memref_slice %arg13[%scan3A_282, %swap3A_2974, %swap3A_2975] : memref<4x128x128xf32, #tpu.memory_space<vmem>> -> memref<1x16x128xf32, #tpu.memory_space<vmem>>
      %swap3A_2977 = tpu.memref_squeeze %swap3A_2976 : memref<1x16x128xf32, #tpu.memory_space<vmem>> -> memref<16x128xf32, #tpu.memory_space<vmem>>
      %swap3A_2978 = arith.index_cast %swap3A_2973 : i32 to index
      %swap3A_2979 = arith.constant 80 : index
      %swap3A_2980 = tpu.vector_load %swap3A_2977[%swap3A_2978, %swap3A_2979] {strides = array<i32>} : memref<16x128xf32, #tpu.memory_space<vmem>>, vector<1x16xf32>,
      %swap3A_2981 = vector.shape_cast %swap3A_2980 : vector<1x16xf32> to vector<16xf32>
      %swap3A_2982 = vector.shape_cast %mul3A_2972 : vector<16xf32> to vector<1x16xf32>
      tpu.vector_store %swap3A_2977[%swap3A_2978, %swap3A_2979], %swap3A_2982 {strides = array<i32>} : memref<16x128xf32, #tpu.memory_space<vmem>>, vector<1x16xf32>,
      %get3A_2983 = arith.constant 15 : i32
      %get3A_2984 = arith.constant 0 : i32
      %get3A_2985 = arith.constant 0 : i32
      %get3A_2986 = tpu.memref_slice %arg13[%scan3A_282, %get3A_2984, %get3A_2985] : memref<4x128x128xf32, #tpu.memory_space<vmem>> -> memref<1x16x128xf32, #tpu.memory_space<vmem>>
      %get3A_2987 = tpu.memref_squeeze %get3A_2986 : memref<1x16x128xf32, #tpu.memory_space<vmem>> -> memref<16x128xf32, #tpu.memory_space<vmem>>
      %get3A_2988 = arith.index_cast %get3A_2983 : i32 to index
      %get3A_2989 = arith.constant 96 : index
      %get3A_2990 = tpu.vector_load %get3A_2987[%get3A_2988, %get3A_2989] {strides = array<i32>} : memref<16x128xf32, #tpu.memory_space<vmem>>, vector<1x16xf32>,
      %get3A_2991 = vector.shape_cast %get3A_2990 : vector<1x16xf32> to vector<16xf32>
      %mul3A_2992 = vector.broadcast %squeeze3A_2856 : f32 to vector<16xf32>
      %mul3A_2993 = arith.mulf %get3A_2991, %mul3A_2992 : vector<16xf32>
      %swap3A_2994 = arith.constant 15 : i32
      %swap3A_2995 = arith.constant 0 : i32
      %swap3A_2996 = arith.constant 0 : i32
      %swap3A_2997 = tpu.memref_slice %arg13[%scan3A_282, %swap3A_2995, %swap3A_2996] : memref<4x128x128xf32, #tpu.memory_space<vmem>> -> memref<1x16x128xf32, #tpu.memory_space<vmem>>
      %swap3A_2998 = tpu.memref_squeeze %swap3A_2997 : memref<1x16x128xf32, #tpu.memory_space<vmem>> -> memref<16x128xf32, #tpu.memory_space<vmem>>
      %swap3A_2999 = arith.index_cast %swap3A_2994 : i32 to index
      %swap3A_3000 = arith.constant 96 : index
      %swap3A_3001 = tpu.vector_load %swap3A_2998[%swap3A_2999, %swap3A_3000] {strides = array<i32>} : memref<16x128xf32, #tpu.memory_space<vmem>>, vector<1x16xf32>,
      %swap3A_3002 = vector.shape_cast %swap3A_3001 : vector<1x16xf32> to vector<16xf32>
      %swap3A_3003 = vector.shape_cast %mul3A_2993 : vector<16xf32> to vector<1x16xf32>
      tpu.vector_store %swap3A_2998[%swap3A_2999, %swap3A_3000], %swap3A_3003 {strides = array<i32>} : memref<16x128xf32, #tpu.memory_space<vmem>>, vector<1x16xf32>,
      %get3A_3004 = arith.constant 15 : i32
      %get3A_3005 = arith.constant 0 : i32
      %get3A_3006 = arith.constant 0 : i32
      %get3A_3007 = tpu.memref_slice %arg13[%scan3A_282, %get3A_3005, %get3A_3006] : memref<4x128x128xf32, #tpu.memory_space<vmem>> -> memref<1x16x128xf32, #tpu.memory_space<vmem>>
      %get3A_3008 = tpu.memref_squeeze %get3A_3007 : memref<1x16x128xf32, #tpu.memory_space<vmem>> -> memref<16x128xf32, #tpu.memory_space<vmem>>
      %get3A_3009 = arith.index_cast %get3A_3004 : i32 to index
      %get3A_3010 = arith.constant 112 : index
      %get3A_3011 = tpu.vector_load %get3A_3008[%get3A_3009, %get3A_3010] {strides = array<i32>} : memref<16x128xf32, #tpu.memory_space<vmem>>, vector<1x16xf32>,
      %get3A_3012 = vector.shape_cast %get3A_3011 : vector<1x16xf32> to vector<16xf32>
      %mul3A_3013 = vector.broadcast %squeeze3A_2856 : f32 to vector<16xf32>
      %mul3A_3014 = arith.mulf %get3A_3012, %mul3A_3013 : vector<16xf32>
      %swap3A_3015 = arith.constant 15 : i32
      %swap3A_3016 = arith.constant 0 : i32
      %swap3A_3017 = arith.constant 0 : i32
      %swap3A_3018 = tpu.memref_slice %arg13[%scan3A_282, %swap3A_3016, %swap3A_3017] : memref<4x128x128xf32, #tpu.memory_space<vmem>> -> memref<1x16x128xf32, #tpu.memory_space<vmem>>
      %swap3A_3019 = tpu.memref_squeeze %swap3A_3018 : memref<1x16x128xf32, #tpu.memory_space<vmem>> -> memref<16x128xf32, #tpu.memory_space<vmem>>
      %swap3A_3020 = arith.index_cast %swap3A_3015 : i32 to index
      %swap3A_3021 = arith.constant 112 : index
      %swap3A_3022 = tpu.vector_load %swap3A_3019[%swap3A_3020, %swap3A_3021] {strides = array<i32>} : memref<16x128xf32, #tpu.memory_space<vmem>>, vector<1x16xf32>,
      %swap3A_3023 = vector.shape_cast %swap3A_3022 : vector<1x16xf32> to vector<16xf32>
      %swap3A_3024 = vector.shape_cast %mul3A_3014 : vector<16xf32> to vector<1x16xf32>
      tpu.vector_store %swap3A_3019[%swap3A_3020, %swap3A_3021], %swap3A_3024 {strides = array<i32>} : memref<16x128xf32, #tpu.memory_space<vmem>>, vector<1x16xf32>,
      "tpu.region"() ({
        %run_scoped3A = tpu.sem_alloc : memref<!tpu.dma_semaphore, #tpu.memory_space<semaphore_mem>>
        %dma_start3A_3025 = arith.constant 0 : i32
        %dma_start3A_3026 = arith.constant 0 : i32
        %dma_start3A_3027 = tpu.memref_slice %arg13[%scan3A_282, %dma_start3A_3025, %dma_start3A_3026] : memref<4x128x128xf32, #tpu.memory_space<vmem>> -> memref<1x16x128xf32, #tpu.memory_space<vmem>>
        %dma_start3A_3028 = tpu.memref_squeeze %dma_start3A_3027 : memref<1x16x128xf32, #tpu.memory_space<vmem>> -> memref<16x128xf32, #tpu.memory_space<vmem>>
        %dma_start3A_3029 = arith.constant 0 : i32
        %dma_start3A_3030 = tpu.memref_slice %arg10[%add3A_298, %dma_start3A_3029] : memref<5120x128xf32, #tpu.memory_space<vmem_shared>> -> memref<16x128xf32, #tpu.memory_space<vmem_shared>>
        %dma_start3A_3031 = arith.constant 0 : i32
        %dma_start3A_3032 = tpu.memref_slice %arg10[%add3A_298, %dma_start3A_3031] : memref<5120x128xf32, #tpu.memory_space<vmem_shared>> -> memref<16x128xf32, #tpu.memory_space<vmem_shared>>
        %dma_start3A_3033 = arith.constant 0 : i32
        %dma_start3A_3034 = arith.constant 0 : i32
        %dma_start3A_3035 = tpu.memref_slice %arg13[%scan3A_282, %dma_start3A_3033, %dma_start3A_3034] : memref<4x128x128xf32, #tpu.memory_space<vmem>> -> memref<1x16x128xf32, #tpu.memory_space<vmem>>
        %dma_start3A_3036 = tpu.memref_squeeze %dma_start3A_3035 : memref<1x16x128xf32, #tpu.memory_space<vmem>> -> memref<16x128xf32, #tpu.memory_space<vmem>>
        tpu.enqueue_dma source(%dma_start3A_3036 : memref<16x128xf32, #tpu.memory_space<vmem>>) target(%dma_start3A_3032 : memref<16x128xf32, #tpu.memory_space<vmem_shared>>) target_semaphore(%run_scoped3A : memref<!tpu.dma_semaphore, #tpu.memory_space<semaphore_mem>>)
        %dma_wait3A_3037 = arith.constant 0 : i32
        %dma_wait3A_3038 = arith.constant 0 : i32
        %dma_wait3A_3039 = tpu.memref_slice %arg13[%scan3A_282, %dma_wait3A_3037, %dma_wait3A_3038] : memref<4x128x128xf32, #tpu.memory_space<vmem>> -> memref<1x16x128xf32, #tpu.memory_space<vmem>>
        %dma_wait3A_3040 = tpu.memref_squeeze %dma_wait3A_3039 : memref<1x16x128xf32, #tpu.memory_space<vmem>> -> memref<16x128xf32, #tpu.memory_space<vmem>>
        %dma_wait3A_3041 = arith.constant 0 : i32
        %dma_wait3A_3042 = tpu.memref_slice %arg10[%add3A_298, %dma_wait3A_3041] : memref<5120x128xf32, #tpu.memory_space<vmem_shared>> -> memref<16x128xf32, #tpu.memory_space<vmem_shared>>
        %dma_wait3A_3043 = arith.constant 0 : i32
        %dma_wait3A_3044 = tpu.memref_slice %arg10[%add3A_298, %dma_wait3A_3043] : memref<5120x128xf32, #tpu.memory_space<vmem_shared>> -> memref<16x128xf32, #tpu.memory_space<vmem_shared>>
        %dma_wait3A_3045 = arith.constant 0 : i32
        %dma_wait3A_3046 = arith.constant 0 : i32
        %dma_wait3A_3047 = tpu.memref_slice %arg13[%scan3A_282, %dma_wait3A_3045, %dma_wait3A_3046] : memref<4x128x128xf32, #tpu.memory_space<vmem>> -> memref<1x16x128xf32, #tpu.memory_space<vmem>>
        %dma_wait3A_3048 = tpu.memref_squeeze %dma_wait3A_3047 : memref<1x16x128xf32, #tpu.memory_space<vmem>> -> memref<16x128xf32, #tpu.memory_space<vmem>>
        tpu.wait_dma2 semaphore(%run_scoped3A : memref<!tpu.dma_semaphore, #tpu.memory_space<semaphore_mem>>) src(%dma_wait3A_3048 : memref<16x128xf32, #tpu.memory_space<vmem>>) dst(%dma_wait3A_3044 : memref<16x128xf32, #tpu.memory_space<vmem_shared>>)
        tpu.yield
      }) : () -> ()
    }
    %scan3A_287 = arith.constant 20 : i32
    "tpu.trace_stop"() : () -> ()
    %mul3A_288 = arith.constant 5120 : i32
    %mul3A_289 = arith.muli %arg0, %mul3A_288 : i32
    %add3A_290 = arith.addi %mul3A_289, %mul3A_281 : i32
    "tpu.region"() ({
      %run_scoped3A = tpu.sem_alloc : memref<!tpu.dma_semaphore, #tpu.memory_space<semaphore_mem>>
      %dma_start3A_291 = arith.constant 0 : i32
      %dma_start3A_292 = tpu.memref_slice %arg9[%add3A_290, %dma_start3A_291] : memref<10240x128xf32, #tpu.memory_space<hbm>> -> memref<320x128xf32, #tpu.memory_space<hbm>>
      %dma_start3A_293 = arith.constant 0 : i32
      %dma_start3A_294 = tpu.memref_slice %arg10[%mul3A_281, %dma_start3A_293] : memref<5120x128xf32, #tpu.memory_space<vmem_shared>> -> memref<320x128xf32, #tpu.memory_space<vmem_shared>>
      tpu.enqueue_dma source(%dma_start3A_294 : memref<320x128xf32, #tpu.memory_space<vmem_shared>>) target(%dma_start3A_292 : memref<320x128xf32, #tpu.memory_space<hbm>>) target_semaphore(%run_scoped3A : memref<!tpu.dma_semaphore, #tpu.memory_space<semaphore_mem>>)
      %dma_wait3A_295 = arith.constant 0 : i32
      %dma_wait3A_296 = tpu.memref_slice %arg9[%add3A_290, %dma_wait3A_295] : memref<10240x128xf32, #tpu.memory_space<hbm>> -> memref<320x128xf32, #tpu.memory_space<hbm>>
      %dma_wait3A_297 = arith.constant 0 : i32
      %dma_wait3A_298 = tpu.memref_slice %arg10[%mul3A_281, %dma_wait3A_297] : memref<5120x128xf32, #tpu.memory_space<vmem_shared>> -> memref<320x128xf32, #tpu.memory_space<vmem_shared>>
      tpu.wait_dma2 semaphore(%run_scoped3A : memref<!tpu.dma_semaphore, #tpu.memory_space<semaphore_mem>>) src(%dma_wait3A_298 : memref<320x128xf32, #tpu.memory_space<vmem_shared>>) dst(%dma_wait3A_296 : memref<320x128xf32, #tpu.memory_space<hbm>>)
      tpu.yield
    }) : () -> ()
    return
  }
}

module attributes {stable_mosaic.version = 14 : i64} {
  func.func @_mm_body(%arg0: i32, %arg1: i32, %arg2: memref<2000x256xf32, #tpu.memory_space<vmem>>, %arg3: memref<256x128xf32, #tpu.memory_space<vmem>>, %arg4: memref<1x2000x128xf32, #tpu.memory_space<vmem>>) attributes {dimension_semantics = [#tpu.dimension_semantics<arbitrary>, #tpu.dimension_semantics<arbitrary>], iteration_bounds = array<i64: 5, 2>, scalar_prefetch = 0 : i64, scratch_operands = 0 : i64, tpu.core_type = #tpu.core_type<tc>, window_params = [{transform_indices = @transform_0, window_bounds = array<i64: 2000, 256>}, {transform_indices = @transform_1, window_bounds = array<i64: 256, 128>}, {transform_indices = @transform_2, window_bounds = array<i64: 1, 2000, 128>}]} {
    %get3A = arith.constant 0 : index
    %get3A_0 = arith.constant 0 : index
    %get3A_1 = vector.load %arg2[%get3A, %get3A_0] : memref<2000x256xf32, #tpu.memory_space<vmem>>, vector<2000x256xf32>
    %get3A_2 = arith.constant 0 : index
    %get3A_3 = arith.constant 0 : index
    %get3A_4 = vector.load %arg3[%get3A_2, %get3A_3] : memref<256x128xf32, #tpu.memory_space<vmem>>, vector<256x128xf32>
    %dot_general3A = arith.constant dense<0.000000e+00> : vector<2000x128xf32>
    %dot_general3A_5 = tpu.matmul %get3A_1, %get3A_4, %dot_general3A {dimension_numbers = #tpu.dot_dimension_numbers<[1], [0], [0], [1], [0, 0, 1, 1], [], []>, transpose_lhs_hint = false} : vector<2000x256xf32>, vector<256x128xf32>, vector<2000x128xf32> -> vector<2000x128xf32>
    %swap3A = arith.constant 0 : index
    %swap3A_6 = arith.constant 0 : index
    %swap3A_7 = arith.constant 0 : index
    %swap3A_8 = vector.load %arg4[%swap3A, %swap3A_6, %swap3A_7] : memref<1x2000x128xf32, #tpu.memory_space<vmem>>, vector<1x2000x128xf32>
    %swap3A_9 = vector.shape_cast %swap3A_8 : vector<1x2000x128xf32> to vector<2000x128xf32>
    %swap3A_10 = vector.shape_cast %dot_general3A_5 : vector<2000x128xf32> to vector<1x2000x128xf32>
    tpu.vector_store %arg4[%swap3A, %swap3A_6, %swap3A_7], %swap3A_10 {strides = array<i32>} : memref<1x2000x128xf32, #tpu.memory_space<vmem>>, vector<1x2000x128xf32>,
    return
  }
  func.func @transform_0(%arg0: i32, %arg1: i32) -> (i32, i32) {
    %c0_i32 = arith.constant 0 : i32
    %c0_i32_0 = arith.constant 0 : i32
    return %arg0, %c0_i32 : i32, i32
  }
  func.func @transform_1(%arg0: i32, %arg1: i32) -> (i32, i32) {
    %c0_i32 = arith.constant 0 : i32
    %c0_i32_0 = arith.constant 0 : i32
    return %c0_i32, %arg1 : i32, i32
  }
  func.func @transform_2(%arg0: i32, %arg1: i32) -> (i32, i32, i32) {
    %c0_i32 = arith.constant 0 : i32
    %c0_i32_0 = arith.constant 0 : i32
    return %arg1, %arg0, %c0_i32 : i32, i32, i32
  }
}

module attributes {stable_mosaic.version = 14 : i64} {
  func.func @_norm_body(%arg0: i32, %arg1: memref<2x2000x128xf32, #tpu.memory_space<vmem>>, %arg2: memref<2000x1xf32, #tpu.memory_space<vmem>>, %arg3: memref<2000x256xf32, #tpu.memory_space<vmem>>) attributes {dimension_semantics = [#tpu.dimension_semantics<arbitrary>], iteration_bounds = array<i64: 5>, scalar_prefetch = 0 : i64, scratch_operands = 0 : i64, tpu.core_type = #tpu.core_type<tc>, window_params = [{transform_indices = @transform_0, window_bounds = array<i64: 2, 2000, 128>}, {transform_indices = @transform_1, window_bounds = array<i64: 2000, 1>}, {transform_indices = @transform_2, window_bounds = array<i64: 2000, 256>}]} {
    %get3A = arith.constant 0 : index
    %get3A_0 = arith.constant 0 : index
    %get3A_1 = arith.constant 0 : index
    %get3A_2 = vector.load %arg1[%get3A, %get3A_0, %get3A_1] : memref<2x2000x128xf32, #tpu.memory_space<vmem>>, vector<1x2000x128xf32>
    %get3A_3 = vector.shape_cast %get3A_2 : vector<1x2000x128xf32> to vector<2000x128xf32>
    %get3A_4 = arith.constant 0 : index
    %get3A_5 = arith.constant 0 : index
    %get3A_6 = vector.load %arg2[%get3A_4, %get3A_5] : memref<2000x1xf32, #tpu.memory_space<vmem>>, vector<2000x1xf32>
    %mul3A = vector.broadcast %get3A_6 : vector<2000x1xf32> to vector<2000x128xf32>
    %mul3A_7 = arith.mulf %get3A_3, %mul3A : vector<2000x128xf32>
    %get3A_8 = arith.constant 1 : index
    %get3A_9 = arith.constant 0 : index
    %get3A_10 = arith.constant 0 : index
    %get3A_11 = vector.load %arg1[%get3A_8, %get3A_9, %get3A_10] : memref<2x2000x128xf32, #tpu.memory_space<vmem>>, vector<1x2000x128xf32>
    %get3A_12 = vector.shape_cast %get3A_11 : vector<1x2000x128xf32> to vector<2000x128xf32>
    %get3A_13 = arith.constant 0 : index
    %get3A_14 = arith.constant 0 : index
    %get3A_15 = vector.load %arg2[%get3A_13, %get3A_14] : memref<2000x1xf32, #tpu.memory_space<vmem>>, vector<2000x1xf32>
    %mul3A_16 = vector.broadcast %get3A_15 : vector<2000x1xf32> to vector<2000x128xf32>
    %mul3A_17 = arith.mulf %get3A_12, %mul3A_16 : vector<2000x128xf32>
    %mul3A_18 = arith.mulf %mul3A_7, %mul3A_7 : vector<2000x128xf32>
    %reduce_sum3A = arith.constant dense<0.000000e+00> : vector<2000xf32>
    %reduce_sum3A_19 = vector.multi_reduction <add>, %mul3A_18, %reduce_sum3A [1] : vector<2000x128xf32> to vector<2000xf32>
    %broadcast_in_dim3A = vector.shape_cast %reduce_sum3A_19 : vector<2000xf32> to vector<2000x1xf32>
    %mul3A_20 = arith.mulf %mul3A_17, %mul3A_17 : vector<2000x128xf32>
    %reduce_sum3A_21 = arith.constant dense<0.000000e+00> : vector<2000xf32>
    %reduce_sum3A_22 = vector.multi_reduction <add>, %mul3A_20, %reduce_sum3A_21 [1] : vector<2000x128xf32> to vector<2000xf32>
    %broadcast_in_dim3A_23 = vector.shape_cast %reduce_sum3A_22 : vector<2000xf32> to vector<2000x1xf32>
    %add3A = arith.addf %broadcast_in_dim3A, %broadcast_in_dim3A_23 : vector<2000x1xf32>
    %sqrt3A = math.sqrt %add3A : vector<2000x1xf32>
    %gt3A = arith.constant 0.000000e+00 : f32
    %gt3A_24 = vector.broadcast %gt3A : f32 to vector<2000x1xf32>
    %gt3A_25 = arith.cmpf ogt, %sqrt3A, %gt3A_24 : vector<2000x1xf32>
    %div3A = arith.constant 1.000000e+00 : f32
    %div3A_26 = vector.broadcast %div3A : f32 to vector<2000x1xf32>
    %div3A_27 = arith.divf %div3A_26, %sqrt3A : vector<2000x1xf32>
    %jit3A = arith.constant 0.000000e+00 : f32
    %broadcast_in_dim3A_28 = vector.broadcast %jit3A : f32 to vector<2000x1xf32>
    %select_n3A = arith.select %gt3A_25, %div3A_27, %broadcast_in_dim3A_28 : vector<2000x1xi1>, vector<2000x1xf32>
    %mul3A_29 = vector.broadcast %select_n3A : vector<2000x1xf32> to vector<2000x128xf32>
    %mul3A_30 = arith.mulf %mul3A_7, %mul3A_29 : vector<2000x128xf32>
    %swap3A = arith.constant 0 : index
    %swap3A_31 = arith.constant 0 : index
    %swap3A_32 = vector.load %arg3[%swap3A, %swap3A_31] : memref<2000x256xf32, #tpu.memory_space<vmem>>, vector<2000x128xf32>
    tpu.vector_store %arg3[%swap3A, %swap3A_31], %mul3A_30 {strides = array<i32>} : memref<2000x256xf32, #tpu.memory_space<vmem>>, vector<2000x128xf32>,
    %mul3A_33 = vector.broadcast %select_n3A : vector<2000x1xf32> to vector<2000x128xf32>
    %mul3A_34 = arith.mulf %mul3A_17, %mul3A_33 : vector<2000x128xf32>
    %swap3A_35 = arith.constant 0 : index
    %swap3A_36 = arith.constant 128 : index
    %swap3A_37 = vector.load %arg3[%swap3A_35, %swap3A_36] : memref<2000x256xf32, #tpu.memory_space<vmem>>, vector<2000x128xf32>
    tpu.vector_store %arg3[%swap3A_35, %swap3A_36], %mul3A_34 {strides = array<i32>} : memref<2000x256xf32, #tpu.memory_space<vmem>>, vector<2000x128xf32>,
    return
  }
  func.func @transform_0(%arg0: i32) -> (i32, i32, i32) {
    %c0_i32 = arith.constant 0 : i32
    %c0_i32_0 = arith.constant 0 : i32
    %c0_i32_1 = arith.constant 0 : i32
    return %c0_i32, %arg0, %c0_i32_0 : i32, i32, i32
  }
  func.func @transform_1(%arg0: i32) -> (i32, i32) {
    %c0_i32 = arith.constant 0 : i32
    %c0_i32_0 = arith.constant 0 : i32
    return %arg0, %c0_i32 : i32, i32
  }
  func.func @transform_2(%arg0: i32) -> (i32, i32) {
    %c0_i32 = arith.constant 0 : i32
    %c0_i32_0 = arith.constant 0 : i32
    return %arg0, %c0_i32 : i32, i32
  }
}

</mosaic_0001>

<sc_bundles>
// kernel: kernel.6.cloned.1.call-start
scs
__scs_entry_jumppad:
0x0: {  	(pc) =	sbr.rel $0x88, $3  }
0x1: {  	(tag) =	ssettag $0x0;
	lr =	simm.s32 $0x1  }
0x2: {  	[smem:$0x3F9B] =	sst lr;
	_ =	strace $0xD0000000  }
0x3: {  	_ = 	snop  }
0x4: {  	_ = 	snop  }
0x5: {  	_ = 	snop  }
0x6: {  	_ = 	snop  }
0x7: {  	_ = 	snop  }
__scs_overlays_trampoline_lowered:
0x8: {  	[smem:$0x3FAA] =	sst s0  }
0x9: {  	[smem:$0x3FAB] =	sst s1  }
0xa: {  	[smem:$0x3FAC] =	sst s2  }
0xb: {  	[smem:$0x3FAD] =	sst s3  }
0xc: {  	[smem:$0x3FAE] =	sst s4  }
0xd: {  	[smem:$0x3FAF] =	sst s5  }
0xe: {  	[smem:$0x3FB0] =	sst s6  }
0xf: {  	[smem:$0x3FB1] =	sst s7  }
0x10: {  	[smem:$0x3FB2] =	sst s8  }
0x11: {  	[smem:$0x3FB3] =	sst s9;
	s0 =	simm.s32 @!p0 $0x0  }
0x12: {  	s1 =	sld [smem:$0x3F99];
	s0 =	simm.s32 @p0 $0x1  }
0x13: {  	[smem:$0x3FB4] =	sst s0;
	s0 =	simm.s32 @!p1 $0x0  }
0x14: {  	s2 =	sld [smem:$0x3F98];
	s0 =	simm.s32 @p1 $0x1  }
0x15: {  	[smem:$0x3FB5] =	sst s0;
	s0 =	simm.s32 @!p2 $0x0  }
0x16: {  	s3 =	sld [smem:$0x3FDB];
	s0 =	simm.s32 @p2 $0x1  }
0x17: {  	s4 =	simm.s32 $0x1BF5;
	[smem:$0x3FB7] =	sst s0  }
0x18: {  	s0 =	sld [smem:$0x3F9A];
	_ =	swait.ge [sflag:s4], $0x0  }
0x19: {  	s7 =	sld [smem:$0x3F9B]  }
0x1a: {  	s8 =	sadd.s32 $0xFFFFE003, lr  }
0x1b: {  	s9 =	sadd.s32 $0xFFFFFEF7, lr;
	s5 =	simm.s32 $0xFFFFFFFF;
	p2 =	slt.u32 s8, $0xFFFFF086  }
0x1c: {  	p1 =	slt.u32 s9, $0xF7A;
	s5 =	simm.s32 @!p2 $0x0  }
0x1d: {  	s5 =	simm.s32 @p1 $0x1;
	p0 =	seq.s32 s7, s2  }
0x1e: {  	s7 =	smul.u32 @!p0 $0xF7A, s2;
	p2 =	seq.s32 @!p0 s5, $0x0  }
0x1f: {  	s9 =	smul.u32 $0xF7A, s1;
	s8 =	simm.s32 @!p0 $0x1BF5;
	p2 =	por !p2, p0  }
0x20: {  	[sflag:s8] =	ssyncset.s32 @!p0 $0xFFFFF086;
	s6 =	sadd.s32 @!p0 s3, s7;
	s7 =	simm.s32 @!p0 $0x108  }
0x21: {  	s3 =	sadd.s32 s3, s9;
	s6 =	sadd.s32 @!p0 $0x88, s6;
	s7 =	simm.s32 @p2 $0x1082  }
0x22: {  	[simem:s7], [sflag:s8] =	dma.local @!p0 [hbm:s6], $0xF7A  }
0x23: {  	s9 =	sor.u32 $0xD0000000, s2;
	s6 =	simm.s32 $0x108;
	_ =	swait.ge @!p0 [sflag:s8], $0x0  }
0x24: {  	s3 =	sadd.s32 $0x88, s3;
	s6 =	simm.s32 @!p1 $0x1082;
	[sflag:s4] =	ssyncset.s32 $0xFFFFF086  }
0x25: {  	[simem:s6], [sflag:s4] =	dma.local [hbm:s3], $0xF7A  }
0x26: {  	[smem:$0x3F9B] =	sst s1;
	(tag) =	ssettag s2;
	_ =	strace s9  }
0x27: {  	s1 =	sld [smem:$0x3FAB]  }
0x28: {  	s2 =	sld [smem:$0x3FAC]  }
0x29: {  	s4 =	sld [smem:$0x3FAE]  }
0x2a: {  	p0 =	seq.s32 s5, $0x0;
	s5 =	sld [smem:$0x3FAF]  }
0x2b: {  	s6 =	sld [smem:$0x3FB0]  }
0x2c: {  	s7 =	sld [smem:$0x3FB1]  }
0x2d: {  	s3 =	simm.s32 $0x108;
	s8 =	sld [smem:$0x3FB2]  }
0x2e: {  	s3 =	simm.s32 @!p0 $0x1082;
	s9 =	sld [smem:$0x3FB3]  }
0x2f: {  	lr =	sadd.s32 s0, s3;
	s0 =	sld [smem:$0x3FAA]  }
0x30: {  	s3 =	sld [smem:$0x3FAD]  }
0x31: {  	[smem:$0x3FB6] =	sst s10  }
0x32: {  	s10 =	sld [smem:$0x3FB4];
	_ =	sdelay $0x3  }
0x33: {  	p0 =	seq.s32 s10, $0x1;
	s10 =	sld [smem:$0x3FB6];
	_ =	sdelay $0x3  }
0x34: {  	[smem:$0x3FB6] =	sst s10  }
0x35: {  	s10 =	sld [smem:$0x3FB5];
	_ =	sdelay $0x3  }
0x36: {  	p1 =	seq.s32 s10, $0x1;
	s10 =	sld [smem:$0x3FB6];
	_ =	sdelay $0x3  }
0x37: {  	[smem:$0x3FB6] =	sst s10  }
0x38: {  	s10 =	sld [smem:$0x3FB7]  }
0x39: {  	_ = 	snop;
	(pc) =	sbr.ind lr, $3  }
0x3a: {  	_ = 	snop  }
0x3b: {  	_ = 	snop  }
0x3c: {  	p2 =	seq.s32 s10, $0x1;
	s10 =	sld [smem:$0x3FB6]  }
0x3d: {  	_ =	shalt  }
0x3e: {  	_ =	shalt  }
0x3f: {  	_ =	shalt  }
0x40: {  	_ =	shalt  }
0x41: {  	_ =	shalt  }
0x42: {  	_ =	shalt  }
0x43: {  	_ =	shalt  }
0x44: {  	_ =	shalt  }
0x45: {  	_ =	shalt  }
0x46: {  	_ =	shalt  }
0x47: {  	_ =	shalt  }
0x48: {  	_ =	shalt  }
0x49: {  	_ =	shalt  }
0x4a: {  	_ =	shalt  }
0x4b: {  	_ =	shalt  }
0x4c: {  	_ =	shalt  }
0x4d: {  	_ =	shalt  }
0x4e: {  	_ =	shalt  }
0x4f: {  	_ =	shalt  }
0x50: {  	_ =	shalt  }
0x51: {  	_ =	shalt  }
0x52: {  	_ =	shalt  }
0x53: {  	_ =	shalt  }
0x54: {  	_ =	shalt  }
0x55: {  	_ =	shalt  }
0x56: {  	_ =	shalt  }
0x57: {  	_ =	shalt  }
0x58: {  	_ =	shalt  }
0x59: {  	_ =	shalt  }
0x5a: {  	_ =	shalt  }
0x5b: {  	_ =	shalt  }
0x5c: {  	_ =	shalt  }
0x5d: {  	_ =	shalt  }
0x5e: {  	_ =	shalt  }
0x5f: {  	_ =	shalt  }
0x60: {  	_ =	shalt  }
0x61: {  	_ =	shalt  }
0x62: {  	_ =	shalt  }
0x63: {  	_ =	shalt  }
0x64: {  	_ =	shalt  }
0x65: {  	_ =	shalt  }
0x66: {  	_ =	shalt  }
0x67: {  	_ =	shalt  }
0x68: {  	_ =	shalt  }
0x69: {  	_ =	shalt  }
0x6a: {  	_ =	shalt  }
0x6b: {  	_ =	shalt  }
0x6c: {  	_ =	shalt  }
0x6d: {  	_ =	shalt  }
0x6e: {  	_ =	shalt  }
0x6f: {  	_ =	shalt  }
0x70: {  	_ =	shalt  }
0x71: {  	_ =	shalt  }
0x72: {  	_ =	shalt  }
0x73: {  	_ =	shalt  }
0x74: {  	_ =	shalt  }
0x75: {  	_ =	shalt  }
0x76: {  	_ =	shalt  }
0x77: {  	_ =	shalt  }
0x78: {  	_ =	shalt  }
0x79: {  	_ =	shalt  }
0x7a: {  	_ =	shalt  }
0x7b: {  	_ =	shalt  }
0x7c: {  	_ =	shalt  }
0x7d: {  	_ =	shalt  }
0x7e: {  	_ =	shalt  }
0x7f: {  	_ =	shalt  }
0x80: {  	_ =	shalt  }
0x81: {  	_ =	shalt  }
0x82: {  	_ =	shalt  }
0x83: {  	_ =	shalt  }
0x84: {  	_ =	shalt  }
0x85: {  	_ =	shalt  }
0x86: {  	_ =	shalt  }
0x87: {  	_ =	shalt  }
.Lfunc_end0:
.L_simem_size_0:
called_computation_lowered:
.L_overlay_start_0:
0x88: {  	s2 =	sld [smem:$0x3FD9]  }
0x89: {  	s3 =	sld [smem:$0x3FFE];
	_ =	sdelay $0x1  }
0x8a: {  	s1 =	srdreg.scid  }
0x8b: {  	s0 =	sand.u32 $0x1, s1  }
0x8c: {  	s17 =	sshll.u32 s0, $0xA;
	s2 =	sadd.s32 s3, s2  }
0x8d: {  	s2 =	sadd.s32 s2, s17  }
0x8e: {  	[smem:$0x3FC2] =	sst s2  }
0x8f: {  	_ = 	snop  }
0x90: {  	s2 =	sld [smem:$0x3FD0];
	(tm) =	ssettm $0x1  }
0x91: {  	s18 =	sld [smem:$0x3FFB];
	_ =	sdelay $0x3  }
0x92: {  	_ =	strace s18  }
0x93: {  	s3 =	sld [smem:$0x3FFC];
	_ =	sdelay $0x3  }
0x94: {  	_ =	strace s3  }
0x95: {  	s3 =	sld [smem:$0x3FFD];
	_ =	sdelay $0x3  }
0x96: {  	_ =	strace s3  }
0x97: {  	_ =	strace $0x8FFFFFFF  }
0x98: {  	s19 =	sld [smem:$0x3FDB];
	_ =	sdelay $0x1  }
0x99: {  	s4 =	simm.s32 $_scs_section_size  }
0x9a: {  	s5 =	simm.s32 $_size__tile_overlayer_lowered;
	s6 =	simm.s32 $_tile_overlayer_lowered  }
0x9b: {  	s22 =	simm.s32 $0x1BFF;
	s21 =	sshll.u32 s6, $0x1;
	s3 =	sadd.s32 s4, s19  }
0x9c: {  	s7 =	simm.s32 $0x0;
	s20 =	sshll.u32 s5, $0x1;
	s5 =	sadd.s32 s21, s3  }
0x9d: {  	[timem:s7], [sflag:s22] =	dma.local [hbm:s5], s20  }
0x9e: {  	_ =	swait.ge [sflag:s22], s20  }
0x9f: {  	s4 =	ssub.s32 $0x0, s20;
	[sflag:s22] =	ssyncset.done $0x0  }
0xa0: {  	[sflag:s22] =	ssyncadd.s32 s4;
	_ =	sdelay $0x1  }
0xa1: {  	s23 =	simm.s32 $0x1B8B  }
0xa2: {  	_ =	swait.ge [sflag:s23], $0x1  }
0xa3: {  	[sflag:s23] =	ssyncset.done $0x0  }
0xa4: {  	s25 =	simm.s32 $0x1B8E;
	s24 =	sld [smem:$0x3FFE];
	[sflag:s23] =	ssyncadd.s32 $0xFFFFFFFF  }
0xa5: {  	s26 =	simm.s32 $execute0_lowered;
	[smem:$0x3FD2] =	sst s25  }
0xa6: {  	s5 =	sshll.u32 s26, $0x1;
	_ =	strace $0x80000046;
	[dreg:$0x1] =	wrdreg $0xFFFFFFFF  }
0xa7: {  	s28 =	simm.s32 $_size_execute0_lowered;
	s3 =	sadd.s32 s3, s5;
	[dreg:$0x0] =	wrdreg $0x0  }
0xa8: {  	s5 =	sshll.u32 s28, $0x1;
	[dreg:$0x2] =	wrdreg s3  }
0xa9: {  	[dreg:$0x3] =	wrdreg s5  }
0xaa: {  	[dreg:$0x4] =	wrdreg $0xC0  }
0xab: {  	_ =	task [dreg:s7], $0x5FFFF  }
0xac: {  	[dreg:$0x1] =	wrdreg $0xFFFFFFFF  }
0xad: {  	[dreg:$0x0] =	wrdreg $0x60  }
0xae: {  	[dreg:$0x2] =	wrdreg s2  }
0xaf: {  	[dreg:$0x3] =	wrdreg s24  }
0xb0: {  	[dreg:$0x4] =	wrdreg $0x0  }
0xb1: {  	[dreg:$0x5] =	wrdreg $0xA0000  }
0xb2: {  	[dreg:$0x6] =	wrdreg $0x9  }
0xb3: {  	_ =	task.clear_ibuf [dreg:s7], $0x7FFFF;
	_ =	strace $0x90000046  }
0xb4: {  	s29 =	simm.s32 $0x9;
	_ =	strace $0x8000004A  }
0xb5: {  	_ =	swait.ge [sflag:s29], $0x1  }
0xb6: {  	[sflag:s29] =	ssyncadd.s32 $0xFFFFFFFF  }
0xb7: {  	_ =	strace $0x9000004A  }
0xb8: {  	_ =	sfence  }
0xb9: {  	s30 =	sld [smem:$0x0];
	_ =	sdelay $0x2  }
0xba: {  	s31 =	sshll.u32 s1, $0xD;
	s1 =	sshrl.u32 s1, $0x2  }
0xbb: {  	s3 =	sand.u32 $0x4000, s31;
	s1 =	sadd.s32 s1, s30  }
0xbc: {  	s0 =	sor.u32 s3, s0;
	s1 =	sshll.u32 s1, $0x11  }
0xbd: {  	s0 =	sor.u32 s1, s0  }
0xbe: {  	s0 =	sadd.s32 $0x8F2B, s0  }
0xbf: {  	[sflag:s0] =	ssyncadd.remote.s32 $0x1  }
0xc0: {  	_ =	sfence.sel $0xFFFF  }
0xc1: {  	[dreg:$0x0] =	wrdreg $0xFFFFFFFF;
	(pc) =	sbr.abs _section_cstart, $3  }
0xc2: {  	[dreg:$0x1] =	wrdreg $0xFFFFFFFF  }
0xc3: {  	_ =	task.clear_ibuf [dreg:s7], $0x2FFFF;
	_ =	strace $0x9FFFFFFF  }
0xc4: {  	(tm) =	ssettm $0x7FFFFFFF  }
0xc5: {  	_ =	shalt  }
tec
execute0_lowered:
.L_overlay_start_1:
0x0: {  	(tag) =	ssettag $0x1  }
0x1: {  	s1 =	rddreg [dreg:$0x0]  }
0x2: {  	s0 =	rddreg [dreg:$0x1]  }
0x3: {  	s2 =	rddreg [dreg:$0x2]  }
0x4: {  	s4 =	rddreg [dreg:$0x3]  }
0x5: {  	s5 =	simm.s32 $0x0;
	s14 =	stileid.u32;
	s7 =	srdreg.scid  }
0x6: {  	s28 =	simm.s32 $0x1A740;
	s29 =	simm.s32 $0x9;
	s30 =	simm.s32 $0x1A540  }
0x7: {  	[smem:$0x7FF] =	sst s5;
	s3 =	smul.u32 $0x140, s14;
	s6 =	sadd.s32 $0x1800, s0  }
0x8: {  	s8 =	sand.u32 $0x1, s7;
	s7 =	sadd.s32 $0xB800, s0;
	s11 =	sadd.s32 $0x10C00, s0  }
0x9: {  	s12 =	sadd.s32 $0x13400, s0;
	_ =	strace $0x80000047;
	[dreg:$0x5] =	wrdreg s11  }
0xa: {  	s13 =	sadd.s32 $0x13600, s0;
	s22 =	smul.u32 $0x500, s14;
	[dreg:$0x6] =	wrdreg s12  }
0xb: {  	s10 =	smul.u32 $0x1400, s8;
	[dreg:$0x7] =	wrdreg s13;
	s15 =	sshll.u32 s8, $0x4  }
0xc: {  	s12 =	smul.u32 $0x28000, s14;
	s8 =	ssub.s32 $0x2, s8;
	s9 =	sshrl.u32 s3, $0x3  }
0xd: {  	s11 =	sor.u32 s14, s15;
	s16 =	sshrl.u32 s8, $0x1;
	s15 =	simm.s32 $0x3  }
0xe: {  	s9 =	sadd.s32 s9, s0;
	s10 =	sadd.s32 s3, s10;
	s11 =	smul.u32 $0x2800, s11  }
0xf: {  	s13 =	sshrl.u32 s12, $0x2;
	s12 =	smul.u32 $0x2800, s14;
	s8 =	ssub.s32 s8, s16  }
0x10: {  	s3 =	sadd.s32 s3, s4;
	s14 =	simm.s32 $0xA2C0;
	s16 =	simm.s32 $0x4  }
0x11: {  	s10 =	sshll.u32 s10, $0x4;
	[dreg:$0x9] =	wrdreg s3;
	s9 =	sadd.s32 $0x10800, s9  }
0x12: {  	s21 =	sadd.s32 s13, s2;
	s26 =	smax.u32 s8, $0x1;
	[dreg:$0x11] =	wrdreg s9  }
0x13: {  	s3 =	sshrl.u32 s22, $0x2;
	s17 =	sshrl.u32 s11, $0x3;
	[dreg:$0x13] =	wrdreg s26  }
0x14: {  	s0 =	sadd.s32 s10, s0;
	[dreg:$0x8] =	wrdreg s21;
	s10 =	sadd.s32 s6, s17  }
0x15: {  	s18 =	sshrl.u32 s12, $0x3;
	s0 =	sadd.s32 $0x13800, s0;
	[dreg:$0xa] =	wrdreg s10  }
0x16: {  	s8 =	simm.s32 $0xA3C0;
	s19 =	sadd.s32 s7, s18;
	[dreg:$0x12] =	wrdreg s0  }
0x17: {  	s13 =	simm.s32 $0x0;
	s20 =	sadd.s32 $0x10, s10;
	[dreg:$0xb] =	wrdreg s19  }
0x18: {  	s9 =	simm.s32 $0x16540;
	s23 =	sadd.s32 $0x10, s19;
	[dreg:$0xc] =	wrdreg s20  }
0x19: {  	s26 =	simm.s32 $0x2;
	s24 =	sadd.s32 $0x20, s10;
	[dreg:$0xd] =	wrdreg s23  }
0x1a: {  	s17 =	simm.s32 $0xA4C0;
	s25 =	sadd.s32 $0x20, s19;
	[dreg:$0xe] =	wrdreg s24  }
0x1b: {  	s10 =	sadd.s32 $0x30, s10;
	s31 =	sadd.s32 $0x30, s19;
	[dreg:$0xf] =	wrdreg s25  }
0x1c: {  	s0 =	simm.s32 $0xA340;
	s19 =	simm.s32 $0x80;
	[dreg:$0x10] =	wrdreg s10  }
0x1d: {  	s25 =	sadd.s32 s3, s4;
	[dreg:$0x14] =	wrdreg s31;
	s10 =	simm.s32 $0xA440  }
0x1e: {  	s20 =	simm.s32 $0xA540;
	s23 =	simm.s32 $0x8;
	s24 =	simm.s32 $0x1  }
.LBB2_1:
0x1f: {  	[dreg:$0x15] =	wrdreg s13  }
0x20: {  	s3 =	rddreg [dreg:$0x7];
	s13 =	stileid.u32;
	s22 =	sshrl.u32 s21, $0x3  }
0x21: {  	[tilespmem:s28], [sflag:$0x9] =	stream.linear.gather [hbm4b:s3+s5], $0x80, $0x38;
	[tilespmem:$0x1A7C0] =	vst v63  }
0x22: {  	s18 =	sshll.u32 s13, $0x6;
	_ =	swait.ge [sflag:s29], $0x80;
	[dreg:$0x17] =	wrdreg s22  }
0x23: {  	s18 =	sor.u32 $0x1C09, s18;
	[sflag:s29] =	ssyncset.done $0x0;
	s31 =	rddreg [dreg:$0x5]  }
0x24: {  	[dreg:$0x16] =	wrdreg s18;
	[sflag:s29] =	ssyncadd.s32 $0xFFFFFF80  }
0x25: {  	[spmem:s22], [sflag:s18] =	dma.local [hbm:s31], $0x1400  }
0x26: {  	_ =	swait.ge [sflag:s29], $0x1400  }
0x27: {  	[sflag:s29] =	ssyncset.done $0x0  }
0x28: {  	s21 =	rddreg [dreg:$0x6];
	[sflag:s29] =	ssyncadd.s32 $0xFFFFEC00  }
0x29: {  	[tilespmem:s30], [sflag:$0x9] =	stream.linear.gather [hbm4b:s21+s5], $0x180, $0x38;
	[tilespmem:$0x1A7C0] =	vst v63  }
0x2a: {  	_ =	swait.ge [sflag:s29], $0x180  }
0x2b: {  	[sflag:s29] =	ssyncset.done $0x0  }
0x2c: {  	s22 =	rddreg [dreg:$0x9];
	[sflag:s29] =	ssyncadd.s32 $0xFFFFFE80  }
0x2d: {  	[spmem:s22] =	stream.linear.scatter [tilespmem:s30], [sflag:$0x9], $0x140, $0x38;
	[tilespmem:$0x1A7C0] =	vst v63  }
0x2e: {  	_ =	swait.ge [sflag:s29], $0x140  }
0x2f: {  	[sflag:s29] =	ssyncset.done $0x0  }
0x30: {  	[sflag:s29] =	ssyncadd.s32 $0xFFFFFEC0  }
0x31: {  	[bflag:$0x0] =	sbarrier.arrive $0xFFFF  }
0x32: {  	_ =	strace $0x80000048  }
0x33: {  	s13 =	simm.s32 $0xA140;
	s31 =	rddreg [dreg:$0xa]  }
0x34: {  	[tilespmem:s13], [sflag:$0x5] =	stream.linear.gather [hbm4b:s31+s5], $0x80, $0x200038;
	[tilespmem:$0x1A7C0] =	vst v63  }
0x35: {  	s18 =	rddreg [dreg:$0xb]  }
0x36: {  	[tilespmem:s0], [sflag:$0x5] =	stream.linear.gather [hbm4b:s18+s5], $0x80, $0x200038;
	[tilespmem:$0x1A7C0] =	vst v63  }
0x37: {  	s21 =	rddreg [dreg:$0xc];
	s18 =	simm.s32 $0xA1C0  }
0x38: {  	[tilespmem:s18], [sflag:$0x6] =	stream.linear.gather [hbm4b:s21+s5], $0x80, $0x200038;
	[tilespmem:$0x1A7C0] =	vst v63  }
0x39: {  	s22 =	rddreg [dreg:$0xd]  }
0x3a: {  	[tilespmem:s8], [sflag:$0x6] =	stream.linear.gather [hbm4b:s22+s5], $0x80, $0x200038;
	[tilespmem:$0x1A7C0] =	vst v63  }
0x3b: {  	s30 =	rddreg [dreg:$0xe];
	s21 =	simm.s32 $0xA240  }
0x3c: {  	[tilespmem:s21], [sflag:$0x7] =	stream.linear.gather [hbm4b:s30+s5], $0x80, $0x200038;
	[tilespmem:$0x1A7C0] =	vst v63  }
0x3d: {  	s31 =	rddreg [dreg:$0xf]  }
0x3e: {  	[tilespmem:s10], [sflag:$0x7] =	stream.linear.gather [hbm4b:s31+s5], $0x80, $0x200038;
	[tilespmem:$0x1A7C0] =	vst v63  }
0x3f: {  	s22 =	rddreg [dreg:$0x10]  }
0x40: {  	[tilespmem:s14], [sflag:$0x8] =	stream.linear.gather [hbm4b:s22+s5], $0x80, $0x200038;
	[tilespmem:$0x1A7C0] =	vst v63  }
0x41: {  	s30 =	rddreg [dreg:$0x14];
	s31 =	simm.s32 $0x5  }
0x42: {  	[tilespmem:s17], [sflag:$0x8] =	stream.linear.gather [hbm4b:s30+s5], $0x80, $0x200038;
	[tilespmem:$0x1A7C0] =	vst v63  }
0x43: {  	_ =	swait.ge [sflag:s31], $0x80  }
0x44: {  	[sflag:s31] =	ssyncset.done $0x0  }
0x45: {  	[sflag:s31] =	ssyncadd.s32 $0xFFFFFF80  }
0x46: {  	_ =	swait.ge [sflag:s31], $0x80  }
0x47: {  	[sflag:s31] =	ssyncset.done $0x0  }
0x48: {  	[sflag:s31] =	ssyncadd.s32 $0xFFFFFF80  }
0x49: {  	[tilespmem:s20], [sflag:$0x1] =	stream.indirect.gather [hbm4b:s1+s19], $0x80, s13, s19, $0x2000b8;
	[tilespmem:$0x1A7C0] =	vst v63  }
0x4a: {  	s13 =	simm.s32 $0x6  }
0x4b: {  	_ =	swait.ge [sflag:s13], $0x80  }
0x4c: {  	[sflag:s13] =	ssyncset.done $0x0  }
0x4d: {  	[sflag:s13] =	ssyncadd.s32 $0xFFFFFF80  }
0x4e: {  	_ =	swait.ge [sflag:s13], $0x80  }
0x4f: {  	[sflag:s13] =	ssyncset.done $0x0  }
0x50: {  	s22 =	simm.s32 $0xE540;
	s30 =	simm.s32 $0x7;
	[sflag:s13] =	ssyncadd.s32 $0xFFFFFF80  }
0x51: {  	[tilespmem:s22], [sflag:$0x2] =	stream.indirect.gather [hbm4b:s1+s19], $0x80, s18, s19, $0x2000b8;
	[tilespmem:$0x1A7C0] =	vst v63  }
0x52: {  	_ =	swait.ge [sflag:s30], $0x80  }
0x53: {  	[sflag:s30] =	ssyncset.done $0x0  }
0x54: {  	[sflag:s30] =	ssyncadd.s32 $0xFFFFFF80  }
0x55: {  	_ =	swait.ge [sflag:s30], $0x80  }
0x56: {  	[sflag:s30] =	ssyncset.done $0x0  }
0x57: {  	s31 =	simm.s32 $0x12540;
	[sflag:s30] =	ssyncadd.s32 $0xFFFFFF80  }
0x58: {  	[tilespmem:s31], [sflag:$0x3] =	stream.indirect.gather [hbm4b:s1+s19], $0x80, s21, s19, $0x2000b8;
	[tilespmem:$0x1A7C0] =	vst v63  }
0x59: {  	_ =	swait.ge [sflag:s23], $0x80  }
0x5a: {  	[sflag:s23] =	ssyncset.done $0x0  }
0x5b: {  	[sflag:s23] =	ssyncadd.s32 $0xFFFFFF80  }
0x5c: {  	_ =	swait.ge [sflag:s23], $0x80  }
0x5d: {  	[sflag:s23] =	ssyncset.done $0x0  }
0x5e: {  	s18 =	simm.s32 $0x380;
	[sflag:s23] =	ssyncadd.s32 $0xFFFFFF80  }
0x5f: {  	[tilespmem:s9], [sflag:$0x4] =	stream.indirect.gather [hbm4b:s1+s19], $0x80, s14, s19, $0x2000b8;
	[tilespmem:$0x1A7C0] =	vst v63  }
.LBB2_2:
0x60: {  	_ =	swait.ge [sflag:s24], $0x4000  }
0x61: {  	[sflag:s24] =	ssyncset.done $0x0  }
0x62: {  	p0 =	seq.s32 s18, $0x2980;
	[sflag:s24] =	ssyncadd.s32 $0xFFFFC000  }
0x63: {  	[spmem:s2] =	stream.indirect.scatter.add.f32 [tilespmem:s20], [sflag:$0x9], $0x80, s0, s19, $0x2000b8;
	[tilespmem:$0x1A7C0] =	vst v63  }
0x64: {  	s22 =	sadd.s32 @!p0 $0xFFFFFE80, s18;
	_ =	swait.ge [sflag:s29], $0x4000  }
0x65: {  	s31 =	sand.u32 @!p0 $0x7C00, s22;
	[sflag:s29] =	ssyncset.done $0x0  }
0x66: {  	s30 =	sand.u32 @!p0 $0x200, s22;
	s13 =	sadd.s32 @!p0 s11, s31;
	[sflag:s29] =	ssyncadd.s32 $0xFFFFC000  }
0x67: {  	[spmem:s4] =	stream.indirect.scatter.add.f32 [tilespmem:s28], [sflag:$0x9], $0x1, s0, s19, $0x2000b8;
	[tilespmem:$0x1A7C0] =	vst v63  }
0x68: {  	s13 =	sor.u32 @!p0 s30, s13;
	_ =	swait.ge [sflag:s29], $0x80  }
0x69: {  	s21 =	simm.s32 @!p0 $0xA140;
	s13 =	sshrl.u32 @!p0 s13, $0x3;
	[sflag:s29] =	ssyncset.done $0x0  }
0x6a: {  	s22 =	simm.s32 @!p0 $0x0;
	s13 =	sadd.s32 @!p0 s6, s13;
	[sflag:s29] =	ssyncadd.s32 $0xFFFFFF80  }
0x6b: {  	[tilespmem:s21], [sflag:$0x5] =	stream.linear.gather @!p0 [hbm4b:s13+s22], $0x80, $0x200038;
	[tilespmem:$0x1A7C0] =	vst v63  }
0x6c: {  	s13 =	sadd.s32 @!p0 s12, s31  }
0x6d: {  	s13 =	sor.u32 @!p0 s30, s13  }
0x6e: {  	s13 =	sshrl.u32 @!p0 s13, $0x3  }
0x6f: {  	s30 =	simm.s32 @!p0 $0xA340;
	s13 =	sadd.s32 @!p0 s7, s13  }
0x70: {  	[tilespmem:s30], [sflag:$0x5] =	stream.linear.gather @!p0 [hbm4b:s13+s22], $0x80, $0x200038;
	[tilespmem:$0x1A7C0] =	vst v63  }
0x71: {  	s13 =	simm.s32 @!p0 $0x5  }
0x72: {  	_ =	swait.ge @!p0 [sflag:s13], $0x80  }
0x73: {  	[sflag:s13] =	ssyncset.done @!p0 $0x0  }
0x74: {  	[sflag:s13] =	ssyncadd.s32 @!p0 $0xFFFFFF80  }
0x75: {  	_ =	swait.ge @!p0 [sflag:s13], $0x80  }
0x76: {  	[sflag:s13] =	ssyncset.done @!p0 $0x0  }
0x77: {  	s31 =	simm.s32 @!p0 $0x80;
	[sflag:s13] =	ssyncadd.s32 @!p0 $0xFFFFFF80;
	s13 =	simm.s32 @!p0 $0xA540  }
0x78: {  	[tilespmem:s13], [sflag:$0x1] =	stream.indirect.gather @!p0 [hbm4b:s1+s31], $0x80, s21, s31, $0x2000b8;
	[tilespmem:$0x1A7C0] =	vst v63  }
0x79: {  	_ =	swait.ge [sflag:s26], $0x4000  }
0x7a: {  	[sflag:s26] =	ssyncset.done $0x0  }
0x7b: {  	s3 =	simm.s32 $0xE540;
	[sflag:s26] =	ssyncadd.s32 $0xFFFFC000  }
0x7c: {  	[spmem:s2] =	stream.indirect.scatter.add.f32 [tilespmem:s3], [sflag:$0x9], $0x80, s8, s19, $0x2000b8;
	[tilespmem:$0x1A7C0] =	vst v63  }
0x7d: {  	s13 =	sadd.s32 @!p0 $0xFFFFFF00, s18;
	_ =	swait.ge [sflag:s29], $0x4000  }
0x7e: {  	s21 =	sand.u32 @!p0 $0x7C00, s13;
	s13 =	sand.u32 @!p0 $0x280, s13;
	[sflag:s29] =	ssyncset.done $0x0  }
0x7f: {  	s30 =	sadd.s32 @!p0 s11, s21;
	s21 =	sadd.s32 @!p0 s12, s21;
	[sflag:s29] =	ssyncadd.s32 $0xFFFFC000  }
0x80: {  	[spmem:s4] =	stream.indirect.scatter.add.f32 [tilespmem:s28], [sflag:$0x9], $0x1, s8, s19, $0x2000b8;
	[tilespmem:$0x1A7C0] =	vst v63  }
0x81: {  	s30 =	sor.u32 @!p0 s13, s30;
	s13 =	sor.u32 @!p0 s13, s21;
	_ =	swait.ge [sflag:s29], $0x80  }
0x82: {  	s30 =	sshrl.u32 @!p0 s30, $0x3;
	s3 =	simm.s32 @!p0 $0xA1C0;
	[sflag:s29] =	ssyncset.done $0x0  }
0x83: {  	s13 =	sshrl.u32 @!p0 s13, $0x3;
	s30 =	sadd.s32 @!p0 s6, s30;
	[sflag:s29] =	ssyncadd.s32 $0xFFFFFF80  }
0x84: {  	[tilespmem:s3], [sflag:$0x6] =	stream.linear.gather @!p0 [hbm4b:s30+s22], $0x80, $0x200038;
	[tilespmem:$0x1A7C0] =	vst v63  }
0x85: {  	s21 =	simm.s32 @!p0 $0xA3C0;
	s13 =	sadd.s32 @!p0 s7, s13  }
0x86: {  	[tilespmem:s21], [sflag:$0x6] =	stream.linear.gather @!p0 [hbm4b:s13+s22], $0x80, $0x200038;
	[tilespmem:$0x1A7C0] =	vst v63  }
0x87: {  	s13 =	simm.s32 @!p0 $0x6  }
0x88: {  	_ =	swait.ge @!p0 [sflag:s13], $0x80  }
0x89: {  	[sflag:s13] =	ssyncset.done @!p0 $0x0  }
0x8a: {  	[sflag:s13] =	ssyncadd.s32 @!p0 $0xFFFFFF80  }
0x8b: {  	_ =	swait.ge @!p0 [sflag:s13], $0x80  }
0x8c: {  	[sflag:s13] =	ssyncset.done @!p0 $0x0  }
0x8d: {  	[sflag:s13] =	ssyncadd.s32 @!p0 $0xFFFFFF80;
	s13 =	simm.s32 @!p0 $0xE540  }
0x8e: {  	[tilespmem:s13], [sflag:$0x2] =	stream.indirect.gather @!p0 [hbm4b:s1+s31], $0x80, s3, s31, $0x2000b8;
	[tilespmem:$0x1A7C0] =	vst v63  }
0x8f: {  	_ =	swait.ge [sflag:s15], $0x4000  }
0x90: {  	[sflag:s15] =	ssyncset.done $0x0  }
0x91: {  	s30 =	simm.s32 $0x12540;
	[sflag:s15] =	ssyncadd.s32 $0xFFFFC000  }
0x92: {  	[spmem:s2] =	stream.indirect.scatter.add.f32 [tilespmem:s30], [sflag:$0x9], $0x80, s10, s19, $0x2000b8;
	[tilespmem:$0x1A7C0] =	vst v63  }
0x93: {  	s3 =	sadd.s32 @!p0 $0xFFFFFF80, s18;
	_ =	swait.ge [sflag:s29], $0x4000  }
0x94: {  	s13 =	sand.u32 @!p0 $0x7C00, s3;
	s3 =	sand.u32 @!p0 $0x300, s3;
	[sflag:s29] =	ssyncset.done $0x0  }
0x95: {  	s21 =	sadd.s32 @!p0 s11, s13;
	s13 =	sadd.s32 @!p0 s12, s13;
	[sflag:s29] =	ssyncadd.s32 $0xFFFFC000  }
0x96: {  	[spmem:s4] =	stream.indirect.scatter.add.f32 [tilespmem:s28], [sflag:$0x9], $0x1, s10, s19, $0x2000b8;
	[tilespmem:$0x1A7C0] =	vst v63  }
0x97: {  	s21 =	sor.u32 @!p0 s3, s21;
	s3 =	sor.u32 @!p0 s3, s13;
	_ =	swait.ge [sflag:s29], $0x80  }
0x98: {  	s21 =	sshrl.u32 @!p0 s21, $0x3;
	s30 =	simm.s32 @!p0 $0xA240;
	[sflag:s29] =	ssyncset.done $0x0  }
0x99: {  	s3 =	sshrl.u32 @!p0 s3, $0x3;
	s21 =	sadd.s32 @!p0 s6, s21;
	[sflag:s29] =	ssyncadd.s32 $0xFFFFFF80  }
0x9a: {  	[tilespmem:s30], [sflag:$0x7] =	stream.linear.gather @!p0 [hbm4b:s21+s22], $0x80, $0x200038;
	[tilespmem:$0x1A7C0] =	vst v63  }
0x9b: {  	s13 =	simm.s32 @!p0 $0xA440;
	s3 =	sadd.s32 @!p0 s7, s3  }
0x9c: {  	[tilespmem:s13], [sflag:$0x7] =	stream.linear.gather @!p0 [hbm4b:s3+s22], $0x80, $0x200038;
	[tilespmem:$0x1A7C0] =	vst v63  }
0x9d: {  	s3 =	simm.s32 @!p0 $0x7  }
0x9e: {  	_ =	swait.ge @!p0 [sflag:s3], $0x80  }
0x9f: {  	[sflag:s3] =	ssyncset.done @!p0 $0x0  }
0xa0: {  	[sflag:s3] =	ssyncadd.s32 @!p0 $0xFFFFFF80  }
0xa1: {  	_ =	swait.ge @!p0 [sflag:s3], $0x80  }
0xa2: {  	[sflag:s3] =	ssyncset.done @!p0 $0x0  }
0xa3: {  	[sflag:s3] =	ssyncadd.s32 @!p0 $0xFFFFFF80;
	s3 =	simm.s32 @!p0 $0x12540  }
0xa4: {  	[tilespmem:s3], [sflag:$0x3] =	stream.indirect.gather @!p0 [hbm4b:s1+s31], $0x80, s30, s31, $0x2000b8;
	[tilespmem:$0x1A7C0] =	vst v63  }
0xa5: {  	_ =	swait.ge [sflag:s16], $0x4000  }
0xa6: {  	[sflag:s16] =	ssyncset.done $0x0  }
0xa7: {  	[sflag:s16] =	ssyncadd.s32 $0xFFFFC000  }
0xa8: {  	[spmem:s2] =	stream.indirect.scatter.add.f32 [tilespmem:s9], [sflag:$0x9], $0x80, s17, s19, $0x2000b8;
	[tilespmem:$0x1A7C0] =	vst v63  }
0xa9: {  	_ =	swait.ge [sflag:s29], $0x4000  }
0xaa: {  	[sflag:s29] =	ssyncset.done $0x0  }
.Ltmp0:
0xab: {  	[sflag:s29] =	ssyncadd.s32 $0xFFFFC000;
	(pc) =	sbr.rel @p0 .LBB2_4-.Ltmp0, $4  }
0xac: {  	[spmem:s4] =	stream.indirect.scatter.add.f32 [tilespmem:s28], [sflag:$0x9], $0x1, s17, s19, $0x2000b8;
	[tilespmem:$0x1A7C0] =	vst v63  }
0xad: {  	_ =	swait.ge [sflag:s29], $0x80  }
0xae: {  	[sflag:s29] =	ssyncset.done $0x0  }
0xaf: {  	[sflag:s29] =	ssyncadd.s32 $0xFFFFFF80  }
0xb0: {  	s3 =	sand.u32 $0x7C00, s18  }
0xb1: {  	s21 =	sand.u32 $0x380, s18;
	s13 =	sadd.s32 s11, s3  }
0xb2: {  	s3 =	sadd.s32 s12, s3;
	s13 =	sor.u32 s21, s13  }
0xb3: {  	s3 =	sor.u32 s21, s3;
	s13 =	sshrl.u32 s13, $0x3  }
0xb4: {  	s3 =	sshrl.u32 s3, $0x3;
	s13 =	sadd.s32 s6, s13  }
0xb5: {  	[tilespmem:s14], [sflag:$0x8] =	stream.linear.gather [hbm4b:s13+s5], $0x80, $0x200038;
	[tilespmem:$0x1A7C0] =	vst v63  }
0xb6: {  	s3 =	sadd.s32 s7, s3  }
0xb7: {  	[tilespmem:s17], [sflag:$0x8] =	stream.linear.gather [hbm4b:s3+s5], $0x80, $0x200038;
	[tilespmem:$0x1A7C0] =	vst v63  }
0xb8: {  	_ =	swait.ge [sflag:s23], $0x80  }
0xb9: {  	[sflag:s23] =	ssyncset.done $0x0  }
.Ltmp1:
0xba: {  	[sflag:s23] =	ssyncadd.s32 $0xFFFFFF80;
	(pc) =	sbr.rel .LBB2_2-.Ltmp1, $4  }
0xbb: {  	_ =	swait.ge [sflag:s23], $0x80  }
0xbc: {  	[sflag:s23] =	ssyncset.done $0x0  }
0xbd: {  	s18 =	sadd.s32 $0x200, s18;
	[sflag:s23] =	ssyncadd.s32 $0xFFFFFF80  }
0xbe: {  	[tilespmem:s9], [sflag:$0x4] =	stream.indirect.gather [hbm4b:s1+s19], $0x80, s14, s19, $0x2000b8;
	[tilespmem:$0x1A7C0] =	vst v63  }
.LBB2_4:
0xbf: {  	[bflag:$0x0] =	sbarrier.arrive $0xFFFF  }
0xc0: {  	_ =	strace $0x90000048  }
0xc1: {  	s22 =	simm.s32 $0x0;
	s30 =	simm.s32 $0x1A540;
	s3 =	rddreg [dreg:$0x11]  }
0xc2: {  	[tilespmem:s30], [sflag:$0x9] =	stream.linear.gather [hbm4b:s3+s22], $0x140, $0x38;
	[tilespmem:$0x1A7C0] =	vst v63  }
0xc3: {  	_ =	swait.ge [sflag:s29], $0x140  }
0xc4: {  	[sflag:s29] =	ssyncset.done $0x0  }
0xc5: {  	[sflag:s29] =	ssyncadd.s32 $0xFFFFFEC0  }
0xc6: {  	_ =	strace $0x80000049  }
0xc7: {  	s21 =	rddreg [dreg:$0x8]  }
0xc8: {  	s31 =	simm.s32 $0x1A6C0;
	s18 =	smov.u32 s21  }
.LBB2_5:
0xc9: {  	[tilespmem:s20], [sflag:$0x9] =	stream.linear.gather [spmem:s18], $0x800, $0x200038;
	[tilespmem:$0x1A7C0] =	vst v63  }
0xca: {  	_ =	swait.ge [sflag:s29], $0x800  }
0xcb: {  	s3 =	sshra.s32 s22, $0x2;
	[sflag:s29] =	ssyncset.done $0x0  }
0xcc: {  	s13 =	sadd.s32 s3, s25;
	[sflag:s29] =	ssyncadd.s32 $0xFFFFF800  }
0xcd: {  	[tilespmem:s31], [sflag:$0x9] =	stream.linear.gather [spmem:s13], $0x10, $0x200038;
	[tilespmem:$0x1A7C0] =	vst v63  }
0xce: {  	_ =	swait.ge [sflag:s29], $0x10  }
0xcf: {  	[sflag:s29] =	ssyncset.done $0x0  }
0xd0: {  	[sflag:s29] =	ssyncadd.s32 $0xFFFFFFF0  }
0xd1: {  	v0 =	vld [tilespmem:$0x1A6C0];
	_ =	sdelay $0x4  }
0xd2: {  	v0 =	vmax.f32 v0, $1.000000000e+00  }
0xd3: {  	(erf) = vrcp.f32 v0;
	_ =	sdelay $0x4  }
0xd4: {  	v11 =	vld [tilespmem:s3+$0x1A540];
	_ =	sdelay $0x3  }
0xd5: {  	v2 =	vld [tilespmem:$0xA540];
	v1 =	vpop (erf)  }
0xd6: {  	v12 =	vld [tilespmem:$0xA550];
	v0 =	vmul.f32 v1, v11  }
0xd7: {  	v3 =	vld [tilespmem:$0xA560]  }
0xd8: {  	v5 =	vld [tilespmem:$0xA570];
	v4 =	vbroadcast v0, $0x0  }
0xd9: {  	v6 =	vld [tilespmem:$0xA580]  }
0xda: {  	v7 =	vld [tilespmem:$0xA590];
	v2 =	vmul.f32 v4, v2  }
0xdb: {  	v8 =	vld [tilespmem:$0xA5A0];
	v1 =	vmul.f32 v4, v12  }
0xdc: {  	v14 =	vld [tilespmem:$0xA5B0];
	v13 =	vmul.f32 v3, v4;
	[tilespmem:$0xA540] =	vst v2  }
0xdd: {  	v16 =	vld [tilespmem:$0xA5C0];
	v15 =	vmul.f32 v5, v4;
	[tilespmem:$0xA550] =	vst v1  }
0xde: {  	v18 =	vld [tilespmem:$0xA5D0];
	v17 =	vmul.f32 v6, v4;
	[tilespmem:$0xA560] =	vst v13  }
0xdf: {  	v20 =	vld [tilespmem:$0xA5E0];
	v19 =	vmul.f32 v7, v4;
	[tilespmem:$0xA570] =	vst v15  }
0xe0: {  	v9 =	vld [tilespmem:$0xA5F0];
	v22 =	vbroadcast v0, $0x1;
	v21 =	vmul.f32 v8, v4;
	[tilespmem:$0xA580] =	vst v17  }
0xe1: {  	v24 =	vld [tilespmem:$0xA600];
	v23 =	vmul.f32 v14, v4;
	[tilespmem:$0xA590] =	vst v19  }
0xe2: {  	v26 =	vld [tilespmem:$0xA610];
	v25 =	vmul.f32 v16, v22;
	[tilespmem:$0xA5A0] =	vst v21  }
0xe3: {  	v28 =	vld [tilespmem:$0xA620];
	v27 =	vmul.f32 v18, v22;
	[tilespmem:$0xA5B0] =	vst v23  }
0xe4: {  	v30 =	vld [tilespmem:$0xA630];
	v29 =	vmul.f32 v20, v22;
	[tilespmem:$0xA5C0] =	vst v25  }
0xe5: {  	v32 =	vld [tilespmem:$0xA640];
	v31 =	vmul.f32 v9, v22;
	[tilespmem:$0xA5D0] =	vst v27  }
0xe6: {  	v34 =	vld [tilespmem:$0xA650];
	v33 =	vmul.f32 v24, v22;
	[tilespmem:$0xA5E0] =	vst v29  }
0xe7: {  	v36 =	vld [tilespmem:$0xA660];
	v35 =	vmul.f32 v26, v22;
	[tilespmem:$0xA5F0] =	vst v31  }
0xe8: {  	v39 =	vld [tilespmem:$0xA670];
	v38 =	vbroadcast v0, $0x2;
	v37 =	vmul.f32 v28, v22;
	[tilespmem:$0xA600] =	vst v33  }
0xe9: {  	v41 =	vld [tilespmem:$0xA680];
	v40 =	vmul.f32 v30, v22;
	[tilespmem:$0xA610] =	vst v35  }
0xea: {  	v43 =	vld [tilespmem:$0xA690];
	v42 =	vmul.f32 v32, v38;
	[tilespmem:$0xA620] =	vst v37  }
0xeb: {  	v45 =	vld [tilespmem:$0xA6A0];
	v44 =	vmul.f32 v34, v38;
	[tilespmem:$0xA630] =	vst v40  }
0xec: {  	v47 =	vld [tilespmem:$0xA6B0];
	v46 =	vmul.f32 v36, v38;
	[tilespmem:$0xA640] =	vst v42  }
0xed: {  	v49 =	vld [tilespmem:$0xA6C0];
	v48 =	vmul.f32 v39, v38;
	[tilespmem:$0xA650] =	vst v44  }
0xee: {  	v51 =	vld [tilespmem:$0xA6D0];
	v50 =	vmul.f32 v41, v38;
	[tilespmem:$0xA660] =	vst v46  }
0xef: {  	v53 =	vld [tilespmem:$0xA6E0];
	v52 =	vmul.f32 v43, v38;
	[tilespmem:$0xA670] =	vst v48  }
0xf0: {  	v56 =	vld [tilespmem:$0xA6F0];
	v55 =	vbroadcast v0, $0x3;
	v54 =	vmul.f32 v45, v38;
	[tilespmem:$0xA680] =	vst v50  }
0xf1: {  	v58 =	vld [tilespmem:$0xA700];
	v57 =	vmul.f32 v47, v38;
	[tilespmem:$0xA690] =	vst v52  }
0xf2: {  	v60 =	vld [tilespmem:$0xA710];
	v59 =	vmul.f32 v49, v55;
	[tilespmem:$0xA6A0] =	vst v54  }
0xf3: {  	v62 =	vld [tilespmem:$0xA720];
	v61 =	vmul.f32 v51, v55;
	[tilespmem:$0xA6B0] =	vst v57  }
0xf4: {  	v63 =	vmul.f32 v53, v55;
	v12 =	vld [tilespmem:$0xA730];
	[tilespmem:$0xA6C0] =	vst v59  }
0xf5: {  	v14 =	vld [tilespmem:$0xA740];
	[tilespmem:$0xA6D0] =	vst v61;
	v13 =	vmul.f32 v56, v55  }
0xf6: {  	v16 =	vld [tilespmem:$0xA750];
	[tilespmem:$0xA6E0] =	vst v63;
	v15 =	vmul.f32 v58, v55  }
0xf7: {  	v18 =	vld [tilespmem:$0xA760];
	v17 =	vmul.f32 v60, v55;
	[tilespmem:$0xA6F0] =	vst v13  }
0xf8: {  	v20 =	vbroadcast v0, $0x4;
	v38 =	vld [tilespmem:$0xA7F0];
	v19 =	vmul.f32 v62, v55;
	[tilespmem:$0xA700] =	vst v15  }
0xf9: {  	v21 =	vld [tilespmem:$0xA770];
	[tilespmem:$0xA710] =	vst v17;
	v22 =	vmul.f32 v12, v55  }
0xfa: {  	v23 =	vld [tilespmem:$0xA780];
	[tilespmem:$0xA720] =	vst v19;
	v24 =	vmul.f32 v14, v20  }
0xfb: {  	v25 =	vld [tilespmem:$0xA790];
	v37 =	vbroadcast v0, $0x5;
	v26 =	vmul.f32 v16, v20;
	[tilespmem:$0xA730] =	vst v22  }
0xfc: {  	v27 =	vld [tilespmem:$0xA7A0];
	v28 =	vmul.f32 v18, v20;
	[tilespmem:$0xA740] =	vst v24  }
0xfd: {  	v29 =	vld [tilespmem:$0xA7B0];
	v47 =	vmul.f32 v38, v37;
	[tilespmem:$0xA750] =	vst v26  }
0xfe: {  	v31 =	vld [tilespmem:$0xA7C0];
	v30 =	vmul.f32 v21, v20;
	[tilespmem:$0xA760] =	vst v28  }
0xff: {  	v33 =	vld [tilespmem:$0xA7D0];
	v32 =	vmul.f32 v23, v20;
	[tilespmem:$0xA7F0] =	vst v47  }
0x100: {  	v35 =	vld [tilespmem:$0xA7E0];
	v34 =	vmul.f32 v25, v20;
	[tilespmem:$0xA770] =	vst v30  }
0x101: {  	v40 =	vld [tilespmem:$0xA800];
	v36 =	vmul.f32 v27, v20;
	[tilespmem:$0xA780] =	vst v32  }
0x102: {  	v42 =	vld [tilespmem:$0xA810];
	v39 =	vmul.f32 v29, v20;
	[tilespmem:$0xA790] =	vst v34  }
0x103: {  	v44 =	vld [tilespmem:$0xA820];
	v41 =	vmul.f32 v31, v37;
	[tilespmem:$0xA7A0] =	vst v36  }
0x104: {  	v46 =	vld [tilespmem:$0xA830];
	v43 =	vmul.f32 v33, v37;
	[tilespmem:$0xA7B0] =	vst v39  }
0x105: {  	v48 =	vld [tilespmem:$0xA840];
	v45 =	vmul.f32 v35, v37;
	[tilespmem:$0xA7C0] =	vst v41  }
0x106: {  	v50 =	vld [tilespmem:$0xA850];
	v49 =	vmul.f32 v40, v37;
	[tilespmem:$0xA7D0] =	vst v43  }
0x107: {  	v52 =	vld [tilespmem:$0xA860];
	v51 =	vmul.f32 v42, v37;
	[tilespmem:$0xA7E0] =	vst v45  }
0x108: {  	v54 =	vbroadcast v0, $0x6;
	v57 =	vld [tilespmem:$0xA880];
	v53 =	vmul.f32 v44, v37;
	[tilespmem:$0xA800] =	vst v49  }
0x109: {  	v59 =	vld [tilespmem:$0xA890];
	v56 =	vmul.f32 v46, v37;
	[tilespmem:$0xA810] =	vst v51  }
0x10a: {  	v61 =	vld [tilespmem:$0xA8A0];
	v58 =	vmul.f32 v48, v54;
	[tilespmem:$0xA820] =	vst v53  }
0x10b: {  	v63 =	vld [tilespmem:$0xA8B0];
	v60 =	vmul.f32 v50, v54;
	[tilespmem:$0xA830] =	vst v56  }
0x10c: {  	v13 =	vld [tilespmem:$0xA8C0];
	v62 =	vmul.f32 v52, v54;
	[tilespmem:$0xA840] =	vst v58  }
0x10d: {  	v15 =	vld [tilespmem:$0xA8D0];
	v14 =	vmul.f32 v57, v54;
	[tilespmem:$0xA850] =	vst v60  }
0x10e: {  	v17 =	vld [tilespmem:$0xA8E0];
	v16 =	vmul.f32 v59, v54;
	[tilespmem:$0xA860] =	vst v62  }
0x10f: {  	v19 =	vbroadcast v0, $0x7;
	v55 =	vld [tilespmem:$0xA870];
	v18 =	vmul.f32 v61, v54;
	[tilespmem:$0xA880] =	vst v14  }
0x110: {  	v20 =	vld [tilespmem:$0xA8F0];
	v21 =	vmul.f32 v63, v54;
	[tilespmem:$0xA890] =	vst v16  }
0x111: {  	v22 =	vld [tilespmem:$0xA900];
	[tilespmem:$0xA8A0] =	vst v18;
	v23 =	vmul.f32 v13, v19  }
0x112: {  	v24 =	vld [tilespmem:$0xA910];
	[tilespmem:$0xA8B0] =	vst v21;
	v25 =	vmul.f32 v15, v19  }
0x113: {  	v26 =	vld [tilespmem:$0xA920];
	v27 =	vmul.f32 v17, v19;
	[tilespmem:$0xA8C0] =	vst v23  }
0x114: {  	v28 =	vld [tilespmem:$0xA930];
	v12 =	vmul.f32 v55, v54;
	[tilespmem:$0xA8D0] =	vst v25  }
0x115: {  	v37 =	vld [tilespmem:$0xA970];
	[tilespmem:$0xA8E0] =	vst v27;
	v29 =	vmul.f32 v20, v19  }
0x116: {  	v47 =	vld [tilespmem:$0xA9C0];
	[tilespmem:$0xA870] =	vst v12;
	v31 =	vmul.f32 v22, v19  }
0x117: {  	v30 =	vld [tilespmem:$0xA940];
	v33 =	vmul.f32 v24, v19;
	[tilespmem:$0xA8F0] =	vst v29  }
0x118: {  	v32 =	vld [tilespmem:$0xA950];
	v36 =	vbroadcast v0, $0x8;
	v35 =	vmul.f32 v26, v19;
	[tilespmem:$0xA900] =	vst v31  }
0x119: {  	v34 =	vld [tilespmem:$0xA960];
	v53 =	vbroadcast v0, $0x9;
	v38 =	vmul.f32 v28, v19;
	[tilespmem:$0xA910] =	vst v33  }
0x11a: {  	v39 =	vld [tilespmem:$0xA980];
	v46 =	vmul.f32 v37, v36;
	[tilespmem:$0xA920] =	vst v35  }
0x11b: {  	v41 =	vld [tilespmem:$0xA990];
	v57 =	vmul.f32 v47, v53;
	[tilespmem:$0xA930] =	vst v38  }
0x11c: {  	v43 =	vld [tilespmem:$0xA9A0];
	v40 =	vmul.f32 v30, v36;
	[tilespmem:$0xA970] =	vst v46  }
0x11d: {  	v45 =	vld [tilespmem:$0xA9B0];
	v42 =	vmul.f32 v32, v36;
	[tilespmem:$0xA9C0] =	vst v57  }
0x11e: {  	v49 =	vld [tilespmem:$0xA9D0];
	v44 =	vmul.f32 v34, v36;
	[tilespmem:$0xA940] =	vst v40  }
0x11f: {  	v51 =	vld [tilespmem:$0xA9E0];
	v48 =	vmul.f32 v39, v36;
	[tilespmem:$0xA950] =	vst v42  }
0x120: {  	v56 =	vld [tilespmem:$0xAA00];
	v50 =	vmul.f32 v41, v36;
	[tilespmem:$0xA960] =	vst v44  }
0x121: {  	v58 =	vld [tilespmem:$0xAA10];
	v52 =	vmul.f32 v43, v36;
	[tilespmem:$0xA980] =	vst v48  }
0x122: {  	v60 =	vld [tilespmem:$0xAA20];
	v55 =	vmul.f32 v45, v36;
	[tilespmem:$0xA990] =	vst v50  }
0x123: {  	v62 =	vld [tilespmem:$0xAA30];
	v59 =	vmul.f32 v49, v53;
	[tilespmem:$0xA9A0] =	vst v52  }
0x124: {  	v14 =	vld [tilespmem:$0xAA50];
	v61 =	vmul.f32 v51, v53;
	[tilespmem:$0xA9B0] =	vst v55  }
0x125: {  	v16 =	vld [tilespmem:$0xAA60];
	v13 =	vmul.f32 v56, v53;
	[tilespmem:$0xA9D0] =	vst v59  }
0x126: {  	v21 =	vld [tilespmem:$0xAA80];
	v15 =	vmul.f32 v58, v53;
	[tilespmem:$0xA9E0] =	vst v61  }
0x127: {  	v18 =	vbroadcast v0, $0xA;
	v54 =	vld [tilespmem:$0xA9F0];
	v17 =	vmul.f32 v60, v53;
	[tilespmem:$0xAA00] =	vst v13  }
0x128: {  	v23 =	vld [tilespmem:$0xAA90];
	v20 =	vmul.f32 v62, v53;
	[tilespmem:$0xAA10] =	vst v15  }
0x129: {  	v25 =	vld [tilespmem:$0xAAA0];
	v24 =	vmul.f32 v14, v18;
	[tilespmem:$0xAA20] =	vst v17  }
0x12a: {  	v27 =	vld [tilespmem:$0xAAB0];
	v26 =	vmul.f32 v16, v18;
	[tilespmem:$0xAA30] =	vst v20  }
0x12b: {  	v12 =	vld [tilespmem:$0xAA40];
	v30 =	vmul.f32 v21, v18;
	[tilespmem:$0xAA50] =	vst v24  }
0x12c: {  	v19 =	vld [tilespmem:$0xAA70];
	v63 =	vmul.f32 v54, v53;
	[tilespmem:$0xAA60] =	vst v26  }
0x12d: {  	v29 =	vld [tilespmem:$0xAAC0];
	v32 =	vmul.f32 v23, v18;
	[tilespmem:$0xAA80] =	vst v30  }
0x12e: {  	v31 =	vld [tilespmem:$0xAAD0];
	v34 =	vmul.f32 v25, v18;
	[tilespmem:$0xA9F0] =	vst v63  }
0x12f: {  	v33 =	vld [tilespmem:$0xAAE0];
	v37 =	vmul.f32 v27, v18;
	[tilespmem:$0xAA90] =	vst v32  }
0x130: {  	v35 =	vbroadcast v0, $0xB;
	v36 =	vld [tilespmem:$0xAAF0];
	v22 =	vmul.f32 v12, v18;
	[tilespmem:$0xAAA0] =	vst v34  }
0x131: {  	v38 =	vld [tilespmem:$0xAB00];
	v28 =	vmul.f32 v19, v18;
	[tilespmem:$0xAAB0] =	vst v37  }
0x132: {  	v46 =	vld [tilespmem:$0xAB40];
	[tilespmem:$0xAA40] =	vst v22;
	v39 =	vmul.f32 v29, v35  }
0x133: {  	v57 =	vld [tilespmem:$0xAB90];
	[tilespmem:$0xAA70] =	vst v28;
	v41 =	vmul.f32 v31, v35  }
0x134: {  	v53 =	vld [tilespmem:$0xAB70];
	v43 =	vmul.f32 v33, v35;
	[tilespmem:$0xAAC0] =	vst v39  }
0x135: {  	v40 =	vld [tilespmem:$0xAB10];
	v52 =	vbroadcast v0, $0xC;
	v45 =	vmul.f32 v36, v35;
	[tilespmem:$0xAAD0] =	vst v41  }
0x136: {  	v42 =	vld [tilespmem:$0xAB20];
	v47 =	vmul.f32 v38, v35;
	[tilespmem:$0xAAE0] =	vst v43  }
0x137: {  	v44 =	vld [tilespmem:$0xAB30];
	v56 =	vmul.f32 v46, v52;
	[tilespmem:$0xAAF0] =	vst v45  }
0x138: {  	v48 =	vld [tilespmem:$0xAB50];
	v14 =	vmul.f32 v57, v52;
	[tilespmem:$0xAB00] =	vst v47  }
0x139: {  	v50 =	vld [tilespmem:$0xAB60];
	v62 =	vmul.f32 v53, v52;
	[tilespmem:$0xAB40] =	vst v56  }
0x13a: {  	v55 =	vld [tilespmem:$0xAB80];
	v49 =	vmul.f32 v40, v35;
	[tilespmem:$0xAB90] =	vst v14  }
0x13b: {  	v59 =	vld [tilespmem:$0xABA0];
	v51 =	vmul.f32 v42, v35;
	[tilespmem:$0xAB70] =	vst v62  }
0x13c: {  	v61 =	vld [tilespmem:$0xABB0];
	v54 =	vmul.f32 v44, v35;
	[tilespmem:$0xAB10] =	vst v49  }
0x13d: {  	v13 =	vld [tilespmem:$0xABD0];
	v58 =	vmul.f32 v48, v52;
	[tilespmem:$0xAB20] =	vst v51  }
0x13e: {  	v15 =	vld [tilespmem:$0xABE0];
	v60 =	vmul.f32 v50, v52;
	[tilespmem:$0xAB30] =	vst v54  }
0x13f: {  	v20 =	vld [tilespmem:$0xAC00];
	v12 =	vmul.f32 v55, v52;
	[tilespmem:$0xAB50] =	vst v58  }
0x140: {  	v17 =	vbroadcast v0, $0xD;
	v24 =	vld [tilespmem:$0xAC20];
	v16 =	vmul.f32 v59, v52;
	[tilespmem:$0xAB60] =	vst v60  }
0x141: {  	v26 =	vld [tilespmem:$0xAC30];
	v19 =	vmul.f32 v61, v52;
	[tilespmem:$0xAB80] =	vst v12  }
0x142: {  	v30 =	vld [tilespmem:$0xAC50];
	v23 =	vmul.f32 v13, v17;
	[tilespmem:$0xABA0] =	vst v16  }
0x143: {  	v63 =	vld [tilespmem:$0xABC0];
	v25 =	vmul.f32 v15, v17;
	[tilespmem:$0xABB0] =	vst v19  }
0x144: {  	v18 =	vld [tilespmem:$0xABF0];
	v29 =	vmul.f32 v20, v17;
	[tilespmem:$0xABD0] =	vst v23  }
0x145: {  	v32 =	vld [tilespmem:$0xAC60];
	v34 =	vbroadcast v0, $0xE;
	v33 =	vmul.f32 v24, v17;
	[tilespmem:$0xABE0] =	vst v25  }
0x146: {  	v37 =	vld [tilespmem:$0xAC80];
	v36 =	vmul.f32 v26, v17;
	[tilespmem:$0xAC00] =	vst v29  }
0x147: {  	v22 =	vld [tilespmem:$0xAC10];
	v40 =	vmul.f32 v30, v34;
	[tilespmem:$0xAC20] =	vst v33  }
0x148: {  	v28 =	vld [tilespmem:$0xAC40];
	v21 =	vmul.f32 v63, v17;
	[tilespmem:$0xAC30] =	vst v36  }
0x149: {  	v57 =	vld [tilespmem:$0xAD20];
	v27 =	vmul.f32 v18, v17;
	[tilespmem:$0xAC50] =	vst v40  }
0x14a: {  	v53 =	vld [tilespmem:$0xAD00];
	v42 =	vmul.f32 v32, v34;
	[tilespmem:$0xABC0] =	vst v21  }
0x14b: {  	v35 =	vld [tilespmem:$0xAC70];
	v46 =	vmul.f32 v37, v34;
	[tilespmem:$0xABF0] =	vst v27  }
0x14c: {  	v0 =	vbroadcast v0, $0xF;
	v39 =	vld [tilespmem:$0xAC90];
	v31 =	vmul.f32 v22, v17;
	[tilespmem:$0xAC60] =	vst v42  }
0x14d: {  	v41 =	vld [tilespmem:$0xACA0];
	v38 =	vmul.f32 v28, v34;
	[tilespmem:$0xAC80] =	vst v46  }
0x14e: {  	v43 =	vld [tilespmem:$0xACB0];
	v63 =	vmul.f32 v57, v0;
	[tilespmem:$0xAC10] =	vst v31  }
0x14f: {  	v45 =	vld [tilespmem:$0xACC0];
	v61 =	vmul.f32 v53, v0;
	[tilespmem:$0xAC40] =	vst v38  }
0x150: {  	v47 =	vld [tilespmem:$0xACD0];
	v44 =	vmul.f32 v35, v34;
	[tilespmem:$0xAD20] =	vst v63  }
0x151: {  	v55 =	vld [tilespmem:$0xAD10];
	v48 =	vmul.f32 v39, v34;
	[tilespmem:$0xAD00] =	vst v61  }
0x152: {  	v49 =	vld [tilespmem:$0xACE0];
	v50 =	vmul.f32 v41, v34;
	[tilespmem:$0xAC70] =	vst v44  }
0x153: {  	v51 =	vld [tilespmem:$0xACF0];
	v52 =	vmul.f32 v43, v34;
	[tilespmem:$0xAC90] =	vst v48  }
0x154: {  	v59 =	vld [tilespmem:$0xAD30];
	v54 =	vmul.f32 v45, v0;
	[tilespmem:$0xACA0] =	vst v50  }
0x155: {  	v56 =	vmul.f32 v47, v0;
	[tilespmem:$0xACB0] =	vst v52  }
0x156: {  	v62 =	vmul.f32 v55, v0;
	[tilespmem:$0xACC0] =	vst v54  }
0x157: {  	v58 =	vmul.f32 v49, v0;
	[tilespmem:$0xACD0] =	vst v56  }
0x158: {  	v60 =	vmul.f32 v51, v0;
	[tilespmem:$0xAD10] =	vst v62  }
0x159: {  	v0 =	vmul.f32 v59, v0;
	[tilespmem:$0xACE0] =	vst v58  }
0x15a: {  	p0 =	sne.s32 s22, $0x4C0;
	[tilespmem:$0xACF0] =	vst v60  }
.Ltmp2:
0x15b: {  	[tilespmem:$0xAD30] =	vst v0;
	(pc) =	sbr.rel @p0 .LBB2_5-.Ltmp2, $4  }
0x15c: {  	[spmem:s18] =	stream.linear.scatter [tilespmem:s20], [sflag:$0x9], $0x800, $0x200038;
	[tilespmem:$0x1A7C0] =	vst v63  }
0x15d: {  	_ =	swait.ge [sflag:s29], $0x800  }
0x15e: {  	[sflag:s29] =	ssyncset.done $0x0  }
0x15f: {  	s22 =	sadd.s32 $0x40, s22;
	s18 =	sadd.s32 $0x800, s18;
	[sflag:s29] =	ssyncadd.s32 $0xFFFFF800  }
0x160: {  	_ =	strace $0x90000049  }
0x161: {  	s3 =	rddreg [dreg:$0x12]  }
0x162: {  	s13 =	rddreg [dreg:$0x16]  }
0x163: {  	s18 =	rddreg [dreg:$0x17]  }
0x164: {  	[hbm:s3], [sflag:s13] =	dma.local [spmem:s18], $0x1400  }
0x165: {  	_ =	swait.ge [sflag:s29], $0x1400  }
0x166: {  	s22 =	rddreg [dreg:$0x15]  }
0x167: {  	s31 =	rddreg [dreg:$0x13];
	s13 =	sadd.s32 $0x1, s22  }
0x168: {  	p0 =	sne.s32 s13, s31  }
.Ltmp3:
0x169: {  	_ = 	snop;
	(pc) =	sbr.rel @p0 .LBB2_1-.Ltmp3, $3  }
0x16a: {  	_ =	sdelay $0x1  }
0x16b: {  	[sflag:s29] =	ssyncset.done $0x0  }
0x16c: {  	[sflag:s29] =	ssyncadd.s32 $0xFFFFEC00  }
0x16d: {  	_ =	sfence.sel $0x180000  }
0x16e: {  	[bflag:$0x0] =	sbarrier.arrive $0xFFFF  }
0x16f: {  	_ =	strace $0x90000047  }
0x170: {  	s0 =	stileid.u32;
	[bflag:$0x2] =	sbarrier.arrive $0xFFFF  }
0x171: {  	p0 =	sne.s32 s0, $0x0;
	s0 =	rddreg [dreg:$0x4]  }
0x172: {  	s0 =	sadd.s32 @!p0 $0x100000, s0  }
0x173: {  	[sflag:s0] =	ssyncadd.tile.s32 @!p0 $0x1;
	_ =	shalt  }
.Lfunc_end2:
_tile_overlayer_lowered:
.L_overlay_start_2:
0x174: {  	(tag) =	ssettag $0x2  }
0x175: {  	s0 =	rddreg [dreg:$0x0];
	s2 =	stileid.u32  }
0x176: {  	s1 =	rddreg [dreg:$0x1];
	p0 =	sne.s32 s2, $0x0  }
0x177: {  	s3 =	rddreg [dreg:$0x2];
	[bflag:$0x3] =	sbarrier.arrive $0xFFFF;
	s2 =	simm.s32 @!p0 $0x1C09  }
0x178: {  	[timem:s3], [sflag:s2] =	dma.local @!p0 [hbm:s0], s1  }
0x179: {  	s0 =	simm.s32 @!p0 $0x9  }
0x17a: {  	_ =	swait.ge @!p0 [sflag:s0], s1  }
0x17b: {  	s1 =	ssub.s32 @!p0 $0x0, s1;
	[sflag:s0] =	ssyncset.done @!p0 $0x0  }
0x17c: {  	[sflag:s0] =	ssyncadd.s32 @!p0 s1  }
0x17d: {  	[bflag:$0x3] =	sbarrier.arrive $0xFFFF  }
0x17e: {  	_ =	shalt  }

// kernel: kernel.9.cloned.1.call-start
scs
__scs_entry_jumppad:
0x0: {  	(pc) =	sbr.rel $0x88, $3  }
0x1: {  	(tag) =	ssettag $0x0;
	lr =	simm.s32 $0x1  }
0x2: {  	[smem:$0x3F9B] =	sst lr;
	_ =	strace $0xD0000000  }
0x3: {  	_ = 	snop  }
0x4: {  	_ = 	snop  }
0x5: {  	_ = 	snop  }
0x6: {  	_ = 	snop  }
0x7: {  	_ = 	snop  }
__scs_overlays_trampoline_lowered:
0x8: {  	[smem:$0x3FAA] =	sst s0  }
0x9: {  	[smem:$0x3FAB] =	sst s1  }
0xa: {  	[smem:$0x3FAC] =	sst s2  }
0xb: {  	[smem:$0x3FAD] =	sst s3  }
0xc: {  	[smem:$0x3FAE] =	sst s4  }
0xd: {  	[smem:$0x3FAF] =	sst s5  }
0xe: {  	[smem:$0x3FB0] =	sst s6  }
0xf: {  	[smem:$0x3FB1] =	sst s7  }
0x10: {  	[smem:$0x3FB2] =	sst s8  }
0x11: {  	[smem:$0x3FB3] =	sst s9;
	s0 =	simm.s32 @!p0 $0x0  }
0x12: {  	s1 =	sld [smem:$0x3F99];
	s0 =	simm.s32 @p0 $0x1  }
0x13: {  	[smem:$0x3FB4] =	sst s0;
	s0 =	simm.s32 @!p1 $0x0  }
0x14: {  	s2 =	sld [smem:$0x3F98];
	s0 =	simm.s32 @p1 $0x1  }
0x15: {  	[smem:$0x3FB5] =	sst s0;
	s0 =	simm.s32 @!p2 $0x0  }
0x16: {  	s3 =	sld [smem:$0x3FDB];
	s0 =	simm.s32 @p2 $0x1  }
0x17: {  	s4 =	simm.s32 $0x1BF5;
	[smem:$0x3FB7] =	sst s0  }
0x18: {  	s0 =	sld [smem:$0x3F9A];
	_ =	swait.ge [sflag:s4], $0x0  }
0x19: {  	s7 =	sld [smem:$0x3F9B]  }
0x1a: {  	s8 =	sadd.s32 $0xFFFFE003, lr  }
0x1b: {  	s9 =	sadd.s32 $0xFFFFFEF7, lr;
	s5 =	simm.s32 $0xFFFFFFFF;
	p2 =	slt.u32 s8, $0xFFFFF086  }
0x1c: {  	p1 =	slt.u32 s9, $0xF7A;
	s5 =	simm.s32 @!p2 $0x0  }
0x1d: {  	s5 =	simm.s32 @p1 $0x1;
	p0 =	seq.s32 s7, s2  }
0x1e: {  	s7 =	smul.u32 @!p0 $0xF7A, s2;
	p2 =	seq.s32 @!p0 s5, $0x0  }
0x1f: {  	s9 =	smul.u32 $0xF7A, s1;
	s8 =	simm.s32 @!p0 $0x1BF5;
	p2 =	por !p2, p0  }
0x20: {  	[sflag:s8] =	ssyncset.s32 @!p0 $0xFFFFF086;
	s6 =	sadd.s32 @!p0 s3, s7;
	s7 =	simm.s32 @!p0 $0x108  }
0x21: {  	s3 =	sadd.s32 s3, s9;
	s6 =	sadd.s32 @!p0 $0x88, s6;
	s7 =	simm.s32 @p2 $0x1082  }
0x22: {  	[simem:s7], [sflag:s8] =	dma.local @!p0 [hbm:s6], $0xF7A  }
0x23: {  	s9 =	sor.u32 $0xD0000000, s2;
	s6 =	simm.s32 $0x108;
	_ =	swait.ge @!p0 [sflag:s8], $0x0  }
0x24: {  	s3 =	sadd.s32 $0x88, s3;
	s6 =	simm.s32 @!p1 $0x1082;
	[sflag:s4] =	ssyncset.s32 $0xFFFFF086  }
0x25: {  	[simem:s6], [sflag:s4] =	dma.local [hbm:s3], $0xF7A  }
0x26: {  	[smem:$0x3F9B] =	sst s1;
	(tag) =	ssettag s2;
	_ =	strace s9  }
0x27: {  	s1 =	sld [smem:$0x3FAB]  }
0x28: {  	s2 =	sld [smem:$0x3FAC]  }
0x29: {  	s4 =	sld [smem:$0x3FAE]  }
0x2a: {  	p0 =	seq.s32 s5, $0x0;
	s5 =	sld [smem:$0x3FAF]  }
0x2b: {  	s6 =	sld [smem:$0x3FB0]  }
0x2c: {  	s7 =	sld [smem:$0x3FB1]  }
0x2d: {  	s3 =	simm.s32 $0x108;
	s8 =	sld [smem:$0x3FB2]  }
0x2e: {  	s3 =	simm.s32 @!p0 $0x1082;
	s9 =	sld [smem:$0x3FB3]  }
0x2f: {  	lr =	sadd.s32 s0, s3;
	s0 =	sld [smem:$0x3FAA]  }
0x30: {  	s3 =	sld [smem:$0x3FAD]  }
0x31: {  	[smem:$0x3FB6] =	sst s10  }
0x32: {  	s10 =	sld [smem:$0x3FB4];
	_ =	sdelay $0x3  }
0x33: {  	p0 =	seq.s32 s10, $0x1;
	s10 =	sld [smem:$0x3FB6];
	_ =	sdelay $0x3  }
0x34: {  	[smem:$0x3FB6] =	sst s10  }
0x35: {  	s10 =	sld [smem:$0x3FB5];
	_ =	sdelay $0x3  }
0x36: {  	p1 =	seq.s32 s10, $0x1;
	s10 =	sld [smem:$0x3FB6];
	_ =	sdelay $0x3  }
0x37: {  	[smem:$0x3FB6] =	sst s10  }
0x38: {  	s10 =	sld [smem:$0x3FB7]  }
0x39: {  	_ = 	snop;
	(pc) =	sbr.ind lr, $3  }
0x3a: {  	_ = 	snop  }
0x3b: {  	_ = 	snop  }
0x3c: {  	p2 =	seq.s32 s10, $0x1;
	s10 =	sld [smem:$0x3FB6]  }
0x3d: {  	_ =	shalt  }
0x3e: {  	_ =	shalt  }
0x3f: {  	_ =	shalt  }
0x40: {  	_ =	shalt  }
0x41: {  	_ =	shalt  }
0x42: {  	_ =	shalt  }
0x43: {  	_ =	shalt  }
0x44: {  	_ =	shalt  }
0x45: {  	_ =	shalt  }
0x46: {  	_ =	shalt  }
0x47: {  	_ =	shalt  }
0x48: {  	_ =	shalt  }
0x49: {  	_ =	shalt  }
0x4a: {  	_ =	shalt  }
0x4b: {  	_ =	shalt  }
0x4c: {  	_ =	shalt  }
0x4d: {  	_ =	shalt  }
0x4e: {  	_ =	shalt  }
0x4f: {  	_ =	shalt  }
0x50: {  	_ =	shalt  }
0x51: {  	_ =	shalt  }
0x52: {  	_ =	shalt  }
0x53: {  	_ =	shalt  }
0x54: {  	_ =	shalt  }
0x55: {  	_ =	shalt  }
0x56: {  	_ =	shalt  }
0x57: {  	_ =	shalt  }
0x58: {  	_ =	shalt  }
0x59: {  	_ =	shalt  }
0x5a: {  	_ =	shalt  }
0x5b: {  	_ =	shalt  }
0x5c: {  	_ =	shalt  }
0x5d: {  	_ =	shalt  }
0x5e: {  	_ =	shalt  }
0x5f: {  	_ =	shalt  }
0x60: {  	_ =	shalt  }
0x61: {  	_ =	shalt  }
0x62: {  	_ =	shalt  }
0x63: {  	_ =	shalt  }
0x64: {  	_ =	shalt  }
0x65: {  	_ =	shalt  }
0x66: {  	_ =	shalt  }
0x67: {  	_ =	shalt  }
0x68: {  	_ =	shalt  }
0x69: {  	_ =	shalt  }
0x6a: {  	_ =	shalt  }
0x6b: {  	_ =	shalt  }
0x6c: {  	_ =	shalt  }
0x6d: {  	_ =	shalt  }
0x6e: {  	_ =	shalt  }
0x6f: {  	_ =	shalt  }
0x70: {  	_ =	shalt  }
0x71: {  	_ =	shalt  }
0x72: {  	_ =	shalt  }
0x73: {  	_ =	shalt  }
0x74: {  	_ =	shalt  }
0x75: {  	_ =	shalt  }
0x76: {  	_ =	shalt  }
0x77: {  	_ =	shalt  }
0x78: {  	_ =	shalt  }
0x79: {  	_ =	shalt  }
0x7a: {  	_ =	shalt  }
0x7b: {  	_ =	shalt  }
0x7c: {  	_ =	shalt  }
0x7d: {  	_ =	shalt  }
0x7e: {  	_ =	shalt  }
0x7f: {  	_ =	shalt  }
0x80: {  	_ =	shalt  }
0x81: {  	_ =	shalt  }
0x82: {  	_ =	shalt  }
0x83: {  	_ =	shalt  }
0x84: {  	_ =	shalt  }
0x85: {  	_ =	shalt  }
0x86: {  	_ =	shalt  }
0x87: {  	_ =	shalt  }
.Lfunc_end0:
.L_simem_size_0:
called_computation.1_lowered:
.L_overlay_start_0:
0x88: {  	s2 =	sld [smem:$0x3FD9]  }
0x89: {  	s3 =	sld [smem:$0x3FFE];
	_ =	sdelay $0x1  }
0x8a: {  	s1 =	srdreg.scid  }
0x8b: {  	s0 =	sand.u32 $0x1, s1  }
0x8c: {  	s16 =	sshll.u32 s0, $0xA;
	s2 =	sadd.s32 s3, s2  }
0x8d: {  	s2 =	sadd.s32 s2, s16  }
0x8e: {  	[smem:$0x3FC2] =	sst s2  }
0x8f: {  	_ = 	snop  }
0x90: {  	(tm) =	ssettm $0x1  }
0x91: {  	s17 =	sld [smem:$0x3FFB];
	_ =	sdelay $0x3  }
0x92: {  	_ =	strace s17  }
0x93: {  	s2 =	sld [smem:$0x3FFC];
	_ =	sdelay $0x3  }
0x94: {  	_ =	strace s2  }
0x95: {  	s2 =	sld [smem:$0x3FFD];
	_ =	sdelay $0x3  }
0x96: {  	_ =	strace s2  }
0x97: {  	_ =	strace $0x8FFFFFFF  }
0x98: {  	s18 =	sld [smem:$0x3FDB];
	_ =	sdelay $0x1  }
0x99: {  	s19 =	simm.s32 $_scs_section_size  }
0x9a: {  	s4 =	simm.s32 $_size__tile_overlayer_lowered;
	s5 =	simm.s32 $_tile_overlayer_lowered  }
0x9b: {  	s22 =	simm.s32 $0x1BFF;
	s21 =	sshll.u32 s5, $0x1;
	s2 =	sadd.s32 s19, s18  }
0x9c: {  	s6 =	simm.s32 $0x0;
	s20 =	sshll.u32 s4, $0x1;
	s4 =	sadd.s32 s21, s2  }
0x9d: {  	[timem:s6], [sflag:s22] =	dma.local [hbm:s4], s20  }
0x9e: {  	_ =	swait.ge [sflag:s22], s20  }
0x9f: {  	s3 =	ssub.s32 $0x0, s20;
	[sflag:s22] =	ssyncset.done $0x0  }
0xa0: {  	[sflag:s22] =	ssyncadd.s32 s3;
	_ =	sdelay $0x1  }
0xa1: {  	s23 =	simm.s32 $0x1B8B  }
0xa2: {  	_ =	swait.ge [sflag:s23], $0x1  }
0xa3: {  	[sflag:s23] =	ssyncset.done $0x0  }
0xa4: {  	s25 =	simm.s32 $0x1B8E;
	s24 =	sld [smem:$0x3FFE];
	[sflag:s23] =	ssyncadd.s32 $0xFFFFFFFF  }
0xa5: {  	s26 =	simm.s32 $execute0_lowered;
	[smem:$0x3FD2] =	sst s25  }
0xa6: {  	s4 =	sshll.u32 s26, $0x1;
	_ =	strace $0x8000004B;
	[dreg:$0x1] =	wrdreg $0xFFFFFFFF  }
0xa7: {  	s28 =	simm.s32 $_size_execute0_lowered;
	s2 =	sadd.s32 s2, s4;
	[dreg:$0x0] =	wrdreg $0x0  }
0xa8: {  	s4 =	sshll.u32 s28, $0x1;
	[dreg:$0x2] =	wrdreg s2  }
0xa9: {  	[dreg:$0x3] =	wrdreg s4  }
0xaa: {  	[dreg:$0x4] =	wrdreg $0xC0  }
0xab: {  	_ =	task [dreg:s6], $0x5FFFF  }
0xac: {  	[dreg:$0x1] =	wrdreg $0xFFFFFFFF  }
0xad: {  	[dreg:$0x0] =	wrdreg $0x60  }
0xae: {  	[dreg:$0x2] =	wrdreg s24  }
0xaf: {  	[dreg:$0x3] =	wrdreg $0x0  }
0xb0: {  	[dreg:$0x4] =	wrdreg $0x13C000  }
0xb1: {  	[dreg:$0x5] =	wrdreg $0x9  }
0xb2: {  	_ =	task.clear_ibuf [dreg:s6], $0x6FFFF;
	_ =	strace $0x9000004B  }
0xb3: {  	s29 =	simm.s32 $0x9;
	_ =	strace $0x8000004E  }
0xb4: {  	_ =	swait.ge [sflag:s29], $0x1  }
0xb5: {  	[sflag:s29] =	ssyncadd.s32 $0xFFFFFFFF  }
0xb6: {  	_ =	strace $0x9000004E  }
0xb7: {  	_ =	sfence  }
0xb8: {  	s30 =	sld [smem:$0x0];
	_ =	sdelay $0x2  }
0xb9: {  	s31 =	sshll.u32 s1, $0xD;
	s1 =	sshrl.u32 s1, $0x2  }
0xba: {  	s3 =	sand.u32 $0x4000, s31;
	s1 =	sadd.s32 s1, s30  }
0xbb: {  	s0 =	sor.u32 s3, s0;
	s1 =	sshll.u32 s1, $0x11  }
0xbc: {  	s0 =	sor.u32 s1, s0  }
0xbd: {  	s0 =	sadd.s32 $0x8F2B, s0  }
0xbe: {  	[sflag:s0] =	ssyncadd.remote.s32 $0x1  }
0xbf: {  	_ =	sfence.sel $0xFFFF  }
0xc0: {  	[dreg:$0x0] =	wrdreg $0xFFFFFFFF;
	(pc) =	sbr.abs _section_cstart, $3  }
0xc1: {  	[dreg:$0x1] =	wrdreg $0xFFFFFFFF  }
0xc2: {  	_ =	task.clear_ibuf [dreg:s6], $0x2FFFF;
	_ =	strace $0x9FFFFFFF  }
0xc3: {  	(tm) =	ssettm $0x7FFFFFFF  }
tec
execute0_lowered:
.L_overlay_start_1:
0x0: {  	(tag) =	ssettag $0x1  }
0x1: {  	s0 =	rddreg [dreg:$0x0]  }
0x2: {  	s1 =	rddreg [dreg:$0x1]  }
0x3: {  	s3 =	rddreg [dreg:$0x2]  }
0x4: {  	s4 =	simm.s32 $0x0;
	s2 =	srdreg.scid;
	s14 =	stileid.u32  }
0x5: {  	s28 =	simm.s32 $0x20;
	s29 =	simm.s32 $0x1DE00;
	s30 =	simm.s32 $0x4  }
0x6: {  	s31 =	simm.s32 $0x1EE00;
	[smem:$0x7FF] =	sst s4;
	s7 =	smul.u32 $0x2780, s14  }
0x7: {  	s2 =	sand.u32 $0x1, s2;
	s10 =	sadd.s32 $0x13800, s0;
	s9 =	smul.u32 $0x4F000, s14  }
0x8: {  	s5 =	sadd.s32 $0x3B800, s0;
	s6 =	sadd.s32 $0x4F800, s0;
	s12 =	smul.u32 $0x28000, s14  }
0x9: {  	s11 =	sadd.s32 $0x10C00, s0;
	s20 =	smul.u32 $0x1400, s14;
	s22 =	sshll.u32 s14, $0x6  }
0xa: {  	p0 =	seq.s32 s14, $0xF;
	_ =	strace $0x8000004C;
	s8 =	smul.u32 $0x27800, s2  }
0xb: {  	[dreg:$0x4] =	wrdreg s11;
	s17 =	ssub.s32 $0x2, s2;
	s13 =	smul.u32 $0x14000, s2  }
0xc: {  	s2 =	smul.u32 $0xA0000, s2;
	s18 =	sshrl.u32 s17, $0x1;
	s21 =	sshrl.u32 s9, $0x2  }
0xd: {  	s12 =	sshrl.u32 s12, $0x2;
	s9 =	smul.u32 $0xA000, s14;
	s7 =	sadd.s32 s7, s8  }
0xe: {  	s19 =	ssub.s32 s17, s18;
	s18 =	sadd.s32 s21, s1;
	s8 =	sor.u32 $0x1C05, s22  }
0xf: {  	s11 =	sadd.s32 s20, s13;
	s2 =	sshrl.u32 s2, $0x3;
	s12 =	sadd.s32 s12, s3  }
0x10: {  	s22 =	simm.s32 $0x1DA00;
	s0 =	sadd.s32 s7, s0;
	s11 =	sadd.s32 s10, s11  }
0x11: {  	s2 =	sadd.s32 s10, s2;
	s10 =	sadd.s32 $0x96000, s3;
	s23 =	sshrl.u32 s9, $0x3  }
0x12: {  	s17 =	smax.u32 s19, $0x1;
	s18 =	sshrl.u32 s18, $0x3;
	s19 =	simm.s32 $0x5  }
0x13: {  	s21 =	sshrl.u32 @!p0 s12, $0x3;
	[dreg:$0x5] =	wrdreg s11;
	s2 =	sadd.s32 $0x12C00, s2  }
0x14: {  	s7 =	simm.s32 $0x0;
	s24 =	sadd.s32 s5, s23;
	[dreg:$0x6] =	wrdreg s2  }
0x15: {  	s25 =	sadd.s32 s6, s23;
	s16 =	sadd.s32 $0x63800, s0;
	[dreg:$0x7] =	wrdreg s24  }
0x16: {  	s20 =	sshrl.u32 @p0 s10, $0x3;
	s0 =	simm.s32 $0x1;
	[dreg:$0x8] =	wrdreg s25  }
0x17: {  	s2 =	sor.u32 $0x10, s23;
	s23 =	simm.s32 $0x1DC00;
	s24 =	simm.s32 $0x1DA80  }
0x18: {  	s25 =	simm.s32 $0x1DC80;
	s26 =	sadd.s32 s5, s2;
	s15 =	sadd.s32 s6, s2  }
0x19: {  	s2 =	simm.s32 $0x2;
	[dreg:$0x9] =	wrdreg s26;
	s26 =	simm.s32 $0x3  }
.LBB2_1:
0x1a: {  	s10 =	rddreg [dreg:$0x4]  }
0x1b: {  	[spmem:s18], [sflag:s8] =	dma.local [hbm:s10], $0x2780  }
0x1c: {  	_ =	swait.ge [sflag:s19], $0x2780  }
0x1d: {  	[sflag:s19] =	ssyncset.done $0x0  }
0x1e: {  	s10 =	rddreg [dreg:$0x6];
	[sflag:s19] =	ssyncadd.s32 $0xFFFFD880  }
0x1f: {  	[spmem:s20], [sflag:s8] =	dma.local @p0 [hbm:s10], $0x1000  }
0x20: {  	s10 =	simm.s32 @p0 $0x5  }
0x21: {  	_ =	swait.ge @p0 [sflag:s10], $0x1000  }
0x22: {  	[sflag:s10] =	ssyncset.done @p0 $0x0  }
0x23: {  	[sflag:s10] =	ssyncadd.s32 @p0 $0xFFFFF000;
	s10 =	rddreg [dreg:$0x5]  }
0x24: {  	[spmem:s21], [sflag:s8] =	dma.local @!p0 [hbm:s10], $0x1400  }
0x25: {  	s10 =	simm.s32 @!p0 $0x5  }
0x26: {  	_ =	swait.ge @!p0 [sflag:s10], $0x1400  }
0x27: {  	[sflag:s10] =	ssyncset.done @!p0 $0x0  }
0x28: {  	[sflag:s10] =	ssyncadd.s32 @!p0 $0xFFFFEC00  }
0x29: {  	[bflag:$0x0] =	sbarrier.arrive $0xFFFF  }
0x2a: {  	_ =	strace $0x8000004D  }
0x2b: {  	s13 =	rddreg [dreg:$0x7]  }
0x2c: {  	[tilespmem:s22], [sflag:$0x3] =	stream.linear.gather [hbm4b:s13+s4], $0x80, $0x200038;
	[tilespmem:$0x1FE00] =	vst v63  }
0x2d: {  	s14 =	rddreg [dreg:$0x8]  }
0x2e: {  	[tilespmem:s23], [sflag:$0x3] =	stream.linear.gather [hbm4b:s14+s4], $0x80, $0x200038;
	[tilespmem:$0x1FE00] =	vst v63  }
0x2f: {  	s11 =	rddreg [dreg:$0x9]  }
0x30: {  	[tilespmem:s24], [sflag:$0x4] =	stream.linear.gather [hbm4b:s11+s4], $0x80, $0x200038;
	[tilespmem:$0x1FE00] =	vst v63  }
0x31: {  	_ = 	snop  }
0x32: {  	[tilespmem:s25], [sflag:$0x4] =	stream.linear.gather [hbm4b:s15+s4], $0x80, $0x200038;
	[tilespmem:$0x1FE00] =	vst v63  }
0x33: {  	_ =	swait.ge [sflag:s26], $0x80  }
0x34: {  	[sflag:s26] =	ssyncset.done $0x0  }
0x35: {  	[sflag:s26] =	ssyncadd.s32 $0xFFFFFF80  }
0x36: {  	_ =	swait.ge [sflag:s26], $0x80  }
0x37: {  	[sflag:s26] =	ssyncset.done $0x0  }
0x38: {  	[sflag:s26] =	ssyncadd.s32 $0xFFFFFF80  }
0x39: {  	[tilespmem:s29], [sflag:$0x1] =	stream.indirect.gather [spmem:s3], $0x80, s22, s28, $0x2000b8;
	[tilespmem:$0x1FE00] =	vst v63  }
0x3a: {  	_ =	swait.ge [sflag:s30], $0x80  }
0x3b: {  	[sflag:s30] =	ssyncset.done $0x0  }
0x3c: {  	[sflag:s30] =	ssyncadd.s32 $0xFFFFFF80  }
0x3d: {  	_ =	swait.ge [sflag:s30], $0x80  }
0x3e: {  	[sflag:s30] =	ssyncset.done $0x0  }
0x3f: {  	[sflag:s30] =	ssyncadd.s32 $0xFFFFFF80  }
0x40: {  	[tilespmem:s31], [sflag:$0x2] =	stream.indirect.gather [spmem:s3], $0x80, s24, s28, $0x2000b8;
	[tilespmem:$0x1FE00] =	vst v63  }
0x41: {  	s12 =	simm.s32 $0x100;
	_ =	swait.ge [sflag:s0], $0x1000  }
0x42: {  	s11 =	sand.u32 $0x1FC00, s12;
	[sflag:s0] =	ssyncset.done $0x0  }
0x43: {  	s10 =	sand.u32 $0x300, s12;
	s11 =	sadd.s32 s9, s11;
	[sflag:s0] =	ssyncadd.s32 $0xFFFFF000  }
0x44: {  	[spmem:s1] =	stream.indirect.scatter.add.f32 [tilespmem:s29], [sflag:$0x5], $0x80, s23, s28, $0x2000b8;
	[tilespmem:$0x1FE00] =	vst v63  }
0x45: {  	s10 =	sor.u32 s10, s11;
	_ =	swait.ge [sflag:s19], $0x1000  }
0x46: {  	s10 =	sshrl.u32 s10, $0x3;
	[sflag:s19] =	ssyncset.done $0x0  }
0x47: {  	s13 =	sadd.s32 s5, s10;
	[sflag:s19] =	ssyncadd.s32 $0xFFFFF000  }
0x48: {  	[tilespmem:s22], [sflag:$0x3] =	stream.linear.gather [hbm4b:s13+s4], $0x80, $0x200038;
	[tilespmem:$0x1FE00] =	vst v63  }
0x49: {  	s10 =	sadd.s32 s6, s10  }
0x4a: {  	[tilespmem:s23], [sflag:$0x3] =	stream.linear.gather [hbm4b:s10+s4], $0x80, $0x200038;
	[tilespmem:$0x1FE00] =	vst v63  }
0x4b: {  	_ =	swait.ge [sflag:s26], $0x80  }
0x4c: {  	[sflag:s26] =	ssyncset.done $0x0  }
0x4d: {  	[sflag:s26] =	ssyncadd.s32 $0xFFFFFF80  }
0x4e: {  	_ =	swait.ge [sflag:s26], $0x80  }
0x4f: {  	[sflag:s26] =	ssyncset.done $0x0  }
0x50: {  	[sflag:s26] =	ssyncadd.s32 $0xFFFFFF80  }
0x51: {  	[tilespmem:s29], [sflag:$0x1] =	stream.indirect.gather [spmem:s3], $0x80, s22, s28, $0x2000b8;
	[tilespmem:$0x1FE00] =	vst v63  }
0x52: {  	s14 =	simm.s32 $0x180;
	_ =	swait.ge [sflag:s2], $0x1000  }
0x53: {  	s12 =	sand.u32 $0x1FC00, s14;
	[sflag:s2] =	ssyncset.done $0x0  }
0x54: {  	s11 =	sadd.s32 s9, s12;
	s10 =	sand.u32 $0x380, s14;
	[sflag:s2] =	ssyncadd.s32 $0xFFFFF000  }
0x55: {  	[spmem:s1] =	stream.indirect.scatter.add.f32 [tilespmem:s31], [sflag:$0x5], $0x80, s25, s28, $0x2000b8;
	[tilespmem:$0x1FE00] =	vst v63  }
0x56: {  	s10 =	sor.u32 s10, s11;
	_ =	swait.ge [sflag:s19], $0x1000  }
0x57: {  	s10 =	sshrl.u32 s10, $0x3;
	[sflag:s19] =	ssyncset.done $0x0  }
0x58: {  	s13 =	sadd.s32 s5, s10;
	[sflag:s19] =	ssyncadd.s32 $0xFFFFF000  }
0x59: {  	[tilespmem:s24], [sflag:$0x4] =	stream.linear.gather [hbm4b:s13+s4], $0x80, $0x200038;
	[tilespmem:$0x1FE00] =	vst v63  }
0x5a: {  	s10 =	sadd.s32 s6, s10  }
0x5b: {  	[tilespmem:s25], [sflag:$0x4] =	stream.linear.gather [hbm4b:s10+s4], $0x80, $0x200038;
	[tilespmem:$0x1FE00] =	vst v63  }
0x5c: {  	_ =	swait.ge [sflag:s30], $0x80  }
0x5d: {  	[sflag:s30] =	ssyncset.done $0x0  }
0x5e: {  	[sflag:s30] =	ssyncadd.s32 $0xFFFFFF80  }
0x5f: {  	s14 =	simm.s32 $0x200;
	_ =	swait.ge [sflag:s30], $0x80  }
0x60: {  	s12 =	sand.u32 $0x1FC00, s14;
	[sflag:s30] =	ssyncset.done $0x0  }
0x61: {  	s11 =	sand.u32 $0x300, s14;
	s12 =	sadd.s32 s9, s12;
	[sflag:s30] =	ssyncadd.s32 $0xFFFFFF80  }
0x62: {  	[tilespmem:s31], [sflag:$0x2] =	stream.indirect.gather [spmem:s3], $0x80, s24, s28, $0x2000b8;
	[tilespmem:$0x1FE00] =	vst v63  }
0x63: {  	s12 =	sor.u32 s11, s12;
	_ =	swait.ge [sflag:s0], $0x1000  }
0x64: {  	s11 =	simm.s32 $0x380;
	s10 =	simm.s32 $0x280;
	[sflag:s0] =	ssyncset.done $0x0  }
.LBB2_2:
0x65: {  	s12 =	sshrl.u32 s12, $0x3  }
0x66: {  	[sflag:s0] =	ssyncadd.s32 $0xFFFFF000;
	s14 =	smov.u32 s11;
	s13 =	sadd.s32 $0x100, s11  }
0x67: {  	[spmem:s1] =	stream.indirect.scatter.add.f32 [tilespmem:s29], [sflag:$0x5], $0x80, s23, s28, $0x2000b8;
	[tilespmem:$0x1FE00] =	vst v63  }
0x68: {  	p1 =	sne.s32 s11, $0x9F80;
	_ =	swait.ge [sflag:s19], $0x1000  }
0x69: {  	[sflag:s19] =	ssyncset.done $0x0  }
0x6a: {  	s11 =	sadd.s32 s5, s12;
	[sflag:s19] =	ssyncadd.s32 $0xFFFFF000  }
0x6b: {  	[tilespmem:s22], [sflag:$0x3] =	stream.linear.gather [hbm4b:s11+s4], $0x80, $0x200038;
	[tilespmem:$0x1FE00] =	vst v63  }
0x6c: {  	s11 =	sadd.s32 s6, s12  }
0x6d: {  	[tilespmem:s23], [sflag:$0x3] =	stream.linear.gather [hbm4b:s11+s4], $0x80, $0x200038;
	[tilespmem:$0x1FE00] =	vst v63  }
0x6e: {  	_ =	swait.ge [sflag:s26], $0x80  }
0x6f: {  	[sflag:s26] =	ssyncset.done $0x0  }
0x70: {  	[sflag:s26] =	ssyncadd.s32 $0xFFFFFF80  }
0x71: {  	_ =	swait.ge [sflag:s26], $0x80  }
0x72: {  	[sflag:s26] =	ssyncset.done $0x0  }
0x73: {  	[sflag:s26] =	ssyncadd.s32 $0xFFFFFF80  }
0x74: {  	[tilespmem:s29], [sflag:$0x1] =	stream.indirect.gather [spmem:s3], $0x80, s22, s28, $0x2000b8;
	[tilespmem:$0x1FE00] =	vst v63  }
0x75: {  	_ =	swait.ge [sflag:s2], $0x1000  }
0x76: {  	[sflag:s2] =	ssyncset.done $0x0  }
0x77: {  	s11 =	sand.u32 $0x1FC00, s10;
	[sflag:s2] =	ssyncadd.s32 $0xFFFFF000  }
0x78: {  	[spmem:s1] =	stream.indirect.scatter.add.f32 [tilespmem:s31], [sflag:$0x5], $0x80, s25, s28, $0x2000b8;
	[tilespmem:$0x1FE00] =	vst v63  }
0x79: {  	s10 =	sand.u32 $0x380, s10;
	s11 =	sadd.s32 s9, s11;
	_ =	swait.ge [sflag:s19], $0x1000  }
0x7a: {  	s11 =	sor.u32 s10, s11;
	s10 =	smov.u32 s14;
	[sflag:s19] =	ssyncset.done $0x0  }
0x7b: {  	s11 =	sshrl.u32 s11, $0x3;
	[sflag:s19] =	ssyncadd.s32 $0xFFFFF000  }
0x7c: {  	s12 =	sadd.s32 s5, s11  }
0x7d: {  	[tilespmem:s24], [sflag:$0x4] =	stream.linear.gather [hbm4b:s12+s4], $0x80, $0x200038;
	[tilespmem:$0x1FE00] =	vst v63  }
0x7e: {  	s11 =	sadd.s32 s6, s11  }
0x7f: {  	[tilespmem:s25], [sflag:$0x4] =	stream.linear.gather [hbm4b:s11+s4], $0x80, $0x200038;
	[tilespmem:$0x1FE00] =	vst v63  }
0x80: {  	_ =	swait.ge [sflag:s30], $0x80  }
0x81: {  	[sflag:s30] =	ssyncset.done $0x0  }
0x82: {  	[sflag:s30] =	ssyncadd.s32 $0xFFFFFF80  }
0x83: {  	_ =	swait.ge [sflag:s30], $0x80  }
.Ltmp0:
0x84: {  	s11 =	sadd.s32 $0xFFFFFF80, s10;
	[sflag:s30] =	ssyncset.done $0x0;
	(pc) =	sbr.rel @p1 .LBB2_2-.Ltmp0, $4  }
0x85: {  	s12 =	sand.u32 $0x1FC00, s11;
	[sflag:s30] =	ssyncadd.s32 $0xFFFFFF80  }
0x86: {  	[tilespmem:s31], [sflag:$0x2] =	stream.indirect.gather [spmem:s3], $0x80, s24, s28, $0x2000b8;
	[tilespmem:$0x1FE00] =	vst v63  }
0x87: {  	s11 =	sand.u32 $0x300, s11;
	s12 =	sadd.s32 s9, s12;
	_ =	swait.ge [sflag:s0], $0x1000  }
0x88: {  	s12 =	sor.u32 s11, s12;
	s11 =	smov.u32 s13;
	[sflag:s0] =	ssyncset.done $0x0  }
0x89: {  	[sflag:s0] =	ssyncadd.s32 $0xFFFFF000  }
0x8a: {  	[spmem:s1] =	stream.indirect.scatter.add.f32 [tilespmem:s29], [sflag:$0x5], $0x80, s23, s28, $0x2000b8;
	[tilespmem:$0x1FE00] =	vst v63  }
0x8b: {  	_ =	swait.ge [sflag:s19], $0x1000  }
0x8c: {  	s11 =	sshrl.u32 s12, $0x3;
	[sflag:s19] =	ssyncset.done $0x0  }
0x8d: {  	s12 =	sadd.s32 s5, s11;
	[sflag:s19] =	ssyncadd.s32 $0xFFFFF000  }
0x8e: {  	[tilespmem:s22], [sflag:$0x3] =	stream.linear.gather [hbm4b:s12+s4], $0x80, $0x200038;
	[tilespmem:$0x1FE00] =	vst v63  }
0x8f: {  	s11 =	sadd.s32 s6, s11  }
0x90: {  	[tilespmem:s23], [sflag:$0x3] =	stream.linear.gather [hbm4b:s11+s4], $0x80, $0x200038;
	[tilespmem:$0x1FE00] =	vst v63  }
0x91: {  	_ =	swait.ge [sflag:s26], $0x80  }
0x92: {  	[sflag:s26] =	ssyncset.done $0x0  }
0x93: {  	[sflag:s26] =	ssyncadd.s32 $0xFFFFFF80  }
0x94: {  	_ =	swait.ge [sflag:s26], $0x80  }
0x95: {  	[sflag:s26] =	ssyncset.done $0x0  }
0x96: {  	[sflag:s26] =	ssyncadd.s32 $0xFFFFFF80  }
0x97: {  	[tilespmem:s29], [sflag:$0x1] =	stream.indirect.gather [spmem:s3], $0x80, s22, s28, $0x2000b8;
	[tilespmem:$0x1FE00] =	vst v63  }
0x98: {  	_ =	swait.ge [sflag:s2], $0x1000  }
0x99: {  	s12 =	sand.u32 $0x1FC00, s10;
	[sflag:s2] =	ssyncset.done $0x0  }
0x9a: {  	s13 =	sand.u32 $0x380, s10;
	s11 =	sadd.s32 s9, s12;
	[sflag:s2] =	ssyncadd.s32 $0xFFFFF000  }
0x9b: {  	[spmem:s1] =	stream.indirect.scatter.add.f32 [tilespmem:s31], [sflag:$0x5], $0x80, s25, s28, $0x2000b8;
	[tilespmem:$0x1FE00] =	vst v63  }
0x9c: {  	s10 =	sor.u32 s13, s11;
	_ =	swait.ge [sflag:s19], $0x1000  }
0x9d: {  	s10 =	sshrl.u32 s10, $0x3;
	[sflag:s19] =	ssyncset.done $0x0  }
0x9e: {  	s14 =	sadd.s32 s5, s10;
	[sflag:s19] =	ssyncadd.s32 $0xFFFFF000  }
0x9f: {  	[tilespmem:s24], [sflag:$0x4] =	stream.linear.gather [hbm4b:s14+s4], $0x80, $0x200038;
	[tilespmem:$0x1FE00] =	vst v63  }
0xa0: {  	s10 =	sadd.s32 s6, s10  }
0xa1: {  	[tilespmem:s25], [sflag:$0x4] =	stream.linear.gather [hbm4b:s10+s4], $0x80, $0x200038;
	[tilespmem:$0x1FE00] =	vst v63  }
0xa2: {  	_ =	swait.ge [sflag:s30], $0x80  }
0xa3: {  	[sflag:s30] =	ssyncset.done $0x0  }
0xa4: {  	[sflag:s30] =	ssyncadd.s32 $0xFFFFFF80  }
0xa5: {  	_ =	swait.ge [sflag:s30], $0x80  }
0xa6: {  	[sflag:s30] =	ssyncset.done $0x0  }
0xa7: {  	[sflag:s30] =	ssyncadd.s32 $0xFFFFFF80  }
0xa8: {  	[tilespmem:s31], [sflag:$0x2] =	stream.indirect.gather [spmem:s3], $0x80, s24, s28, $0x2000b8;
	[tilespmem:$0x1FE00] =	vst v63  }
0xa9: {  	_ =	swait.ge [sflag:s0], $0x1000  }
0xaa: {  	[sflag:s0] =	ssyncset.done $0x0  }
0xab: {  	[sflag:s0] =	ssyncadd.s32 $0xFFFFF000  }
0xac: {  	[spmem:s1] =	stream.indirect.scatter.add.f32 [tilespmem:s29], [sflag:$0x5], $0x80, s23, s28, $0x2000b8;
	[tilespmem:$0x1FE00] =	vst v63  }
0xad: {  	_ =	swait.ge [sflag:s19], $0x1000  }
0xae: {  	[sflag:s19] =	ssyncset.done $0x0  }
0xaf: {  	[sflag:s19] =	ssyncadd.s32 $0xFFFFF000  }
0xb0: {  	_ =	swait.ge [sflag:s2], $0x1000  }
0xb1: {  	[sflag:s2] =	ssyncset.done $0x0  }
0xb2: {  	[sflag:s2] =	ssyncadd.s32 $0xFFFFF000  }
0xb3: {  	[spmem:s1] =	stream.indirect.scatter.add.f32 [tilespmem:s31], [sflag:$0x5], $0x80, s25, s28, $0x2000b8;
	[tilespmem:$0x1FE00] =	vst v63  }
0xb4: {  	_ =	swait.ge [sflag:s19], $0x1000  }
0xb5: {  	[sflag:s19] =	ssyncset.done $0x0  }
0xb6: {  	s7 =	sadd.s32 $0x1, s7;
	[sflag:s19] =	ssyncadd.s32 $0xFFFFF000  }
0xb7: {  	p1 =	sne.s32 s7, s17;
	[bflag:$0x0] =	sbarrier.arrive $0xFFFF  }
.Ltmp1:
0xb8: {  	_ =	strace $0x9000004D;
	(pc) =	sbr.rel @p1 .LBB2_1-.Ltmp1, $4  }
0xb9: {  	[hbm:s16], [sflag:s8] =	dma.local [spmem:s18], $0x2780  }
0xba: {  	_ =	swait.ge [sflag:s19], $0x2780  }
0xbb: {  	[sflag:s19] =	ssyncset.done $0x0  }
0xbc: {  	[sflag:s19] =	ssyncadd.s32 $0xFFFFD880  }
0xbd: {  	_ =	sfence.sel $0x180000  }
0xbe: {  	[bflag:$0x0] =	sbarrier.arrive $0xFFFF  }
0xbf: {  	_ =	strace $0x9000004C  }
0xc0: {  	s0 =	stileid.u32;
	[bflag:$0x2] =	sbarrier.arrive $0xFFFF  }
0xc1: {  	p0 =	sne.s32 s0, $0x0;
	s0 =	rddreg [dreg:$0x3]  }
0xc2: {  	s0 =	sadd.s32 @!p0 $0x100000, s0  }
0xc3: {  	[sflag:s0] =	ssyncadd.tile.s32 @!p0 $0x1;
	_ =	shalt  }
.Lfunc_end2:
_tile_overlayer_lowered:
.L_overlay_start_2:
0xc4: {  	(tag) =	ssettag $0x2  }
0xc5: {  	s0 =	rddreg [dreg:$0x0];
	s2 =	stileid.u32  }
0xc6: {  	s1 =	rddreg [dreg:$0x1];
	p0 =	sne.s32 s2, $0x0  }
0xc7: {  	s3 =	rddreg [dreg:$0x2];
	[bflag:$0x3] =	sbarrier.arrive $0xFFFF;
	s2 =	simm.s32 @!p0 $0x1C05  }
0xc8: {  	[timem:s3], [sflag:s2] =	dma.local @!p0 [hbm:s0], s1  }
0xc9: {  	s0 =	simm.s32 @!p0 $0x5  }
0xca: {  	_ =	swait.ge @!p0 [sflag:s0], s1  }
0xcb: {  	s1 =	ssub.s32 @!p0 $0x0, s1;
	[sflag:s0] =	ssyncset.done @!p0 $0x0  }
0xcc: {  	[sflag:s0] =	ssyncadd.s32 @!p0 s1  }
0xcd: {  	[bflag:$0x3] =	sbarrier.arrive $0xFFFF  }
0xce: {  	_ =	shalt  }

</sc_bundles>
